<compile_context>
chip_gen: v7x
topology: tpu7x:2x2x1
jax: 0.10.2.dev20260603
libtpu: 0.0.44.dev20260713+nightly
codegen_flags: <defaults>
</compile_context>

<pallas_src>
import jax
import jax.numpy as jnp
from jax import lax
from jax.experimental import pallas as pl
from jax.experimental.pallas import tpu as pltpu
from jax.experimental.pallas import tpu_sc as plsc

B, S, D = 128, 512, 768
EPS = 1e-5
NC, NS = 2, 16
NW = NC * NS
TOK = B * S
TPW = TOK // NW
C = 32
NCH = TPW // C
NJ = D // 16
RD = 1.0 / D


def _rsqrt(x):
    i = lax.bitcast_convert_type(x, jnp.int32)
    i = jnp.int32(0x5F375A86) - lax.shift_right_logical(i, 1)
    y = lax.bitcast_convert_type(i, jnp.float32)
    for _ in range(2):
        y = y * (1.5 - 0.5 * x * y * y)
    return y


def _body(ids_h, tt_h, word_h, pt_h, gamma_h, beta_h, out_h,
          idsv, ttv, pidx0, pidx1, rows0, rows1, pt0, pt1,
          gam_v, bet_v, mr_s, wsem0, wsem1, psem0, psem1, osem0, osem1):
    cid = lax.axis_index("c")
    sid = lax.axis_index("s")
    wid = sid * NC + cid
    base_w = wid * TPW

    pidx = (pidx0, pidx1)
    rows = (rows0, rows1)
    pt = (pt0, pt1)
    wsem = (wsem0, wsem1)
    psem = (psem0, psem1)
    osem = (osem0, osem1)

    pltpu.sync_copy(gamma_h, gam_v)
    pltpu.sync_copy(beta_h, bet_v)
    pltpu.sync_copy(ids_h.at[pl.ds(base_w, TPW)], idsv)
    pltpu.sync_copy(tt_h.at[pl.ds(base_w, TPW)], ttv)

    iota = lax.iota(jnp.int32, 16)

    def _fire_word(k, a):
        pltpu.async_copy(word_h.at[idsv.at[pl.ds(k * C, C)]], rows[a], wsem[a])

    def _fire_pt(k, a):
        pos_start = lax.rem(k, S // C) * C
        for g in range(C // 16):
            sl = pl.ds(g * 16, 16)
            pidx[a][sl] = (ttv[pl.ds(k * C + g * 16, 16)] * S
                           + (pos_start + g * 16) + iota)
        pltpu.async_copy(pt_h.at[pidx[a]], pt[a], psem[a])

    def _pass1(ra, pa, t):
        NA = 3
        s = [jnp.zeros((16,), jnp.float32)] * NA
        s2 = [jnp.zeros((16,), jnp.float32)] * NA
        for j in range(NJ):
            sl = pl.ds(j * 16, 16)
            vj = ra[t, sl] + pa[t, sl]
            ra[t, sl] = vj
            s[j % NA] = s[j % NA] + vj
            s2[j % NA] = s2[j % NA] + vj * vj
        m = jnp.sum(sum(s[1:], s[0])) * RD
        msq = jnp.sum(sum(s2[1:], s2[0])) * RD
        r = _rsqrt(msq - m * m + EPS)
        return m, r

    def _pass2item(ra, pa, i):
        j = i // (C // 4)
        q = lax.rem(i, C // 4)
        sl = pl.ds(j * 16, 16)
        g = gam_v[sl]
        bta = bet_v[sl]
        for u in range(4):
            t = 4 * q + u
            m = mr_s[2 * t]
            r = mr_s[2 * t + 1]
            pa[t, sl] = (ra[t, sl] - m) * r * g + bta

    def _halfstep(k, a):
        b = 1 - a
        pltpu.make_async_copy(
            word_h.at[idsv.at[pl.ds(k * C, C)]], rows[a], wsem[a]).wait()
        pltpu.make_async_copy(pt_h.at[pidx[a]], pt[a], psem[a]).wait()
        @pl.when(k + 1 < NCH)
        def _fw():
            _fire_word(k + 1, b)

        @plsc.parallel_loop(0, C, unroll=2)
        def _tokstats(t):
            m, r = _pass1(rows[a], pt[a], t)
            mr_s[2 * t] = m
            mr_s[2 * t + 1] = r

        @pl.when(k + 1 < NCH)
        def _fp():
            @pl.when(k >= 1)
            def _drain_out():
                pltpu.make_async_copy(
                    pt[b], out_h.at[pl.ds(base_w + (k - 1) * C, C)],
                    osem[b]).wait()
            _fire_pt(k + 1, b)

        @plsc.parallel_loop(0, NJ * (C // 4), unroll=2)
        def _toknorm(i):
            _pass2item(rows[a], pt[a], i)
        pltpu.async_copy(pt[a], out_h.at[pl.ds(base_w + k * C, C)], osem[a])

    _fire_word(0, 0)
    _fire_pt(0, 0)

    def _step(i, carry):
        _halfstep(2 * i, 0)
        _halfstep(2 * i + 1, 1)
        return carry
    lax.fori_loop(0, NCH // 2, _step, 0)

    pltpu.make_async_copy(
        pt[0], out_h.at[pl.ds(base_w + (NCH - 2) * C, C)], osem[0]).wait()
    pltpu.make_async_copy(
        pt[1], out_h.at[pl.ds(base_w + (NCH - 1) * C, C)], osem[1]).wait()


@jax.jit
def _run(ids_flat, tt_flat, W_word, PT, gamma, beta):
    mesh = plsc.VectorSubcoreMesh(core_axis_name="c", subcore_axis_name="s")
    f = pl.kernel(
        _body,
        out_type=jax.ShapeDtypeStruct((TOK, D), jnp.float32),
        mesh=mesh,
        compiler_params=pltpu.CompilerParams(needs_layout_passes=False),
        scratch_types=[
            pltpu.VMEM((TPW,), jnp.int32),
            pltpu.VMEM((TPW,), jnp.int32),
            pltpu.VMEM((C,), jnp.int32),
            pltpu.VMEM((C,), jnp.int32),
            pltpu.VMEM((C, D), jnp.float32),
            pltpu.VMEM((C, D), jnp.float32),
            pltpu.VMEM((C, D), jnp.float32),
            pltpu.VMEM((C, D), jnp.float32),
            pltpu.VMEM((D,), jnp.float32),
            pltpu.VMEM((D,), jnp.float32),
            pltpu.SMEM((2 * C,), jnp.float32),
            pltpu.SemaphoreType.DMA,
            pltpu.SemaphoreType.DMA,
            pltpu.SemaphoreType.DMA,
            pltpu.SemaphoreType.DMA,
            pltpu.SemaphoreType.DMA,
            pltpu.SemaphoreType.DMA,
        ],
    )
    return f(ids_flat, tt_flat, W_word, PT, gamma, beta)


def kernel(input_ids, token_type_ids, W_word, W_pos, W_type, gamma, beta):
    ids_flat = input_ids.reshape(TOK).astype(jnp.int32)
    tt_flat = token_type_ids.reshape(TOK).astype(jnp.int32)
    PT = (W_type[:, None, :] + W_pos[None, :, :]).reshape(2 * S, D)
    out = _run(ids_flat, tt_flat, W_word, PT, gamma, beta)
    return out.reshape(B, S, D)

# --- scband reference (transcript-rebuilt; emitter-appended) ---
"""Pipeline reference for scband-bertembedding-22617297780796 (READ-ONLY COPY).

The authoritative reference and input builder live on the scoring server;
editing this copy changes nothing except your own understanding.
"""

import jax, jax.numpy as jnp
import numpy as np

VOCAB = 30522
MAX_POS = 512
TYPE_VOCAB = 2
D = 768
B, S = 128, 512
EPS = 1e-5


def setup_inputs(seed: int = 0) -> dict:
    key = jax.random.key(seed)
    k1, k2, k3, k4, k5 = jax.random.split(key, 5)
    input_ids = jax.random.randint(k1, (B, S), 0, VOCAB, dtype=jnp.int64 if jax.config.read('jax_enable_x64') else jnp.int32)
    token_type_ids = jax.random.randint(k2, (B, S), 0, TYPE_VOCAB, dtype=input_ids.dtype)
    W_word = jax.random.normal(k3, (VOCAB, D), dtype=jnp.float32) * 0.02
    W_word = W_word.at[0].set(0.0)  # padding_idx=0
    W_pos = jax.random.normal(k4, (MAX_POS, D), dtype=jnp.float32) * 0.02
    W_type = jax.random.normal(k5, (TYPE_VOCAB, D), dtype=jnp.float32) * 0.02
    gamma = jnp.ones((D,), dtype=jnp.float32)
    beta = jnp.zeros((D,), dtype=jnp.float32)
    return {
        'input_ids': input_ids,
        'token_type_ids': token_type_ids,
        'W_word': W_word,
        'W_pos': W_pos,
        'W_type': W_type,
        'gamma': gamma,
        'beta': beta,
    }


def reference(input_ids, token_type_ids, W_word, W_pos, W_type, gamma, beta):
    seq_len = input_ids.shape[1]
    # word embedding (padding_idx=0 row is zero in the table)
    word_embeddings = jnp.take(W_word, input_ids, axis=0)
    # token type embedding
    token_type_embeddings = jnp.take(W_type, token_type_ids, axis=0)
    # position embedding
    position_ids = jnp.arange(seq_len, dtype=jnp.int32)
    position_embeddings = jnp.take(W_pos, position_ids, axis=0)[None, :, :]
    embeddings = word_embeddings + position_embeddings + token_type_embeddings
    # LayerNorm over last dim (biased variance, matching torch)
    mean = jnp.mean(embeddings, axis=-1, keepdims=True)
    var = jnp.mean((embeddings - mean) ** 2, axis=-1, keepdims=True)
    normed = (embeddings - mean) / jnp.sqrt(var + EPS)
    out = normed * gamma + beta
    # dropout is identity in eval mode
    return out

if __name__ == "__main__":
    import jax
    _d = setup_inputs()
    print(jax.jit(kernel)(*tuple(_d.values())))

</pallas_src>

<mosaic_0001>
#map = affine_map<(d0, d1) -> (0)>
#map1 = affine_map<(d0, d1) -> (0, 0)>
module attributes {stable_mosaic.version = 14 : i64} {
  func.func @_body(%arg0: i32, %arg1: i32, %arg2: memref<65536xi32, #tpu.memory_space<hbm>>, %arg3: memref<65536xi32, #tpu.memory_space<hbm>>, %arg4: memref<30522x768xf32, #tpu.memory_space<hbm>>, %arg5: memref<1024x768xf32, #tpu.memory_space<hbm>>, %arg6: memref<768xf32, #tpu.memory_space<hbm>>, %arg7: memref<768xf32, #tpu.memory_space<hbm>>, %arg8: memref<65536x768xf32, #tpu.memory_space<hbm>>, %arg9: memref<2048xi32, #tpu.memory_space<vmem>>, %arg10: memref<2048xi32, #tpu.memory_space<vmem>>, %arg11: memref<32xi32, #tpu.memory_space<vmem>>, %arg12: memref<32xi32, #tpu.memory_space<vmem>>, %arg13: memref<32x768xf32, #tpu.memory_space<vmem>>, %arg14: memref<32x768xf32, #tpu.memory_space<vmem>>, %arg15: memref<32x768xf32, #tpu.memory_space<vmem>>, %arg16: memref<32x768xf32, #tpu.memory_space<vmem>>, %arg17: memref<768xf32, #tpu.memory_space<vmem>>, %arg18: memref<768xf32, #tpu.memory_space<vmem>>, %arg19: memref<64xf32, #tpu.memory_space<smem>>, %arg20: memref<!tpu.dma_semaphore, #tpu.memory_space<semaphore_mem>>, %arg21: memref<!tpu.dma_semaphore, #tpu.memory_space<semaphore_mem>>, %arg22: memref<!tpu.dma_semaphore, #tpu.memory_space<semaphore_mem>>, %arg23: memref<!tpu.dma_semaphore, #tpu.memory_space<semaphore_mem>>, %arg24: memref<!tpu.dma_semaphore, #tpu.memory_space<semaphore_mem>>, %arg25: memref<!tpu.dma_semaphore, #tpu.memory_space<semaphore_mem>>) attributes {dimension_semantics = [#tpu.dimension_semantics<core_parallel>, #tpu.dimension_semantics<subcore_parallel>], iteration_bounds = array<i64: 2, 16>, scalar_prefetch = 0 : i64, scratch_operands = 17 : i64, tpu.core_type = #tpu.core_type<sc_vector_subcore>, window_params = [{transform_indices = #map}, {transform_indices = #map}, {transform_indices = #map1}, {transform_indices = #map1}, {transform_indices = #map}, {transform_indices = #map}, {transform_indices = #map1}]} {
    %mul3A = arith.constant 2 : i32
    %mul3A_0 = arith.muli %arg1, %mul3A : i32
    %add3A = arith.addi %mul3A_0, %arg0 : i32
    %mul3A_1 = arith.constant 2048 : i32
    %mul3A_2 = arith.muli %add3A, %mul3A_1 : i32
    "tpu.region"() ({
      %run_scoped3A = tpu.sem_alloc : memref<!tpu.dma_semaphore, #tpu.memory_space<semaphore_mem>>
      tpu.enqueue_dma source(%arg6 : memref<768xf32, #tpu.memory_space<hbm>>) target(%arg17 : memref<768xf32, #tpu.memory_space<vmem>>) target_semaphore(%run_scoped3A : memref<!tpu.dma_semaphore, #tpu.memory_space<semaphore_mem>>)
      tpu.wait_dma2 semaphore(%run_scoped3A : memref<!tpu.dma_semaphore, #tpu.memory_space<semaphore_mem>>) src(%arg6 : memref<768xf32, #tpu.memory_space<hbm>>) dst(%arg17 : memref<768xf32, #tpu.memory_space<vmem>>)
      tpu.yield
    }) : () -> ()
    "tpu.region"() ({
      %run_scoped3A = tpu.sem_alloc : memref<!tpu.dma_semaphore, #tpu.memory_space<semaphore_mem>>
      tpu.enqueue_dma source(%arg7 : memref<768xf32, #tpu.memory_space<hbm>>) target(%arg18 : memref<768xf32, #tpu.memory_space<vmem>>) target_semaphore(%run_scoped3A : memref<!tpu.dma_semaphore, #tpu.memory_space<semaphore_mem>>)
      tpu.wait_dma2 semaphore(%run_scoped3A : memref<!tpu.dma_semaphore, #tpu.memory_space<semaphore_mem>>) src(%arg7 : memref<768xf32, #tpu.memory_space<hbm>>) dst(%arg18 : memref<768xf32, #tpu.memory_space<vmem>>)
      tpu.yield
    }) : () -> ()
    "tpu.region"() ({
      %run_scoped3A = tpu.sem_alloc : memref<!tpu.dma_semaphore, #tpu.memory_space<semaphore_mem>>
      %dma_start3A_52 = tpu.memref_slice %arg2[%mul3A_2] : memref<65536xi32, #tpu.memory_space<hbm>> -> memref<2048xi32, #tpu.memory_space<hbm>>
      %dma_start3A_53 = tpu.memref_slice %arg2[%mul3A_2] : memref<65536xi32, #tpu.memory_space<hbm>> -> memref<2048xi32, #tpu.memory_space<hbm>>
      tpu.enqueue_dma source(%dma_start3A_53 : memref<2048xi32, #tpu.memory_space<hbm>>) target(%arg9 : memref<2048xi32, #tpu.memory_space<vmem>>) target_semaphore(%run_scoped3A : memref<!tpu.dma_semaphore, #tpu.memory_space<semaphore_mem>>)
      %dma_wait3A_54 = tpu.memref_slice %arg2[%mul3A_2] : memref<65536xi32, #tpu.memory_space<hbm>> -> memref<2048xi32, #tpu.memory_space<hbm>>
      %dma_wait3A_55 = tpu.memref_slice %arg2[%mul3A_2] : memref<65536xi32, #tpu.memory_space<hbm>> -> memref<2048xi32, #tpu.memory_space<hbm>>
      tpu.wait_dma2 semaphore(%run_scoped3A : memref<!tpu.dma_semaphore, #tpu.memory_space<semaphore_mem>>) src(%dma_wait3A_55 : memref<2048xi32, #tpu.memory_space<hbm>>) dst(%arg9 : memref<2048xi32, #tpu.memory_space<vmem>>)
      tpu.yield
    }) : () -> ()
    "tpu.region"() ({
      %run_scoped3A = tpu.sem_alloc : memref<!tpu.dma_semaphore, #tpu.memory_space<semaphore_mem>>
      %dma_start3A_52 = tpu.memref_slice %arg3[%mul3A_2] : memref<65536xi32, #tpu.memory_space<hbm>> -> memref<2048xi32, #tpu.memory_space<hbm>>
      %dma_start3A_53 = tpu.memref_slice %arg3[%mul3A_2] : memref<65536xi32, #tpu.memory_space<hbm>> -> memref<2048xi32, #tpu.memory_space<hbm>>
      tpu.enqueue_dma source(%dma_start3A_53 : memref<2048xi32, #tpu.memory_space<hbm>>) target(%arg10 : memref<2048xi32, #tpu.memory_space<vmem>>) target_semaphore(%run_scoped3A : memref<!tpu.dma_semaphore, #tpu.memory_space<semaphore_mem>>)
      %dma_wait3A_54 = tpu.memref_slice %arg3[%mul3A_2] : memref<65536xi32, #tpu.memory_space<hbm>> -> memref<2048xi32, #tpu.memory_space<hbm>>
      %dma_wait3A_55 = tpu.memref_slice %arg3[%mul3A_2] : memref<65536xi32, #tpu.memory_space<hbm>> -> memref<2048xi32, #tpu.memory_space<hbm>>
      tpu.wait_dma2 semaphore(%run_scoped3A : memref<!tpu.dma_semaphore, #tpu.memory_space<semaphore_mem>>) src(%dma_wait3A_55 : memref<2048xi32, #tpu.memory_space<hbm>>) dst(%arg10 : memref<2048xi32, #tpu.memory_space<vmem>>)
      tpu.yield
    }) : () -> ()
    %iota3A = tpu.iota {dimensions = array<i32: 0>} : vector<16xi32>
    %dma_start3A = arith.constant 0 : i32
    %dma_start3A_3 = tpu.memref_slice %arg9[%dma_start3A] : memref<2048xi32, #tpu.memory_space<vmem>> -> memref<32xi32, #tpu.memory_space<vmem>>
    %dma_start3A_4 = arith.constant 0 : i32
    %dma_start3A_5 = arith.constant 0 : i32
    %dma_start3A_6 = tpu.memref_slice %arg4[%dma_start3A_4, %dma_start3A_5] : memref<30522x768xf32, #tpu.memory_space<hbm>> -> memref<30522x768xf32, #tpu.memory_space<hbm>>
    tpu.enqueue_indirect_dma source(%dma_start3A_6 : memref<30522x768xf32, #tpu.memory_space<hbm>>) target(%arg13 : memref<32x768xf32, #tpu.memory_space<vmem>>) offsets(%dma_start3A_3 : memref<32xi32, #tpu.memory_space<vmem>>) semaphore(%arg20 : memref<!tpu.dma_semaphore, #tpu.memory_space<semaphore_mem>>)
    %rem3A = arith.constant 0 : i32
    %rem3A_7 = arith.constant 16 : i32
    %rem3A_8 = arith.remsi %rem3A, %rem3A_7 : i32
    %mul3A_9 = arith.constant 32 : i32
    %mul3A_10 = arith.muli %rem3A_8, %mul3A_9 : i32
    %get3A = arith.constant 0 : index
    %get3A_11 = tpu.vector_load %arg10[%get3A] {strides = array<i32>} : memref<2048xi32, #tpu.memory_space<vmem>>, vector<16xi32>,
    %mul3A_12 = arith.constant 512 : i32
    %mul3A_13 = vector.broadcast %mul3A_12 : i32 to vector<16xi32>
    %mul3A_14 = arith.muli %get3A_11, %mul3A_13 : vector<16xi32>
    %add3A_15 = arith.constant 0 : i32
    %add3A_16 = arith.addi %mul3A_10, %add3A_15 : i32
    %add3A_17 = vector.broadcast %add3A_16 : i32 to vector<16xi32>
    %add3A_18 = arith.addi %mul3A_14, %add3A_17 : vector<16xi32>
    %add3A_19 = arith.addi %add3A_18, %iota3A : vector<16xi32>
    %swap3A = arith.constant 0 : index
    %swap3A_20 = tpu.vector_load %arg11[%swap3A] {strides = array<i32>} : memref<32xi32, #tpu.memory_space<vmem>>, vector<16xi32>,
    tpu.vector_store %arg11[%swap3A], %add3A_19 {strides = array<i32>} : memref<32xi32, #tpu.memory_space<vmem>>, vector<16xi32>,
    %get3A_21 = arith.constant 16 : index
    %get3A_22 = tpu.vector_load %arg10[%get3A_21] {strides = array<i32>} : memref<2048xi32, #tpu.memory_space<vmem>>, vector<16xi32>,
    %mul3A_23 = arith.constant 512 : i32
    %mul3A_24 = vector.broadcast %mul3A_23 : i32 to vector<16xi32>
    %mul3A_25 = arith.muli %get3A_22, %mul3A_24 : vector<16xi32>
    %add3A_26 = arith.constant 16 : i32
    %add3A_27 = arith.addi %mul3A_10, %add3A_26 : i32
    %add3A_28 = vector.broadcast %add3A_27 : i32 to vector<16xi32>
    %add3A_29 = arith.addi %mul3A_25, %add3A_28 : vector<16xi32>
    %add3A_30 = arith.addi %add3A_29, %iota3A : vector<16xi32>
    %swap3A_31 = arith.constant 16 : index
    %swap3A_32 = tpu.vector_load %arg11[%swap3A_31] {strides = array<i32>} : memref<32xi32, #tpu.memory_space<vmem>>, vector<16xi32>,
    tpu.vector_store %arg11[%swap3A_31], %add3A_30 {strides = array<i32>} : memref<32xi32, #tpu.memory_space<vmem>>, vector<16xi32>,
    %dma_start3A_33 = arith.constant 0 : i32
    %dma_start3A_34 = arith.constant 0 : i32
    %dma_start3A_35 = tpu.memref_slice %arg5[%dma_start3A_33, %dma_start3A_34] : memref<1024x768xf32, #tpu.memory_space<hbm>> -> memref<1024x768xf32, #tpu.memory_space<hbm>>
    tpu.enqueue_indirect_dma source(%dma_start3A_35 : memref<1024x768xf32, #tpu.memory_space<hbm>>) target(%arg15 : memref<32x768xf32, #tpu.memory_space<vmem>>) offsets(%arg11 : memref<32xi32, #tpu.memory_space<vmem>>) semaphore(%arg22 : memref<!tpu.dma_semaphore, #tpu.memory_space<semaphore_mem>>)
    %scan3A = arith.constant 0 : i32
    %scan3A_36 = arith.constant 0 : i32
    %scan3A_37 = arith.constant 32 : i32
    %scan3A_38 = arith.addi %scan3A_36, %scan3A_37 : i32
    %scan3A_39 = arith.constant 1 : i32
    scf.for %scan3A_52 = %scan3A_36 to %scan3A_38 step %scan3A_39  : i32 {
      %mul3A_53 = arith.constant 2 : i32
      %mul3A_54 = arith.muli %mul3A_53, %scan3A_52 : i32
      %mul3A_55 = arith.constant 32 : i32
      %mul3A_56 = arith.muli %mul3A_54, %mul3A_55 : i32
      %dma_wait3A_57 = tpu.memref_slice %arg9[%mul3A_56] : memref<2048xi32, #tpu.memory_space<vmem>> -> memref<32xi32, #tpu.memory_space<vmem>>
      %dma_wait3A_58 = arith.constant 0 : i32
      %dma_wait3A_59 = arith.constant 0 : i32
      %dma_wait3A_60 = tpu.memref_slice %arg4[%dma_wait3A_58, %dma_wait3A_59] : memref<30522x768xf32, #tpu.memory_space<hbm>> -> memref<30522x768xf32, #tpu.memory_space<hbm>>
      tpu.wait_indirect_dma semaphore(%arg20 : memref<!tpu.dma_semaphore, #tpu.memory_space<semaphore_mem>>) src(%dma_wait3A_60 : memref<30522x768xf32, #tpu.memory_space<hbm>>) dst(%arg13 : memref<32x768xf32, #tpu.memory_space<vmem>>)
      %dma_wait3A_61 = arith.constant 0 : i32
      %dma_wait3A_62 = arith.constant 0 : i32
      %dma_wait3A_63 = tpu.memref_slice %arg5[%dma_wait3A_61, %dma_wait3A_62] : memref<1024x768xf32, #tpu.memory_space<hbm>> -> memref<1024x768xf32, #tpu.memory_space<hbm>>
      tpu.wait_indirect_dma semaphore(%arg22 : memref<!tpu.dma_semaphore, #tpu.memory_space<semaphore_mem>>) src(%dma_wait3A_63 : memref<1024x768xf32, #tpu.memory_space<hbm>>) dst(%arg15 : memref<32x768xf32, #tpu.memory_space<vmem>>)
      %add3A_64 = arith.constant 1 : i32
      %add3A_65 = arith.addi %mul3A_54, %add3A_64 : i32
      %lt3A = arith.constant 64 : i32
      %lt3A_66 = arith.cmpi slt, %add3A_65, %lt3A : i32
      %convert_element_type3A = arith.extui %lt3A_66 : i1 to i32
      %cond3A = arith.constant 0 : i32
      %cond3A_67 = arith.cmpi ne, %convert_element_type3A, %cond3A : i32
      scf.if %cond3A_67 {
        %add3A_127 = arith.constant 1 : i32
        %add3A_128 = arith.addi %mul3A_54, %add3A_127 : i32
        %mul3A_129 = arith.constant 32 : i32
        %mul3A_130 = arith.muli %add3A_128, %mul3A_129 : i32
        %dma_start3A_131 = tpu.memref_slice %arg9[%mul3A_130] : memref<2048xi32, #tpu.memory_space<vmem>> -> memref<32xi32, #tpu.memory_space<vmem>>
        %dma_start3A_132 = arith.constant 0 : i32
        %dma_start3A_133 = arith.constant 0 : i32
        %dma_start3A_134 = tpu.memref_slice %arg4[%dma_start3A_132, %dma_start3A_133] : memref<30522x768xf32, #tpu.memory_space<hbm>> -> memref<30522x768xf32, #tpu.memory_space<hbm>>
        tpu.enqueue_indirect_dma source(%dma_start3A_134 : memref<30522x768xf32, #tpu.memory_space<hbm>>) target(%arg14 : memref<32x768xf32, #tpu.memory_space<vmem>>) offsets(%dma_start3A_131 : memref<32xi32, #tpu.memory_space<vmem>>) semaphore(%arg21 : memref<!tpu.dma_semaphore, #tpu.memory_space<semaphore_mem>>)
      } else {
      }
      %parallel_loop3A = arith.constant 0 : i32
      %parallel_loop3A_68 = arith.constant 32 : i32
      %parallel_loop3A_69 = arith.constant 1 : i32
      scf.for %parallel_loop3A_127 = %parallel_loop3A to %parallel_loop3A_68 step %parallel_loop3A_69  : i32 {
        %parallel_loop3A_128 = arith.constant 0.000000e+00 : f32
        %parallel_loop3A_129 = vector.broadcast %parallel_loop3A_128 : f32 to vector<16xf32>
        %parallel_loop3A_130 = arith.constant 0.000000e+00 : f32
        %parallel_loop3A_131 = vector.broadcast %parallel_loop3A_130 : f32 to vector<16xf32>
        %parallel_loop3A_132 = arith.index_cast %parallel_loop3A_127 : i32 to index
        %parallel_loop3A_133 = arith.constant 0 : index
        %parallel_loop3A_134 = tpu.vector_load %arg13[%parallel_loop3A_132, %parallel_loop3A_133] {strides = array<i32>} : memref<32x768xf32, #tpu.memory_space<vmem>>, vector<16xf32>,
        %parallel_loop3A_135 = arith.index_cast %parallel_loop3A_127 : i32 to index
        %parallel_loop3A_136 = arith.constant 0 : index
        %parallel_loop3A_137 = tpu.vector_load %arg15[%parallel_loop3A_135, %parallel_loop3A_136] {strides = array<i32>} : memref<32x768xf32, #tpu.memory_space<vmem>>, vector<16xf32>,
        %parallel_loop3A_138 = arith.addf %parallel_loop3A_134, %parallel_loop3A_137 : vector<16xf32>
        %parallel_loop3A_139 = arith.index_cast %parallel_loop3A_127 : i32 to index
        %parallel_loop3A_140 = arith.constant 0 : index
        %parallel_loop3A_141 = tpu.vector_load %arg13[%parallel_loop3A_139, %parallel_loop3A_140] {strides = array<i32>} : memref<32x768xf32, #tpu.memory_space<vmem>>, vector<16xf32>,
        tpu.vector_store %arg13[%parallel_loop3A_139, %parallel_loop3A_140], %parallel_loop3A_138 {strides = array<i32>} : memref<32x768xf32, #tpu.memory_space<vmem>>, vector<16xf32>,
        %parallel_loop3A_142 = arith.addf %parallel_loop3A_129, %parallel_loop3A_138 : vector<16xf32>
        %parallel_loop3A_143 = arith.mulf %parallel_loop3A_138, %parallel_loop3A_138 : vector<16xf32>
        %parallel_loop3A_144 = arith.addf %parallel_loop3A_131, %parallel_loop3A_143 : vector<16xf32>
        %parallel_loop3A_145 = arith.index_cast %parallel_loop3A_127 : i32 to index
        %parallel_loop3A_146 = arith.constant 16 : index
        %parallel_loop3A_147 = tpu.vector_load %arg13[%parallel_loop3A_145, %parallel_loop3A_146] {strides = array<i32>} : memref<32x768xf32, #tpu.memory_space<vmem>>, vector<16xf32>,
        %parallel_loop3A_148 = arith.index_cast %parallel_loop3A_127 : i32 to index
        %parallel_loop3A_149 = arith.constant 16 : index
        %parallel_loop3A_150 = tpu.vector_load %arg15[%parallel_loop3A_148, %parallel_loop3A_149] {strides = array<i32>} : memref<32x768xf32, #tpu.memory_space<vmem>>, vector<16xf32>,
        %parallel_loop3A_151 = arith.addf %parallel_loop3A_147, %parallel_loop3A_150 : vector<16xf32>
        %parallel_loop3A_152 = arith.index_cast %parallel_loop3A_127 : i32 to index
        %parallel_loop3A_153 = arith.constant 16 : index
        %parallel_loop3A_154 = tpu.vector_load %arg13[%parallel_loop3A_152, %parallel_loop3A_153] {strides = array<i32>} : memref<32x768xf32, #tpu.memory_space<vmem>>, vector<16xf32>,
        tpu.vector_store %arg13[%parallel_loop3A_152, %parallel_loop3A_153], %parallel_loop3A_151 {strides = array<i32>} : memref<32x768xf32, #tpu.memory_space<vmem>>, vector<16xf32>,
        %parallel_loop3A_155 = arith.addf %parallel_loop3A_129, %parallel_loop3A_151 : vector<16xf32>
        %parallel_loop3A_156 = arith.mulf %parallel_loop3A_151, %parallel_loop3A_151 : vector<16xf32>
        %parallel_loop3A_157 = arith.addf %parallel_loop3A_131, %parallel_loop3A_156 : vector<16xf32>
        %parallel_loop3A_158 = arith.index_cast %parallel_loop3A_127 : i32 to index
        %parallel_loop3A_159 = arith.constant 32 : index
        %parallel_loop3A_160 = tpu.vector_load %arg13[%parallel_loop3A_158, %parallel_loop3A_159] {strides = array<i32>} : memref<32x768xf32, #tpu.memory_space<vmem>>, vector<16xf32>,
        %parallel_loop3A_161 = arith.index_cast %parallel_loop3A_127 : i32 to index
        %parallel_loop3A_162 = arith.constant 32 : index
        %parallel_loop3A_163 = tpu.vector_load %arg15[%parallel_loop3A_161, %parallel_loop3A_162] {strides = array<i32>} : memref<32x768xf32, #tpu.memory_space<vmem>>, vector<16xf32>,
        %parallel_loop3A_164 = arith.addf %parallel_loop3A_160, %parallel_loop3A_163 : vector<16xf32>
        %parallel_loop3A_165 = arith.index_cast %parallel_loop3A_127 : i32 to index
        %parallel_loop3A_166 = arith.constant 32 : index
        %parallel_loop3A_167 = tpu.vector_load %arg13[%parallel_loop3A_165, %parallel_loop3A_166] {strides = array<i32>} : memref<32x768xf32, #tpu.memory_space<vmem>>, vector<16xf32>,
        tpu.vector_store %arg13[%parallel_loop3A_165, %parallel_loop3A_166], %parallel_loop3A_164 {strides = array<i32>} : memref<32x768xf32, #tpu.memory_space<vmem>>, vector<16xf32>,
        %parallel_loop3A_168 = arith.addf %parallel_loop3A_129, %parallel_loop3A_164 : vector<16xf32>
        %parallel_loop3A_169 = arith.mulf %parallel_loop3A_164, %parallel_loop3A_164 : vector<16xf32>
        %parallel_loop3A_170 = arith.addf %parallel_loop3A_131, %parallel_loop3A_169 : vector<16xf32>
        %parallel_loop3A_171 = arith.index_cast %parallel_loop3A_127 : i32 to index
        %parallel_loop3A_172 = arith.constant 48 : index
        %parallel_loop3A_173 = tpu.vector_load %arg13[%parallel_loop3A_171, %parallel_loop3A_172] {strides = array<i32>} : memref<32x768xf32, #tpu.memory_space<vmem>>, vector<16xf32>,
        %parallel_loop3A_174 = arith.index_cast %parallel_loop3A_127 : i32 to index
        %parallel_loop3A_175 = arith.constant 48 : index
        %parallel_loop3A_176 = tpu.vector_load %arg15[%parallel_loop3A_174, %parallel_loop3A_175] {strides = array<i32>} : memref<32x768xf32, #tpu.memory_space<vmem>>, vector<16xf32>,
        %parallel_loop3A_177 = arith.addf %parallel_loop3A_173, %parallel_loop3A_176 : vector<16xf32>
        %parallel_loop3A_178 = arith.index_cast %parallel_loop3A_127 : i32 to index
        %parallel_loop3A_179 = arith.constant 48 : index
        %parallel_loop3A_180 = tpu.vector_load %arg13[%parallel_loop3A_178, %parallel_loop3A_179] {strides = array<i32>} : memref<32x768xf32, #tpu.memory_space<vmem>>, vector<16xf32>,
        tpu.vector_store %arg13[%parallel_loop3A_178, %parallel_loop3A_179], %parallel_loop3A_177 {strides = array<i32>} : memref<32x768xf32, #tpu.memory_space<vmem>>, vector<16xf32>,
        %parallel_loop3A_181 = arith.addf %parallel_loop3A_142, %parallel_loop3A_177 : vector<16xf32>
        %parallel_loop3A_182 = arith.mulf %parallel_loop3A_177, %parallel_loop3A_177 : vector<16xf32>
        %parallel_loop3A_183 = arith.addf %parallel_loop3A_144, %parallel_loop3A_182 : vector<16xf32>
        %parallel_loop3A_184 = arith.index_cast %parallel_loop3A_127 : i32 to index
        %parallel_loop3A_185 = arith.constant 64 : index
        %parallel_loop3A_186 = tpu.vector_load %arg13[%parallel_loop3A_184, %parallel_loop3A_185] {strides = array<i32>} : memref<32x768xf32, #tpu.memory_space<vmem>>, vector<16xf32>,
        %parallel_loop3A_187 = arith.index_cast %parallel_loop3A_127 : i32 to index
        %parallel_loop3A_188 = arith.constant 64 : index
        %parallel_loop3A_189 = tpu.vector_load %arg15[%parallel_loop3A_187, %parallel_loop3A_188] {strides = array<i32>} : memref<32x768xf32, #tpu.memory_space<vmem>>, vector<16xf32>,
        %parallel_loop3A_190 = arith.addf %parallel_loop3A_186, %parallel_loop3A_189 : vector<16xf32>
        %parallel_loop3A_191 = arith.index_cast %parallel_loop3A_127 : i32 to index
        %parallel_loop3A_192 = arith.constant 64 : index
        %parallel_loop3A_193 = tpu.vector_load %arg13[%parallel_loop3A_191, %parallel_loop3A_192] {strides = array<i32>} : memref<32x768xf32, #tpu.memory_space<vmem>>, vector<16xf32>,
        tpu.vector_store %arg13[%parallel_loop3A_191, %parallel_loop3A_192], %parallel_loop3A_190 {strides = array<i32>} : memref<32x768xf32, #tpu.memory_space<vmem>>, vector<16xf32>,
        %parallel_loop3A_194 = arith.addf %parallel_loop3A_155, %parallel_loop3A_190 : vector<16xf32>
        %parallel_loop3A_195 = arith.mulf %parallel_loop3A_190, %parallel_loop3A_190 : vector<16xf32>
        %parallel_loop3A_196 = arith.addf %parallel_loop3A_157, %parallel_loop3A_195 : vector<16xf32>
        %parallel_loop3A_197 = arith.index_cast %parallel_loop3A_127 : i32 to index
        %parallel_loop3A_198 = arith.constant 80 : index
        %parallel_loop3A_199 = tpu.vector_load %arg13[%parallel_loop3A_197, %parallel_loop3A_198] {strides = array<i32>} : memref<32x768xf32, #tpu.memory_space<vmem>>, vector<16xf32>,
        %parallel_loop3A_200 = arith.index_cast %parallel_loop3A_127 : i32 to index
        %parallel_loop3A_201 = arith.constant 80 : index
        %parallel_loop3A_202 = tpu.vector_load %arg15[%parallel_loop3A_200, %parallel_loop3A_201] {strides = array<i32>} : memref<32x768xf32, #tpu.memory_space<vmem>>, vector<16xf32>,
        %parallel_loop3A_203 = arith.addf %parallel_loop3A_199, %parallel_loop3A_202 : vector<16xf32>
        %parallel_loop3A_204 = arith.index_cast %parallel_loop3A_127 : i32 to index
        %parallel_loop3A_205 = arith.constant 80 : index
        %parallel_loop3A_206 = tpu.vector_load %arg13[%parallel_loop3A_204, %parallel_loop3A_205] {strides = array<i32>} : memref<32x768xf32, #tpu.memory_space<vmem>>, vector<16xf32>,
        tpu.vector_store %arg13[%parallel_loop3A_204, %parallel_loop3A_205], %parallel_loop3A_203 {strides = array<i32>} : memref<32x768xf32, #tpu.memory_space<vmem>>, vector<16xf32>,
        %parallel_loop3A_207 = arith.addf %parallel_loop3A_168, %parallel_loop3A_203 : vector<16xf32>
        %parallel_loop3A_208 = arith.mulf %parallel_loop3A_203, %parallel_loop3A_203 : vector<16xf32>
        %parallel_loop3A_209 = arith.addf %parallel_loop3A_170, %parallel_loop3A_208 : vector<16xf32>
        %parallel_loop3A_210 = arith.index_cast %parallel_loop3A_127 : i32 to index
        %parallel_loop3A_211 = arith.constant 96 : index
        %parallel_loop3A_212 = tpu.vector_load %arg13[%parallel_loop3A_210, %parallel_loop3A_211] {strides = array<i32>} : memref<32x768xf32, #tpu.memory_space<vmem>>, vector<16xf32>,
        %parallel_loop3A_213 = arith.index_cast %parallel_loop3A_127 : i32 to index
        %parallel_loop3A_214 = arith.constant 96 : index
        %parallel_loop3A_215 = tpu.vector_load %arg15[%parallel_loop3A_213, %parallel_loop3A_214] {strides = array<i32>} : memref<32x768xf32, #tpu.memory_space<vmem>>, vector<16xf32>,
        %parallel_loop3A_216 = arith.addf %parallel_loop3A_212, %parallel_loop3A_215 : vector<16xf32>
        %parallel_loop3A_217 = arith.index_cast %parallel_loop3A_127 : i32 to index
        %parallel_loop3A_218 = arith.constant 96 : index
        %parallel_loop3A_219 = tpu.vector_load %arg13[%parallel_loop3A_217, %parallel_loop3A_218] {strides = array<i32>} : memref<32x768xf32, #tpu.memory_space<vmem>>, vector<16xf32>,
        tpu.vector_store %arg13[%parallel_loop3A_217, %parallel_loop3A_218], %parallel_loop3A_216 {strides = array<i32>} : memref<32x768xf32, #tpu.memory_space<vmem>>, vector<16xf32>,
        %parallel_loop3A_220 = arith.addf %parallel_loop3A_181, %parallel_loop3A_216 : vector<16xf32>
        %parallel_loop3A_221 = arith.mulf %parallel_loop3A_216, %parallel_loop3A_216 : vector<16xf32>
        %parallel_loop3A_222 = arith.addf %parallel_loop3A_183, %parallel_loop3A_221 : vector<16xf32>
        %parallel_loop3A_223 = arith.index_cast %parallel_loop3A_127 : i32 to index
        %parallel_loop3A_224 = arith.constant 112 : index
        %parallel_loop3A_225 = tpu.vector_load %arg13[%parallel_loop3A_223, %parallel_loop3A_224] {strides = array<i32>} : memref<32x768xf32, #tpu.memory_space<vmem>>, vector<16xf32>,
        %parallel_loop3A_226 = arith.index_cast %parallel_loop3A_127 : i32 to index
        %parallel_loop3A_227 = arith.constant 112 : index
        %parallel_loop3A_228 = tpu.vector_load %arg15[%parallel_loop3A_226, %parallel_loop3A_227] {strides = array<i32>} : memref<32x768xf32, #tpu.memory_space<vmem>>, vector<16xf32>,
        %parallel_loop3A_229 = arith.addf %parallel_loop3A_225, %parallel_loop3A_228 : vector<16xf32>
        %parallel_loop3A_230 = arith.index_cast %parallel_loop3A_127 : i32 to index
        %parallel_loop3A_231 = arith.constant 112 : index
        %parallel_loop3A_232 = tpu.vector_load %arg13[%parallel_loop3A_230, %parallel_loop3A_231] {strides = array<i32>} : memref<32x768xf32, #tpu.memory_space<vmem>>, vector<16xf32>,
        tpu.vector_store %arg13[%parallel_loop3A_230, %parallel_loop3A_231], %parallel_loop3A_229 {strides = array<i32>} : memref<32x768xf32, #tpu.memory_space<vmem>>, vector<16xf32>,
        %parallel_loop3A_233 = arith.addf %parallel_loop3A_194, %parallel_loop3A_229 : vector<16xf32>
        %parallel_loop3A_234 = arith.mulf %parallel_loop3A_229, %parallel_loop3A_229 : vector<16xf32>
        %parallel_loop3A_235 = arith.addf %parallel_loop3A_196, %parallel_loop3A_234 : vector<16xf32>
        %parallel_loop3A_236 = arith.index_cast %parallel_loop3A_127 : i32 to index
        %parallel_loop3A_237 = arith.constant 128 : index
        %parallel_loop3A_238 = tpu.vector_load %arg13[%parallel_loop3A_236, %parallel_loop3A_237] {strides = array<i32>} : memref<32x768xf32, #tpu.memory_space<vmem>>, vector<16xf32>,
        %parallel_loop3A_239 = arith.index_cast %parallel_loop3A_127 : i32 to index
        %parallel_loop3A_240 = arith.constant 128 : index
        %parallel_loop3A_241 = tpu.vector_load %arg15[%parallel_loop3A_239, %parallel_loop3A_240] {strides = array<i32>} : memref<32x768xf32, #tpu.memory_space<vmem>>, vector<16xf32>,
        %parallel_loop3A_242 = arith.addf %parallel_loop3A_238, %parallel_loop3A_241 : vector<16xf32>
        %parallel_loop3A_243 = arith.index_cast %parallel_loop3A_127 : i32 to index
        %parallel_loop3A_244 = arith.constant 128 : index
        %parallel_loop3A_245 = tpu.vector_load %arg13[%parallel_loop3A_243, %parallel_loop3A_244] {strides = array<i32>} : memref<32x768xf32, #tpu.memory_space<vmem>>, vector<16xf32>,
        tpu.vector_store %arg13[%parallel_loop3A_243, %parallel_loop3A_244], %parallel_loop3A_242 {strides = array<i32>} : memref<32x768xf32, #tpu.memory_space<vmem>>, vector<16xf32>,
        %parallel_loop3A_246 = arith.addf %parallel_loop3A_207, %parallel_loop3A_242 : vector<16xf32>
        %parallel_loop3A_247 = arith.mulf %parallel_loop3A_242, %parallel_loop3A_242 : vector<16xf32>
        %parallel_loop3A_248 = arith.addf %parallel_loop3A_209, %parallel_loop3A_247 : vector<16xf32>
        %parallel_loop3A_249 = arith.index_cast %parallel_loop3A_127 : i32 to index
        %parallel_loop3A_250 = arith.constant 144 : index
        %parallel_loop3A_251 = tpu.vector_load %arg13[%parallel_loop3A_249, %parallel_loop3A_250] {strides = array<i32>} : memref<32x768xf32, #tpu.memory_space<vmem>>, vector<16xf32>,
        %parallel_loop3A_252 = arith.index_cast %parallel_loop3A_127 : i32 to index
        %parallel_loop3A_253 = arith.constant 144 : index
        %parallel_loop3A_254 = tpu.vector_load %arg15[%parallel_loop3A_252, %parallel_loop3A_253] {strides = array<i32>} : memref<32x768xf32, #tpu.memory_space<vmem>>, vector<16xf32>,
        %parallel_loop3A_255 = arith.addf %parallel_loop3A_251, %parallel_loop3A_254 : vector<16xf32>
        %parallel_loop3A_256 = arith.index_cast %parallel_loop3A_127 : i32 to index
        %parallel_loop3A_257 = arith.constant 144 : index
        %parallel_loop3A_258 = tpu.vector_load %arg13[%parallel_loop3A_256, %parallel_loop3A_257] {strides = array<i32>} : memref<32x768xf32, #tpu.memory_space<vmem>>, vector<16xf32>,
        tpu.vector_store %arg13[%parallel_loop3A_256, %parallel_loop3A_257], %parallel_loop3A_255 {strides = array<i32>} : memref<32x768xf32, #tpu.memory_space<vmem>>, vector<16xf32>,
        %parallel_loop3A_259 = arith.addf %parallel_loop3A_220, %parallel_loop3A_255 : vector<16xf32>
        %parallel_loop3A_260 = arith.mulf %parallel_loop3A_255, %parallel_loop3A_255 : vector<16xf32>
        %parallel_loop3A_261 = arith.addf %parallel_loop3A_222, %parallel_loop3A_260 : vector<16xf32>
        %parallel_loop3A_262 = arith.index_cast %parallel_loop3A_127 : i32 to index
        %parallel_loop3A_263 = arith.constant 160 : index
        %parallel_loop3A_264 = tpu.vector_load %arg13[%parallel_loop3A_262, %parallel_loop3A_263] {strides = array<i32>} : memref<32x768xf32, #tpu.memory_space<vmem>>, vector<16xf32>,
        %parallel_loop3A_265 = arith.index_cast %parallel_loop3A_127 : i32 to index
        %parallel_loop3A_266 = arith.constant 160 : index
        %parallel_loop3A_267 = tpu.vector_load %arg15[%parallel_loop3A_265, %parallel_loop3A_266] {strides = array<i32>} : memref<32x768xf32, #tpu.memory_space<vmem>>, vector<16xf32>,
        %parallel_loop3A_268 = arith.addf %parallel_loop3A_264, %parallel_loop3A_267 : vector<16xf32>
        %parallel_loop3A_269 = arith.index_cast %parallel_loop3A_127 : i32 to index
        %parallel_loop3A_270 = arith.constant 160 : index
        %parallel_loop3A_271 = tpu.vector_load %arg13[%parallel_loop3A_269, %parallel_loop3A_270] {strides = array<i32>} : memref<32x768xf32, #tpu.memory_space<vmem>>, vector<16xf32>,
        tpu.vector_store %arg13[%parallel_loop3A_269, %parallel_loop3A_270], %parallel_loop3A_268 {strides = array<i32>} : memref<32x768xf32, #tpu.memory_space<vmem>>, vector<16xf32>,
        %parallel_loop3A_272 = arith.addf %parallel_loop3A_233, %parallel_loop3A_268 : vector<16xf32>
        %parallel_loop3A_273 = arith.mulf %parallel_loop3A_268, %parallel_loop3A_268 : vector<16xf32>
        %parallel_loop3A_274 = arith.addf %parallel_loop3A_235, %parallel_loop3A_273 : vector<16xf32>
        %parallel_loop3A_275 = arith.index_cast %parallel_loop3A_127 : i32 to index
        %parallel_loop3A_276 = arith.constant 176 : index
        %parallel_loop3A_277 = tpu.vector_load %arg13[%parallel_loop3A_275, %parallel_loop3A_276] {strides = array<i32>} : memref<32x768xf32, #tpu.memory_space<vmem>>, vector<16xf32>,
        %parallel_loop3A_278 = arith.index_cast %parallel_loop3A_127 : i32 to index
        %parallel_loop3A_279 = arith.constant 176 : index
        %parallel_loop3A_280 = tpu.vector_load %arg15[%parallel_loop3A_278, %parallel_loop3A_279] {strides = array<i32>} : memref<32x768xf32, #tpu.memory_space<vmem>>, vector<16xf32>,
        %parallel_loop3A_281 = arith.addf %parallel_loop3A_277, %parallel_loop3A_280 : vector<16xf32>
        %parallel_loop3A_282 = arith.index_cast %parallel_loop3A_127 : i32 to index
        %parallel_loop3A_283 = arith.constant 176 : index
        %parallel_loop3A_284 = tpu.vector_load %arg13[%parallel_loop3A_282, %parallel_loop3A_283] {strides = array<i32>} : memref<32x768xf32, #tpu.memory_space<vmem>>, vector<16xf32>,
        tpu.vector_store %arg13[%parallel_loop3A_282, %parallel_loop3A_283], %parallel_loop3A_281 {strides = array<i32>} : memref<32x768xf32, #tpu.memory_space<vmem>>, vector<16xf32>,
        %parallel_loop3A_285 = arith.addf %parallel_loop3A_246, %parallel_loop3A_281 : vector<16xf32>
        %parallel_loop3A_286 = arith.mulf %parallel_loop3A_281, %parallel_loop3A_281 : vector<16xf32>
        %parallel_loop3A_287 = arith.addf %parallel_loop3A_248, %parallel_loop3A_286 : vector<16xf32>
        %parallel_loop3A_288 = arith.index_cast %parallel_loop3A_127 : i32 to index
        %parallel_loop3A_289 = arith.constant 192 : index
        %parallel_loop3A_290 = tpu.vector_load %arg13[%parallel_loop3A_288, %parallel_loop3A_289] {strides = array<i32>} : memref<32x768xf32, #tpu.memory_space<vmem>>, vector<16xf32>,
        %parallel_loop3A_291 = arith.index_cast %parallel_loop3A_127 : i32 to index
        %parallel_loop3A_292 = arith.constant 192 : index
        %parallel_loop3A_293 = tpu.vector_load %arg15[%parallel_loop3A_291, %parallel_loop3A_292] {strides = array<i32>} : memref<32x768xf32, #tpu.memory_space<vmem>>, vector<16xf32>,
        %parallel_loop3A_294 = arith.addf %parallel_loop3A_290, %parallel_loop3A_293 : vector<16xf32>
        %parallel_loop3A_295 = arith.index_cast %parallel_loop3A_127 : i32 to index
        %parallel_loop3A_296 = arith.constant 192 : index
        %parallel_loop3A_297 = tpu.vector_load %arg13[%parallel_loop3A_295, %parallel_loop3A_296] {strides = array<i32>} : memref<32x768xf32, #tpu.memory_space<vmem>>, vector<16xf32>,
        tpu.vector_store %arg13[%parallel_loop3A_295, %parallel_loop3A_296], %parallel_loop3A_294 {strides = array<i32>} : memref<32x768xf32, #tpu.memory_space<vmem>>, vector<16xf32>,
        %parallel_loop3A_298 = arith.addf %parallel_loop3A_259, %parallel_loop3A_294 : vector<16xf32>
        %parallel_loop3A_299 = arith.mulf %parallel_loop3A_294, %parallel_loop3A_294 : vector<16xf32>
        %parallel_loop3A_300 = arith.addf %parallel_loop3A_261, %parallel_loop3A_299 : vector<16xf32>
        %parallel_loop3A_301 = arith.index_cast %parallel_loop3A_127 : i32 to index
        %parallel_loop3A_302 = arith.constant 208 : index
        %parallel_loop3A_303 = tpu.vector_load %arg13[%parallel_loop3A_301, %parallel_loop3A_302] {strides = array<i32>} : memref<32x768xf32, #tpu.memory_space<vmem>>, vector<16xf32>,
        %parallel_loop3A_304 = arith.index_cast %parallel_loop3A_127 : i32 to index
        %parallel_loop3A_305 = arith.constant 208 : index
        %parallel_loop3A_306 = tpu.vector_load %arg15[%parallel_loop3A_304, %parallel_loop3A_305] {strides = array<i32>} : memref<32x768xf32, #tpu.memory_space<vmem>>, vector<16xf32>,
        %parallel_loop3A_307 = arith.addf %parallel_loop3A_303, %parallel_loop3A_306 : vector<16xf32>
        %parallel_loop3A_308 = arith.index_cast %parallel_loop3A_127 : i32 to index
        %parallel_loop3A_309 = arith.constant 208 : index
        %parallel_loop3A_310 = tpu.vector_load %arg13[%parallel_loop3A_308, %parallel_loop3A_309] {strides = array<i32>} : memref<32x768xf32, #tpu.memory_space<vmem>>, vector<16xf32>,
        tpu.vector_store %arg13[%parallel_loop3A_308, %parallel_loop3A_309], %parallel_loop3A_307 {strides = array<i32>} : memref<32x768xf32, #tpu.memory_space<vmem>>, vector<16xf32>,
        %parallel_loop3A_311 = arith.addf %parallel_loop3A_272, %parallel_loop3A_307 : vector<16xf32>
        %parallel_loop3A_312 = arith.mulf %parallel_loop3A_307, %parallel_loop3A_307 : vector<16xf32>
        %parallel_loop3A_313 = arith.addf %parallel_loop3A_274, %parallel_loop3A_312 : vector<16xf32>
        %parallel_loop3A_314 = arith.index_cast %parallel_loop3A_127 : i32 to index
        %parallel_loop3A_315 = arith.constant 224 : index
        %parallel_loop3A_316 = tpu.vector_load %arg13[%parallel_loop3A_314, %parallel_loop3A_315] {strides = array<i32>} : memref<32x768xf32, #tpu.memory_space<vmem>>, vector<16xf32>,
        %parallel_loop3A_317 = arith.index_cast %parallel_loop3A_127 : i32 to index
        %parallel_loop3A_318 = arith.constant 224 : index
        %parallel_loop3A_319 = tpu.vector_load %arg15[%parallel_loop3A_317, %parallel_loop3A_318] {strides = array<i32>} : memref<32x768xf32, #tpu.memory_space<vmem>>, vector<16xf32>,
        %parallel_loop3A_320 = arith.addf %parallel_loop3A_316, %parallel_loop3A_319 : vector<16xf32>
        %parallel_loop3A_321 = arith.index_cast %parallel_loop3A_127 : i32 to index
        %parallel_loop3A_322 = arith.constant 224 : index
        %parallel_loop3A_323 = tpu.vector_load %arg13[%parallel_loop3A_321, %parallel_loop3A_322] {strides = array<i32>} : memref<32x768xf32, #tpu.memory_space<vmem>>, vector<16xf32>,
        tpu.vector_store %arg13[%parallel_loop3A_321, %parallel_loop3A_322], %parallel_loop3A_320 {strides = array<i32>} : memref<32x768xf32, #tpu.memory_space<vmem>>, vector<16xf32>,
        %parallel_loop3A_324 = arith.addf %parallel_loop3A_285, %parallel_loop3A_320 : vector<16xf32>
        %parallel_loop3A_325 = arith.mulf %parallel_loop3A_320, %parallel_loop3A_320 : vector<16xf32>
        %parallel_loop3A_326 = arith.addf %parallel_loop3A_287, %parallel_loop3A_325 : vector<16xf32>
        %parallel_loop3A_327 = arith.index_cast %parallel_loop3A_127 : i32 to index
        %parallel_loop3A_328 = arith.constant 240 : index
        %parallel_loop3A_329 = tpu.vector_load %arg13[%parallel_loop3A_327, %parallel_loop3A_328] {strides = array<i32>} : memref<32x768xf32, #tpu.memory_space<vmem>>, vector<16xf32>,
        %parallel_loop3A_330 = arith.index_cast %parallel_loop3A_127 : i32 to index
        %parallel_loop3A_331 = arith.constant 240 : index
        %parallel_loop3A_332 = tpu.vector_load %arg15[%parallel_loop3A_330, %parallel_loop3A_331] {strides = array<i32>} : memref<32x768xf32, #tpu.memory_space<vmem>>, vector<16xf32>,
        %parallel_loop3A_333 = arith.addf %parallel_loop3A_329, %parallel_loop3A_332 : vector<16xf32>
        %parallel_loop3A_334 = arith.index_cast %parallel_loop3A_127 : i32 to index
        %parallel_loop3A_335 = arith.constant 240 : index
        %parallel_loop3A_336 = tpu.vector_load %arg13[%parallel_loop3A_334, %parallel_loop3A_335] {strides = array<i32>} : memref<32x768xf32, #tpu.memory_space<vmem>>, vector<16xf32>,
        tpu.vector_store %arg13[%parallel_loop3A_334, %parallel_loop3A_335], %parallel_loop3A_333 {strides = array<i32>} : memref<32x768xf32, #tpu.memory_space<vmem>>, vector<16xf32>,
        %parallel_loop3A_337 = arith.addf %parallel_loop3A_298, %parallel_loop3A_333 : vector<16xf32>
        %parallel_loop3A_338 = arith.mulf %parallel_loop3A_333, %parallel_loop3A_333 : vector<16xf32>
        %parallel_loop3A_339 = arith.addf %parallel_loop3A_300, %parallel_loop3A_338 : vector<16xf32>
        %parallel_loop3A_340 = arith.index_cast %parallel_loop3A_127 : i32 to index
        %parallel_loop3A_341 = arith.constant 256 : index
        %parallel_loop3A_342 = tpu.vector_load %arg13[%parallel_loop3A_340, %parallel_loop3A_341] {strides = array<i32>} : memref<32x768xf32, #tpu.memory_space<vmem>>, vector<16xf32>,
        %parallel_loop3A_343 = arith.index_cast %parallel_loop3A_127 : i32 to index
        %parallel_loop3A_344 = arith.constant 256 : index
        %parallel_loop3A_345 = tpu.vector_load %arg15[%parallel_loop3A_343, %parallel_loop3A_344] {strides = array<i32>} : memref<32x768xf32, #tpu.memory_space<vmem>>, vector<16xf32>,
        %parallel_loop3A_346 = arith.addf %parallel_loop3A_342, %parallel_loop3A_345 : vector<16xf32>
        %parallel_loop3A_347 = arith.index_cast %parallel_loop3A_127 : i32 to index
        %parallel_loop3A_348 = arith.constant 256 : index
        %parallel_loop3A_349 = tpu.vector_load %arg13[%parallel_loop3A_347, %parallel_loop3A_348] {strides = array<i32>} : memref<32x768xf32, #tpu.memory_space<vmem>>, vector<16xf32>,
        tpu.vector_store %arg13[%parallel_loop3A_347, %parallel_loop3A_348], %parallel_loop3A_346 {strides = array<i32>} : memref<32x768xf32, #tpu.memory_space<vmem>>, vector<16xf32>,
        %parallel_loop3A_350 = arith.addf %parallel_loop3A_311, %parallel_loop3A_346 : vector<16xf32>
        %parallel_loop3A_351 = arith.mulf %parallel_loop3A_346, %parallel_loop3A_346 : vector<16xf32>
        %parallel_loop3A_352 = arith.addf %parallel_loop3A_313, %parallel_loop3A_351 : vector<16xf32>
        %parallel_loop3A_353 = arith.index_cast %parallel_loop3A_127 : i32 to index
        %parallel_loop3A_354 = arith.constant 272 : index
        %parallel_loop3A_355 = tpu.vector_load %arg13[%parallel_loop3A_353, %parallel_loop3A_354] {strides = array<i32>} : memref<32x768xf32, #tpu.memory_space<vmem>>, vector<16xf32>,
        %parallel_loop3A_356 = arith.index_cast %parallel_loop3A_127 : i32 to index
        %parallel_loop3A_357 = arith.constant 272 : index
        %parallel_loop3A_358 = tpu.vector_load %arg15[%parallel_loop3A_356, %parallel_loop3A_357] {strides = array<i32>} : memref<32x768xf32, #tpu.memory_space<vmem>>, vector<16xf32>,
        %parallel_loop3A_359 = arith.addf %parallel_loop3A_355, %parallel_loop3A_358 : vector<16xf32>
        %parallel_loop3A_360 = arith.index_cast %parallel_loop3A_127 : i32 to index
        %parallel_loop3A_361 = arith.constant 272 : index
        %parallel_loop3A_362 = tpu.vector_load %arg13[%parallel_loop3A_360, %parallel_loop3A_361] {strides = array<i32>} : memref<32x768xf32, #tpu.memory_space<vmem>>, vector<16xf32>,
        tpu.vector_store %arg13[%parallel_loop3A_360, %parallel_loop3A_361], %parallel_loop3A_359 {strides = array<i32>} : memref<32x768xf32, #tpu.memory_space<vmem>>, vector<16xf32>,
        %parallel_loop3A_363 = arith.addf %parallel_loop3A_324, %parallel_loop3A_359 : vector<16xf32>
        %parallel_loop3A_364 = arith.mulf %parallel_loop3A_359, %parallel_loop3A_359 : vector<16xf32>
        %parallel_loop3A_365 = arith.addf %parallel_loop3A_326, %parallel_loop3A_364 : vector<16xf32>
        %parallel_loop3A_366 = arith.index_cast %parallel_loop3A_127 : i32 to index
        %parallel_loop3A_367 = arith.constant 288 : index
        %parallel_loop3A_368 = tpu.vector_load %arg13[%parallel_loop3A_366, %parallel_loop3A_367] {strides = array<i32>} : memref<32x768xf32, #tpu.memory_space<vmem>>, vector<16xf32>,
        %parallel_loop3A_369 = arith.index_cast %parallel_loop3A_127 : i32 to index
        %parallel_loop3A_370 = arith.constant 288 : index
        %parallel_loop3A_371 = tpu.vector_load %arg15[%parallel_loop3A_369, %parallel_loop3A_370] {strides = array<i32>} : memref<32x768xf32, #tpu.memory_space<vmem>>, vector<16xf32>,
        %parallel_loop3A_372 = arith.addf %parallel_loop3A_368, %parallel_loop3A_371 : vector<16xf32>
        %parallel_loop3A_373 = arith.index_cast %parallel_loop3A_127 : i32 to index
        %parallel_loop3A_374 = arith.constant 288 : index
        %parallel_loop3A_375 = tpu.vector_load %arg13[%parallel_loop3A_373, %parallel_loop3A_374] {strides = array<i32>} : memref<32x768xf32, #tpu.memory_space<vmem>>, vector<16xf32>,
        tpu.vector_store %arg13[%parallel_loop3A_373, %parallel_loop3A_374], %parallel_loop3A_372 {strides = array<i32>} : memref<32x768xf32, #tpu.memory_space<vmem>>, vector<16xf32>,
        %parallel_loop3A_376 = arith.addf %parallel_loop3A_337, %parallel_loop3A_372 : vector<16xf32>
        %parallel_loop3A_377 = arith.mulf %parallel_loop3A_372, %parallel_loop3A_372 : vector<16xf32>
        %parallel_loop3A_378 = arith.addf %parallel_loop3A_339, %parallel_loop3A_377 : vector<16xf32>
        %parallel_loop3A_379 = arith.index_cast %parallel_loop3A_127 : i32 to index
        %parallel_loop3A_380 = arith.constant 304 : index
        %parallel_loop3A_381 = tpu.vector_load %arg13[%parallel_loop3A_379, %parallel_loop3A_380] {strides = array<i32>} : memref<32x768xf32, #tpu.memory_space<vmem>>, vector<16xf32>,
        %parallel_loop3A_382 = arith.index_cast %parallel_loop3A_127 : i32 to index
        %parallel_loop3A_383 = arith.constant 304 : index
        %parallel_loop3A_384 = tpu.vector_load %arg15[%parallel_loop3A_382, %parallel_loop3A_383] {strides = array<i32>} : memref<32x768xf32, #tpu.memory_space<vmem>>, vector<16xf32>,
        %parallel_loop3A_385 = arith.addf %parallel_loop3A_381, %parallel_loop3A_384 : vector<16xf32>
        %parallel_loop3A_386 = arith.index_cast %parallel_loop3A_127 : i32 to index
        %parallel_loop3A_387 = arith.constant 304 : index
        %parallel_loop3A_388 = tpu.vector_load %arg13[%parallel_loop3A_386, %parallel_loop3A_387] {strides = array<i32>} : memref<32x768xf32, #tpu.memory_space<vmem>>, vector<16xf32>,
        tpu.vector_store %arg13[%parallel_loop3A_386, %parallel_loop3A_387], %parallel_loop3A_385 {strides = array<i32>} : memref<32x768xf32, #tpu.memory_space<vmem>>, vector<16xf32>,
        %parallel_loop3A_389 = arith.addf %parallel_loop3A_350, %parallel_loop3A_385 : vector<16xf32>
        %parallel_loop3A_390 = arith.mulf %parallel_loop3A_385, %parallel_loop3A_385 : vector<16xf32>
        %parallel_loop3A_391 = arith.addf %parallel_loop3A_352, %parallel_loop3A_390 : vector<16xf32>
        %parallel_loop3A_392 = arith.index_cast %parallel_loop3A_127 : i32 to index
        %parallel_loop3A_393 = arith.constant 320 : index
        %parallel_loop3A_394 = tpu.vector_load %arg13[%parallel_loop3A_392, %parallel_loop3A_393] {strides = array<i32>} : memref<32x768xf32, #tpu.memory_space<vmem>>, vector<16xf32>,
        %parallel_loop3A_395 = arith.index_cast %parallel_loop3A_127 : i32 to index
        %parallel_loop3A_396 = arith.constant 320 : index
        %parallel_loop3A_397 = tpu.vector_load %arg15[%parallel_loop3A_395, %parallel_loop3A_396] {strides = array<i32>} : memref<32x768xf32, #tpu.memory_space<vmem>>, vector<16xf32>,
        %parallel_loop3A_398 = arith.addf %parallel_loop3A_394, %parallel_loop3A_397 : vector<16xf32>
        %parallel_loop3A_399 = arith.index_cast %parallel_loop3A_127 : i32 to index
        %parallel_loop3A_400 = arith.constant 320 : index
        %parallel_loop3A_401 = tpu.vector_load %arg13[%parallel_loop3A_399, %parallel_loop3A_400] {strides = array<i32>} : memref<32x768xf32, #tpu.memory_space<vmem>>, vector<16xf32>,
        tpu.vector_store %arg13[%parallel_loop3A_399, %parallel_loop3A_400], %parallel_loop3A_398 {strides = array<i32>} : memref<32x768xf32, #tpu.memory_space<vmem>>, vector<16xf32>,
        %parallel_loop3A_402 = arith.addf %parallel_loop3A_363, %parallel_loop3A_398 : vector<16xf32>
        %parallel_loop3A_403 = arith.mulf %parallel_loop3A_398, %parallel_loop3A_398 : vector<16xf32>
        %parallel_loop3A_404 = arith.addf %parallel_loop3A_365, %parallel_loop3A_403 : vector<16xf32>
        %parallel_loop3A_405 = arith.index_cast %parallel_loop3A_127 : i32 to index
        %parallel_loop3A_406 = arith.constant 336 : index
        %parallel_loop3A_407 = tpu.vector_load %arg13[%parallel_loop3A_405, %parallel_loop3A_406] {strides = array<i32>} : memref<32x768xf32, #tpu.memory_space<vmem>>, vector<16xf32>,
        %parallel_loop3A_408 = arith.index_cast %parallel_loop3A_127 : i32 to index
        %parallel_loop3A_409 = arith.constant 336 : index
        %parallel_loop3A_410 = tpu.vector_load %arg15[%parallel_loop3A_408, %parallel_loop3A_409] {strides = array<i32>} : memref<32x768xf32, #tpu.memory_space<vmem>>, vector<16xf32>,
        %parallel_loop3A_411 = arith.addf %parallel_loop3A_407, %parallel_loop3A_410 : vector<16xf32>
        %parallel_loop3A_412 = arith.index_cast %parallel_loop3A_127 : i32 to index
        %parallel_loop3A_413 = arith.constant 336 : index
        %parallel_loop3A_414 = tpu.vector_load %arg13[%parallel_loop3A_412, %parallel_loop3A_413] {strides = array<i32>} : memref<32x768xf32, #tpu.memory_space<vmem>>, vector<16xf32>,
        tpu.vector_store %arg13[%parallel_loop3A_412, %parallel_loop3A_413], %parallel_loop3A_411 {strides = array<i32>} : memref<32x768xf32, #tpu.memory_space<vmem>>, vector<16xf32>,
        %parallel_loop3A_415 = arith.addf %parallel_loop3A_376, %parallel_loop3A_411 : vector<16xf32>
        %parallel_loop3A_416 = arith.mulf %parallel_loop3A_411, %parallel_loop3A_411 : vector<16xf32>
        %parallel_loop3A_417 = arith.addf %parallel_loop3A_378, %parallel_loop3A_416 : vector<16xf32>
        %parallel_loop3A_418 = arith.index_cast %parallel_loop3A_127 : i32 to index
        %parallel_loop3A_419 = arith.constant 352 : index
        %parallel_loop3A_420 = tpu.vector_load %arg13[%parallel_loop3A_418, %parallel_loop3A_419] {strides = array<i32>} : memref<32x768xf32, #tpu.memory_space<vmem>>, vector<16xf32>,
        %parallel_loop3A_421 = arith.index_cast %parallel_loop3A_127 : i32 to index
        %parallel_loop3A_422 = arith.constant 352 : index
        %parallel_loop3A_423 = tpu.vector_load %arg15[%parallel_loop3A_421, %parallel_loop3A_422] {strides = array<i32>} : memref<32x768xf32, #tpu.memory_space<vmem>>, vector<16xf32>,
        %parallel_loop3A_424 = arith.addf %parallel_loop3A_420, %parallel_loop3A_423 : vector<16xf32>
        %parallel_loop3A_425 = arith.index_cast %parallel_loop3A_127 : i32 to index
        %parallel_loop3A_426 = arith.constant 352 : index
        %parallel_loop3A_427 = tpu.vector_load %arg13[%parallel_loop3A_425, %parallel_loop3A_426] {strides = array<i32>} : memref<32x768xf32, #tpu.memory_space<vmem>>, vector<16xf32>,
        tpu.vector_store %arg13[%parallel_loop3A_425, %parallel_loop3A_426], %parallel_loop3A_424 {strides = array<i32>} : memref<32x768xf32, #tpu.memory_space<vmem>>, vector<16xf32>,
        %parallel_loop3A_428 = arith.addf %parallel_loop3A_389, %parallel_loop3A_424 : vector<16xf32>
        %parallel_loop3A_429 = arith.mulf %parallel_loop3A_424, %parallel_loop3A_424 : vector<16xf32>
        %parallel_loop3A_430 = arith.addf %parallel_loop3A_391, %parallel_loop3A_429 : vector<16xf32>
        %parallel_loop3A_431 = arith.index_cast %parallel_loop3A_127 : i32 to index
        %parallel_loop3A_432 = arith.constant 368 : index
        %parallel_loop3A_433 = tpu.vector_load %arg13[%parallel_loop3A_431, %parallel_loop3A_432] {strides = array<i32>} : memref<32x768xf32, #tpu.memory_space<vmem>>, vector<16xf32>,
        %parallel_loop3A_434 = arith.index_cast %parallel_loop3A_127 : i32 to index
        %parallel_loop3A_435 = arith.constant 368 : index
        %parallel_loop3A_436 = tpu.vector_load %arg15[%parallel_loop3A_434, %parallel_loop3A_435] {strides = array<i32>} : memref<32x768xf32, #tpu.memory_space<vmem>>, vector<16xf32>,
        %parallel_loop3A_437 = arith.addf %parallel_loop3A_433, %parallel_loop3A_436 : vector<16xf32>
        %parallel_loop3A_438 = arith.index_cast %parallel_loop3A_127 : i32 to index
        %parallel_loop3A_439 = arith.constant 368 : index
        %parallel_loop3A_440 = tpu.vector_load %arg13[%parallel_loop3A_438, %parallel_loop3A_439] {strides = array<i32>} : memref<32x768xf32, #tpu.memory_space<vmem>>, vector<16xf32>,
        tpu.vector_store %arg13[%parallel_loop3A_438, %parallel_loop3A_439], %parallel_loop3A_437 {strides = array<i32>} : memref<32x768xf32, #tpu.memory_space<vmem>>, vector<16xf32>,
        %parallel_loop3A_441 = arith.addf %parallel_loop3A_402, %parallel_loop3A_437 : vector<16xf32>
        %parallel_loop3A_442 = arith.mulf %parallel_loop3A_437, %parallel_loop3A_437 : vector<16xf32>
        %parallel_loop3A_443 = arith.addf %parallel_loop3A_404, %parallel_loop3A_442 : vector<16xf32>
        %parallel_loop3A_444 = arith.index_cast %parallel_loop3A_127 : i32 to index
        %parallel_loop3A_445 = arith.constant 384 : index
        %parallel_loop3A_446 = tpu.vector_load %arg13[%parallel_loop3A_444, %parallel_loop3A_445] {strides = array<i32>} : memref<32x768xf32, #tpu.memory_space<vmem>>, vector<16xf32>,
        %parallel_loop3A_447 = arith.index_cast %parallel_loop3A_127 : i32 to index
        %parallel_loop3A_448 = arith.constant 384 : index
        %parallel_loop3A_449 = tpu.vector_load %arg15[%parallel_loop3A_447, %parallel_loop3A_448] {strides = array<i32>} : memref<32x768xf32, #tpu.memory_space<vmem>>, vector<16xf32>,
        %parallel_loop3A_450 = arith.addf %parallel_loop3A_446, %parallel_loop3A_449 : vector<16xf32>
        %parallel_loop3A_451 = arith.index_cast %parallel_loop3A_127 : i32 to index
        %parallel_loop3A_452 = arith.constant 384 : index
        %parallel_loop3A_453 = tpu.vector_load %arg13[%parallel_loop3A_451, %parallel_loop3A_452] {strides = array<i32>} : memref<32x768xf32, #tpu.memory_space<vmem>>, vector<16xf32>,
        tpu.vector_store %arg13[%parallel_loop3A_451, %parallel_loop3A_452], %parallel_loop3A_450 {strides = array<i32>} : memref<32x768xf32, #tpu.memory_space<vmem>>, vector<16xf32>,
        %parallel_loop3A_454 = arith.addf %parallel_loop3A_415, %parallel_loop3A_450 : vector<16xf32>
        %parallel_loop3A_455 = arith.mulf %parallel_loop3A_450, %parallel_loop3A_450 : vector<16xf32>
        %parallel_loop3A_456 = arith.addf %parallel_loop3A_417, %parallel_loop3A_455 : vector<16xf32>
        %parallel_loop3A_457 = arith.index_cast %parallel_loop3A_127 : i32 to index
        %parallel_loop3A_458 = arith.constant 400 : index
        %parallel_loop3A_459 = tpu.vector_load %arg13[%parallel_loop3A_457, %parallel_loop3A_458] {strides = array<i32>} : memref<32x768xf32, #tpu.memory_space<vmem>>, vector<16xf32>,
        %parallel_loop3A_460 = arith.index_cast %parallel_loop3A_127 : i32 to index
        %parallel_loop3A_461 = arith.constant 400 : index
        %parallel_loop3A_462 = tpu.vector_load %arg15[%parallel_loop3A_460, %parallel_loop3A_461] {strides = array<i32>} : memref<32x768xf32, #tpu.memory_space<vmem>>, vector<16xf32>,
        %parallel_loop3A_463 = arith.addf %parallel_loop3A_459, %parallel_loop3A_462 : vector<16xf32>
        %parallel_loop3A_464 = arith.index_cast %parallel_loop3A_127 : i32 to index
        %parallel_loop3A_465 = arith.constant 400 : index
        %parallel_loop3A_466 = tpu.vector_load %arg13[%parallel_loop3A_464, %parallel_loop3A_465] {strides = array<i32>} : memref<32x768xf32, #tpu.memory_space<vmem>>, vector<16xf32>,
        tpu.vector_store %arg13[%parallel_loop3A_464, %parallel_loop3A_465], %parallel_loop3A_463 {strides = array<i32>} : memref<32x768xf32, #tpu.memory_space<vmem>>, vector<16xf32>,
        %parallel_loop3A_467 = arith.addf %parallel_loop3A_428, %parallel_loop3A_463 : vector<16xf32>
        %parallel_loop3A_468 = arith.mulf %parallel_loop3A_463, %parallel_loop3A_463 : vector<16xf32>
        %parallel_loop3A_469 = arith.addf %parallel_loop3A_430, %parallel_loop3A_468 : vector<16xf32>
        %parallel_loop3A_470 = arith.index_cast %parallel_loop3A_127 : i32 to index
        %parallel_loop3A_471 = arith.constant 416 : index
        %parallel_loop3A_472 = tpu.vector_load %arg13[%parallel_loop3A_470, %parallel_loop3A_471] {strides = array<i32>} : memref<32x768xf32, #tpu.memory_space<vmem>>, vector<16xf32>,
        %parallel_loop3A_473 = arith.index_cast %parallel_loop3A_127 : i32 to index
        %parallel_loop3A_474 = arith.constant 416 : index
        %parallel_loop3A_475 = tpu.vector_load %arg15[%parallel_loop3A_473, %parallel_loop3A_474] {strides = array<i32>} : memref<32x768xf32, #tpu.memory_space<vmem>>, vector<16xf32>,
        %parallel_loop3A_476 = arith.addf %parallel_loop3A_472, %parallel_loop3A_475 : vector<16xf32>
        %parallel_loop3A_477 = arith.index_cast %parallel_loop3A_127 : i32 to index
        %parallel_loop3A_478 = arith.constant 416 : index
        %parallel_loop3A_479 = tpu.vector_load %arg13[%parallel_loop3A_477, %parallel_loop3A_478] {strides = array<i32>} : memref<32x768xf32, #tpu.memory_space<vmem>>, vector<16xf32>,
        tpu.vector_store %arg13[%parallel_loop3A_477, %parallel_loop3A_478], %parallel_loop3A_476 {strides = array<i32>} : memref<32x768xf32, #tpu.memory_space<vmem>>, vector<16xf32>,
        %parallel_loop3A_480 = arith.addf %parallel_loop3A_441, %parallel_loop3A_476 : vector<16xf32>
        %parallel_loop3A_481 = arith.mulf %parallel_loop3A_476, %parallel_loop3A_476 : vector<16xf32>
        %parallel_loop3A_482 = arith.addf %parallel_loop3A_443, %parallel_loop3A_481 : vector<16xf32>
        %parallel_loop3A_483 = arith.index_cast %parallel_loop3A_127 : i32 to index
        %parallel_loop3A_484 = arith.constant 432 : index
        %parallel_loop3A_485 = tpu.vector_load %arg13[%parallel_loop3A_483, %parallel_loop3A_484] {strides = array<i32>} : memref<32x768xf32, #tpu.memory_space<vmem>>, vector<16xf32>,
        %parallel_loop3A_486 = arith.index_cast %parallel_loop3A_127 : i32 to index
        %parallel_loop3A_487 = arith.constant 432 : index
        %parallel_loop3A_488 = tpu.vector_load %arg15[%parallel_loop3A_486, %parallel_loop3A_487] {strides = array<i32>} : memref<32x768xf32, #tpu.memory_space<vmem>>, vector<16xf32>,
        %parallel_loop3A_489 = arith.addf %parallel_loop3A_485, %parallel_loop3A_488 : vector<16xf32>
        %parallel_loop3A_490 = arith.index_cast %parallel_loop3A_127 : i32 to index
        %parallel_loop3A_491 = arith.constant 432 : index
        %parallel_loop3A_492 = tpu.vector_load %arg13[%parallel_loop3A_490, %parallel_loop3A_491] {strides = array<i32>} : memref<32x768xf32, #tpu.memory_space<vmem>>, vector<16xf32>,
        tpu.vector_store %arg13[%parallel_loop3A_490, %parallel_loop3A_491], %parallel_loop3A_489 {strides = array<i32>} : memref<32x768xf32, #tpu.memory_space<vmem>>, vector<16xf32>,
        %parallel_loop3A_493 = arith.addf %parallel_loop3A_454, %parallel_loop3A_489 : vector<16xf32>
        %parallel_loop3A_494 = arith.mulf %parallel_loop3A_489, %parallel_loop3A_489 : vector<16xf32>
        %parallel_loop3A_495 = arith.addf %parallel_loop3A_456, %parallel_loop3A_494 : vector<16xf32>
        %parallel_loop3A_496 = arith.index_cast %parallel_loop3A_127 : i32 to index
        %parallel_loop3A_497 = arith.constant 448 : index
        %parallel_loop3A_498 = tpu.vector_load %arg13[%parallel_loop3A_496, %parallel_loop3A_497] {strides = array<i32>} : memref<32x768xf32, #tpu.memory_space<vmem>>, vector<16xf32>,
        %parallel_loop3A_499 = arith.index_cast %parallel_loop3A_127 : i32 to index
        %parallel_loop3A_500 = arith.constant 448 : index
        %parallel_loop3A_501 = tpu.vector_load %arg15[%parallel_loop3A_499, %parallel_loop3A_500] {strides = array<i32>} : memref<32x768xf32, #tpu.memory_space<vmem>>, vector<16xf32>,
        %parallel_loop3A_502 = arith.addf %parallel_loop3A_498, %parallel_loop3A_501 : vector<16xf32>
        %parallel_loop3A_503 = arith.index_cast %parallel_loop3A_127 : i32 to index
        %parallel_loop3A_504 = arith.constant 448 : index
        %parallel_loop3A_505 = tpu.vector_load %arg13[%parallel_loop3A_503, %parallel_loop3A_504] {strides = array<i32>} : memref<32x768xf32, #tpu.memory_space<vmem>>, vector<16xf32>,
        tpu.vector_store %arg13[%parallel_loop3A_503, %parallel_loop3A_504], %parallel_loop3A_502 {strides = array<i32>} : memref<32x768xf32, #tpu.memory_space<vmem>>, vector<16xf32>,
        %parallel_loop3A_506 = arith.addf %parallel_loop3A_467, %parallel_loop3A_502 : vector<16xf32>
        %parallel_loop3A_507 = arith.mulf %parallel_loop3A_502, %parallel_loop3A_502 : vector<16xf32>
        %parallel_loop3A_508 = arith.addf %parallel_loop3A_469, %parallel_loop3A_507 : vector<16xf32>
        %parallel_loop3A_509 = arith.index_cast %parallel_loop3A_127 : i32 to index
        %parallel_loop3A_510 = arith.constant 464 : index
        %parallel_loop3A_511 = tpu.vector_load %arg13[%parallel_loop3A_509, %parallel_loop3A_510] {strides = array<i32>} : memref<32x768xf32, #tpu.memory_space<vmem>>, vector<16xf32>,
        %parallel_loop3A_512 = arith.index_cast %parallel_loop3A_127 : i32 to index
        %parallel_loop3A_513 = arith.constant 464 : index
        %parallel_loop3A_514 = tpu.vector_load %arg15[%parallel_loop3A_512, %parallel_loop3A_513] {strides = array<i32>} : memref<32x768xf32, #tpu.memory_space<vmem>>, vector<16xf32>,
        %parallel_loop3A_515 = arith.addf %parallel_loop3A_511, %parallel_loop3A_514 : vector<16xf32>
        %parallel_loop3A_516 = arith.index_cast %parallel_loop3A_127 : i32 to index
        %parallel_loop3A_517 = arith.constant 464 : index
        %parallel_loop3A_518 = tpu.vector_load %arg13[%parallel_loop3A_516, %parallel_loop3A_517] {strides = array<i32>} : memref<32x768xf32, #tpu.memory_space<vmem>>, vector<16xf32>,
        tpu.vector_store %arg13[%parallel_loop3A_516, %parallel_loop3A_517], %parallel_loop3A_515 {strides = array<i32>} : memref<32x768xf32, #tpu.memory_space<vmem>>, vector<16xf32>,
        %parallel_loop3A_519 = arith.addf %parallel_loop3A_480, %parallel_loop3A_515 : vector<16xf32>
        %parallel_loop3A_520 = arith.mulf %parallel_loop3A_515, %parallel_loop3A_515 : vector<16xf32>
        %parallel_loop3A_521 = arith.addf %parallel_loop3A_482, %parallel_loop3A_520 : vector<16xf32>
        %parallel_loop3A_522 = arith.index_cast %parallel_loop3A_127 : i32 to index
        %parallel_loop3A_523 = arith.constant 480 : index
        %parallel_loop3A_524 = tpu.vector_load %arg13[%parallel_loop3A_522, %parallel_loop3A_523] {strides = array<i32>} : memref<32x768xf32, #tpu.memory_space<vmem>>, vector<16xf32>,
        %parallel_loop3A_525 = arith.index_cast %parallel_loop3A_127 : i32 to index
        %parallel_loop3A_526 = arith.constant 480 : index
        %parallel_loop3A_527 = tpu.vector_load %arg15[%parallel_loop3A_525, %parallel_loop3A_526] {strides = array<i32>} : memref<32x768xf32, #tpu.memory_space<vmem>>, vector<16xf32>,
        %parallel_loop3A_528 = arith.addf %parallel_loop3A_524, %parallel_loop3A_527 : vector<16xf32>
        %parallel_loop3A_529 = arith.index_cast %parallel_loop3A_127 : i32 to index
        %parallel_loop3A_530 = arith.constant 480 : index
        %parallel_loop3A_531 = tpu.vector_load %arg13[%parallel_loop3A_529, %parallel_loop3A_530] {strides = array<i32>} : memref<32x768xf32, #tpu.memory_space<vmem>>, vector<16xf32>,
        tpu.vector_store %arg13[%parallel_loop3A_529, %parallel_loop3A_530], %parallel_loop3A_528 {strides = array<i32>} : memref<32x768xf32, #tpu.memory_space<vmem>>, vector<16xf32>,
        %parallel_loop3A_532 = arith.addf %parallel_loop3A_493, %parallel_loop3A_528 : vector<16xf32>
        %parallel_loop3A_533 = arith.mulf %parallel_loop3A_528, %parallel_loop3A_528 : vector<16xf32>
        %parallel_loop3A_534 = arith.addf %parallel_loop3A_495, %parallel_loop3A_533 : vector<16xf32>
        %parallel_loop3A_535 = arith.index_cast %parallel_loop3A_127 : i32 to index
        %parallel_loop3A_536 = arith.constant 496 : index
        %parallel_loop3A_537 = tpu.vector_load %arg13[%parallel_loop3A_535, %parallel_loop3A_536] {strides = array<i32>} : memref<32x768xf32, #tpu.memory_space<vmem>>, vector<16xf32>,
        %parallel_loop3A_538 = arith.index_cast %parallel_loop3A_127 : i32 to index
        %parallel_loop3A_539 = arith.constant 496 : index
        %parallel_loop3A_540 = tpu.vector_load %arg15[%parallel_loop3A_538, %parallel_loop3A_539] {strides = array<i32>} : memref<32x768xf32, #tpu.memory_space<vmem>>, vector<16xf32>,
        %parallel_loop3A_541 = arith.addf %parallel_loop3A_537, %parallel_loop3A_540 : vector<16xf32>
        %parallel_loop3A_542 = arith.index_cast %parallel_loop3A_127 : i32 to index
        %parallel_loop3A_543 = arith.constant 496 : index
        %parallel_loop3A_544 = tpu.vector_load %arg13[%parallel_loop3A_542, %parallel_loop3A_543] {strides = array<i32>} : memref<32x768xf32, #tpu.memory_space<vmem>>, vector<16xf32>,
        tpu.vector_store %arg13[%parallel_loop3A_542, %parallel_loop3A_543], %parallel_loop3A_541 {strides = array<i32>} : memref<32x768xf32, #tpu.memory_space<vmem>>, vector<16xf32>,
        %parallel_loop3A_545 = arith.addf %parallel_loop3A_506, %parallel_loop3A_541 : vector<16xf32>
        %parallel_loop3A_546 = arith.mulf %parallel_loop3A_541, %parallel_loop3A_541 : vector<16xf32>
        %parallel_loop3A_547 = arith.addf %parallel_loop3A_508, %parallel_loop3A_546 : vector<16xf32>
        %parallel_loop3A_548 = arith.index_cast %parallel_loop3A_127 : i32 to index
        %parallel_loop3A_549 = arith.constant 512 : index
        %parallel_loop3A_550 = tpu.vector_load %arg13[%parallel_loop3A_548, %parallel_loop3A_549] {strides = array<i32>} : memref<32x768xf32, #tpu.memory_space<vmem>>, vector<16xf32>,
        %parallel_loop3A_551 = arith.index_cast %parallel_loop3A_127 : i32 to index
        %parallel_loop3A_552 = arith.constant 512 : index
        %parallel_loop3A_553 = tpu.vector_load %arg15[%parallel_loop3A_551, %parallel_loop3A_552] {strides = array<i32>} : memref<32x768xf32, #tpu.memory_space<vmem>>, vector<16xf32>,
        %parallel_loop3A_554 = arith.addf %parallel_loop3A_550, %parallel_loop3A_553 : vector<16xf32>
        %parallel_loop3A_555 = arith.index_cast %parallel_loop3A_127 : i32 to index
        %parallel_loop3A_556 = arith.constant 512 : index
        %parallel_loop3A_557 = tpu.vector_load %arg13[%parallel_loop3A_555, %parallel_loop3A_556] {strides = array<i32>} : memref<32x768xf32, #tpu.memory_space<vmem>>, vector<16xf32>,
        tpu.vector_store %arg13[%parallel_loop3A_555, %parallel_loop3A_556], %parallel_loop3A_554 {strides = array<i32>} : memref<32x768xf32, #tpu.memory_space<vmem>>, vector<16xf32>,
        %parallel_loop3A_558 = arith.addf %parallel_loop3A_519, %parallel_loop3A_554 : vector<16xf32>
        %parallel_loop3A_559 = arith.mulf %parallel_loop3A_554, %parallel_loop3A_554 : vector<16xf32>
        %parallel_loop3A_560 = arith.addf %parallel_loop3A_521, %parallel_loop3A_559 : vector<16xf32>
        %parallel_loop3A_561 = arith.index_cast %parallel_loop3A_127 : i32 to index
        %parallel_loop3A_562 = arith.constant 528 : index
        %parallel_loop3A_563 = tpu.vector_load %arg13[%parallel_loop3A_561, %parallel_loop3A_562] {strides = array<i32>} : memref<32x768xf32, #tpu.memory_space<vmem>>, vector<16xf32>,
        %parallel_loop3A_564 = arith.index_cast %parallel_loop3A_127 : i32 to index
        %parallel_loop3A_565 = arith.constant 528 : index
        %parallel_loop3A_566 = tpu.vector_load %arg15[%parallel_loop3A_564, %parallel_loop3A_565] {strides = array<i32>} : memref<32x768xf32, #tpu.memory_space<vmem>>, vector<16xf32>,
        %parallel_loop3A_567 = arith.addf %parallel_loop3A_563, %parallel_loop3A_566 : vector<16xf32>
        %parallel_loop3A_568 = arith.index_cast %parallel_loop3A_127 : i32 to index
        %parallel_loop3A_569 = arith.constant 528 : index
        %parallel_loop3A_570 = tpu.vector_load %arg13[%parallel_loop3A_568, %parallel_loop3A_569] {strides = array<i32>} : memref<32x768xf32, #tpu.memory_space<vmem>>, vector<16xf32>,
        tpu.vector_store %arg13[%parallel_loop3A_568, %parallel_loop3A_569], %parallel_loop3A_567 {strides = array<i32>} : memref<32x768xf32, #tpu.memory_space<vmem>>, vector<16xf32>,
        %parallel_loop3A_571 = arith.addf %parallel_loop3A_532, %parallel_loop3A_567 : vector<16xf32>
        %parallel_loop3A_572 = arith.mulf %parallel_loop3A_567, %parallel_loop3A_567 : vector<16xf32>
        %parallel_loop3A_573 = arith.addf %parallel_loop3A_534, %parallel_loop3A_572 : vector<16xf32>
        %parallel_loop3A_574 = arith.index_cast %parallel_loop3A_127 : i32 to index
        %parallel_loop3A_575 = arith.constant 544 : index
        %parallel_loop3A_576 = tpu.vector_load %arg13[%parallel_loop3A_574, %parallel_loop3A_575] {strides = array<i32>} : memref<32x768xf32, #tpu.memory_space<vmem>>, vector<16xf32>,
        %parallel_loop3A_577 = arith.index_cast %parallel_loop3A_127 : i32 to index
        %parallel_loop3A_578 = arith.constant 544 : index
        %parallel_loop3A_579 = tpu.vector_load %arg15[%parallel_loop3A_577, %parallel_loop3A_578] {strides = array<i32>} : memref<32x768xf32, #tpu.memory_space<vmem>>, vector<16xf32>,
        %parallel_loop3A_580 = arith.addf %parallel_loop3A_576, %parallel_loop3A_579 : vector<16xf32>
        %parallel_loop3A_581 = arith.index_cast %parallel_loop3A_127 : i32 to index
        %parallel_loop3A_582 = arith.constant 544 : index
        %parallel_loop3A_583 = tpu.vector_load %arg13[%parallel_loop3A_581, %parallel_loop3A_582] {strides = array<i32>} : memref<32x768xf32, #tpu.memory_space<vmem>>, vector<16xf32>,
        tpu.vector_store %arg13[%parallel_loop3A_581, %parallel_loop3A_582], %parallel_loop3A_580 {strides = array<i32>} : memref<32x768xf32, #tpu.memory_space<vmem>>, vector<16xf32>,
        %parallel_loop3A_584 = arith.addf %parallel_loop3A_545, %parallel_loop3A_580 : vector<16xf32>
        %parallel_loop3A_585 = arith.mulf %parallel_loop3A_580, %parallel_loop3A_580 : vector<16xf32>
        %parallel_loop3A_586 = arith.addf %parallel_loop3A_547, %parallel_loop3A_585 : vector<16xf32>
        %parallel_loop3A_587 = arith.index_cast %parallel_loop3A_127 : i32 to index
        %parallel_loop3A_588 = arith.constant 560 : index
        %parallel_loop3A_589 = tpu.vector_load %arg13[%parallel_loop3A_587, %parallel_loop3A_588] {strides = array<i32>} : memref<32x768xf32, #tpu.memory_space<vmem>>, vector<16xf32>,
        %parallel_loop3A_590 = arith.index_cast %parallel_loop3A_127 : i32 to index
        %parallel_loop3A_591 = arith.constant 560 : index
        %parallel_loop3A_592 = tpu.vector_load %arg15[%parallel_loop3A_590, %parallel_loop3A_591] {strides = array<i32>} : memref<32x768xf32, #tpu.memory_space<vmem>>, vector<16xf32>,
        %parallel_loop3A_593 = arith.addf %parallel_loop3A_589, %parallel_loop3A_592 : vector<16xf32>
        %parallel_loop3A_594 = arith.index_cast %parallel_loop3A_127 : i32 to index
        %parallel_loop3A_595 = arith.constant 560 : index
        %parallel_loop3A_596 = tpu.vector_load %arg13[%parallel_loop3A_594, %parallel_loop3A_595] {strides = array<i32>} : memref<32x768xf32, #tpu.memory_space<vmem>>, vector<16xf32>,
        tpu.vector_store %arg13[%parallel_loop3A_594, %parallel_loop3A_595], %parallel_loop3A_593 {strides = array<i32>} : memref<32x768xf32, #tpu.memory_space<vmem>>, vector<16xf32>,
        %parallel_loop3A_597 = arith.addf %parallel_loop3A_558, %parallel_loop3A_593 : vector<16xf32>
        %parallel_loop3A_598 = arith.mulf %parallel_loop3A_593, %parallel_loop3A_593 : vector<16xf32>
        %parallel_loop3A_599 = arith.addf %parallel_loop3A_560, %parallel_loop3A_598 : vector<16xf32>
        %parallel_loop3A_600 = arith.index_cast %parallel_loop3A_127 : i32 to index
        %parallel_loop3A_601 = arith.constant 576 : index
        %parallel_loop3A_602 = tpu.vector_load %arg13[%parallel_loop3A_600, %parallel_loop3A_601] {strides = array<i32>} : memref<32x768xf32, #tpu.memory_space<vmem>>, vector<16xf32>,
        %parallel_loop3A_603 = arith.index_cast %parallel_loop3A_127 : i32 to index
        %parallel_loop3A_604 = arith.constant 576 : index
        %parallel_loop3A_605 = tpu.vector_load %arg15[%parallel_loop3A_603, %parallel_loop3A_604] {strides = array<i32>} : memref<32x768xf32, #tpu.memory_space<vmem>>, vector<16xf32>,
        %parallel_loop3A_606 = arith.addf %parallel_loop3A_602, %parallel_loop3A_605 : vector<16xf32>
        %parallel_loop3A_607 = arith.index_cast %parallel_loop3A_127 : i32 to index
        %parallel_loop3A_608 = arith.constant 576 : index
        %parallel_loop3A_609 = tpu.vector_load %arg13[%parallel_loop3A_607, %parallel_loop3A_608] {strides = array<i32>} : memref<32x768xf32, #tpu.memory_space<vmem>>, vector<16xf32>,
        tpu.vector_store %arg13[%parallel_loop3A_607, %parallel_loop3A_608], %parallel_loop3A_606 {strides = array<i32>} : memref<32x768xf32, #tpu.memory_space<vmem>>, vector<16xf32>,
        %parallel_loop3A_610 = arith.addf %parallel_loop3A_571, %parallel_loop3A_606 : vector<16xf32>
        %parallel_loop3A_611 = arith.mulf %parallel_loop3A_606, %parallel_loop3A_606 : vector<16xf32>
        %parallel_loop3A_612 = arith.addf %parallel_loop3A_573, %parallel_loop3A_611 : vector<16xf32>
        %parallel_loop3A_613 = arith.index_cast %parallel_loop3A_127 : i32 to index
        %parallel_loop3A_614 = arith.constant 592 : index
        %parallel_loop3A_615 = tpu.vector_load %arg13[%parallel_loop3A_613, %parallel_loop3A_614] {strides = array<i32>} : memref<32x768xf32, #tpu.memory_space<vmem>>, vector<16xf32>,
        %parallel_loop3A_616 = arith.index_cast %parallel_loop3A_127 : i32 to index
        %parallel_loop3A_617 = arith.constant 592 : index
        %parallel_loop3A_618 = tpu.vector_load %arg15[%parallel_loop3A_616, %parallel_loop3A_617] {strides = array<i32>} : memref<32x768xf32, #tpu.memory_space<vmem>>, vector<16xf32>,
        %parallel_loop3A_619 = arith.addf %parallel_loop3A_615, %parallel_loop3A_618 : vector<16xf32>
        %parallel_loop3A_620 = arith.index_cast %parallel_loop3A_127 : i32 to index
        %parallel_loop3A_621 = arith.constant 592 : index
        %parallel_loop3A_622 = tpu.vector_load %arg13[%parallel_loop3A_620, %parallel_loop3A_621] {strides = array<i32>} : memref<32x768xf32, #tpu.memory_space<vmem>>, vector<16xf32>,
        tpu.vector_store %arg13[%parallel_loop3A_620, %parallel_loop3A_621], %parallel_loop3A_619 {strides = array<i32>} : memref<32x768xf32, #tpu.memory_space<vmem>>, vector<16xf32>,
        %parallel_loop3A_623 = arith.addf %parallel_loop3A_584, %parallel_loop3A_619 : vector<16xf32>
        %parallel_loop3A_624 = arith.mulf %parallel_loop3A_619, %parallel_loop3A_619 : vector<16xf32>
        %parallel_loop3A_625 = arith.addf %parallel_loop3A_586, %parallel_loop3A_624 : vector<16xf32>
        %parallel_loop3A_626 = arith.index_cast %parallel_loop3A_127 : i32 to index
        %parallel_loop3A_627 = arith.constant 608 : index
        %parallel_loop3A_628 = tpu.vector_load %arg13[%parallel_loop3A_626, %parallel_loop3A_627] {strides = array<i32>} : memref<32x768xf32, #tpu.memory_space<vmem>>, vector<16xf32>,
        %parallel_loop3A_629 = arith.index_cast %parallel_loop3A_127 : i32 to index
        %parallel_loop3A_630 = arith.constant 608 : index
        %parallel_loop3A_631 = tpu.vector_load %arg15[%parallel_loop3A_629, %parallel_loop3A_630] {strides = array<i32>} : memref<32x768xf32, #tpu.memory_space<vmem>>, vector<16xf32>,
        %parallel_loop3A_632 = arith.addf %parallel_loop3A_628, %parallel_loop3A_631 : vector<16xf32>
        %parallel_loop3A_633 = arith.index_cast %parallel_loop3A_127 : i32 to index
        %parallel_loop3A_634 = arith.constant 608 : index
        %parallel_loop3A_635 = tpu.vector_load %arg13[%parallel_loop3A_633, %parallel_loop3A_634] {strides = array<i32>} : memref<32x768xf32, #tpu.memory_space<vmem>>, vector<16xf32>,
        tpu.vector_store %arg13[%parallel_loop3A_633, %parallel_loop3A_634], %parallel_loop3A_632 {strides = array<i32>} : memref<32x768xf32, #tpu.memory_space<vmem>>, vector<16xf32>,
        %parallel_loop3A_636 = arith.addf %parallel_loop3A_597, %parallel_loop3A_632 : vector<16xf32>
        %parallel_loop3A_637 = arith.mulf %parallel_loop3A_632, %parallel_loop3A_632 : vector<16xf32>
        %parallel_loop3A_638 = arith.addf %parallel_loop3A_599, %parallel_loop3A_637 : vector<16xf32>
        %parallel_loop3A_639 = arith.index_cast %parallel_loop3A_127 : i32 to index
        %parallel_loop3A_640 = arith.constant 624 : index
        %parallel_loop3A_641 = tpu.vector_load %arg13[%parallel_loop3A_639, %parallel_loop3A_640] {strides = array<i32>} : memref<32x768xf32, #tpu.memory_space<vmem>>, vector<16xf32>,
        %parallel_loop3A_642 = arith.index_cast %parallel_loop3A_127 : i32 to index
        %parallel_loop3A_643 = arith.constant 624 : index
        %parallel_loop3A_644 = tpu.vector_load %arg15[%parallel_loop3A_642, %parallel_loop3A_643] {strides = array<i32>} : memref<32x768xf32, #tpu.memory_space<vmem>>, vector<16xf32>,
        %parallel_loop3A_645 = arith.addf %parallel_loop3A_641, %parallel_loop3A_644 : vector<16xf32>
        %parallel_loop3A_646 = arith.index_cast %parallel_loop3A_127 : i32 to index
        %parallel_loop3A_647 = arith.constant 624 : index
        %parallel_loop3A_648 = tpu.vector_load %arg13[%parallel_loop3A_646, %parallel_loop3A_647] {strides = array<i32>} : memref<32x768xf32, #tpu.memory_space<vmem>>, vector<16xf32>,
        tpu.vector_store %arg13[%parallel_loop3A_646, %parallel_loop3A_647], %parallel_loop3A_645 {strides = array<i32>} : memref<32x768xf32, #tpu.memory_space<vmem>>, vector<16xf32>,
        %parallel_loop3A_649 = arith.addf %parallel_loop3A_610, %parallel_loop3A_645 : vector<16xf32>
        %parallel_loop3A_650 = arith.mulf %parallel_loop3A_645, %parallel_loop3A_645 : vector<16xf32>
        %parallel_loop3A_651 = arith.addf %parallel_loop3A_612, %parallel_loop3A_650 : vector<16xf32>
        %parallel_loop3A_652 = arith.index_cast %parallel_loop3A_127 : i32 to index
        %parallel_loop3A_653 = arith.constant 640 : index
        %parallel_loop3A_654 = tpu.vector_load %arg13[%parallel_loop3A_652, %parallel_loop3A_653] {strides = array<i32>} : memref<32x768xf32, #tpu.memory_space<vmem>>, vector<16xf32>,
        %parallel_loop3A_655 = arith.index_cast %parallel_loop3A_127 : i32 to index
        %parallel_loop3A_656 = arith.constant 640 : index
        %parallel_loop3A_657 = tpu.vector_load %arg15[%parallel_loop3A_655, %parallel_loop3A_656] {strides = array<i32>} : memref<32x768xf32, #tpu.memory_space<vmem>>, vector<16xf32>,
        %parallel_loop3A_658 = arith.addf %parallel_loop3A_654, %parallel_loop3A_657 : vector<16xf32>
        %parallel_loop3A_659 = arith.index_cast %parallel_loop3A_127 : i32 to index
        %parallel_loop3A_660 = arith.constant 640 : index
        %parallel_loop3A_661 = tpu.vector_load %arg13[%parallel_loop3A_659, %parallel_loop3A_660] {strides = array<i32>} : memref<32x768xf32, #tpu.memory_space<vmem>>, vector<16xf32>,
        tpu.vector_store %arg13[%parallel_loop3A_659, %parallel_loop3A_660], %parallel_loop3A_658 {strides = array<i32>} : memref<32x768xf32, #tpu.memory_space<vmem>>, vector<16xf32>,
        %parallel_loop3A_662 = arith.addf %parallel_loop3A_623, %parallel_loop3A_658 : vector<16xf32>
        %parallel_loop3A_663 = arith.mulf %parallel_loop3A_658, %parallel_loop3A_658 : vector<16xf32>
        %parallel_loop3A_664 = arith.addf %parallel_loop3A_625, %parallel_loop3A_663 : vector<16xf32>
        %parallel_loop3A_665 = arith.index_cast %parallel_loop3A_127 : i32 to index
        %parallel_loop3A_666 = arith.constant 656 : index
        %parallel_loop3A_667 = tpu.vector_load %arg13[%parallel_loop3A_665, %parallel_loop3A_666] {strides = array<i32>} : memref<32x768xf32, #tpu.memory_space<vmem>>, vector<16xf32>,
        %parallel_loop3A_668 = arith.index_cast %parallel_loop3A_127 : i32 to index
        %parallel_loop3A_669 = arith.constant 656 : index
        %parallel_loop3A_670 = tpu.vector_load %arg15[%parallel_loop3A_668, %parallel_loop3A_669] {strides = array<i32>} : memref<32x768xf32, #tpu.memory_space<vmem>>, vector<16xf32>,
        %parallel_loop3A_671 = arith.addf %parallel_loop3A_667, %parallel_loop3A_670 : vector<16xf32>
        %parallel_loop3A_672 = arith.index_cast %parallel_loop3A_127 : i32 to index
        %parallel_loop3A_673 = arith.constant 656 : index
        %parallel_loop3A_674 = tpu.vector_load %arg13[%parallel_loop3A_672, %parallel_loop3A_673] {strides = array<i32>} : memref<32x768xf32, #tpu.memory_space<vmem>>, vector<16xf32>,
        tpu.vector_store %arg13[%parallel_loop3A_672, %parallel_loop3A_673], %parallel_loop3A_671 {strides = array<i32>} : memref<32x768xf32, #tpu.memory_space<vmem>>, vector<16xf32>,
        %parallel_loop3A_675 = arith.addf %parallel_loop3A_636, %parallel_loop3A_671 : vector<16xf32>
        %parallel_loop3A_676 = arith.mulf %parallel_loop3A_671, %parallel_loop3A_671 : vector<16xf32>
        %parallel_loop3A_677 = arith.addf %parallel_loop3A_638, %parallel_loop3A_676 : vector<16xf32>
        %parallel_loop3A_678 = arith.index_cast %parallel_loop3A_127 : i32 to index
        %parallel_loop3A_679 = arith.constant 672 : index
        %parallel_loop3A_680 = tpu.vector_load %arg13[%parallel_loop3A_678, %parallel_loop3A_679] {strides = array<i32>} : memref<32x768xf32, #tpu.memory_space<vmem>>, vector<16xf32>,
        %parallel_loop3A_681 = arith.index_cast %parallel_loop3A_127 : i32 to index
        %parallel_loop3A_682 = arith.constant 672 : index
        %parallel_loop3A_683 = tpu.vector_load %arg15[%parallel_loop3A_681, %parallel_loop3A_682] {strides = array<i32>} : memref<32x768xf32, #tpu.memory_space<vmem>>, vector<16xf32>,
        %parallel_loop3A_684 = arith.addf %parallel_loop3A_680, %parallel_loop3A_683 : vector<16xf32>
        %parallel_loop3A_685 = arith.index_cast %parallel_loop3A_127 : i32 to index
        %parallel_loop3A_686 = arith.constant 672 : index
        %parallel_loop3A_687 = tpu.vector_load %arg13[%parallel_loop3A_685, %parallel_loop3A_686] {strides = array<i32>} : memref<32x768xf32, #tpu.memory_space<vmem>>, vector<16xf32>,
        tpu.vector_store %arg13[%parallel_loop3A_685, %parallel_loop3A_686], %parallel_loop3A_684 {strides = array<i32>} : memref<32x768xf32, #tpu.memory_space<vmem>>, vector<16xf32>,
        %parallel_loop3A_688 = arith.addf %parallel_loop3A_649, %parallel_loop3A_684 : vector<16xf32>
        %parallel_loop3A_689 = arith.mulf %parallel_loop3A_684, %parallel_loop3A_684 : vector<16xf32>
        %parallel_loop3A_690 = arith.addf %parallel_loop3A_651, %parallel_loop3A_689 : vector<16xf32>
        %parallel_loop3A_691 = arith.index_cast %parallel_loop3A_127 : i32 to index
        %parallel_loop3A_692 = arith.constant 688 : index
        %parallel_loop3A_693 = tpu.vector_load %arg13[%parallel_loop3A_691, %parallel_loop3A_692] {strides = array<i32>} : memref<32x768xf32, #tpu.memory_space<vmem>>, vector<16xf32>,
        %parallel_loop3A_694 = arith.index_cast %parallel_loop3A_127 : i32 to index
        %parallel_loop3A_695 = arith.constant 688 : index
        %parallel_loop3A_696 = tpu.vector_load %arg15[%parallel_loop3A_694, %parallel_loop3A_695] {strides = array<i32>} : memref<32x768xf32, #tpu.memory_space<vmem>>, vector<16xf32>,
        %parallel_loop3A_697 = arith.addf %parallel_loop3A_693, %parallel_loop3A_696 : vector<16xf32>
        %parallel_loop3A_698 = arith.index_cast %parallel_loop3A_127 : i32 to index
        %parallel_loop3A_699 = arith.constant 688 : index
        %parallel_loop3A_700 = tpu.vector_load %arg13[%parallel_loop3A_698, %parallel_loop3A_699] {strides = array<i32>} : memref<32x768xf32, #tpu.memory_space<vmem>>, vector<16xf32>,
        tpu.vector_store %arg13[%parallel_loop3A_698, %parallel_loop3A_699], %parallel_loop3A_697 {strides = array<i32>} : memref<32x768xf32, #tpu.memory_space<vmem>>, vector<16xf32>,
        %parallel_loop3A_701 = arith.addf %parallel_loop3A_662, %parallel_loop3A_697 : vector<16xf32>
        %parallel_loop3A_702 = arith.mulf %parallel_loop3A_697, %parallel_loop3A_697 : vector<16xf32>
        %parallel_loop3A_703 = arith.addf %parallel_loop3A_664, %parallel_loop3A_702 : vector<16xf32>
        %parallel_loop3A_704 = arith.index_cast %parallel_loop3A_127 : i32 to index
        %parallel_loop3A_705 = arith.constant 704 : index
        %parallel_loop3A_706 = tpu.vector_load %arg13[%parallel_loop3A_704, %parallel_loop3A_705] {strides = array<i32>} : memref<32x768xf32, #tpu.memory_space<vmem>>, vector<16xf32>,
        %parallel_loop3A_707 = arith.index_cast %parallel_loop3A_127 : i32 to index
        %parallel_loop3A_708 = arith.constant 704 : index
        %parallel_loop3A_709 = tpu.vector_load %arg15[%parallel_loop3A_707, %parallel_loop3A_708] {strides = array<i32>} : memref<32x768xf32, #tpu.memory_space<vmem>>, vector<16xf32>,
        %parallel_loop3A_710 = arith.addf %parallel_loop3A_706, %parallel_loop3A_709 : vector<16xf32>
        %parallel_loop3A_711 = arith.index_cast %parallel_loop3A_127 : i32 to index
        %parallel_loop3A_712 = arith.constant 704 : index
        %parallel_loop3A_713 = tpu.vector_load %arg13[%parallel_loop3A_711, %parallel_loop3A_712] {strides = array<i32>} : memref<32x768xf32, #tpu.memory_space<vmem>>, vector<16xf32>,
        tpu.vector_store %arg13[%parallel_loop3A_711, %parallel_loop3A_712], %parallel_loop3A_710 {strides = array<i32>} : memref<32x768xf32, #tpu.memory_space<vmem>>, vector<16xf32>,
        %parallel_loop3A_714 = arith.addf %parallel_loop3A_675, %parallel_loop3A_710 : vector<16xf32>
        %parallel_loop3A_715 = arith.mulf %parallel_loop3A_710, %parallel_loop3A_710 : vector<16xf32>
        %parallel_loop3A_716 = arith.addf %parallel_loop3A_677, %parallel_loop3A_715 : vector<16xf32>
        %parallel_loop3A_717 = arith.index_cast %parallel_loop3A_127 : i32 to index
        %parallel_loop3A_718 = arith.constant 720 : index
        %parallel_loop3A_719 = tpu.vector_load %arg13[%parallel_loop3A_717, %parallel_loop3A_718] {strides = array<i32>} : memref<32x768xf32, #tpu.memory_space<vmem>>, vector<16xf32>,
        %parallel_loop3A_720 = arith.index_cast %parallel_loop3A_127 : i32 to index
        %parallel_loop3A_721 = arith.constant 720 : index
        %parallel_loop3A_722 = tpu.vector_load %arg15[%parallel_loop3A_720, %parallel_loop3A_721] {strides = array<i32>} : memref<32x768xf32, #tpu.memory_space<vmem>>, vector<16xf32>,
        %parallel_loop3A_723 = arith.addf %parallel_loop3A_719, %parallel_loop3A_722 : vector<16xf32>
        %parallel_loop3A_724 = arith.index_cast %parallel_loop3A_127 : i32 to index
        %parallel_loop3A_725 = arith.constant 720 : index
        %parallel_loop3A_726 = tpu.vector_load %arg13[%parallel_loop3A_724, %parallel_loop3A_725] {strides = array<i32>} : memref<32x768xf32, #tpu.memory_space<vmem>>, vector<16xf32>,
        tpu.vector_store %arg13[%parallel_loop3A_724, %parallel_loop3A_725], %parallel_loop3A_723 {strides = array<i32>} : memref<32x768xf32, #tpu.memory_space<vmem>>, vector<16xf32>,
        %parallel_loop3A_727 = arith.addf %parallel_loop3A_688, %parallel_loop3A_723 : vector<16xf32>
        %parallel_loop3A_728 = arith.mulf %parallel_loop3A_723, %parallel_loop3A_723 : vector<16xf32>
        %parallel_loop3A_729 = arith.addf %parallel_loop3A_690, %parallel_loop3A_728 : vector<16xf32>
        %parallel_loop3A_730 = arith.index_cast %parallel_loop3A_127 : i32 to index
        %parallel_loop3A_731 = arith.constant 736 : index
        %parallel_loop3A_732 = tpu.vector_load %arg13[%parallel_loop3A_730, %parallel_loop3A_731] {strides = array<i32>} : memref<32x768xf32, #tpu.memory_space<vmem>>, vector<16xf32>,
        %parallel_loop3A_733 = arith.index_cast %parallel_loop3A_127 : i32 to index
        %parallel_loop3A_734 = arith.constant 736 : index
        %parallel_loop3A_735 = tpu.vector_load %arg15[%parallel_loop3A_733, %parallel_loop3A_734] {strides = array<i32>} : memref<32x768xf32, #tpu.memory_space<vmem>>, vector<16xf32>,
        %parallel_loop3A_736 = arith.addf %parallel_loop3A_732, %parallel_loop3A_735 : vector<16xf32>
        %parallel_loop3A_737 = arith.index_cast %parallel_loop3A_127 : i32 to index
        %parallel_loop3A_738 = arith.constant 736 : index
        %parallel_loop3A_739 = tpu.vector_load %arg13[%parallel_loop3A_737, %parallel_loop3A_738] {strides = array<i32>} : memref<32x768xf32, #tpu.memory_space<vmem>>, vector<16xf32>,
        tpu.vector_store %arg13[%parallel_loop3A_737, %parallel_loop3A_738], %parallel_loop3A_736 {strides = array<i32>} : memref<32x768xf32, #tpu.memory_space<vmem>>, vector<16xf32>,
        %parallel_loop3A_740 = arith.addf %parallel_loop3A_701, %parallel_loop3A_736 : vector<16xf32>
        %parallel_loop3A_741 = arith.mulf %parallel_loop3A_736, %parallel_loop3A_736 : vector<16xf32>
        %parallel_loop3A_742 = arith.addf %parallel_loop3A_703, %parallel_loop3A_741 : vector<16xf32>
        %parallel_loop3A_743 = arith.index_cast %parallel_loop3A_127 : i32 to index
        %parallel_loop3A_744 = arith.constant 752 : index
        %parallel_loop3A_745 = tpu.vector_load %arg13[%parallel_loop3A_743, %parallel_loop3A_744] {strides = array<i32>} : memref<32x768xf32, #tpu.memory_space<vmem>>, vector<16xf32>,
        %parallel_loop3A_746 = arith.index_cast %parallel_loop3A_127 : i32 to index
        %parallel_loop3A_747 = arith.constant 752 : index
        %parallel_loop3A_748 = tpu.vector_load %arg15[%parallel_loop3A_746, %parallel_loop3A_747] {strides = array<i32>} : memref<32x768xf32, #tpu.memory_space<vmem>>, vector<16xf32>,
        %parallel_loop3A_749 = arith.addf %parallel_loop3A_745, %parallel_loop3A_748 : vector<16xf32>
        %parallel_loop3A_750 = arith.index_cast %parallel_loop3A_127 : i32 to index
        %parallel_loop3A_751 = arith.constant 752 : index
        %parallel_loop3A_752 = tpu.vector_load %arg13[%parallel_loop3A_750, %parallel_loop3A_751] {strides = array<i32>} : memref<32x768xf32, #tpu.memory_space<vmem>>, vector<16xf32>,
        tpu.vector_store %arg13[%parallel_loop3A_750, %parallel_loop3A_751], %parallel_loop3A_749 {strides = array<i32>} : memref<32x768xf32, #tpu.memory_space<vmem>>, vector<16xf32>,
        %parallel_loop3A_753 = arith.addf %parallel_loop3A_714, %parallel_loop3A_749 : vector<16xf32>
        %parallel_loop3A_754 = arith.mulf %parallel_loop3A_749, %parallel_loop3A_749 : vector<16xf32>
        %parallel_loop3A_755 = arith.addf %parallel_loop3A_716, %parallel_loop3A_754 : vector<16xf32>
        %parallel_loop3A_756 = arith.addf %parallel_loop3A_727, %parallel_loop3A_740 : vector<16xf32>
        %parallel_loop3A_757 = arith.addf %parallel_loop3A_756, %parallel_loop3A_753 : vector<16xf32>
        %parallel_loop3A_758 = arith.constant true
        %parallel_loop3A_759 = vector.broadcast %parallel_loop3A_758 : i1 to vector<16xi1>
        %parallel_loop3A_760 = tpu.scan <sum>, %parallel_loop3A_757 masked %parallel_loop3A_759 : vector<16xf32>, vector<16xi1> -> vector<16xf32>
        %parallel_loop3A_761 = vector.extract %parallel_loop3A_760[15] : f32 from vector<16xf32>
        %parallel_loop3A_762 = arith.constant 0.00130208337 : f32
        %parallel_loop3A_763 = arith.mulf %parallel_loop3A_761, %parallel_loop3A_762 : f32
        %parallel_loop3A_764 = arith.addf %parallel_loop3A_729, %parallel_loop3A_742 : vector<16xf32>
        %parallel_loop3A_765 = arith.addf %parallel_loop3A_764, %parallel_loop3A_755 : vector<16xf32>
        %parallel_loop3A_766 = arith.constant true
        %parallel_loop3A_767 = vector.broadcast %parallel_loop3A_766 : i1 to vector<16xi1>
        %parallel_loop3A_768 = tpu.scan <sum>, %parallel_loop3A_765 masked %parallel_loop3A_767 : vector<16xf32>, vector<16xi1> -> vector<16xf32>
        %parallel_loop3A_769 = vector.extract %parallel_loop3A_768[15] : f32 from vector<16xf32>
        %parallel_loop3A_770 = arith.constant 0.00130208337 : f32
        %parallel_loop3A_771 = arith.mulf %parallel_loop3A_769, %parallel_loop3A_770 : f32
        %parallel_loop3A_772 = arith.mulf %parallel_loop3A_763, %parallel_loop3A_763 : f32
        %parallel_loop3A_773 = arith.subf %parallel_loop3A_771, %parallel_loop3A_772 : f32
        %parallel_loop3A_774 = arith.constant 9.99999974E-6 : f32
        %parallel_loop3A_775 = arith.addf %parallel_loop3A_773, %parallel_loop3A_774 : f32
        %parallel_loop3A_776 = arith.bitcast %parallel_loop3A_775 : f32 to i32
        %parallel_loop3A_777 = arith.constant 1 : i32
        %parallel_loop3A_778 = arith.shrui %parallel_loop3A_776, %parallel_loop3A_777 : i32
        %parallel_loop3A_779 = arith.constant 1597463174 : i32
        %parallel_loop3A_780 = arith.subi %parallel_loop3A_779, %parallel_loop3A_778 : i32
        %parallel_loop3A_781 = arith.bitcast %parallel_loop3A_780 : i32 to f32
        %parallel_loop3A_782 = arith.constant 5.000000e-01 : f32
        %parallel_loop3A_783 = arith.mulf %parallel_loop3A_782, %parallel_loop3A_775 : f32
        %parallel_loop3A_784 = arith.mulf %parallel_loop3A_783, %parallel_loop3A_781 : f32
        %parallel_loop3A_785 = arith.mulf %parallel_loop3A_784, %parallel_loop3A_781 : f32
        %parallel_loop3A_786 = arith.constant 1.500000e+00 : f32
        %parallel_loop3A_787 = arith.subf %parallel_loop3A_786, %parallel_loop3A_785 : f32
        %parallel_loop3A_788 = arith.mulf %parallel_loop3A_781, %parallel_loop3A_787 : f32
        %parallel_loop3A_789 = arith.constant 5.000000e-01 : f32
        %parallel_loop3A_790 = arith.mulf %parallel_loop3A_789, %parallel_loop3A_775 : f32
        %parallel_loop3A_791 = arith.mulf %parallel_loop3A_790, %parallel_loop3A_788 : f32
        %parallel_loop3A_792 = arith.mulf %parallel_loop3A_791, %parallel_loop3A_788 : f32
        %parallel_loop3A_793 = arith.constant 1.500000e+00 : f32
        %parallel_loop3A_794 = arith.subf %parallel_loop3A_793, %parallel_loop3A_792 : f32
        %parallel_loop3A_795 = arith.mulf %parallel_loop3A_788, %parallel_loop3A_794 : f32
        %parallel_loop3A_796 = arith.constant 2 : i32
        %parallel_loop3A_797 = arith.muli %parallel_loop3A_796, %parallel_loop3A_127 : i32
        %parallel_loop3A_798 = arith.index_cast %parallel_loop3A_797 : i32 to index
        %parallel_loop3A_799 = memref.load %arg19[%parallel_loop3A_798] : memref<64xf32, #tpu.memory_space<smem>>
        memref.store %parallel_loop3A_763, %arg19[%parallel_loop3A_798] : memref<64xf32, #tpu.memory_space<smem>>
        %parallel_loop3A_800 = arith.constant 2 : i32
        %parallel_loop3A_801 = arith.muli %parallel_loop3A_800, %parallel_loop3A_127 : i32
        %parallel_loop3A_802 = arith.constant 1 : i32
        %parallel_loop3A_803 = arith.addi %parallel_loop3A_801, %parallel_loop3A_802 : i32
        %parallel_loop3A_804 = arith.index_cast %parallel_loop3A_803 : i32 to index
        %parallel_loop3A_805 = memref.load %arg19[%parallel_loop3A_804] : memref<64xf32, #tpu.memory_space<smem>>
        memref.store %parallel_loop3A_795, %arg19[%parallel_loop3A_804] : memref<64xf32, #tpu.memory_space<smem>>
      } {sc.loop_unroll_factor = 2 : i64, sc.parallel_access}
      %add3A_70 = arith.constant 1 : i32
      %add3A_71 = arith.addi %mul3A_54, %add3A_70 : i32
      %lt3A_72 = arith.constant 64 : i32
      %lt3A_73 = arith.cmpi slt, %add3A_71, %lt3A_72 : i32
      %convert_element_type3A_74 = arith.extui %lt3A_73 : i1 to i32
      %cond3A_75 = arith.constant 0 : i32
      %cond3A_76 = arith.cmpi ne, %convert_element_type3A_74, %cond3A_75 : i32
      scf.if %cond3A_76 {
        %ge3A = arith.constant 1 : i32
        %ge3A_127 = arith.cmpi sge, %mul3A_54, %ge3A : i32
        %convert_element_type3A_128 = arith.extui %ge3A_127 : i1 to i32
        %cond3A_129 = arith.constant 0 : i32
        %cond3A_130 = arith.cmpi ne, %convert_element_type3A_128, %cond3A_129 : i32
        scf.if %cond3A_130 {
          %sub3A = arith.constant 1 : i32
          %sub3A_172 = arith.subi %mul3A_54, %sub3A : i32
          %mul3A_173 = arith.constant 32 : i32
          %mul3A_174 = arith.muli %sub3A_172, %mul3A_173 : i32
          %add3A_175 = arith.addi %mul3A_2, %mul3A_174 : i32
          %dma_wait3A_176 = arith.constant 0 : i32
          %dma_wait3A_177 = tpu.memref_slice %arg8[%add3A_175, %dma_wait3A_176] : memref<65536x768xf32, #tpu.memory_space<hbm>> -> memref<32x768xf32, #tpu.memory_space<hbm>>
          %dma_wait3A_178 = arith.constant 0 : i32
          %dma_wait3A_179 = tpu.memref_slice %arg8[%add3A_175, %dma_wait3A_178] : memref<65536x768xf32, #tpu.memory_space<hbm>> -> memref<32x768xf32, #tpu.memory_space<hbm>>
          tpu.wait_dma2 semaphore(%arg25 : memref<!tpu.dma_semaphore, #tpu.memory_space<semaphore_mem>>) src(%arg16 : memref<32x768xf32, #tpu.memory_space<vmem>>) dst(%dma_wait3A_179 : memref<32x768xf32, #tpu.memory_space<hbm>>)
        } else {
        }
        %add3A_131 = arith.constant 1 : i32
        %add3A_132 = arith.addi %mul3A_54, %add3A_131 : i32
        %rem3A_133 = arith.constant 16 : i32
        %rem3A_134 = arith.remsi %add3A_132, %rem3A_133 : i32
        %mul3A_135 = arith.constant 32 : i32
        %mul3A_136 = arith.muli %rem3A_134, %mul3A_135 : i32
        %mul3A_137 = arith.constant 32 : i32
        %mul3A_138 = arith.muli %add3A_132, %mul3A_137 : i32
        %add3A_139 = arith.constant 0 : i32
        %add3A_140 = arith.addi %mul3A_138, %add3A_139 : i32
        %get3A_141 = arith.index_cast %add3A_140 : i32 to index
        %get3A_142 = tpu.vector_load %arg10[%get3A_141] {strides = array<i32>} : memref<2048xi32, #tpu.memory_space<vmem>>, vector<16xi32>,
        %mul3A_143 = arith.constant 512 : i32
        %mul3A_144 = vector.broadcast %mul3A_143 : i32 to vector<16xi32>
        %mul3A_145 = arith.muli %get3A_142, %mul3A_144 : vector<16xi32>
        %add3A_146 = arith.constant 0 : i32
        %add3A_147 = arith.addi %mul3A_136, %add3A_146 : i32
        %add3A_148 = vector.broadcast %add3A_147 : i32 to vector<16xi32>
        %add3A_149 = arith.addi %mul3A_145, %add3A_148 : vector<16xi32>
        %add3A_150 = arith.addi %add3A_149, %iota3A : vector<16xi32>
        %swap3A_151 = arith.constant 0 : index
        %swap3A_152 = tpu.vector_load %arg12[%swap3A_151] {strides = array<i32>} : memref<32xi32, #tpu.memory_space<vmem>>, vector<16xi32>,
        tpu.vector_store %arg12[%swap3A_151], %add3A_150 {strides = array<i32>} : memref<32xi32, #tpu.memory_space<vmem>>, vector<16xi32>,
        %mul3A_153 = arith.constant 32 : i32
        %mul3A_154 = arith.muli %add3A_132, %mul3A_153 : i32
        %add3A_155 = arith.constant 16 : i32
        %add3A_156 = arith.addi %mul3A_154, %add3A_155 : i32
        %get3A_157 = arith.index_cast %add3A_156 : i32 to index
        %get3A_158 = tpu.vector_load %arg10[%get3A_157] {strides = array<i32>} : memref<2048xi32, #tpu.memory_space<vmem>>, vector<16xi32>,
        %mul3A_159 = arith.constant 512 : i32
        %mul3A_160 = vector.broadcast %mul3A_159 : i32 to vector<16xi32>
        %mul3A_161 = arith.muli %get3A_158, %mul3A_160 : vector<16xi32>
        %add3A_162 = arith.constant 16 : i32
        %add3A_163 = arith.addi %mul3A_136, %add3A_162 : i32
        %add3A_164 = vector.broadcast %add3A_163 : i32 to vector<16xi32>
        %add3A_165 = arith.addi %mul3A_161, %add3A_164 : vector<16xi32>
        %add3A_166 = arith.addi %add3A_165, %iota3A : vector<16xi32>
        %swap3A_167 = arith.constant 16 : index
        %swap3A_168 = tpu.vector_load %arg12[%swap3A_167] {strides = array<i32>} : memref<32xi32, #tpu.memory_space<vmem>>, vector<16xi32>,
        tpu.vector_store %arg12[%swap3A_167], %add3A_166 {strides = array<i32>} : memref<32xi32, #tpu.memory_space<vmem>>, vector<16xi32>,
        %dma_start3A_169 = arith.constant 0 : i32
        %dma_start3A_170 = arith.constant 0 : i32
        %dma_start3A_171 = tpu.memref_slice %arg5[%dma_start3A_169, %dma_start3A_170] : memref<1024x768xf32, #tpu.memory_space<hbm>> -> memref<1024x768xf32, #tpu.memory_space<hbm>>
        tpu.enqueue_indirect_dma source(%dma_start3A_171 : memref<1024x768xf32, #tpu.memory_space<hbm>>) target(%arg16 : memref<32x768xf32, #tpu.memory_space<vmem>>) offsets(%arg12 : memref<32xi32, #tpu.memory_space<vmem>>) semaphore(%arg23 : memref<!tpu.dma_semaphore, #tpu.memory_space<semaphore_mem>>)
      } else {
      }
      %parallel_loop3A_77 = arith.constant 0 : i32
      %parallel_loop3A_78 = arith.constant 384 : i32
      %parallel_loop3A_79 = arith.constant 1 : i32
      scf.for %parallel_loop3A_127 = %parallel_loop3A_77 to %parallel_loop3A_78 step %parallel_loop3A_79  : i32 {
        %parallel_loop3A_128 = arith.constant 8 : i32
        %parallel_loop3A_129 = arith.divsi %parallel_loop3A_127, %parallel_loop3A_128 : i32
        %parallel_loop3A_130 = arith.constant 0 : i32
        %parallel_loop3A_131 = arith.cmpi sgt, %parallel_loop3A_127, %parallel_loop3A_130 : i32
        %parallel_loop3A_132 = arith.extui %parallel_loop3A_131 : i1 to i32
        %parallel_loop3A_133 = arith.constant 0 : i32
        %parallel_loop3A_134 = arith.cmpi slt, %parallel_loop3A_127, %parallel_loop3A_133 : i32
        %parallel_loop3A_135 = arith.extui %parallel_loop3A_134 : i1 to i32
        %parallel_loop3A_136 = arith.subi %parallel_loop3A_132, %parallel_loop3A_135 : i32
        %parallel_loop3A_137 = arith.constant 0 : i32
        %parallel_loop3A_138 = arith.cmpi sgt, %parallel_loop3A_128, %parallel_loop3A_137 : i32
        %parallel_loop3A_139 = arith.extui %parallel_loop3A_138 : i1 to i32
        %parallel_loop3A_140 = arith.constant 0 : i32
        %parallel_loop3A_141 = arith.cmpi slt, %parallel_loop3A_128, %parallel_loop3A_140 : i32
        %parallel_loop3A_142 = arith.extui %parallel_loop3A_141 : i1 to i32
        %parallel_loop3A_143 = arith.subi %parallel_loop3A_139, %parallel_loop3A_142 : i32
        %parallel_loop3A_144 = arith.cmpi ne, %parallel_loop3A_136, %parallel_loop3A_143 : i32
        %parallel_loop3A_145 = arith.remsi %parallel_loop3A_127, %parallel_loop3A_128 : i32
        %parallel_loop3A_146 = arith.constant 0 : i32
        %parallel_loop3A_147 = arith.cmpi ne, %parallel_loop3A_145, %parallel_loop3A_146 : i32
        %parallel_loop3A_148 = arith.andi %parallel_loop3A_144, %parallel_loop3A_147 : i1
        %parallel_loop3A_149 = arith.constant 1 : i32
        %parallel_loop3A_150 = arith.subi %parallel_loop3A_129, %parallel_loop3A_149 : i32
        %parallel_loop3A_151 = arith.select %parallel_loop3A_148, %parallel_loop3A_150, %parallel_loop3A_129 : i32
        %parallel_loop3A_152 = arith.constant 8 : i32
        %parallel_loop3A_153 = arith.remsi %parallel_loop3A_127, %parallel_loop3A_152 : i32
        %parallel_loop3A_154 = arith.constant 16 : i32
        %parallel_loop3A_155 = arith.muli %parallel_loop3A_151, %parallel_loop3A_154 : i32
        %parallel_loop3A_156 = arith.index_cast %parallel_loop3A_155 : i32 to index
        %parallel_loop3A_157 = tpu.vector_load %arg17[%parallel_loop3A_156] {strides = array<i32>} : memref<768xf32, #tpu.memory_space<vmem>>, vector<16xf32>,
        %parallel_loop3A_158 = arith.index_cast %parallel_loop3A_155 : i32 to index
        %parallel_loop3A_159 = tpu.vector_load %arg18[%parallel_loop3A_158] {strides = array<i32>} : memref<768xf32, #tpu.memory_space<vmem>>, vector<16xf32>,
        %parallel_loop3A_160 = arith.constant 4 : i32
        %parallel_loop3A_161 = arith.muli %parallel_loop3A_160, %parallel_loop3A_153 : i32
        %parallel_loop3A_162 = arith.constant 0 : i32
        %parallel_loop3A_163 = arith.addi %parallel_loop3A_161, %parallel_loop3A_162 : i32
        %parallel_loop3A_164 = arith.constant 2 : i32
        %parallel_loop3A_165 = arith.muli %parallel_loop3A_164, %parallel_loop3A_163 : i32
        %parallel_loop3A_166 = arith.index_cast %parallel_loop3A_165 : i32 to index
        %parallel_loop3A_167 = memref.load %arg19[%parallel_loop3A_166] : memref<64xf32, #tpu.memory_space<smem>>
        %parallel_loop3A_168 = arith.constant 2 : i32
        %parallel_loop3A_169 = arith.muli %parallel_loop3A_168, %parallel_loop3A_163 : i32
        %parallel_loop3A_170 = arith.constant 1 : i32
        %parallel_loop3A_171 = arith.addi %parallel_loop3A_169, %parallel_loop3A_170 : i32
        %parallel_loop3A_172 = arith.index_cast %parallel_loop3A_171 : i32 to index
        %parallel_loop3A_173 = memref.load %arg19[%parallel_loop3A_172] : memref<64xf32, #tpu.memory_space<smem>>
        %parallel_loop3A_174 = arith.index_cast %parallel_loop3A_163 : i32 to index
        %parallel_loop3A_175 = arith.index_cast %parallel_loop3A_155 : i32 to index
        %parallel_loop3A_176 = tpu.vector_load %arg13[%parallel_loop3A_174, %parallel_loop3A_175] {strides = array<i32>} : memref<32x768xf32, #tpu.memory_space<vmem>>, vector<16xf32>,
        %parallel_loop3A_177 = vector.broadcast %parallel_loop3A_167 : f32 to vector<16xf32>
        %parallel_loop3A_178 = arith.subf %parallel_loop3A_176, %parallel_loop3A_177 : vector<16xf32>
        %parallel_loop3A_179 = vector.broadcast %parallel_loop3A_173 : f32 to vector<16xf32>
        %parallel_loop3A_180 = arith.mulf %parallel_loop3A_178, %parallel_loop3A_179 : vector<16xf32>
        %parallel_loop3A_181 = arith.mulf %parallel_loop3A_180, %parallel_loop3A_157 : vector<16xf32>
        %parallel_loop3A_182 = arith.addf %parallel_loop3A_181, %parallel_loop3A_159 : vector<16xf32>
        %parallel_loop3A_183 = arith.index_cast %parallel_loop3A_163 : i32 to index
        %parallel_loop3A_184 = arith.index_cast %parallel_loop3A_155 : i32 to index
        %parallel_loop3A_185 = tpu.vector_load %arg15[%parallel_loop3A_183, %parallel_loop3A_184] {strides = array<i32>} : memref<32x768xf32, #tpu.memory_space<vmem>>, vector<16xf32>,
        tpu.vector_store %arg15[%parallel_loop3A_183, %parallel_loop3A_184], %parallel_loop3A_182 {strides = array<i32>} : memref<32x768xf32, #tpu.memory_space<vmem>>, vector<16xf32>,
        %parallel_loop3A_186 = arith.constant 4 : i32
        %parallel_loop3A_187 = arith.muli %parallel_loop3A_186, %parallel_loop3A_153 : i32
        %parallel_loop3A_188 = arith.constant 1 : i32
        %parallel_loop3A_189 = arith.addi %parallel_loop3A_187, %parallel_loop3A_188 : i32
        %parallel_loop3A_190 = arith.constant 2 : i32
        %parallel_loop3A_191 = arith.muli %parallel_loop3A_190, %parallel_loop3A_189 : i32
        %parallel_loop3A_192 = arith.index_cast %parallel_loop3A_191 : i32 to index
        %parallel_loop3A_193 = memref.load %arg19[%parallel_loop3A_192] : memref<64xf32, #tpu.memory_space<smem>>
        %parallel_loop3A_194 = arith.constant 2 : i32
        %parallel_loop3A_195 = arith.muli %parallel_loop3A_194, %parallel_loop3A_189 : i32
        %parallel_loop3A_196 = arith.constant 1 : i32
        %parallel_loop3A_197 = arith.addi %parallel_loop3A_195, %parallel_loop3A_196 : i32
        %parallel_loop3A_198 = arith.index_cast %parallel_loop3A_197 : i32 to index
        %parallel_loop3A_199 = memref.load %arg19[%parallel_loop3A_198] : memref<64xf32, #tpu.memory_space<smem>>
        %parallel_loop3A_200 = arith.index_cast %parallel_loop3A_189 : i32 to index
        %parallel_loop3A_201 = arith.index_cast %parallel_loop3A_155 : i32 to index
        %parallel_loop3A_202 = tpu.vector_load %arg13[%parallel_loop3A_200, %parallel_loop3A_201] {strides = array<i32>} : memref<32x768xf32, #tpu.memory_space<vmem>>, vector<16xf32>,
        %parallel_loop3A_203 = vector.broadcast %parallel_loop3A_193 : f32 to vector<16xf32>
        %parallel_loop3A_204 = arith.subf %parallel_loop3A_202, %parallel_loop3A_203 : vector<16xf32>
        %parallel_loop3A_205 = vector.broadcast %parallel_loop3A_199 : f32 to vector<16xf32>
        %parallel_loop3A_206 = arith.mulf %parallel_loop3A_204, %parallel_loop3A_205 : vector<16xf32>
        %parallel_loop3A_207 = arith.mulf %parallel_loop3A_206, %parallel_loop3A_157 : vector<16xf32>
        %parallel_loop3A_208 = arith.addf %parallel_loop3A_207, %parallel_loop3A_159 : vector<16xf32>
        %parallel_loop3A_209 = arith.index_cast %parallel_loop3A_189 : i32 to index
        %parallel_loop3A_210 = arith.index_cast %parallel_loop3A_155 : i32 to index
        %parallel_loop3A_211 = tpu.vector_load %arg15[%parallel_loop3A_209, %parallel_loop3A_210] {strides = array<i32>} : memref<32x768xf32, #tpu.memory_space<vmem>>, vector<16xf32>,
        tpu.vector_store %arg15[%parallel_loop3A_209, %parallel_loop3A_210], %parallel_loop3A_208 {strides = array<i32>} : memref<32x768xf32, #tpu.memory_space<vmem>>, vector<16xf32>,
        %parallel_loop3A_212 = arith.constant 4 : i32
        %parallel_loop3A_213 = arith.muli %parallel_loop3A_212, %parallel_loop3A_153 : i32
        %parallel_loop3A_214 = arith.constant 2 : i32
        %parallel_loop3A_215 = arith.addi %parallel_loop3A_213, %parallel_loop3A_214 : i32
        %parallel_loop3A_216 = arith.constant 2 : i32
        %parallel_loop3A_217 = arith.muli %parallel_loop3A_216, %parallel_loop3A_215 : i32
        %parallel_loop3A_218 = arith.index_cast %parallel_loop3A_217 : i32 to index
        %parallel_loop3A_219 = memref.load %arg19[%parallel_loop3A_218] : memref<64xf32, #tpu.memory_space<smem>>
        %parallel_loop3A_220 = arith.constant 2 : i32
        %parallel_loop3A_221 = arith.muli %parallel_loop3A_220, %parallel_loop3A_215 : i32
        %parallel_loop3A_222 = arith.constant 1 : i32
        %parallel_loop3A_223 = arith.addi %parallel_loop3A_221, %parallel_loop3A_222 : i32
        %parallel_loop3A_224 = arith.index_cast %parallel_loop3A_223 : i32 to index
        %parallel_loop3A_225 = memref.load %arg19[%parallel_loop3A_224] : memref<64xf32, #tpu.memory_space<smem>>
        %parallel_loop3A_226 = arith.index_cast %parallel_loop3A_215 : i32 to index
        %parallel_loop3A_227 = arith.index_cast %parallel_loop3A_155 : i32 to index
        %parallel_loop3A_228 = tpu.vector_load %arg13[%parallel_loop3A_226, %parallel_loop3A_227] {strides = array<i32>} : memref<32x768xf32, #tpu.memory_space<vmem>>, vector<16xf32>,
        %parallel_loop3A_229 = vector.broadcast %parallel_loop3A_219 : f32 to vector<16xf32>
        %parallel_loop3A_230 = arith.subf %parallel_loop3A_228, %parallel_loop3A_229 : vector<16xf32>
        %parallel_loop3A_231 = vector.broadcast %parallel_loop3A_225 : f32 to vector<16xf32>
        %parallel_loop3A_232 = arith.mulf %parallel_loop3A_230, %parallel_loop3A_231 : vector<16xf32>
        %parallel_loop3A_233 = arith.mulf %parallel_loop3A_232, %parallel_loop3A_157 : vector<16xf32>
        %parallel_loop3A_234 = arith.addf %parallel_loop3A_233, %parallel_loop3A_159 : vector<16xf32>
        %parallel_loop3A_235 = arith.index_cast %parallel_loop3A_215 : i32 to index
        %parallel_loop3A_236 = arith.index_cast %parallel_loop3A_155 : i32 to index
        %parallel_loop3A_237 = tpu.vector_load %arg15[%parallel_loop3A_235, %parallel_loop3A_236] {strides = array<i32>} : memref<32x768xf32, #tpu.memory_space<vmem>>, vector<16xf32>,
        tpu.vector_store %arg15[%parallel_loop3A_235, %parallel_loop3A_236], %parallel_loop3A_234 {strides = array<i32>} : memref<32x768xf32, #tpu.memory_space<vmem>>, vector<16xf32>,
        %parallel_loop3A_238 = arith.constant 4 : i32
        %parallel_loop3A_239 = arith.muli %parallel_loop3A_238, %parallel_loop3A_153 : i32
        %parallel_loop3A_240 = arith.constant 3 : i32
        %parallel_loop3A_241 = arith.addi %parallel_loop3A_239, %parallel_loop3A_240 : i32
        %parallel_loop3A_242 = arith.constant 2 : i32
        %parallel_loop3A_243 = arith.muli %parallel_loop3A_242, %parallel_loop3A_241 : i32
        %parallel_loop3A_244 = arith.index_cast %parallel_loop3A_243 : i32 to index
        %parallel_loop3A_245 = memref.load %arg19[%parallel_loop3A_244] : memref<64xf32, #tpu.memory_space<smem>>
        %parallel_loop3A_246 = arith.constant 2 : i32
        %parallel_loop3A_247 = arith.muli %parallel_loop3A_246, %parallel_loop3A_241 : i32
        %parallel_loop3A_248 = arith.constant 1 : i32
        %parallel_loop3A_249 = arith.addi %parallel_loop3A_247, %parallel_loop3A_248 : i32
        %parallel_loop3A_250 = arith.index_cast %parallel_loop3A_249 : i32 to index
        %parallel_loop3A_251 = memref.load %arg19[%parallel_loop3A_250] : memref<64xf32, #tpu.memory_space<smem>>
        %parallel_loop3A_252 = arith.index_cast %parallel_loop3A_241 : i32 to index
        %parallel_loop3A_253 = arith.index_cast %parallel_loop3A_155 : i32 to index
        %parallel_loop3A_254 = tpu.vector_load %arg13[%parallel_loop3A_252, %parallel_loop3A_253] {strides = array<i32>} : memref<32x768xf32, #tpu.memory_space<vmem>>, vector<16xf32>,
        %parallel_loop3A_255 = vector.broadcast %parallel_loop3A_245 : f32 to vector<16xf32>
        %parallel_loop3A_256 = arith.subf %parallel_loop3A_254, %parallel_loop3A_255 : vector<16xf32>
        %parallel_loop3A_257 = vector.broadcast %parallel_loop3A_251 : f32 to vector<16xf32>
        %parallel_loop3A_258 = arith.mulf %parallel_loop3A_256, %parallel_loop3A_257 : vector<16xf32>
        %parallel_loop3A_259 = arith.mulf %parallel_loop3A_258, %parallel_loop3A_157 : vector<16xf32>
        %parallel_loop3A_260 = arith.addf %parallel_loop3A_259, %parallel_loop3A_159 : vector<16xf32>
        %parallel_loop3A_261 = arith.index_cast %parallel_loop3A_241 : i32 to index
        %parallel_loop3A_262 = arith.index_cast %parallel_loop3A_155 : i32 to index
        %parallel_loop3A_263 = tpu.vector_load %arg15[%parallel_loop3A_261, %parallel_loop3A_262] {strides = array<i32>} : memref<32x768xf32, #tpu.memory_space<vmem>>, vector<16xf32>,
        tpu.vector_store %arg15[%parallel_loop3A_261, %parallel_loop3A_262], %parallel_loop3A_260 {strides = array<i32>} : memref<32x768xf32, #tpu.memory_space<vmem>>, vector<16xf32>,
      } {sc.loop_unroll_factor = 2 : i64, sc.parallel_access}
      %mul3A_80 = arith.constant 32 : i32
      %mul3A_81 = arith.muli %mul3A_54, %mul3A_80 : i32
      %add3A_82 = arith.addi %mul3A_2, %mul3A_81 : i32
      %dma_start3A_83 = arith.constant 0 : i32
      %dma_start3A_84 = tpu.memref_slice %arg8[%add3A_82, %dma_start3A_83] : memref<65536x768xf32, #tpu.memory_space<hbm>> -> memref<32x768xf32, #tpu.memory_space<hbm>>
      %dma_start3A_85 = arith.constant 0 : i32
      %dma_start3A_86 = tpu.memref_slice %arg8[%add3A_82, %dma_start3A_85] : memref<65536x768xf32, #tpu.memory_space<hbm>> -> memref<32x768xf32, #tpu.memory_space<hbm>>
      tpu.enqueue_dma source(%arg15 : memref<32x768xf32, #tpu.memory_space<vmem>>) target(%dma_start3A_86 : memref<32x768xf32, #tpu.memory_space<hbm>>) target_semaphore(%arg24 : memref<!tpu.dma_semaphore, #tpu.memory_space<semaphore_mem>>)
      %mul3A_87 = arith.constant 2 : i32
      %mul3A_88 = arith.muli %mul3A_87, %scan3A_52 : i32
      %add3A_89 = arith.constant 1 : i32
      %add3A_90 = arith.addi %mul3A_88, %add3A_89 : i32
      %mul3A_91 = arith.constant 32 : i32
      %mul3A_92 = arith.muli %add3A_90, %mul3A_91 : i32
      %dma_wait3A_93 = tpu.memref_slice %arg9[%mul3A_92] : memref<2048xi32, #tpu.memory_space<vmem>> -> memref<32xi32, #tpu.memory_space<vmem>>
      %dma_wait3A_94 = arith.constant 0 : i32
      %dma_wait3A_95 = arith.constant 0 : i32
      %dma_wait3A_96 = tpu.memref_slice %arg4[%dma_wait3A_94, %dma_wait3A_95] : memref<30522x768xf32, #tpu.memory_space<hbm>> -> memref<30522x768xf32, #tpu.memory_space<hbm>>
      tpu.wait_indirect_dma semaphore(%arg21 : memref<!tpu.dma_semaphore, #tpu.memory_space<semaphore_mem>>) src(%dma_wait3A_96 : memref<30522x768xf32, #tpu.memory_space<hbm>>) dst(%arg14 : memref<32x768xf32, #tpu.memory_space<vmem>>)
      %dma_wait3A_97 = arith.constant 0 : i32
      %dma_wait3A_98 = arith.constant 0 : i32
      %dma_wait3A_99 = tpu.memref_slice %arg5[%dma_wait3A_97, %dma_wait3A_98] : memref<1024x768xf32, #tpu.memory_space<hbm>> -> memref<1024x768xf32, #tpu.memory_space<hbm>>
      tpu.wait_indirect_dma semaphore(%arg23 : memref<!tpu.dma_semaphore, #tpu.memory_space<semaphore_mem>>) src(%dma_wait3A_99 : memref<1024x768xf32, #tpu.memory_space<hbm>>) dst(%arg16 : memref<32x768xf32, #tpu.memory_space<vmem>>)
      %add3A_100 = arith.constant 1 : i32
      %add3A_101 = arith.addi %add3A_90, %add3A_100 : i32
      %lt3A_102 = arith.constant 64 : i32
      %lt3A_103 = arith.cmpi slt, %add3A_101, %lt3A_102 : i32
      %convert_element_type3A_104 = arith.extui %lt3A_103 : i1 to i32
      %cond3A_105 = arith.constant 0 : i32
      %cond3A_106 = arith.cmpi ne, %convert_element_type3A_104, %cond3A_105 : i32
      scf.if %cond3A_106 {
        %add3A_127 = arith.constant 1 : i32
        %add3A_128 = arith.addi %add3A_90, %add3A_127 : i32
        %mul3A_129 = arith.constant 32 : i32
        %mul3A_130 = arith.muli %add3A_128, %mul3A_129 : i32
        %dma_start3A_131 = tpu.memref_slice %arg9[%mul3A_130] : memref<2048xi32, #tpu.memory_space<vmem>> -> memref<32xi32, #tpu.memory_space<vmem>>
        %dma_start3A_132 = arith.constant 0 : i32
        %dma_start3A_133 = arith.constant 0 : i32
        %dma_start3A_134 = tpu.memref_slice %arg4[%dma_start3A_132, %dma_start3A_133] : memref<30522x768xf32, #tpu.memory_space<hbm>> -> memref<30522x768xf32, #tpu.memory_space<hbm>>
        tpu.enqueue_indirect_dma source(%dma_start3A_134 : memref<30522x768xf32, #tpu.memory_space<hbm>>) target(%arg13 : memref<32x768xf32, #tpu.memory_space<vmem>>) offsets(%dma_start3A_131 : memref<32xi32, #tpu.memory_space<vmem>>) semaphore(%arg20 : memref<!tpu.dma_semaphore, #tpu.memory_space<semaphore_mem>>)
      } else {
      }
      %parallel_loop3A_107 = arith.constant 0 : i32
      %parallel_loop3A_108 = arith.constant 32 : i32
      %parallel_loop3A_109 = arith.constant 1 : i32
      scf.for %parallel_loop3A_127 = %parallel_loop3A_107 to %parallel_loop3A_108 step %parallel_loop3A_109  : i32 {
        %parallel_loop3A_128 = arith.constant 0.000000e+00 : f32
        %parallel_loop3A_129 = vector.broadcast %parallel_loop3A_128 : f32 to vector<16xf32>
        %parallel_loop3A_130 = arith.constant 0.000000e+00 : f32
        %parallel_loop3A_131 = vector.broadcast %parallel_loop3A_130 : f32 to vector<16xf32>
        %parallel_loop3A_132 = arith.index_cast %parallel_loop3A_127 : i32 to index
        %parallel_loop3A_133 = arith.constant 0 : index
        %parallel_loop3A_134 = tpu.vector_load %arg14[%parallel_loop3A_132, %parallel_loop3A_133] {strides = array<i32>} : memref<32x768xf32, #tpu.memory_space<vmem>>, vector<16xf32>,
        %parallel_loop3A_135 = arith.index_cast %parallel_loop3A_127 : i32 to index
        %parallel_loop3A_136 = arith.constant 0 : index
        %parallel_loop3A_137 = tpu.vector_load %arg16[%parallel_loop3A_135, %parallel_loop3A_136] {strides = array<i32>} : memref<32x768xf32, #tpu.memory_space<vmem>>, vector<16xf32>,
        %parallel_loop3A_138 = arith.addf %parallel_loop3A_134, %parallel_loop3A_137 : vector<16xf32>
        %parallel_loop3A_139 = arith.index_cast %parallel_loop3A_127 : i32 to index
        %parallel_loop3A_140 = arith.constant 0 : index
        %parallel_loop3A_141 = tpu.vector_load %arg14[%parallel_loop3A_139, %parallel_loop3A_140] {strides = array<i32>} : memref<32x768xf32, #tpu.memory_space<vmem>>, vector<16xf32>,
        tpu.vector_store %arg14[%parallel_loop3A_139, %parallel_loop3A_140], %parallel_loop3A_138 {strides = array<i32>} : memref<32x768xf32, #tpu.memory_space<vmem>>, vector<16xf32>,
        %parallel_loop3A_142 = arith.addf %parallel_loop3A_129, %parallel_loop3A_138 : vector<16xf32>
        %parallel_loop3A_143 = arith.mulf %parallel_loop3A_138, %parallel_loop3A_138 : vector<16xf32>
        %parallel_loop3A_144 = arith.addf %parallel_loop3A_131, %parallel_loop3A_143 : vector<16xf32>
        %parallel_loop3A_145 = arith.index_cast %parallel_loop3A_127 : i32 to index
        %parallel_loop3A_146 = arith.constant 16 : index
        %parallel_loop3A_147 = tpu.vector_load %arg14[%parallel_loop3A_145, %parallel_loop3A_146] {strides = array<i32>} : memref<32x768xf32, #tpu.memory_space<vmem>>, vector<16xf32>,
        %parallel_loop3A_148 = arith.index_cast %parallel_loop3A_127 : i32 to index
        %parallel_loop3A_149 = arith.constant 16 : index
        %parallel_loop3A_150 = tpu.vector_load %arg16[%parallel_loop3A_148, %parallel_loop3A_149] {strides = array<i32>} : memref<32x768xf32, #tpu.memory_space<vmem>>, vector<16xf32>,
        %parallel_loop3A_151 = arith.addf %parallel_loop3A_147, %parallel_loop3A_150 : vector<16xf32>
        %parallel_loop3A_152 = arith.index_cast %parallel_loop3A_127 : i32 to index
        %parallel_loop3A_153 = arith.constant 16 : index
        %parallel_loop3A_154 = tpu.vector_load %arg14[%parallel_loop3A_152, %parallel_loop3A_153] {strides = array<i32>} : memref<32x768xf32, #tpu.memory_space<vmem>>, vector<16xf32>,
        tpu.vector_store %arg14[%parallel_loop3A_152, %parallel_loop3A_153], %parallel_loop3A_151 {strides = array<i32>} : memref<32x768xf32, #tpu.memory_space<vmem>>, vector<16xf32>,
        %parallel_loop3A_155 = arith.addf %parallel_loop3A_129, %parallel_loop3A_151 : vector<16xf32>
        %parallel_loop3A_156 = arith.mulf %parallel_loop3A_151, %parallel_loop3A_151 : vector<16xf32>
        %parallel_loop3A_157 = arith.addf %parallel_loop3A_131, %parallel_loop3A_156 : vector<16xf32>
        %parallel_loop3A_158 = arith.index_cast %parallel_loop3A_127 : i32 to index
        %parallel_loop3A_159 = arith.constant 32 : index
        %parallel_loop3A_160 = tpu.vector_load %arg14[%parallel_loop3A_158, %parallel_loop3A_159] {strides = array<i32>} : memref<32x768xf32, #tpu.memory_space<vmem>>, vector<16xf32>,
        %parallel_loop3A_161 = arith.index_cast %parallel_loop3A_127 : i32 to index
        %parallel_loop3A_162 = arith.constant 32 : index
        %parallel_loop3A_163 = tpu.vector_load %arg16[%parallel_loop3A_161, %parallel_loop3A_162] {strides = array<i32>} : memref<32x768xf32, #tpu.memory_space<vmem>>, vector<16xf32>,
        %parallel_loop3A_164 = arith.addf %parallel_loop3A_160, %parallel_loop3A_163 : vector<16xf32>
        %parallel_loop3A_165 = arith.index_cast %parallel_loop3A_127 : i32 to index
        %parallel_loop3A_166 = arith.constant 32 : index
        %parallel_loop3A_167 = tpu.vector_load %arg14[%parallel_loop3A_165, %parallel_loop3A_166] {strides = array<i32>} : memref<32x768xf32, #tpu.memory_space<vmem>>, vector<16xf32>,
        tpu.vector_store %arg14[%parallel_loop3A_165, %parallel_loop3A_166], %parallel_loop3A_164 {strides = array<i32>} : memref<32x768xf32, #tpu.memory_space<vmem>>, vector<16xf32>,
        %parallel_loop3A_168 = arith.addf %parallel_loop3A_129, %parallel_loop3A_164 : vector<16xf32>
        %parallel_loop3A_169 = arith.mulf %parallel_loop3A_164, %parallel_loop3A_164 : vector<16xf32>
        %parallel_loop3A_170 = arith.addf %parallel_loop3A_131, %parallel_loop3A_169 : vector<16xf32>
        %parallel_loop3A_171 = arith.index_cast %parallel_loop3A_127 : i32 to index
        %parallel_loop3A_172 = arith.constant 48 : index
        %parallel_loop3A_173 = tpu.vector_load %arg14[%parallel_loop3A_171, %parallel_loop3A_172] {strides = array<i32>} : memref<32x768xf32, #tpu.memory_space<vmem>>, vector<16xf32>,
        %parallel_loop3A_174 = arith.index_cast %parallel_loop3A_127 : i32 to index
        %parallel_loop3A_175 = arith.constant 48 : index
        %parallel_loop3A_176 = tpu.vector_load %arg16[%parallel_loop3A_174, %parallel_loop3A_175] {strides = array<i32>} : memref<32x768xf32, #tpu.memory_space<vmem>>, vector<16xf32>,
        %parallel_loop3A_177 = arith.addf %parallel_loop3A_173, %parallel_loop3A_176 : vector<16xf32>
        %parallel_loop3A_178 = arith.index_cast %parallel_loop3A_127 : i32 to index
        %parallel_loop3A_179 = arith.constant 48 : index
        %parallel_loop3A_180 = tpu.vector_load %arg14[%parallel_loop3A_178, %parallel_loop3A_179] {strides = array<i32>} : memref<32x768xf32, #tpu.memory_space<vmem>>, vector<16xf32>,
        tpu.vector_store %arg14[%parallel_loop3A_178, %parallel_loop3A_179], %parallel_loop3A_177 {strides = array<i32>} : memref<32x768xf32, #tpu.memory_space<vmem>>, vector<16xf32>,
        %parallel_loop3A_181 = arith.addf %parallel_loop3A_142, %parallel_loop3A_177 : vector<16xf32>
        %parallel_loop3A_182 = arith.mulf %parallel_loop3A_177, %parallel_loop3A_177 : vector<16xf32>
        %parallel_loop3A_183 = arith.addf %parallel_loop3A_144, %parallel_loop3A_182 : vector<16xf32>
        %parallel_loop3A_184 = arith.index_cast %parallel_loop3A_127 : i32 to index
        %parallel_loop3A_185 = arith.constant 64 : index
        %parallel_loop3A_186 = tpu.vector_load %arg14[%parallel_loop3A_184, %parallel_loop3A_185] {strides = array<i32>} : memref<32x768xf32, #tpu.memory_space<vmem>>, vector<16xf32>,
        %parallel_loop3A_187 = arith.index_cast %parallel_loop3A_127 : i32 to index
        %parallel_loop3A_188 = arith.constant 64 : index
        %parallel_loop3A_189 = tpu.vector_load %arg16[%parallel_loop3A_187, %parallel_loop3A_188] {strides = array<i32>} : memref<32x768xf32, #tpu.memory_space<vmem>>, vector<16xf32>,
        %parallel_loop3A_190 = arith.addf %parallel_loop3A_186, %parallel_loop3A_189 : vector<16xf32>
        %parallel_loop3A_191 = arith.index_cast %parallel_loop3A_127 : i32 to index
        %parallel_loop3A_192 = arith.constant 64 : index
        %parallel_loop3A_193 = tpu.vector_load %arg14[%parallel_loop3A_191, %parallel_loop3A_192] {strides = array<i32>} : memref<32x768xf32, #tpu.memory_space<vmem>>, vector<16xf32>,
        tpu.vector_store %arg14[%parallel_loop3A_191, %parallel_loop3A_192], %parallel_loop3A_190 {strides = array<i32>} : memref<32x768xf32, #tpu.memory_space<vmem>>, vector<16xf32>,
        %parallel_loop3A_194 = arith.addf %parallel_loop3A_155, %parallel_loop3A_190 : vector<16xf32>
        %parallel_loop3A_195 = arith.mulf %parallel_loop3A_190, %parallel_loop3A_190 : vector<16xf32>
        %parallel_loop3A_196 = arith.addf %parallel_loop3A_157, %parallel_loop3A_195 : vector<16xf32>
        %parallel_loop3A_197 = arith.index_cast %parallel_loop3A_127 : i32 to index
        %parallel_loop3A_198 = arith.constant 80 : index
        %parallel_loop3A_199 = tpu.vector_load %arg14[%parallel_loop3A_197, %parallel_loop3A_198] {strides = array<i32>} : memref<32x768xf32, #tpu.memory_space<vmem>>, vector<16xf32>,
        %parallel_loop3A_200 = arith.index_cast %parallel_loop3A_127 : i32 to index
        %parallel_loop3A_201 = arith.constant 80 : index
        %parallel_loop3A_202 = tpu.vector_load %arg16[%parallel_loop3A_200, %parallel_loop3A_201] {strides = array<i32>} : memref<32x768xf32, #tpu.memory_space<vmem>>, vector<16xf32>,
        %parallel_loop3A_203 = arith.addf %parallel_loop3A_199, %parallel_loop3A_202 : vector<16xf32>
        %parallel_loop3A_204 = arith.index_cast %parallel_loop3A_127 : i32 to index
        %parallel_loop3A_205 = arith.constant 80 : index
        %parallel_loop3A_206 = tpu.vector_load %arg14[%parallel_loop3A_204, %parallel_loop3A_205] {strides = array<i32>} : memref<32x768xf32, #tpu.memory_space<vmem>>, vector<16xf32>,
        tpu.vector_store %arg14[%parallel_loop3A_204, %parallel_loop3A_205], %parallel_loop3A_203 {strides = array<i32>} : memref<32x768xf32, #tpu.memory_space<vmem>>, vector<16xf32>,
        %parallel_loop3A_207 = arith.addf %parallel_loop3A_168, %parallel_loop3A_203 : vector<16xf32>
        %parallel_loop3A_208 = arith.mulf %parallel_loop3A_203, %parallel_loop3A_203 : vector<16xf32>
        %parallel_loop3A_209 = arith.addf %parallel_loop3A_170, %parallel_loop3A_208 : vector<16xf32>
        %parallel_loop3A_210 = arith.index_cast %parallel_loop3A_127 : i32 to index
        %parallel_loop3A_211 = arith.constant 96 : index
        %parallel_loop3A_212 = tpu.vector_load %arg14[%parallel_loop3A_210, %parallel_loop3A_211] {strides = array<i32>} : memref<32x768xf32, #tpu.memory_space<vmem>>, vector<16xf32>,
        %parallel_loop3A_213 = arith.index_cast %parallel_loop3A_127 : i32 to index
        %parallel_loop3A_214 = arith.constant 96 : index
        %parallel_loop3A_215 = tpu.vector_load %arg16[%parallel_loop3A_213, %parallel_loop3A_214] {strides = array<i32>} : memref<32x768xf32, #tpu.memory_space<vmem>>, vector<16xf32>,
        %parallel_loop3A_216 = arith.addf %parallel_loop3A_212, %parallel_loop3A_215 : vector<16xf32>
        %parallel_loop3A_217 = arith.index_cast %parallel_loop3A_127 : i32 to index
        %parallel_loop3A_218 = arith.constant 96 : index
        %parallel_loop3A_219 = tpu.vector_load %arg14[%parallel_loop3A_217, %parallel_loop3A_218] {strides = array<i32>} : memref<32x768xf32, #tpu.memory_space<vmem>>, vector<16xf32>,
        tpu.vector_store %arg14[%parallel_loop3A_217, %parallel_loop3A_218], %parallel_loop3A_216 {strides = array<i32>} : memref<32x768xf32, #tpu.memory_space<vmem>>, vector<16xf32>,
        %parallel_loop3A_220 = arith.addf %parallel_loop3A_181, %parallel_loop3A_216 : vector<16xf32>
        %parallel_loop3A_221 = arith.mulf %parallel_loop3A_216, %parallel_loop3A_216 : vector<16xf32>
        %parallel_loop3A_222 = arith.addf %parallel_loop3A_183, %parallel_loop3A_221 : vector<16xf32>
        %parallel_loop3A_223 = arith.index_cast %parallel_loop3A_127 : i32 to index
        %parallel_loop3A_224 = arith.constant 112 : index
        %parallel_loop3A_225 = tpu.vector_load %arg14[%parallel_loop3A_223, %parallel_loop3A_224] {strides = array<i32>} : memref<32x768xf32, #tpu.memory_space<vmem>>, vector<16xf32>,
        %parallel_loop3A_226 = arith.index_cast %parallel_loop3A_127 : i32 to index
        %parallel_loop3A_227 = arith.constant 112 : index
        %parallel_loop3A_228 = tpu.vector_load %arg16[%parallel_loop3A_226, %parallel_loop3A_227] {strides = array<i32>} : memref<32x768xf32, #tpu.memory_space<vmem>>, vector<16xf32>,
        %parallel_loop3A_229 = arith.addf %parallel_loop3A_225, %parallel_loop3A_228 : vector<16xf32>
        %parallel_loop3A_230 = arith.index_cast %parallel_loop3A_127 : i32 to index
        %parallel_loop3A_231 = arith.constant 112 : index
        %parallel_loop3A_232 = tpu.vector_load %arg14[%parallel_loop3A_230, %parallel_loop3A_231] {strides = array<i32>} : memref<32x768xf32, #tpu.memory_space<vmem>>, vector<16xf32>,
        tpu.vector_store %arg14[%parallel_loop3A_230, %parallel_loop3A_231], %parallel_loop3A_229 {strides = array<i32>} : memref<32x768xf32, #tpu.memory_space<vmem>>, vector<16xf32>,
        %parallel_loop3A_233 = arith.addf %parallel_loop3A_194, %parallel_loop3A_229 : vector<16xf32>
        %parallel_loop3A_234 = arith.mulf %parallel_loop3A_229, %parallel_loop3A_229 : vector<16xf32>
        %parallel_loop3A_235 = arith.addf %parallel_loop3A_196, %parallel_loop3A_234 : vector<16xf32>
        %parallel_loop3A_236 = arith.index_cast %parallel_loop3A_127 : i32 to index
        %parallel_loop3A_237 = arith.constant 128 : index
        %parallel_loop3A_238 = tpu.vector_load %arg14[%parallel_loop3A_236, %parallel_loop3A_237] {strides = array<i32>} : memref<32x768xf32, #tpu.memory_space<vmem>>, vector<16xf32>,
        %parallel_loop3A_239 = arith.index_cast %parallel_loop3A_127 : i32 to index
        %parallel_loop3A_240 = arith.constant 128 : index
        %parallel_loop3A_241 = tpu.vector_load %arg16[%parallel_loop3A_239, %parallel_loop3A_240] {strides = array<i32>} : memref<32x768xf32, #tpu.memory_space<vmem>>, vector<16xf32>,
        %parallel_loop3A_242 = arith.addf %parallel_loop3A_238, %parallel_loop3A_241 : vector<16xf32>
        %parallel_loop3A_243 = arith.index_cast %parallel_loop3A_127 : i32 to index
        %parallel_loop3A_244 = arith.constant 128 : index
        %parallel_loop3A_245 = tpu.vector_load %arg14[%parallel_loop3A_243, %parallel_loop3A_244] {strides = array<i32>} : memref<32x768xf32, #tpu.memory_space<vmem>>, vector<16xf32>,
        tpu.vector_store %arg14[%parallel_loop3A_243, %parallel_loop3A_244], %parallel_loop3A_242 {strides = array<i32>} : memref<32x768xf32, #tpu.memory_space<vmem>>, vector<16xf32>,
        %parallel_loop3A_246 = arith.addf %parallel_loop3A_207, %parallel_loop3A_242 : vector<16xf32>
        %parallel_loop3A_247 = arith.mulf %parallel_loop3A_242, %parallel_loop3A_242 : vector<16xf32>
        %parallel_loop3A_248 = arith.addf %parallel_loop3A_209, %parallel_loop3A_247 : vector<16xf32>
        %parallel_loop3A_249 = arith.index_cast %parallel_loop3A_127 : i32 to index
        %parallel_loop3A_250 = arith.constant 144 : index
        %parallel_loop3A_251 = tpu.vector_load %arg14[%parallel_loop3A_249, %parallel_loop3A_250] {strides = array<i32>} : memref<32x768xf32, #tpu.memory_space<vmem>>, vector<16xf32>,
        %parallel_loop3A_252 = arith.index_cast %parallel_loop3A_127 : i32 to index
        %parallel_loop3A_253 = arith.constant 144 : index
        %parallel_loop3A_254 = tpu.vector_load %arg16[%parallel_loop3A_252, %parallel_loop3A_253] {strides = array<i32>} : memref<32x768xf32, #tpu.memory_space<vmem>>, vector<16xf32>,
        %parallel_loop3A_255 = arith.addf %parallel_loop3A_251, %parallel_loop3A_254 : vector<16xf32>
        %parallel_loop3A_256 = arith.index_cast %parallel_loop3A_127 : i32 to index
        %parallel_loop3A_257 = arith.constant 144 : index
        %parallel_loop3A_258 = tpu.vector_load %arg14[%parallel_loop3A_256, %parallel_loop3A_257] {strides = array<i32>} : memref<32x768xf32, #tpu.memory_space<vmem>>, vector<16xf32>,
        tpu.vector_store %arg14[%parallel_loop3A_256, %parallel_loop3A_257], %parallel_loop3A_255 {strides = array<i32>} : memref<32x768xf32, #tpu.memory_space<vmem>>, vector<16xf32>,
        %parallel_loop3A_259 = arith.addf %parallel_loop3A_220, %parallel_loop3A_255 : vector<16xf32>
        %parallel_loop3A_260 = arith.mulf %parallel_loop3A_255, %parallel_loop3A_255 : vector<16xf32>
        %parallel_loop3A_261 = arith.addf %parallel_loop3A_222, %parallel_loop3A_260 : vector<16xf32>
        %parallel_loop3A_262 = arith.index_cast %parallel_loop3A_127 : i32 to index
        %parallel_loop3A_263 = arith.constant 160 : index
        %parallel_loop3A_264 = tpu.vector_load %arg14[%parallel_loop3A_262, %parallel_loop3A_263] {strides = array<i32>} : memref<32x768xf32, #tpu.memory_space<vmem>>, vector<16xf32>,
        %parallel_loop3A_265 = arith.index_cast %parallel_loop3A_127 : i32 to index
        %parallel_loop3A_266 = arith.constant 160 : index
        %parallel_loop3A_267 = tpu.vector_load %arg16[%parallel_loop3A_265, %parallel_loop3A_266] {strides = array<i32>} : memref<32x768xf32, #tpu.memory_space<vmem>>, vector<16xf32>,
        %parallel_loop3A_268 = arith.addf %parallel_loop3A_264, %parallel_loop3A_267 : vector<16xf32>
        %parallel_loop3A_269 = arith.index_cast %parallel_loop3A_127 : i32 to index
        %parallel_loop3A_270 = arith.constant 160 : index
        %parallel_loop3A_271 = tpu.vector_load %arg14[%parallel_loop3A_269, %parallel_loop3A_270] {strides = array<i32>} : memref<32x768xf32, #tpu.memory_space<vmem>>, vector<16xf32>,
        tpu.vector_store %arg14[%parallel_loop3A_269, %parallel_loop3A_270], %parallel_loop3A_268 {strides = array<i32>} : memref<32x768xf32, #tpu.memory_space<vmem>>, vector<16xf32>,
        %parallel_loop3A_272 = arith.addf %parallel_loop3A_233, %parallel_loop3A_268 : vector<16xf32>
        %parallel_loop3A_273 = arith.mulf %parallel_loop3A_268, %parallel_loop3A_268 : vector<16xf32>
        %parallel_loop3A_274 = arith.addf %parallel_loop3A_235, %parallel_loop3A_273 : vector<16xf32>
        %parallel_loop3A_275 = arith.index_cast %parallel_loop3A_127 : i32 to index
        %parallel_loop3A_276 = arith.constant 176 : index
        %parallel_loop3A_277 = tpu.vector_load %arg14[%parallel_loop3A_275, %parallel_loop3A_276] {strides = array<i32>} : memref<32x768xf32, #tpu.memory_space<vmem>>, vector<16xf32>,
        %parallel_loop3A_278 = arith.index_cast %parallel_loop3A_127 : i32 to index
        %parallel_loop3A_279 = arith.constant 176 : index
        %parallel_loop3A_280 = tpu.vector_load %arg16[%parallel_loop3A_278, %parallel_loop3A_279] {strides = array<i32>} : memref<32x768xf32, #tpu.memory_space<vmem>>, vector<16xf32>,
        %parallel_loop3A_281 = arith.addf %parallel_loop3A_277, %parallel_loop3A_280 : vector<16xf32>
        %parallel_loop3A_282 = arith.index_cast %parallel_loop3A_127 : i32 to index
        %parallel_loop3A_283 = arith.constant 176 : index
        %parallel_loop3A_284 = tpu.vector_load %arg14[%parallel_loop3A_282, %parallel_loop3A_283] {strides = array<i32>} : memref<32x768xf32, #tpu.memory_space<vmem>>, vector<16xf32>,
        tpu.vector_store %arg14[%parallel_loop3A_282, %parallel_loop3A_283], %parallel_loop3A_281 {strides = array<i32>} : memref<32x768xf32, #tpu.memory_space<vmem>>, vector<16xf32>,
        %parallel_loop3A_285 = arith.addf %parallel_loop3A_246, %parallel_loop3A_281 : vector<16xf32>
        %parallel_loop3A_286 = arith.mulf %parallel_loop3A_281, %parallel_loop3A_281 : vector<16xf32>
        %parallel_loop3A_287 = arith.addf %parallel_loop3A_248, %parallel_loop3A_286 : vector<16xf32>
        %parallel_loop3A_288 = arith.index_cast %parallel_loop3A_127 : i32 to index
        %parallel_loop3A_289 = arith.constant 192 : index
        %parallel_loop3A_290 = tpu.vector_load %arg14[%parallel_loop3A_288, %parallel_loop3A_289] {strides = array<i32>} : memref<32x768xf32, #tpu.memory_space<vmem>>, vector<16xf32>,
        %parallel_loop3A_291 = arith.index_cast %parallel_loop3A_127 : i32 to index
        %parallel_loop3A_292 = arith.constant 192 : index
        %parallel_loop3A_293 = tpu.vector_load %arg16[%parallel_loop3A_291, %parallel_loop3A_292] {strides = array<i32>} : memref<32x768xf32, #tpu.memory_space<vmem>>, vector<16xf32>,
        %parallel_loop3A_294 = arith.addf %parallel_loop3A_290, %parallel_loop3A_293 : vector<16xf32>
        %parallel_loop3A_295 = arith.index_cast %parallel_loop3A_127 : i32 to index
        %parallel_loop3A_296 = arith.constant 192 : index
        %parallel_loop3A_297 = tpu.vector_load %arg14[%parallel_loop3A_295, %parallel_loop3A_296] {strides = array<i32>} : memref<32x768xf32, #tpu.memory_space<vmem>>, vector<16xf32>,
        tpu.vector_store %arg14[%parallel_loop3A_295, %parallel_loop3A_296], %parallel_loop3A_294 {strides = array<i32>} : memref<32x768xf32, #tpu.memory_space<vmem>>, vector<16xf32>,
        %parallel_loop3A_298 = arith.addf %parallel_loop3A_259, %parallel_loop3A_294 : vector<16xf32>
        %parallel_loop3A_299 = arith.mulf %parallel_loop3A_294, %parallel_loop3A_294 : vector<16xf32>
        %parallel_loop3A_300 = arith.addf %parallel_loop3A_261, %parallel_loop3A_299 : vector<16xf32>
        %parallel_loop3A_301 = arith.index_cast %parallel_loop3A_127 : i32 to index
        %parallel_loop3A_302 = arith.constant 208 : index
        %parallel_loop3A_303 = tpu.vector_load %arg14[%parallel_loop3A_301, %parallel_loop3A_302] {strides = array<i32>} : memref<32x768xf32, #tpu.memory_space<vmem>>, vector<16xf32>,
        %parallel_loop3A_304 = arith.index_cast %parallel_loop3A_127 : i32 to index
        %parallel_loop3A_305 = arith.constant 208 : index
        %parallel_loop3A_306 = tpu.vector_load %arg16[%parallel_loop3A_304, %parallel_loop3A_305] {strides = array<i32>} : memref<32x768xf32, #tpu.memory_space<vmem>>, vector<16xf32>,
        %parallel_loop3A_307 = arith.addf %parallel_loop3A_303, %parallel_loop3A_306 : vector<16xf32>
        %parallel_loop3A_308 = arith.index_cast %parallel_loop3A_127 : i32 to index
        %parallel_loop3A_309 = arith.constant 208 : index
        %parallel_loop3A_310 = tpu.vector_load %arg14[%parallel_loop3A_308, %parallel_loop3A_309] {strides = array<i32>} : memref<32x768xf32, #tpu.memory_space<vmem>>, vector<16xf32>,
        tpu.vector_store %arg14[%parallel_loop3A_308, %parallel_loop3A_309], %parallel_loop3A_307 {strides = array<i32>} : memref<32x768xf32, #tpu.memory_space<vmem>>, vector<16xf32>,
        %parallel_loop3A_311 = arith.addf %parallel_loop3A_272, %parallel_loop3A_307 : vector<16xf32>
        %parallel_loop3A_312 = arith.mulf %parallel_loop3A_307, %parallel_loop3A_307 : vector<16xf32>
        %parallel_loop3A_313 = arith.addf %parallel_loop3A_274, %parallel_loop3A_312 : vector<16xf32>
        %parallel_loop3A_314 = arith.index_cast %parallel_loop3A_127 : i32 to index
        %parallel_loop3A_315 = arith.constant 224 : index
        %parallel_loop3A_316 = tpu.vector_load %arg14[%parallel_loop3A_314, %parallel_loop3A_315] {strides = array<i32>} : memref<32x768xf32, #tpu.memory_space<vmem>>, vector<16xf32>,
        %parallel_loop3A_317 = arith.index_cast %parallel_loop3A_127 : i32 to index
        %parallel_loop3A_318 = arith.constant 224 : index
        %parallel_loop3A_319 = tpu.vector_load %arg16[%parallel_loop3A_317, %parallel_loop3A_318] {strides = array<i32>} : memref<32x768xf32, #tpu.memory_space<vmem>>, vector<16xf32>,
        %parallel_loop3A_320 = arith.addf %parallel_loop3A_316, %parallel_loop3A_319 : vector<16xf32>
        %parallel_loop3A_321 = arith.index_cast %parallel_loop3A_127 : i32 to index
        %parallel_loop3A_322 = arith.constant 224 : index
        %parallel_loop3A_323 = tpu.vector_load %arg14[%parallel_loop3A_321, %parallel_loop3A_322] {strides = array<i32>} : memref<32x768xf32, #tpu.memory_space<vmem>>, vector<16xf32>,
        tpu.vector_store %arg14[%parallel_loop3A_321, %parallel_loop3A_322], %parallel_loop3A_320 {strides = array<i32>} : memref<32x768xf32, #tpu.memory_space<vmem>>, vector<16xf32>,
        %parallel_loop3A_324 = arith.addf %parallel_loop3A_285, %parallel_loop3A_320 : vector<16xf32>
        %parallel_loop3A_325 = arith.mulf %parallel_loop3A_320, %parallel_loop3A_320 : vector<16xf32>
        %parallel_loop3A_326 = arith.addf %parallel_loop3A_287, %parallel_loop3A_325 : vector<16xf32>
        %parallel_loop3A_327 = arith.index_cast %parallel_loop3A_127 : i32 to index
        %parallel_loop3A_328 = arith.constant 240 : index
        %parallel_loop3A_329 = tpu.vector_load %arg14[%parallel_loop3A_327, %parallel_loop3A_328] {strides = array<i32>} : memref<32x768xf32, #tpu.memory_space<vmem>>, vector<16xf32>,
        %parallel_loop3A_330 = arith.index_cast %parallel_loop3A_127 : i32 to index
        %parallel_loop3A_331 = arith.constant 240 : index
        %parallel_loop3A_332 = tpu.vector_load %arg16[%parallel_loop3A_330, %parallel_loop3A_331] {strides = array<i32>} : memref<32x768xf32, #tpu.memory_space<vmem>>, vector<16xf32>,
        %parallel_loop3A_333 = arith.addf %parallel_loop3A_329, %parallel_loop3A_332 : vector<16xf32>
        %parallel_loop3A_334 = arith.index_cast %parallel_loop3A_127 : i32 to index
        %parallel_loop3A_335 = arith.constant 240 : index
        %parallel_loop3A_336 = tpu.vector_load %arg14[%parallel_loop3A_334, %parallel_loop3A_335] {strides = array<i32>} : memref<32x768xf32, #tpu.memory_space<vmem>>, vector<16xf32>,
        tpu.vector_store %arg14[%parallel_loop3A_334, %parallel_loop3A_335], %parallel_loop3A_333 {strides = array<i32>} : memref<32x768xf32, #tpu.memory_space<vmem>>, vector<16xf32>,
        %parallel_loop3A_337 = arith.addf %parallel_loop3A_298, %parallel_loop3A_333 : vector<16xf32>
        %parallel_loop3A_338 = arith.mulf %parallel_loop3A_333, %parallel_loop3A_333 : vector<16xf32>
        %parallel_loop3A_339 = arith.addf %parallel_loop3A_300, %parallel_loop3A_338 : vector<16xf32>
        %parallel_loop3A_340 = arith.index_cast %parallel_loop3A_127 : i32 to index
        %parallel_loop3A_341 = arith.constant 256 : index
        %parallel_loop3A_342 = tpu.vector_load %arg14[%parallel_loop3A_340, %parallel_loop3A_341] {strides = array<i32>} : memref<32x768xf32, #tpu.memory_space<vmem>>, vector<16xf32>,
        %parallel_loop3A_343 = arith.index_cast %parallel_loop3A_127 : i32 to index
        %parallel_loop3A_344 = arith.constant 256 : index
        %parallel_loop3A_345 = tpu.vector_load %arg16[%parallel_loop3A_343, %parallel_loop3A_344] {strides = array<i32>} : memref<32x768xf32, #tpu.memory_space<vmem>>, vector<16xf32>,
        %parallel_loop3A_346 = arith.addf %parallel_loop3A_342, %parallel_loop3A_345 : vector<16xf32>
        %parallel_loop3A_347 = arith.index_cast %parallel_loop3A_127 : i32 to index
        %parallel_loop3A_348 = arith.constant 256 : index
        %parallel_loop3A_349 = tpu.vector_load %arg14[%parallel_loop3A_347, %parallel_loop3A_348] {strides = array<i32>} : memref<32x768xf32, #tpu.memory_space<vmem>>, vector<16xf32>,
        tpu.vector_store %arg14[%parallel_loop3A_347, %parallel_loop3A_348], %parallel_loop3A_346 {strides = array<i32>} : memref<32x768xf32, #tpu.memory_space<vmem>>, vector<16xf32>,
        %parallel_loop3A_350 = arith.addf %parallel_loop3A_311, %parallel_loop3A_346 : vector<16xf32>
        %parallel_loop3A_351 = arith.mulf %parallel_loop3A_346, %parallel_loop3A_346 : vector<16xf32>
        %parallel_loop3A_352 = arith.addf %parallel_loop3A_313, %parallel_loop3A_351 : vector<16xf32>
        %parallel_loop3A_353 = arith.index_cast %parallel_loop3A_127 : i32 to index
        %parallel_loop3A_354 = arith.constant 272 : index
        %parallel_loop3A_355 = tpu.vector_load %arg14[%parallel_loop3A_353, %parallel_loop3A_354] {strides = array<i32>} : memref<32x768xf32, #tpu.memory_space<vmem>>, vector<16xf32>,
        %parallel_loop3A_356 = arith.index_cast %parallel_loop3A_127 : i32 to index
        %parallel_loop3A_357 = arith.constant 272 : index
        %parallel_loop3A_358 = tpu.vector_load %arg16[%parallel_loop3A_356, %parallel_loop3A_357] {strides = array<i32>} : memref<32x768xf32, #tpu.memory_space<vmem>>, vector<16xf32>,
        %parallel_loop3A_359 = arith.addf %parallel_loop3A_355, %parallel_loop3A_358 : vector<16xf32>
        %parallel_loop3A_360 = arith.index_cast %parallel_loop3A_127 : i32 to index
        %parallel_loop3A_361 = arith.constant 272 : index
        %parallel_loop3A_362 = tpu.vector_load %arg14[%parallel_loop3A_360, %parallel_loop3A_361] {strides = array<i32>} : memref<32x768xf32, #tpu.memory_space<vmem>>, vector<16xf32>,
        tpu.vector_store %arg14[%parallel_loop3A_360, %parallel_loop3A_361], %parallel_loop3A_359 {strides = array<i32>} : memref<32x768xf32, #tpu.memory_space<vmem>>, vector<16xf32>,
        %parallel_loop3A_363 = arith.addf %parallel_loop3A_324, %parallel_loop3A_359 : vector<16xf32>
        %parallel_loop3A_364 = arith.mulf %parallel_loop3A_359, %parallel_loop3A_359 : vector<16xf32>
        %parallel_loop3A_365 = arith.addf %parallel_loop3A_326, %parallel_loop3A_364 : vector<16xf32>
        %parallel_loop3A_366 = arith.index_cast %parallel_loop3A_127 : i32 to index
        %parallel_loop3A_367 = arith.constant 288 : index
        %parallel_loop3A_368 = tpu.vector_load %arg14[%parallel_loop3A_366, %parallel_loop3A_367] {strides = array<i32>} : memref<32x768xf32, #tpu.memory_space<vmem>>, vector<16xf32>,
        %parallel_loop3A_369 = arith.index_cast %parallel_loop3A_127 : i32 to index
        %parallel_loop3A_370 = arith.constant 288 : index
        %parallel_loop3A_371 = tpu.vector_load %arg16[%parallel_loop3A_369, %parallel_loop3A_370] {strides = array<i32>} : memref<32x768xf32, #tpu.memory_space<vmem>>, vector<16xf32>,
        %parallel_loop3A_372 = arith.addf %parallel_loop3A_368, %parallel_loop3A_371 : vector<16xf32>
        %parallel_loop3A_373 = arith.index_cast %parallel_loop3A_127 : i32 to index
        %parallel_loop3A_374 = arith.constant 288 : index
        %parallel_loop3A_375 = tpu.vector_load %arg14[%parallel_loop3A_373, %parallel_loop3A_374] {strides = array<i32>} : memref<32x768xf32, #tpu.memory_space<vmem>>, vector<16xf32>,
        tpu.vector_store %arg14[%parallel_loop3A_373, %parallel_loop3A_374], %parallel_loop3A_372 {strides = array<i32>} : memref<32x768xf32, #tpu.memory_space<vmem>>, vector<16xf32>,
        %parallel_loop3A_376 = arith.addf %parallel_loop3A_337, %parallel_loop3A_372 : vector<16xf32>
        %parallel_loop3A_377 = arith.mulf %parallel_loop3A_372, %parallel_loop3A_372 : vector<16xf32>
        %parallel_loop3A_378 = arith.addf %parallel_loop3A_339, %parallel_loop3A_377 : vector<16xf32>
        %parallel_loop3A_379 = arith.index_cast %parallel_loop3A_127 : i32 to index
        %parallel_loop3A_380 = arith.constant 304 : index
        %parallel_loop3A_381 = tpu.vector_load %arg14[%parallel_loop3A_379, %parallel_loop3A_380] {strides = array<i32>} : memref<32x768xf32, #tpu.memory_space<vmem>>, vector<16xf32>,
        %parallel_loop3A_382 = arith.index_cast %parallel_loop3A_127 : i32 to index
        %parallel_loop3A_383 = arith.constant 304 : index
        %parallel_loop3A_384 = tpu.vector_load %arg16[%parallel_loop3A_382, %parallel_loop3A_383] {strides = array<i32>} : memref<32x768xf32, #tpu.memory_space<vmem>>, vector<16xf32>,
        %parallel_loop3A_385 = arith.addf %parallel_loop3A_381, %parallel_loop3A_384 : vector<16xf32>
        %parallel_loop3A_386 = arith.index_cast %parallel_loop3A_127 : i32 to index
        %parallel_loop3A_387 = arith.constant 304 : index
        %parallel_loop3A_388 = tpu.vector_load %arg14[%parallel_loop3A_386, %parallel_loop3A_387] {strides = array<i32>} : memref<32x768xf32, #tpu.memory_space<vmem>>, vector<16xf32>,
        tpu.vector_store %arg14[%parallel_loop3A_386, %parallel_loop3A_387], %parallel_loop3A_385 {strides = array<i32>} : memref<32x768xf32, #tpu.memory_space<vmem>>, vector<16xf32>,
        %parallel_loop3A_389 = arith.addf %parallel_loop3A_350, %parallel_loop3A_385 : vector<16xf32>
        %parallel_loop3A_390 = arith.mulf %parallel_loop3A_385, %parallel_loop3A_385 : vector<16xf32>
        %parallel_loop3A_391 = arith.addf %parallel_loop3A_352, %parallel_loop3A_390 : vector<16xf32>
        %parallel_loop3A_392 = arith.index_cast %parallel_loop3A_127 : i32 to index
        %parallel_loop3A_393 = arith.constant 320 : index
        %parallel_loop3A_394 = tpu.vector_load %arg14[%parallel_loop3A_392, %parallel_loop3A_393] {strides = array<i32>} : memref<32x768xf32, #tpu.memory_space<vmem>>, vector<16xf32>,
        %parallel_loop3A_395 = arith.index_cast %parallel_loop3A_127 : i32 to index
        %parallel_loop3A_396 = arith.constant 320 : index
        %parallel_loop3A_397 = tpu.vector_load %arg16[%parallel_loop3A_395, %parallel_loop3A_396] {strides = array<i32>} : memref<32x768xf32, #tpu.memory_space<vmem>>, vector<16xf32>,
        %parallel_loop3A_398 = arith.addf %parallel_loop3A_394, %parallel_loop3A_397 : vector<16xf32>
        %parallel_loop3A_399 = arith.index_cast %parallel_loop3A_127 : i32 to index
        %parallel_loop3A_400 = arith.constant 320 : index
        %parallel_loop3A_401 = tpu.vector_load %arg14[%parallel_loop3A_399, %parallel_loop3A_400] {strides = array<i32>} : memref<32x768xf32, #tpu.memory_space<vmem>>, vector<16xf32>,
        tpu.vector_store %arg14[%parallel_loop3A_399, %parallel_loop3A_400], %parallel_loop3A_398 {strides = array<i32>} : memref<32x768xf32, #tpu.memory_space<vmem>>, vector<16xf32>,
        %parallel_loop3A_402 = arith.addf %parallel_loop3A_363, %parallel_loop3A_398 : vector<16xf32>
        %parallel_loop3A_403 = arith.mulf %parallel_loop3A_398, %parallel_loop3A_398 : vector<16xf32>
        %parallel_loop3A_404 = arith.addf %parallel_loop3A_365, %parallel_loop3A_403 : vector<16xf32>
        %parallel_loop3A_405 = arith.index_cast %parallel_loop3A_127 : i32 to index
        %parallel_loop3A_406 = arith.constant 336 : index
        %parallel_loop3A_407 = tpu.vector_load %arg14[%parallel_loop3A_405, %parallel_loop3A_406] {strides = array<i32>} : memref<32x768xf32, #tpu.memory_space<vmem>>, vector<16xf32>,
        %parallel_loop3A_408 = arith.index_cast %parallel_loop3A_127 : i32 to index
        %parallel_loop3A_409 = arith.constant 336 : index
        %parallel_loop3A_410 = tpu.vector_load %arg16[%parallel_loop3A_408, %parallel_loop3A_409] {strides = array<i32>} : memref<32x768xf32, #tpu.memory_space<vmem>>, vector<16xf32>,
        %parallel_loop3A_411 = arith.addf %parallel_loop3A_407, %parallel_loop3A_410 : vector<16xf32>
        %parallel_loop3A_412 = arith.index_cast %parallel_loop3A_127 : i32 to index
        %parallel_loop3A_413 = arith.constant 336 : index
        %parallel_loop3A_414 = tpu.vector_load %arg14[%parallel_loop3A_412, %parallel_loop3A_413] {strides = array<i32>} : memref<32x768xf32, #tpu.memory_space<vmem>>, vector<16xf32>,
        tpu.vector_store %arg14[%parallel_loop3A_412, %parallel_loop3A_413], %parallel_loop3A_411 {strides = array<i32>} : memref<32x768xf32, #tpu.memory_space<vmem>>, vector<16xf32>,
        %parallel_loop3A_415 = arith.addf %parallel_loop3A_376, %parallel_loop3A_411 : vector<16xf32>
        %parallel_loop3A_416 = arith.mulf %parallel_loop3A_411, %parallel_loop3A_411 : vector<16xf32>
        %parallel_loop3A_417 = arith.addf %parallel_loop3A_378, %parallel_loop3A_416 : vector<16xf32>
        %parallel_loop3A_418 = arith.index_cast %parallel_loop3A_127 : i32 to index
        %parallel_loop3A_419 = arith.constant 352 : index
        %parallel_loop3A_420 = tpu.vector_load %arg14[%parallel_loop3A_418, %parallel_loop3A_419] {strides = array<i32>} : memref<32x768xf32, #tpu.memory_space<vmem>>, vector<16xf32>,
        %parallel_loop3A_421 = arith.index_cast %parallel_loop3A_127 : i32 to index
        %parallel_loop3A_422 = arith.constant 352 : index
        %parallel_loop3A_423 = tpu.vector_load %arg16[%parallel_loop3A_421, %parallel_loop3A_422] {strides = array<i32>} : memref<32x768xf32, #tpu.memory_space<vmem>>, vector<16xf32>,
        %parallel_loop3A_424 = arith.addf %parallel_loop3A_420, %parallel_loop3A_423 : vector<16xf32>
        %parallel_loop3A_425 = arith.index_cast %parallel_loop3A_127 : i32 to index
        %parallel_loop3A_426 = arith.constant 352 : index
        %parallel_loop3A_427 = tpu.vector_load %arg14[%parallel_loop3A_425, %parallel_loop3A_426] {strides = array<i32>} : memref<32x768xf32, #tpu.memory_space<vmem>>, vector<16xf32>,
        tpu.vector_store %arg14[%parallel_loop3A_425, %parallel_loop3A_426], %parallel_loop3A_424 {strides = array<i32>} : memref<32x768xf32, #tpu.memory_space<vmem>>, vector<16xf32>,
        %parallel_loop3A_428 = arith.addf %parallel_loop3A_389, %parallel_loop3A_424 : vector<16xf32>
        %parallel_loop3A_429 = arith.mulf %parallel_loop3A_424, %parallel_loop3A_424 : vector<16xf32>
        %parallel_loop3A_430 = arith.addf %parallel_loop3A_391, %parallel_loop3A_429 : vector<16xf32>
        %parallel_loop3A_431 = arith.index_cast %parallel_loop3A_127 : i32 to index
        %parallel_loop3A_432 = arith.constant 368 : index
        %parallel_loop3A_433 = tpu.vector_load %arg14[%parallel_loop3A_431, %parallel_loop3A_432] {strides = array<i32>} : memref<32x768xf32, #tpu.memory_space<vmem>>, vector<16xf32>,
        %parallel_loop3A_434 = arith.index_cast %parallel_loop3A_127 : i32 to index
        %parallel_loop3A_435 = arith.constant 368 : index
        %parallel_loop3A_436 = tpu.vector_load %arg16[%parallel_loop3A_434, %parallel_loop3A_435] {strides = array<i32>} : memref<32x768xf32, #tpu.memory_space<vmem>>, vector<16xf32>,
        %parallel_loop3A_437 = arith.addf %parallel_loop3A_433, %parallel_loop3A_436 : vector<16xf32>
        %parallel_loop3A_438 = arith.index_cast %parallel_loop3A_127 : i32 to index
        %parallel_loop3A_439 = arith.constant 368 : index
        %parallel_loop3A_440 = tpu.vector_load %arg14[%parallel_loop3A_438, %parallel_loop3A_439] {strides = array<i32>} : memref<32x768xf32, #tpu.memory_space<vmem>>, vector<16xf32>,
        tpu.vector_store %arg14[%parallel_loop3A_438, %parallel_loop3A_439], %parallel_loop3A_437 {strides = array<i32>} : memref<32x768xf32, #tpu.memory_space<vmem>>, vector<16xf32>,
        %parallel_loop3A_441 = arith.addf %parallel_loop3A_402, %parallel_loop3A_437 : vector<16xf32>
        %parallel_loop3A_442 = arith.mulf %parallel_loop3A_437, %parallel_loop3A_437 : vector<16xf32>
        %parallel_loop3A_443 = arith.addf %parallel_loop3A_404, %parallel_loop3A_442 : vector<16xf32>
        %parallel_loop3A_444 = arith.index_cast %parallel_loop3A_127 : i32 to index
        %parallel_loop3A_445 = arith.constant 384 : index
        %parallel_loop3A_446 = tpu.vector_load %arg14[%parallel_loop3A_444, %parallel_loop3A_445] {strides = array<i32>} : memref<32x768xf32, #tpu.memory_space<vmem>>, vector<16xf32>,
        %parallel_loop3A_447 = arith.index_cast %parallel_loop3A_127 : i32 to index
        %parallel_loop3A_448 = arith.constant 384 : index
        %parallel_loop3A_449 = tpu.vector_load %arg16[%parallel_loop3A_447, %parallel_loop3A_448] {strides = array<i32>} : memref<32x768xf32, #tpu.memory_space<vmem>>, vector<16xf32>,
        %parallel_loop3A_450 = arith.addf %parallel_loop3A_446, %parallel_loop3A_449 : vector<16xf32>
        %parallel_loop3A_451 = arith.index_cast %parallel_loop3A_127 : i32 to index
        %parallel_loop3A_452 = arith.constant 384 : index
        %parallel_loop3A_453 = tpu.vector_load %arg14[%parallel_loop3A_451, %parallel_loop3A_452] {strides = array<i32>} : memref<32x768xf32, #tpu.memory_space<vmem>>, vector<16xf32>,
        tpu.vector_store %arg14[%parallel_loop3A_451, %parallel_loop3A_452], %parallel_loop3A_450 {strides = array<i32>} : memref<32x768xf32, #tpu.memory_space<vmem>>, vector<16xf32>,
        %parallel_loop3A_454 = arith.addf %parallel_loop3A_415, %parallel_loop3A_450 : vector<16xf32>
        %parallel_loop3A_455 = arith.mulf %parallel_loop3A_450, %parallel_loop3A_450 : vector<16xf32>
        %parallel_loop3A_456 = arith.addf %parallel_loop3A_417, %parallel_loop3A_455 : vector<16xf32>
        %parallel_loop3A_457 = arith.index_cast %parallel_loop3A_127 : i32 to index
        %parallel_loop3A_458 = arith.constant 400 : index
        %parallel_loop3A_459 = tpu.vector_load %arg14[%parallel_loop3A_457, %parallel_loop3A_458] {strides = array<i32>} : memref<32x768xf32, #tpu.memory_space<vmem>>, vector<16xf32>,
        %parallel_loop3A_460 = arith.index_cast %parallel_loop3A_127 : i32 to index
        %parallel_loop3A_461 = arith.constant 400 : index
        %parallel_loop3A_462 = tpu.vector_load %arg16[%parallel_loop3A_460, %parallel_loop3A_461] {strides = array<i32>} : memref<32x768xf32, #tpu.memory_space<vmem>>, vector<16xf32>,
        %parallel_loop3A_463 = arith.addf %parallel_loop3A_459, %parallel_loop3A_462 : vector<16xf32>
        %parallel_loop3A_464 = arith.index_cast %parallel_loop3A_127 : i32 to index
        %parallel_loop3A_465 = arith.constant 400 : index
        %parallel_loop3A_466 = tpu.vector_load %arg14[%parallel_loop3A_464, %parallel_loop3A_465] {strides = array<i32>} : memref<32x768xf32, #tpu.memory_space<vmem>>, vector<16xf32>,
        tpu.vector_store %arg14[%parallel_loop3A_464, %parallel_loop3A_465], %parallel_loop3A_463 {strides = array<i32>} : memref<32x768xf32, #tpu.memory_space<vmem>>, vector<16xf32>,
        %parallel_loop3A_467 = arith.addf %parallel_loop3A_428, %parallel_loop3A_463 : vector<16xf32>
        %parallel_loop3A_468 = arith.mulf %parallel_loop3A_463, %parallel_loop3A_463 : vector<16xf32>
        %parallel_loop3A_469 = arith.addf %parallel_loop3A_430, %parallel_loop3A_468 : vector<16xf32>
        %parallel_loop3A_470 = arith.index_cast %parallel_loop3A_127 : i32 to index
        %parallel_loop3A_471 = arith.constant 416 : index
        %parallel_loop3A_472 = tpu.vector_load %arg14[%parallel_loop3A_470, %parallel_loop3A_471] {strides = array<i32>} : memref<32x768xf32, #tpu.memory_space<vmem>>, vector<16xf32>,
        %parallel_loop3A_473 = arith.index_cast %parallel_loop3A_127 : i32 to index
        %parallel_loop3A_474 = arith.constant 416 : index
        %parallel_loop3A_475 = tpu.vector_load %arg16[%parallel_loop3A_473, %parallel_loop3A_474] {strides = array<i32>} : memref<32x768xf32, #tpu.memory_space<vmem>>, vector<16xf32>,
        %parallel_loop3A_476 = arith.addf %parallel_loop3A_472, %parallel_loop3A_475 : vector<16xf32>
        %parallel_loop3A_477 = arith.index_cast %parallel_loop3A_127 : i32 to index
        %parallel_loop3A_478 = arith.constant 416 : index
        %parallel_loop3A_479 = tpu.vector_load %arg14[%parallel_loop3A_477, %parallel_loop3A_478] {strides = array<i32>} : memref<32x768xf32, #tpu.memory_space<vmem>>, vector<16xf32>,
        tpu.vector_store %arg14[%parallel_loop3A_477, %parallel_loop3A_478], %parallel_loop3A_476 {strides = array<i32>} : memref<32x768xf32, #tpu.memory_space<vmem>>, vector<16xf32>,
        %parallel_loop3A_480 = arith.addf %parallel_loop3A_441, %parallel_loop3A_476 : vector<16xf32>
        %parallel_loop3A_481 = arith.mulf %parallel_loop3A_476, %parallel_loop3A_476 : vector<16xf32>
        %parallel_loop3A_482 = arith.addf %parallel_loop3A_443, %parallel_loop3A_481 : vector<16xf32>
        %parallel_loop3A_483 = arith.index_cast %parallel_loop3A_127 : i32 to index
        %parallel_loop3A_484 = arith.constant 432 : index
        %parallel_loop3A_485 = tpu.vector_load %arg14[%parallel_loop3A_483, %parallel_loop3A_484] {strides = array<i32>} : memref<32x768xf32, #tpu.memory_space<vmem>>, vector<16xf32>,
        %parallel_loop3A_486 = arith.index_cast %parallel_loop3A_127 : i32 to index
        %parallel_loop3A_487 = arith.constant 432 : index
        %parallel_loop3A_488 = tpu.vector_load %arg16[%parallel_loop3A_486, %parallel_loop3A_487] {strides = array<i32>} : memref<32x768xf32, #tpu.memory_space<vmem>>, vector<16xf32>,
        %parallel_loop3A_489 = arith.addf %parallel_loop3A_485, %parallel_loop3A_488 : vector<16xf32>
        %parallel_loop3A_490 = arith.index_cast %parallel_loop3A_127 : i32 to index
        %parallel_loop3A_491 = arith.constant 432 : index
        %parallel_loop3A_492 = tpu.vector_load %arg14[%parallel_loop3A_490, %parallel_loop3A_491] {strides = array<i32>} : memref<32x768xf32, #tpu.memory_space<vmem>>, vector<16xf32>,
        tpu.vector_store %arg14[%parallel_loop3A_490, %parallel_loop3A_491], %parallel_loop3A_489 {strides = array<i32>} : memref<32x768xf32, #tpu.memory_space<vmem>>, vector<16xf32>,
        %parallel_loop3A_493 = arith.addf %parallel_loop3A_454, %parallel_loop3A_489 : vector<16xf32>
        %parallel_loop3A_494 = arith.mulf %parallel_loop3A_489, %parallel_loop3A_489 : vector<16xf32>
        %parallel_loop3A_495 = arith.addf %parallel_loop3A_456, %parallel_loop3A_494 : vector<16xf32>
        %parallel_loop3A_496 = arith.index_cast %parallel_loop3A_127 : i32 to index
        %parallel_loop3A_497 = arith.constant 448 : index
        %parallel_loop3A_498 = tpu.vector_load %arg14[%parallel_loop3A_496, %parallel_loop3A_497] {strides = array<i32>} : memref<32x768xf32, #tpu.memory_space<vmem>>, vector<16xf32>,
        %parallel_loop3A_499 = arith.index_cast %parallel_loop3A_127 : i32 to index
        %parallel_loop3A_500 = arith.constant 448 : index
        %parallel_loop3A_501 = tpu.vector_load %arg16[%parallel_loop3A_499, %parallel_loop3A_500] {strides = array<i32>} : memref<32x768xf32, #tpu.memory_space<vmem>>, vector<16xf32>,
        %parallel_loop3A_502 = arith.addf %parallel_loop3A_498, %parallel_loop3A_501 : vector<16xf32>
        %parallel_loop3A_503 = arith.index_cast %parallel_loop3A_127 : i32 to index
        %parallel_loop3A_504 = arith.constant 448 : index
        %parallel_loop3A_505 = tpu.vector_load %arg14[%parallel_loop3A_503, %parallel_loop3A_504] {strides = array<i32>} : memref<32x768xf32, #tpu.memory_space<vmem>>, vector<16xf32>,
        tpu.vector_store %arg14[%parallel_loop3A_503, %parallel_loop3A_504], %parallel_loop3A_502 {strides = array<i32>} : memref<32x768xf32, #tpu.memory_space<vmem>>, vector<16xf32>,
        %parallel_loop3A_506 = arith.addf %parallel_loop3A_467, %parallel_loop3A_502 : vector<16xf32>
        %parallel_loop3A_507 = arith.mulf %parallel_loop3A_502, %parallel_loop3A_502 : vector<16xf32>
        %parallel_loop3A_508 = arith.addf %parallel_loop3A_469, %parallel_loop3A_507 : vector<16xf32>
        %parallel_loop3A_509 = arith.index_cast %parallel_loop3A_127 : i32 to index
        %parallel_loop3A_510 = arith.constant 464 : index
        %parallel_loop3A_511 = tpu.vector_load %arg14[%parallel_loop3A_509, %parallel_loop3A_510] {strides = array<i32>} : memref<32x768xf32, #tpu.memory_space<vmem>>, vector<16xf32>,
        %parallel_loop3A_512 = arith.index_cast %parallel_loop3A_127 : i32 to index
        %parallel_loop3A_513 = arith.constant 464 : index
        %parallel_loop3A_514 = tpu.vector_load %arg16[%parallel_loop3A_512, %parallel_loop3A_513] {strides = array<i32>} : memref<32x768xf32, #tpu.memory_space<vmem>>, vector<16xf32>,
        %parallel_loop3A_515 = arith.addf %parallel_loop3A_511, %parallel_loop3A_514 : vector<16xf32>
        %parallel_loop3A_516 = arith.index_cast %parallel_loop3A_127 : i32 to index
        %parallel_loop3A_517 = arith.constant 464 : index
        %parallel_loop3A_518 = tpu.vector_load %arg14[%parallel_loop3A_516, %parallel_loop3A_517] {strides = array<i32>} : memref<32x768xf32, #tpu.memory_space<vmem>>, vector<16xf32>,
        tpu.vector_store %arg14[%parallel_loop3A_516, %parallel_loop3A_517], %parallel_loop3A_515 {strides = array<i32>} : memref<32x768xf32, #tpu.memory_space<vmem>>, vector<16xf32>,
        %parallel_loop3A_519 = arith.addf %parallel_loop3A_480, %parallel_loop3A_515 : vector<16xf32>
        %parallel_loop3A_520 = arith.mulf %parallel_loop3A_515, %parallel_loop3A_515 : vector<16xf32>
        %parallel_loop3A_521 = arith.addf %parallel_loop3A_482, %parallel_loop3A_520 : vector<16xf32>
        %parallel_loop3A_522 = arith.index_cast %parallel_loop3A_127 : i32 to index
        %parallel_loop3A_523 = arith.constant 480 : index
        %parallel_loop3A_524 = tpu.vector_load %arg14[%parallel_loop3A_522, %parallel_loop3A_523] {strides = array<i32>} : memref<32x768xf32, #tpu.memory_space<vmem>>, vector<16xf32>,
        %parallel_loop3A_525 = arith.index_cast %parallel_loop3A_127 : i32 to index
        %parallel_loop3A_526 = arith.constant 480 : index
        %parallel_loop3A_527 = tpu.vector_load %arg16[%parallel_loop3A_525, %parallel_loop3A_526] {strides = array<i32>} : memref<32x768xf32, #tpu.memory_space<vmem>>, vector<16xf32>,
        %parallel_loop3A_528 = arith.addf %parallel_loop3A_524, %parallel_loop3A_527 : vector<16xf32>
        %parallel_loop3A_529 = arith.index_cast %parallel_loop3A_127 : i32 to index
        %parallel_loop3A_530 = arith.constant 480 : index
        %parallel_loop3A_531 = tpu.vector_load %arg14[%parallel_loop3A_529, %parallel_loop3A_530] {strides = array<i32>} : memref<32x768xf32, #tpu.memory_space<vmem>>, vector<16xf32>,
        tpu.vector_store %arg14[%parallel_loop3A_529, %parallel_loop3A_530], %parallel_loop3A_528 {strides = array<i32>} : memref<32x768xf32, #tpu.memory_space<vmem>>, vector<16xf32>,
        %parallel_loop3A_532 = arith.addf %parallel_loop3A_493, %parallel_loop3A_528 : vector<16xf32>
        %parallel_loop3A_533 = arith.mulf %parallel_loop3A_528, %parallel_loop3A_528 : vector<16xf32>
        %parallel_loop3A_534 = arith.addf %parallel_loop3A_495, %parallel_loop3A_533 : vector<16xf32>
        %parallel_loop3A_535 = arith.index_cast %parallel_loop3A_127 : i32 to index
        %parallel_loop3A_536 = arith.constant 496 : index
        %parallel_loop3A_537 = tpu.vector_load %arg14[%parallel_loop3A_535, %parallel_loop3A_536] {strides = array<i32>} : memref<32x768xf32, #tpu.memory_space<vmem>>, vector<16xf32>,
        %parallel_loop3A_538 = arith.index_cast %parallel_loop3A_127 : i32 to index
        %parallel_loop3A_539 = arith.constant 496 : index
        %parallel_loop3A_540 = tpu.vector_load %arg16[%parallel_loop3A_538, %parallel_loop3A_539] {strides = array<i32>} : memref<32x768xf32, #tpu.memory_space<vmem>>, vector<16xf32>,
        %parallel_loop3A_541 = arith.addf %parallel_loop3A_537, %parallel_loop3A_540 : vector<16xf32>
        %parallel_loop3A_542 = arith.index_cast %parallel_loop3A_127 : i32 to index
        %parallel_loop3A_543 = arith.constant 496 : index
        %parallel_loop3A_544 = tpu.vector_load %arg14[%parallel_loop3A_542, %parallel_loop3A_543] {strides = array<i32>} : memref<32x768xf32, #tpu.memory_space<vmem>>, vector<16xf32>,
        tpu.vector_store %arg14[%parallel_loop3A_542, %parallel_loop3A_543], %parallel_loop3A_541 {strides = array<i32>} : memref<32x768xf32, #tpu.memory_space<vmem>>, vector<16xf32>,
        %parallel_loop3A_545 = arith.addf %parallel_loop3A_506, %parallel_loop3A_541 : vector<16xf32>
        %parallel_loop3A_546 = arith.mulf %parallel_loop3A_541, %parallel_loop3A_541 : vector<16xf32>
        %parallel_loop3A_547 = arith.addf %parallel_loop3A_508, %parallel_loop3A_546 : vector<16xf32>
        %parallel_loop3A_548 = arith.index_cast %parallel_loop3A_127 : i32 to index
        %parallel_loop3A_549 = arith.constant 512 : index
        %parallel_loop3A_550 = tpu.vector_load %arg14[%parallel_loop3A_548, %parallel_loop3A_549] {strides = array<i32>} : memref<32x768xf32, #tpu.memory_space<vmem>>, vector<16xf32>,
        %parallel_loop3A_551 = arith.index_cast %parallel_loop3A_127 : i32 to index
        %parallel_loop3A_552 = arith.constant 512 : index
        %parallel_loop3A_553 = tpu.vector_load %arg16[%parallel_loop3A_551, %parallel_loop3A_552] {strides = array<i32>} : memref<32x768xf32, #tpu.memory_space<vmem>>, vector<16xf32>,
        %parallel_loop3A_554 = arith.addf %parallel_loop3A_550, %parallel_loop3A_553 : vector<16xf32>
        %parallel_loop3A_555 = arith.index_cast %parallel_loop3A_127 : i32 to index
        %parallel_loop3A_556 = arith.constant 512 : index
        %parallel_loop3A_557 = tpu.vector_load %arg14[%parallel_loop3A_555, %parallel_loop3A_556] {strides = array<i32>} : memref<32x768xf32, #tpu.memory_space<vmem>>, vector<16xf32>,
        tpu.vector_store %arg14[%parallel_loop3A_555, %parallel_loop3A_556], %parallel_loop3A_554 {strides = array<i32>} : memref<32x768xf32, #tpu.memory_space<vmem>>, vector<16xf32>,
        %parallel_loop3A_558 = arith.addf %parallel_loop3A_519, %parallel_loop3A_554 : vector<16xf32>
        %parallel_loop3A_559 = arith.mulf %parallel_loop3A_554, %parallel_loop3A_554 : vector<16xf32>
        %parallel_loop3A_560 = arith.addf %parallel_loop3A_521, %parallel_loop3A_559 : vector<16xf32>
        %parallel_loop3A_561 = arith.index_cast %parallel_loop3A_127 : i32 to index
        %parallel_loop3A_562 = arith.constant 528 : index
        %parallel_loop3A_563 = tpu.vector_load %arg14[%parallel_loop3A_561, %parallel_loop3A_562] {strides = array<i32>} : memref<32x768xf32, #tpu.memory_space<vmem>>, vector<16xf32>,
        %parallel_loop3A_564 = arith.index_cast %parallel_loop3A_127 : i32 to index
        %parallel_loop3A_565 = arith.constant 528 : index
        %parallel_loop3A_566 = tpu.vector_load %arg16[%parallel_loop3A_564, %parallel_loop3A_565] {strides = array<i32>} : memref<32x768xf32, #tpu.memory_space<vmem>>, vector<16xf32>,
        %parallel_loop3A_567 = arith.addf %parallel_loop3A_563, %parallel_loop3A_566 : vector<16xf32>
        %parallel_loop3A_568 = arith.index_cast %parallel_loop3A_127 : i32 to index
        %parallel_loop3A_569 = arith.constant 528 : index
        %parallel_loop3A_570 = tpu.vector_load %arg14[%parallel_loop3A_568, %parallel_loop3A_569] {strides = array<i32>} : memref<32x768xf32, #tpu.memory_space<vmem>>, vector<16xf32>,
        tpu.vector_store %arg14[%parallel_loop3A_568, %parallel_loop3A_569], %parallel_loop3A_567 {strides = array<i32>} : memref<32x768xf32, #tpu.memory_space<vmem>>, vector<16xf32>,
        %parallel_loop3A_571 = arith.addf %parallel_loop3A_532, %parallel_loop3A_567 : vector<16xf32>
        %parallel_loop3A_572 = arith.mulf %parallel_loop3A_567, %parallel_loop3A_567 : vector<16xf32>
        %parallel_loop3A_573 = arith.addf %parallel_loop3A_534, %parallel_loop3A_572 : vector<16xf32>
        %parallel_loop3A_574 = arith.index_cast %parallel_loop3A_127 : i32 to index
        %parallel_loop3A_575 = arith.constant 544 : index
        %parallel_loop3A_576 = tpu.vector_load %arg14[%parallel_loop3A_574, %parallel_loop3A_575] {strides = array<i32>} : memref<32x768xf32, #tpu.memory_space<vmem>>, vector<16xf32>,
        %parallel_loop3A_577 = arith.index_cast %parallel_loop3A_127 : i32 to index
        %parallel_loop3A_578 = arith.constant 544 : index
        %parallel_loop3A_579 = tpu.vector_load %arg16[%parallel_loop3A_577, %parallel_loop3A_578] {strides = array<i32>} : memref<32x768xf32, #tpu.memory_space<vmem>>, vector<16xf32>,
        %parallel_loop3A_580 = arith.addf %parallel_loop3A_576, %parallel_loop3A_579 : vector<16xf32>
        %parallel_loop3A_581 = arith.index_cast %parallel_loop3A_127 : i32 to index
        %parallel_loop3A_582 = arith.constant 544 : index
        %parallel_loop3A_583 = tpu.vector_load %arg14[%parallel_loop3A_581, %parallel_loop3A_582] {strides = array<i32>} : memref<32x768xf32, #tpu.memory_space<vmem>>, vector<16xf32>,
        tpu.vector_store %arg14[%parallel_loop3A_581, %parallel_loop3A_582], %parallel_loop3A_580 {strides = array<i32>} : memref<32x768xf32, #tpu.memory_space<vmem>>, vector<16xf32>,
        %parallel_loop3A_584 = arith.addf %parallel_loop3A_545, %parallel_loop3A_580 : vector<16xf32>
        %parallel_loop3A_585 = arith.mulf %parallel_loop3A_580, %parallel_loop3A_580 : vector<16xf32>
        %parallel_loop3A_586 = arith.addf %parallel_loop3A_547, %parallel_loop3A_585 : vector<16xf32>
        %parallel_loop3A_587 = arith.index_cast %parallel_loop3A_127 : i32 to index
        %parallel_loop3A_588 = arith.constant 560 : index
        %parallel_loop3A_589 = tpu.vector_load %arg14[%parallel_loop3A_587, %parallel_loop3A_588] {strides = array<i32>} : memref<32x768xf32, #tpu.memory_space<vmem>>, vector<16xf32>,
        %parallel_loop3A_590 = arith.index_cast %parallel_loop3A_127 : i32 to index
        %parallel_loop3A_591 = arith.constant 560 : index
        %parallel_loop3A_592 = tpu.vector_load %arg16[%parallel_loop3A_590, %parallel_loop3A_591] {strides = array<i32>} : memref<32x768xf32, #tpu.memory_space<vmem>>, vector<16xf32>,
        %parallel_loop3A_593 = arith.addf %parallel_loop3A_589, %parallel_loop3A_592 : vector<16xf32>
        %parallel_loop3A_594 = arith.index_cast %parallel_loop3A_127 : i32 to index
        %parallel_loop3A_595 = arith.constant 560 : index
        %parallel_loop3A_596 = tpu.vector_load %arg14[%parallel_loop3A_594, %parallel_loop3A_595] {strides = array<i32>} : memref<32x768xf32, #tpu.memory_space<vmem>>, vector<16xf32>,
        tpu.vector_store %arg14[%parallel_loop3A_594, %parallel_loop3A_595], %parallel_loop3A_593 {strides = array<i32>} : memref<32x768xf32, #tpu.memory_space<vmem>>, vector<16xf32>,
        %parallel_loop3A_597 = arith.addf %parallel_loop3A_558, %parallel_loop3A_593 : vector<16xf32>
        %parallel_loop3A_598 = arith.mulf %parallel_loop3A_593, %parallel_loop3A_593 : vector<16xf32>
        %parallel_loop3A_599 = arith.addf %parallel_loop3A_560, %parallel_loop3A_598 : vector<16xf32>
        %parallel_loop3A_600 = arith.index_cast %parallel_loop3A_127 : i32 to index
        %parallel_loop3A_601 = arith.constant 576 : index
        %parallel_loop3A_602 = tpu.vector_load %arg14[%parallel_loop3A_600, %parallel_loop3A_601] {strides = array<i32>} : memref<32x768xf32, #tpu.memory_space<vmem>>, vector<16xf32>,
        %parallel_loop3A_603 = arith.index_cast %parallel_loop3A_127 : i32 to index
        %parallel_loop3A_604 = arith.constant 576 : index
        %parallel_loop3A_605 = tpu.vector_load %arg16[%parallel_loop3A_603, %parallel_loop3A_604] {strides = array<i32>} : memref<32x768xf32, #tpu.memory_space<vmem>>, vector<16xf32>,
        %parallel_loop3A_606 = arith.addf %parallel_loop3A_602, %parallel_loop3A_605 : vector<16xf32>
        %parallel_loop3A_607 = arith.index_cast %parallel_loop3A_127 : i32 to index
        %parallel_loop3A_608 = arith.constant 576 : index
        %parallel_loop3A_609 = tpu.vector_load %arg14[%parallel_loop3A_607, %parallel_loop3A_608] {strides = array<i32>} : memref<32x768xf32, #tpu.memory_space<vmem>>, vector<16xf32>,
        tpu.vector_store %arg14[%parallel_loop3A_607, %parallel_loop3A_608], %parallel_loop3A_606 {strides = array<i32>} : memref<32x768xf32, #tpu.memory_space<vmem>>, vector<16xf32>,
        %parallel_loop3A_610 = arith.addf %parallel_loop3A_571, %parallel_loop3A_606 : vector<16xf32>
        %parallel_loop3A_611 = arith.mulf %parallel_loop3A_606, %parallel_loop3A_606 : vector<16xf32>
        %parallel_loop3A_612 = arith.addf %parallel_loop3A_573, %parallel_loop3A_611 : vector<16xf32>
        %parallel_loop3A_613 = arith.index_cast %parallel_loop3A_127 : i32 to index
        %parallel_loop3A_614 = arith.constant 592 : index
        %parallel_loop3A_615 = tpu.vector_load %arg14[%parallel_loop3A_613, %parallel_loop3A_614] {strides = array<i32>} : memref<32x768xf32, #tpu.memory_space<vmem>>, vector<16xf32>,
        %parallel_loop3A_616 = arith.index_cast %parallel_loop3A_127 : i32 to index
        %parallel_loop3A_617 = arith.constant 592 : index
        %parallel_loop3A_618 = tpu.vector_load %arg16[%parallel_loop3A_616, %parallel_loop3A_617] {strides = array<i32>} : memref<32x768xf32, #tpu.memory_space<vmem>>, vector<16xf32>,
        %parallel_loop3A_619 = arith.addf %parallel_loop3A_615, %parallel_loop3A_618 : vector<16xf32>
        %parallel_loop3A_620 = arith.index_cast %parallel_loop3A_127 : i32 to index
        %parallel_loop3A_621 = arith.constant 592 : index
        %parallel_loop3A_622 = tpu.vector_load %arg14[%parallel_loop3A_620, %parallel_loop3A_621] {strides = array<i32>} : memref<32x768xf32, #tpu.memory_space<vmem>>, vector<16xf32>,
        tpu.vector_store %arg14[%parallel_loop3A_620, %parallel_loop3A_621], %parallel_loop3A_619 {strides = array<i32>} : memref<32x768xf32, #tpu.memory_space<vmem>>, vector<16xf32>,
        %parallel_loop3A_623 = arith.addf %parallel_loop3A_584, %parallel_loop3A_619 : vector<16xf32>
        %parallel_loop3A_624 = arith.mulf %parallel_loop3A_619, %parallel_loop3A_619 : vector<16xf32>
        %parallel_loop3A_625 = arith.addf %parallel_loop3A_586, %parallel_loop3A_624 : vector<16xf32>
        %parallel_loop3A_626 = arith.index_cast %parallel_loop3A_127 : i32 to index
        %parallel_loop3A_627 = arith.constant 608 : index
        %parallel_loop3A_628 = tpu.vector_load %arg14[%parallel_loop3A_626, %parallel_loop3A_627] {strides = array<i32>} : memref<32x768xf32, #tpu.memory_space<vmem>>, vector<16xf32>,
        %parallel_loop3A_629 = arith.index_cast %parallel_loop3A_127 : i32 to index
        %parallel_loop3A_630 = arith.constant 608 : index
        %parallel_loop3A_631 = tpu.vector_load %arg16[%parallel_loop3A_629, %parallel_loop3A_630] {strides = array<i32>} : memref<32x768xf32, #tpu.memory_space<vmem>>, vector<16xf32>,
        %parallel_loop3A_632 = arith.addf %parallel_loop3A_628, %parallel_loop3A_631 : vector<16xf32>
        %parallel_loop3A_633 = arith.index_cast %parallel_loop3A_127 : i32 to index
        %parallel_loop3A_634 = arith.constant 608 : index
        %parallel_loop3A_635 = tpu.vector_load %arg14[%parallel_loop3A_633, %parallel_loop3A_634] {strides = array<i32>} : memref<32x768xf32, #tpu.memory_space<vmem>>, vector<16xf32>,
        tpu.vector_store %arg14[%parallel_loop3A_633, %parallel_loop3A_634], %parallel_loop3A_632 {strides = array<i32>} : memref<32x768xf32, #tpu.memory_space<vmem>>, vector<16xf32>,
        %parallel_loop3A_636 = arith.addf %parallel_loop3A_597, %parallel_loop3A_632 : vector<16xf32>
        %parallel_loop3A_637 = arith.mulf %parallel_loop3A_632, %parallel_loop3A_632 : vector<16xf32>
        %parallel_loop3A_638 = arith.addf %parallel_loop3A_599, %parallel_loop3A_637 : vector<16xf32>
        %parallel_loop3A_639 = arith.index_cast %parallel_loop3A_127 : i32 to index
        %parallel_loop3A_640 = arith.constant 624 : index
        %parallel_loop3A_641 = tpu.vector_load %arg14[%parallel_loop3A_639, %parallel_loop3A_640] {strides = array<i32>} : memref<32x768xf32, #tpu.memory_space<vmem>>, vector<16xf32>,
        %parallel_loop3A_642 = arith.index_cast %parallel_loop3A_127 : i32 to index
        %parallel_loop3A_643 = arith.constant 624 : index
        %parallel_loop3A_644 = tpu.vector_load %arg16[%parallel_loop3A_642, %parallel_loop3A_643] {strides = array<i32>} : memref<32x768xf32, #tpu.memory_space<vmem>>, vector<16xf32>,
        %parallel_loop3A_645 = arith.addf %parallel_loop3A_641, %parallel_loop3A_644 : vector<16xf32>
        %parallel_loop3A_646 = arith.index_cast %parallel_loop3A_127 : i32 to index
        %parallel_loop3A_647 = arith.constant 624 : index
        %parallel_loop3A_648 = tpu.vector_load %arg14[%parallel_loop3A_646, %parallel_loop3A_647] {strides = array<i32>} : memref<32x768xf32, #tpu.memory_space<vmem>>, vector<16xf32>,
        tpu.vector_store %arg14[%parallel_loop3A_646, %parallel_loop3A_647], %parallel_loop3A_645 {strides = array<i32>} : memref<32x768xf32, #tpu.memory_space<vmem>>, vector<16xf32>,
        %parallel_loop3A_649 = arith.addf %parallel_loop3A_610, %parallel_loop3A_645 : vector<16xf32>
        %parallel_loop3A_650 = arith.mulf %parallel_loop3A_645, %parallel_loop3A_645 : vector<16xf32>
        %parallel_loop3A_651 = arith.addf %parallel_loop3A_612, %parallel_loop3A_650 : vector<16xf32>
        %parallel_loop3A_652 = arith.index_cast %parallel_loop3A_127 : i32 to index
        %parallel_loop3A_653 = arith.constant 640 : index
        %parallel_loop3A_654 = tpu.vector_load %arg14[%parallel_loop3A_652, %parallel_loop3A_653] {strides = array<i32>} : memref<32x768xf32, #tpu.memory_space<vmem>>, vector<16xf32>,
        %parallel_loop3A_655 = arith.index_cast %parallel_loop3A_127 : i32 to index
        %parallel_loop3A_656 = arith.constant 640 : index
        %parallel_loop3A_657 = tpu.vector_load %arg16[%parallel_loop3A_655, %parallel_loop3A_656] {strides = array<i32>} : memref<32x768xf32, #tpu.memory_space<vmem>>, vector<16xf32>,
        %parallel_loop3A_658 = arith.addf %parallel_loop3A_654, %parallel_loop3A_657 : vector<16xf32>
        %parallel_loop3A_659 = arith.index_cast %parallel_loop3A_127 : i32 to index
        %parallel_loop3A_660 = arith.constant 640 : index
        %parallel_loop3A_661 = tpu.vector_load %arg14[%parallel_loop3A_659, %parallel_loop3A_660] {strides = array<i32>} : memref<32x768xf32, #tpu.memory_space<vmem>>, vector<16xf32>,
        tpu.vector_store %arg14[%parallel_loop3A_659, %parallel_loop3A_660], %parallel_loop3A_658 {strides = array<i32>} : memref<32x768xf32, #tpu.memory_space<vmem>>, vector<16xf32>,
        %parallel_loop3A_662 = arith.addf %parallel_loop3A_623, %parallel_loop3A_658 : vector<16xf32>
        %parallel_loop3A_663 = arith.mulf %parallel_loop3A_658, %parallel_loop3A_658 : vector<16xf32>
        %parallel_loop3A_664 = arith.addf %parallel_loop3A_625, %parallel_loop3A_663 : vector<16xf32>
        %parallel_loop3A_665 = arith.index_cast %parallel_loop3A_127 : i32 to index
        %parallel_loop3A_666 = arith.constant 656 : index
        %parallel_loop3A_667 = tpu.vector_load %arg14[%parallel_loop3A_665, %parallel_loop3A_666] {strides = array<i32>} : memref<32x768xf32, #tpu.memory_space<vmem>>, vector<16xf32>,
        %parallel_loop3A_668 = arith.index_cast %parallel_loop3A_127 : i32 to index
        %parallel_loop3A_669 = arith.constant 656 : index
        %parallel_loop3A_670 = tpu.vector_load %arg16[%parallel_loop3A_668, %parallel_loop3A_669] {strides = array<i32>} : memref<32x768xf32, #tpu.memory_space<vmem>>, vector<16xf32>,
        %parallel_loop3A_671 = arith.addf %parallel_loop3A_667, %parallel_loop3A_670 : vector<16xf32>
        %parallel_loop3A_672 = arith.index_cast %parallel_loop3A_127 : i32 to index
        %parallel_loop3A_673 = arith.constant 656 : index
        %parallel_loop3A_674 = tpu.vector_load %arg14[%parallel_loop3A_672, %parallel_loop3A_673] {strides = array<i32>} : memref<32x768xf32, #tpu.memory_space<vmem>>, vector<16xf32>,
        tpu.vector_store %arg14[%parallel_loop3A_672, %parallel_loop3A_673], %parallel_loop3A_671 {strides = array<i32>} : memref<32x768xf32, #tpu.memory_space<vmem>>, vector<16xf32>,
        %parallel_loop3A_675 = arith.addf %parallel_loop3A_636, %parallel_loop3A_671 : vector<16xf32>
        %parallel_loop3A_676 = arith.mulf %parallel_loop3A_671, %parallel_loop3A_671 : vector<16xf32>
        %parallel_loop3A_677 = arith.addf %parallel_loop3A_638, %parallel_loop3A_676 : vector<16xf32>
        %parallel_loop3A_678 = arith.index_cast %parallel_loop3A_127 : i32 to index
        %parallel_loop3A_679 = arith.constant 672 : index
        %parallel_loop3A_680 = tpu.vector_load %arg14[%parallel_loop3A_678, %parallel_loop3A_679] {strides = array<i32>} : memref<32x768xf32, #tpu.memory_space<vmem>>, vector<16xf32>,
        %parallel_loop3A_681 = arith.index_cast %parallel_loop3A_127 : i32 to index
        %parallel_loop3A_682 = arith.constant 672 : index
        %parallel_loop3A_683 = tpu.vector_load %arg16[%parallel_loop3A_681, %parallel_loop3A_682] {strides = array<i32>} : memref<32x768xf32, #tpu.memory_space<vmem>>, vector<16xf32>,
        %parallel_loop3A_684 = arith.addf %parallel_loop3A_680, %parallel_loop3A_683 : vector<16xf32>
        %parallel_loop3A_685 = arith.index_cast %parallel_loop3A_127 : i32 to index
        %parallel_loop3A_686 = arith.constant 672 : index
        %parallel_loop3A_687 = tpu.vector_load %arg14[%parallel_loop3A_685, %parallel_loop3A_686] {strides = array<i32>} : memref<32x768xf32, #tpu.memory_space<vmem>>, vector<16xf32>,
        tpu.vector_store %arg14[%parallel_loop3A_685, %parallel_loop3A_686], %parallel_loop3A_684 {strides = array<i32>} : memref<32x768xf32, #tpu.memory_space<vmem>>, vector<16xf32>,
        %parallel_loop3A_688 = arith.addf %parallel_loop3A_649, %parallel_loop3A_684 : vector<16xf32>
        %parallel_loop3A_689 = arith.mulf %parallel_loop3A_684, %parallel_loop3A_684 : vector<16xf32>
        %parallel_loop3A_690 = arith.addf %parallel_loop3A_651, %parallel_loop3A_689 : vector<16xf32>
        %parallel_loop3A_691 = arith.index_cast %parallel_loop3A_127 : i32 to index
        %parallel_loop3A_692 = arith.constant 688 : index
        %parallel_loop3A_693 = tpu.vector_load %arg14[%parallel_loop3A_691, %parallel_loop3A_692] {strides = array<i32>} : memref<32x768xf32, #tpu.memory_space<vmem>>, vector<16xf32>,
        %parallel_loop3A_694 = arith.index_cast %parallel_loop3A_127 : i32 to index
        %parallel_loop3A_695 = arith.constant 688 : index
        %parallel_loop3A_696 = tpu.vector_load %arg16[%parallel_loop3A_694, %parallel_loop3A_695] {strides = array<i32>} : memref<32x768xf32, #tpu.memory_space<vmem>>, vector<16xf32>,
        %parallel_loop3A_697 = arith.addf %parallel_loop3A_693, %parallel_loop3A_696 : vector<16xf32>
        %parallel_loop3A_698 = arith.index_cast %parallel_loop3A_127 : i32 to index
        %parallel_loop3A_699 = arith.constant 688 : index
        %parallel_loop3A_700 = tpu.vector_load %arg14[%parallel_loop3A_698, %parallel_loop3A_699] {strides = array<i32>} : memref<32x768xf32, #tpu.memory_space<vmem>>, vector<16xf32>,
        tpu.vector_store %arg14[%parallel_loop3A_698, %parallel_loop3A_699], %parallel_loop3A_697 {strides = array<i32>} : memref<32x768xf32, #tpu.memory_space<vmem>>, vector<16xf32>,
        %parallel_loop3A_701 = arith.addf %parallel_loop3A_662, %parallel_loop3A_697 : vector<16xf32>
        %parallel_loop3A_702 = arith.mulf %parallel_loop3A_697, %parallel_loop3A_697 : vector<16xf32>
        %parallel_loop3A_703 = arith.addf %parallel_loop3A_664, %parallel_loop3A_702 : vector<16xf32>
        %parallel_loop3A_704 = arith.index_cast %parallel_loop3A_127 : i32 to index
        %parallel_loop3A_705 = arith.constant 704 : index
        %parallel_loop3A_706 = tpu.vector_load %arg14[%parallel_loop3A_704, %parallel_loop3A_705] {strides = array<i32>} : memref<32x768xf32, #tpu.memory_space<vmem>>, vector<16xf32>,
        %parallel_loop3A_707 = arith.index_cast %parallel_loop3A_127 : i32 to index
        %parallel_loop3A_708 = arith.constant 704 : index
        %parallel_loop3A_709 = tpu.vector_load %arg16[%parallel_loop3A_707, %parallel_loop3A_708] {strides = array<i32>} : memref<32x768xf32, #tpu.memory_space<vmem>>, vector<16xf32>,
        %parallel_loop3A_710 = arith.addf %parallel_loop3A_706, %parallel_loop3A_709 : vector<16xf32>
        %parallel_loop3A_711 = arith.index_cast %parallel_loop3A_127 : i32 to index
        %parallel_loop3A_712 = arith.constant 704 : index
        %parallel_loop3A_713 = tpu.vector_load %arg14[%parallel_loop3A_711, %parallel_loop3A_712] {strides = array<i32>} : memref<32x768xf32, #tpu.memory_space<vmem>>, vector<16xf32>,
        tpu.vector_store %arg14[%parallel_loop3A_711, %parallel_loop3A_712], %parallel_loop3A_710 {strides = array<i32>} : memref<32x768xf32, #tpu.memory_space<vmem>>, vector<16xf32>,
        %parallel_loop3A_714 = arith.addf %parallel_loop3A_675, %parallel_loop3A_710 : vector<16xf32>
        %parallel_loop3A_715 = arith.mulf %parallel_loop3A_710, %parallel_loop3A_710 : vector<16xf32>
        %parallel_loop3A_716 = arith.addf %parallel_loop3A_677, %parallel_loop3A_715 : vector<16xf32>
        %parallel_loop3A_717 = arith.index_cast %parallel_loop3A_127 : i32 to index
        %parallel_loop3A_718 = arith.constant 720 : index
        %parallel_loop3A_719 = tpu.vector_load %arg14[%parallel_loop3A_717, %parallel_loop3A_718] {strides = array<i32>} : memref<32x768xf32, #tpu.memory_space<vmem>>, vector<16xf32>,
        %parallel_loop3A_720 = arith.index_cast %parallel_loop3A_127 : i32 to index
        %parallel_loop3A_721 = arith.constant 720 : index
        %parallel_loop3A_722 = tpu.vector_load %arg16[%parallel_loop3A_720, %parallel_loop3A_721] {strides = array<i32>} : memref<32x768xf32, #tpu.memory_space<vmem>>, vector<16xf32>,
        %parallel_loop3A_723 = arith.addf %parallel_loop3A_719, %parallel_loop3A_722 : vector<16xf32>
        %parallel_loop3A_724 = arith.index_cast %parallel_loop3A_127 : i32 to index
        %parallel_loop3A_725 = arith.constant 720 : index
        %parallel_loop3A_726 = tpu.vector_load %arg14[%parallel_loop3A_724, %parallel_loop3A_725] {strides = array<i32>} : memref<32x768xf32, #tpu.memory_space<vmem>>, vector<16xf32>,
        tpu.vector_store %arg14[%parallel_loop3A_724, %parallel_loop3A_725], %parallel_loop3A_723 {strides = array<i32>} : memref<32x768xf32, #tpu.memory_space<vmem>>, vector<16xf32>,
        %parallel_loop3A_727 = arith.addf %parallel_loop3A_688, %parallel_loop3A_723 : vector<16xf32>
        %parallel_loop3A_728 = arith.mulf %parallel_loop3A_723, %parallel_loop3A_723 : vector<16xf32>
        %parallel_loop3A_729 = arith.addf %parallel_loop3A_690, %parallel_loop3A_728 : vector<16xf32>
        %parallel_loop3A_730 = arith.index_cast %parallel_loop3A_127 : i32 to index
        %parallel_loop3A_731 = arith.constant 736 : index
        %parallel_loop3A_732 = tpu.vector_load %arg14[%parallel_loop3A_730, %parallel_loop3A_731] {strides = array<i32>} : memref<32x768xf32, #tpu.memory_space<vmem>>, vector<16xf32>,
        %parallel_loop3A_733 = arith.index_cast %parallel_loop3A_127 : i32 to index
        %parallel_loop3A_734 = arith.constant 736 : index
        %parallel_loop3A_735 = tpu.vector_load %arg16[%parallel_loop3A_733, %parallel_loop3A_734] {strides = array<i32>} : memref<32x768xf32, #tpu.memory_space<vmem>>, vector<16xf32>,
        %parallel_loop3A_736 = arith.addf %parallel_loop3A_732, %parallel_loop3A_735 : vector<16xf32>
        %parallel_loop3A_737 = arith.index_cast %parallel_loop3A_127 : i32 to index
        %parallel_loop3A_738 = arith.constant 736 : index
        %parallel_loop3A_739 = tpu.vector_load %arg14[%parallel_loop3A_737, %parallel_loop3A_738] {strides = array<i32>} : memref<32x768xf32, #tpu.memory_space<vmem>>, vector<16xf32>,
        tpu.vector_store %arg14[%parallel_loop3A_737, %parallel_loop3A_738], %parallel_loop3A_736 {strides = array<i32>} : memref<32x768xf32, #tpu.memory_space<vmem>>, vector<16xf32>,
        %parallel_loop3A_740 = arith.addf %parallel_loop3A_701, %parallel_loop3A_736 : vector<16xf32>
        %parallel_loop3A_741 = arith.mulf %parallel_loop3A_736, %parallel_loop3A_736 : vector<16xf32>
        %parallel_loop3A_742 = arith.addf %parallel_loop3A_703, %parallel_loop3A_741 : vector<16xf32>
        %parallel_loop3A_743 = arith.index_cast %parallel_loop3A_127 : i32 to index
        %parallel_loop3A_744 = arith.constant 752 : index
        %parallel_loop3A_745 = tpu.vector_load %arg14[%parallel_loop3A_743, %parallel_loop3A_744] {strides = array<i32>} : memref<32x768xf32, #tpu.memory_space<vmem>>, vector<16xf32>,
        %parallel_loop3A_746 = arith.index_cast %parallel_loop3A_127 : i32 to index
        %parallel_loop3A_747 = arith.constant 752 : index
        %parallel_loop3A_748 = tpu.vector_load %arg16[%parallel_loop3A_746, %parallel_loop3A_747] {strides = array<i32>} : memref<32x768xf32, #tpu.memory_space<vmem>>, vector<16xf32>,
        %parallel_loop3A_749 = arith.addf %parallel_loop3A_745, %parallel_loop3A_748 : vector<16xf32>
        %parallel_loop3A_750 = arith.index_cast %parallel_loop3A_127 : i32 to index
        %parallel_loop3A_751 = arith.constant 752 : index
        %parallel_loop3A_752 = tpu.vector_load %arg14[%parallel_loop3A_750, %parallel_loop3A_751] {strides = array<i32>} : memref<32x768xf32, #tpu.memory_space<vmem>>, vector<16xf32>,
        tpu.vector_store %arg14[%parallel_loop3A_750, %parallel_loop3A_751], %parallel_loop3A_749 {strides = array<i32>} : memref<32x768xf32, #tpu.memory_space<vmem>>, vector<16xf32>,
        %parallel_loop3A_753 = arith.addf %parallel_loop3A_714, %parallel_loop3A_749 : vector<16xf32>
        %parallel_loop3A_754 = arith.mulf %parallel_loop3A_749, %parallel_loop3A_749 : vector<16xf32>
        %parallel_loop3A_755 = arith.addf %parallel_loop3A_716, %parallel_loop3A_754 : vector<16xf32>
        %parallel_loop3A_756 = arith.addf %parallel_loop3A_727, %parallel_loop3A_740 : vector<16xf32>
        %parallel_loop3A_757 = arith.addf %parallel_loop3A_756, %parallel_loop3A_753 : vector<16xf32>
        %parallel_loop3A_758 = arith.constant true
        %parallel_loop3A_759 = vector.broadcast %parallel_loop3A_758 : i1 to vector<16xi1>
        %parallel_loop3A_760 = tpu.scan <sum>, %parallel_loop3A_757 masked %parallel_loop3A_759 : vector<16xf32>, vector<16xi1> -> vector<16xf32>
        %parallel_loop3A_761 = vector.extract %parallel_loop3A_760[15] : f32 from vector<16xf32>
        %parallel_loop3A_762 = arith.constant 0.00130208337 : f32
        %parallel_loop3A_763 = arith.mulf %parallel_loop3A_761, %parallel_loop3A_762 : f32
        %parallel_loop3A_764 = arith.addf %parallel_loop3A_729, %parallel_loop3A_742 : vector<16xf32>
        %parallel_loop3A_765 = arith.addf %parallel_loop3A_764, %parallel_loop3A_755 : vector<16xf32>
        %parallel_loop3A_766 = arith.constant true
        %parallel_loop3A_767 = vector.broadcast %parallel_loop3A_766 : i1 to vector<16xi1>
        %parallel_loop3A_768 = tpu.scan <sum>, %parallel_loop3A_765 masked %parallel_loop3A_767 : vector<16xf32>, vector<16xi1> -> vector<16xf32>
        %parallel_loop3A_769 = vector.extract %parallel_loop3A_768[15] : f32 from vector<16xf32>
        %parallel_loop3A_770 = arith.constant 0.00130208337 : f32
        %parallel_loop3A_771 = arith.mulf %parallel_loop3A_769, %parallel_loop3A_770 : f32
        %parallel_loop3A_772 = arith.mulf %parallel_loop3A_763, %parallel_loop3A_763 : f32
        %parallel_loop3A_773 = arith.subf %parallel_loop3A_771, %parallel_loop3A_772 : f32
        %parallel_loop3A_774 = arith.constant 9.99999974E-6 : f32
        %parallel_loop3A_775 = arith.addf %parallel_loop3A_773, %parallel_loop3A_774 : f32
        %parallel_loop3A_776 = arith.bitcast %parallel_loop3A_775 : f32 to i32
        %parallel_loop3A_777 = arith.constant 1 : i32
        %parallel_loop3A_778 = arith.shrui %parallel_loop3A_776, %parallel_loop3A_777 : i32
        %parallel_loop3A_779 = arith.constant 1597463174 : i32
        %parallel_loop3A_780 = arith.subi %parallel_loop3A_779, %parallel_loop3A_778 : i32
        %parallel_loop3A_781 = arith.bitcast %parallel_loop3A_780 : i32 to f32
        %parallel_loop3A_782 = arith.constant 5.000000e-01 : f32
        %parallel_loop3A_783 = arith.mulf %parallel_loop3A_782, %parallel_loop3A_775 : f32
        %parallel_loop3A_784 = arith.mulf %parallel_loop3A_783, %parallel_loop3A_781 : f32
        %parallel_loop3A_785 = arith.mulf %parallel_loop3A_784, %parallel_loop3A_781 : f32
        %parallel_loop3A_786 = arith.constant 1.500000e+00 : f32
        %parallel_loop3A_787 = arith.subf %parallel_loop3A_786, %parallel_loop3A_785 : f32
        %parallel_loop3A_788 = arith.mulf %parallel_loop3A_781, %parallel_loop3A_787 : f32
        %parallel_loop3A_789 = arith.constant 5.000000e-01 : f32
        %parallel_loop3A_790 = arith.mulf %parallel_loop3A_789, %parallel_loop3A_775 : f32
        %parallel_loop3A_791 = arith.mulf %parallel_loop3A_790, %parallel_loop3A_788 : f32
        %parallel_loop3A_792 = arith.mulf %parallel_loop3A_791, %parallel_loop3A_788 : f32
        %parallel_loop3A_793 = arith.constant 1.500000e+00 : f32
        %parallel_loop3A_794 = arith.subf %parallel_loop3A_793, %parallel_loop3A_792 : f32
        %parallel_loop3A_795 = arith.mulf %parallel_loop3A_788, %parallel_loop3A_794 : f32
        %parallel_loop3A_796 = arith.constant 2 : i32
        %parallel_loop3A_797 = arith.muli %parallel_loop3A_796, %parallel_loop3A_127 : i32
        %parallel_loop3A_798 = arith.index_cast %parallel_loop3A_797 : i32 to index
        %parallel_loop3A_799 = memref.load %arg19[%parallel_loop3A_798] : memref<64xf32, #tpu.memory_space<smem>>
        memref.store %parallel_loop3A_763, %arg19[%parallel_loop3A_798] : memref<64xf32, #tpu.memory_space<smem>>
        %parallel_loop3A_800 = arith.constant 2 : i32
        %parallel_loop3A_801 = arith.muli %parallel_loop3A_800, %parallel_loop3A_127 : i32
        %parallel_loop3A_802 = arith.constant 1 : i32
        %parallel_loop3A_803 = arith.addi %parallel_loop3A_801, %parallel_loop3A_802 : i32
        %parallel_loop3A_804 = arith.index_cast %parallel_loop3A_803 : i32 to index
        %parallel_loop3A_805 = memref.load %arg19[%parallel_loop3A_804] : memref<64xf32, #tpu.memory_space<smem>>
        memref.store %parallel_loop3A_795, %arg19[%parallel_loop3A_804] : memref<64xf32, #tpu.memory_space<smem>>
      } {sc.loop_unroll_factor = 2 : i64, sc.parallel_access}
      %add3A_110 = arith.constant 1 : i32
      %add3A_111 = arith.addi %add3A_90, %add3A_110 : i32
      %lt3A_112 = arith.constant 64 : i32
      %lt3A_113 = arith.cmpi slt, %add3A_111, %lt3A_112 : i32
      %convert_element_type3A_114 = arith.extui %lt3A_113 : i1 to i32
      %cond3A_115 = arith.constant 0 : i32
      %cond3A_116 = arith.cmpi ne, %convert_element_type3A_114, %cond3A_115 : i32
      scf.if %cond3A_116 {
        %ge3A = arith.constant 1 : i32
        %ge3A_127 = arith.cmpi sge, %add3A_90, %ge3A : i32
        %convert_element_type3A_128 = arith.extui %ge3A_127 : i1 to i32
        %cond3A_129 = arith.constant 0 : i32
        %cond3A_130 = arith.cmpi ne, %convert_element_type3A_128, %cond3A_129 : i32
        scf.if %cond3A_130 {
          %sub3A = arith.constant 1 : i32
          %sub3A_172 = arith.subi %add3A_90, %sub3A : i32
          %mul3A_173 = arith.constant 32 : i32
          %mul3A_174 = arith.muli %sub3A_172, %mul3A_173 : i32
          %add3A_175 = arith.addi %mul3A_2, %mul3A_174 : i32
          %dma_wait3A_176 = arith.constant 0 : i32
          %dma_wait3A_177 = tpu.memref_slice %arg8[%add3A_175, %dma_wait3A_176] : memref<65536x768xf32, #tpu.memory_space<hbm>> -> memref<32x768xf32, #tpu.memory_space<hbm>>
          %dma_wait3A_178 = arith.constant 0 : i32
          %dma_wait3A_179 = tpu.memref_slice %arg8[%add3A_175, %dma_wait3A_178] : memref<65536x768xf32, #tpu.memory_space<hbm>> -> memref<32x768xf32, #tpu.memory_space<hbm>>
          tpu.wait_dma2 semaphore(%arg24 : memref<!tpu.dma_semaphore, #tpu.memory_space<semaphore_mem>>) src(%arg15 : memref<32x768xf32, #tpu.memory_space<vmem>>) dst(%dma_wait3A_179 : memref<32x768xf32, #tpu.memory_space<hbm>>)
        } else {
        }
        %add3A_131 = arith.constant 1 : i32
        %add3A_132 = arith.addi %add3A_90, %add3A_131 : i32
        %rem3A_133 = arith.constant 16 : i32
        %rem3A_134 = arith.remsi %add3A_132, %rem3A_133 : i32
        %mul3A_135 = arith.constant 32 : i32
        %mul3A_136 = arith.muli %rem3A_134, %mul3A_135 : i32
        %mul3A_137 = arith.constant 32 : i32
        %mul3A_138 = arith.muli %add3A_132, %mul3A_137 : i32
        %add3A_139 = arith.constant 0 : i32
        %add3A_140 = arith.addi %mul3A_138, %add3A_139 : i32
        %get3A_141 = arith.index_cast %add3A_140 : i32 to index
        %get3A_142 = tpu.vector_load %arg10[%get3A_141] {strides = array<i32>} : memref<2048xi32, #tpu.memory_space<vmem>>, vector<16xi32>,
        %mul3A_143 = arith.constant 512 : i32
        %mul3A_144 = vector.broadcast %mul3A_143 : i32 to vector<16xi32>
        %mul3A_145 = arith.muli %get3A_142, %mul3A_144 : vector<16xi32>
        %add3A_146 = arith.constant 0 : i32
        %add3A_147 = arith.addi %mul3A_136, %add3A_146 : i32
        %add3A_148 = vector.broadcast %add3A_147 : i32 to vector<16xi32>
        %add3A_149 = arith.addi %mul3A_145, %add3A_148 : vector<16xi32>
        %add3A_150 = arith.addi %add3A_149, %iota3A : vector<16xi32>
        %swap3A_151 = arith.constant 0 : index
        %swap3A_152 = tpu.vector_load %arg11[%swap3A_151] {strides = array<i32>} : memref<32xi32, #tpu.memory_space<vmem>>, vector<16xi32>,
        tpu.vector_store %arg11[%swap3A_151], %add3A_150 {strides = array<i32>} : memref<32xi32, #tpu.memory_space<vmem>>, vector<16xi32>,
        %mul3A_153 = arith.constant 32 : i32
        %mul3A_154 = arith.muli %add3A_132, %mul3A_153 : i32
        %add3A_155 = arith.constant 16 : i32
        %add3A_156 = arith.addi %mul3A_154, %add3A_155 : i32
        %get3A_157 = arith.index_cast %add3A_156 : i32 to index
        %get3A_158 = tpu.vector_load %arg10[%get3A_157] {strides = array<i32>} : memref<2048xi32, #tpu.memory_space<vmem>>, vector<16xi32>,
        %mul3A_159 = arith.constant 512 : i32
        %mul3A_160 = vector.broadcast %mul3A_159 : i32 to vector<16xi32>
        %mul3A_161 = arith.muli %get3A_158, %mul3A_160 : vector<16xi32>
        %add3A_162 = arith.constant 16 : i32
        %add3A_163 = arith.addi %mul3A_136, %add3A_162 : i32
        %add3A_164 = vector.broadcast %add3A_163 : i32 to vector<16xi32>
        %add3A_165 = arith.addi %mul3A_161, %add3A_164 : vector<16xi32>
        %add3A_166 = arith.addi %add3A_165, %iota3A : vector<16xi32>
        %swap3A_167 = arith.constant 16 : index
        %swap3A_168 = tpu.vector_load %arg11[%swap3A_167] {strides = array<i32>} : memref<32xi32, #tpu.memory_space<vmem>>, vector<16xi32>,
        tpu.vector_store %arg11[%swap3A_167], %add3A_166 {strides = array<i32>} : memref<32xi32, #tpu.memory_space<vmem>>, vector<16xi32>,
        %dma_start3A_169 = arith.constant 0 : i32
        %dma_start3A_170 = arith.constant 0 : i32
        %dma_start3A_171 = tpu.memref_slice %arg5[%dma_start3A_169, %dma_start3A_170] : memref<1024x768xf32, #tpu.memory_space<hbm>> -> memref<1024x768xf32, #tpu.memory_space<hbm>>
        tpu.enqueue_indirect_dma source(%dma_start3A_171 : memref<1024x768xf32, #tpu.memory_space<hbm>>) target(%arg15 : memref<32x768xf32, #tpu.memory_space<vmem>>) offsets(%arg11 : memref<32xi32, #tpu.memory_space<vmem>>) semaphore(%arg22 : memref<!tpu.dma_semaphore, #tpu.memory_space<semaphore_mem>>)
      } else {
      }
      %parallel_loop3A_117 = arith.constant 0 : i32
      %parallel_loop3A_118 = arith.constant 384 : i32
      %parallel_loop3A_119 = arith.constant 1 : i32
      scf.for %parallel_loop3A_127 = %parallel_loop3A_117 to %parallel_loop3A_118 step %parallel_loop3A_119  : i32 {
        %parallel_loop3A_128 = arith.constant 8 : i32
        %parallel_loop3A_129 = arith.divsi %parallel_loop3A_127, %parallel_loop3A_128 : i32
        %parallel_loop3A_130 = arith.constant 0 : i32
        %parallel_loop3A_131 = arith.cmpi sgt, %parallel_loop3A_127, %parallel_loop3A_130 : i32
        %parallel_loop3A_132 = arith.extui %parallel_loop3A_131 : i1 to i32
        %parallel_loop3A_133 = arith.constant 0 : i32
        %parallel_loop3A_134 = arith.cmpi slt, %parallel_loop3A_127, %parallel_loop3A_133 : i32
        %parallel_loop3A_135 = arith.extui %parallel_loop3A_134 : i1 to i32
        %parallel_loop3A_136 = arith.subi %parallel_loop3A_132, %parallel_loop3A_135 : i32
        %parallel_loop3A_137 = arith.constant 0 : i32
        %parallel_loop3A_138 = arith.cmpi sgt, %parallel_loop3A_128, %parallel_loop3A_137 : i32
        %parallel_loop3A_139 = arith.extui %parallel_loop3A_138 : i1 to i32
        %parallel_loop3A_140 = arith.constant 0 : i32
        %parallel_loop3A_141 = arith.cmpi slt, %parallel_loop3A_128, %parallel_loop3A_140 : i32
        %parallel_loop3A_142 = arith.extui %parallel_loop3A_141 : i1 to i32
        %parallel_loop3A_143 = arith.subi %parallel_loop3A_139, %parallel_loop3A_142 : i32
        %parallel_loop3A_144 = arith.cmpi ne, %parallel_loop3A_136, %parallel_loop3A_143 : i32
        %parallel_loop3A_145 = arith.remsi %parallel_loop3A_127, %parallel_loop3A_128 : i32
        %parallel_loop3A_146 = arith.constant 0 : i32
        %parallel_loop3A_147 = arith.cmpi ne, %parallel_loop3A_145, %parallel_loop3A_146 : i32
        %parallel_loop3A_148 = arith.andi %parallel_loop3A_144, %parallel_loop3A_147 : i1
        %parallel_loop3A_149 = arith.constant 1 : i32
        %parallel_loop3A_150 = arith.subi %parallel_loop3A_129, %parallel_loop3A_149 : i32
        %parallel_loop3A_151 = arith.select %parallel_loop3A_148, %parallel_loop3A_150, %parallel_loop3A_129 : i32
        %parallel_loop3A_152 = arith.constant 8 : i32
        %parallel_loop3A_153 = arith.remsi %parallel_loop3A_127, %parallel_loop3A_152 : i32
        %parallel_loop3A_154 = arith.constant 16 : i32
        %parallel_loop3A_155 = arith.muli %parallel_loop3A_151, %parallel_loop3A_154 : i32
        %parallel_loop3A_156 = arith.index_cast %parallel_loop3A_155 : i32 to index
        %parallel_loop3A_157 = tpu.vector_load %arg17[%parallel_loop3A_156] {strides = array<i32>} : memref<768xf32, #tpu.memory_space<vmem>>, vector<16xf32>,
        %parallel_loop3A_158 = arith.index_cast %parallel_loop3A_155 : i32 to index
        %parallel_loop3A_159 = tpu.vector_load %arg18[%parallel_loop3A_158] {strides = array<i32>} : memref<768xf32, #tpu.memory_space<vmem>>, vector<16xf32>,
        %parallel_loop3A_160 = arith.constant 4 : i32
        %parallel_loop3A_161 = arith.muli %parallel_loop3A_160, %parallel_loop3A_153 : i32
        %parallel_loop3A_162 = arith.constant 0 : i32
        %parallel_loop3A_163 = arith.addi %parallel_loop3A_161, %parallel_loop3A_162 : i32
        %parallel_loop3A_164 = arith.constant 2 : i32
        %parallel_loop3A_165 = arith.muli %parallel_loop3A_164, %parallel_loop3A_163 : i32
        %parallel_loop3A_166 = arith.index_cast %parallel_loop3A_165 : i32 to index
        %parallel_loop3A_167 = memref.load %arg19[%parallel_loop3A_166] : memref<64xf32, #tpu.memory_space<smem>>
        %parallel_loop3A_168 = arith.constant 2 : i32
        %parallel_loop3A_169 = arith.muli %parallel_loop3A_168, %parallel_loop3A_163 : i32
        %parallel_loop3A_170 = arith.constant 1 : i32
        %parallel_loop3A_171 = arith.addi %parallel_loop3A_169, %parallel_loop3A_170 : i32
        %parallel_loop3A_172 = arith.index_cast %parallel_loop3A_171 : i32 to index
        %parallel_loop3A_173 = memref.load %arg19[%parallel_loop3A_172] : memref<64xf32, #tpu.memory_space<smem>>
        %parallel_loop3A_174 = arith.index_cast %parallel_loop3A_163 : i32 to index
        %parallel_loop3A_175 = arith.index_cast %parallel_loop3A_155 : i32 to index
        %parallel_loop3A_176 = tpu.vector_load %arg14[%parallel_loop3A_174, %parallel_loop3A_175] {strides = array<i32>} : memref<32x768xf32, #tpu.memory_space<vmem>>, vector<16xf32>,
        %parallel_loop3A_177 = vector.broadcast %parallel_loop3A_167 : f32 to vector<16xf32>
        %parallel_loop3A_178 = arith.subf %parallel_loop3A_176, %parallel_loop3A_177 : vector<16xf32>
        %parallel_loop3A_179 = vector.broadcast %parallel_loop3A_173 : f32 to vector<16xf32>
        %parallel_loop3A_180 = arith.mulf %parallel_loop3A_178, %parallel_loop3A_179 : vector<16xf32>
        %parallel_loop3A_181 = arith.mulf %parallel_loop3A_180, %parallel_loop3A_157 : vector<16xf32>
        %parallel_loop3A_182 = arith.addf %parallel_loop3A_181, %parallel_loop3A_159 : vector<16xf32>
        %parallel_loop3A_183 = arith.index_cast %parallel_loop3A_163 : i32 to index
        %parallel_loop3A_184 = arith.index_cast %parallel_loop3A_155 : i32 to index
        %parallel_loop3A_185 = tpu.vector_load %arg16[%parallel_loop3A_183, %parallel_loop3A_184] {strides = array<i32>} : memref<32x768xf32, #tpu.memory_space<vmem>>, vector<16xf32>,
        tpu.vector_store %arg16[%parallel_loop3A_183, %parallel_loop3A_184], %parallel_loop3A_182 {strides = array<i32>} : memref<32x768xf32, #tpu.memory_space<vmem>>, vector<16xf32>,
        %parallel_loop3A_186 = arith.constant 4 : i32
        %parallel_loop3A_187 = arith.muli %parallel_loop3A_186, %parallel_loop3A_153 : i32
        %parallel_loop3A_188 = arith.constant 1 : i32
        %parallel_loop3A_189 = arith.addi %parallel_loop3A_187, %parallel_loop3A_188 : i32
        %parallel_loop3A_190 = arith.constant 2 : i32
        %parallel_loop3A_191 = arith.muli %parallel_loop3A_190, %parallel_loop3A_189 : i32
        %parallel_loop3A_192 = arith.index_cast %parallel_loop3A_191 : i32 to index
        %parallel_loop3A_193 = memref.load %arg19[%parallel_loop3A_192] : memref<64xf32, #tpu.memory_space<smem>>
        %parallel_loop3A_194 = arith.constant 2 : i32
        %parallel_loop3A_195 = arith.muli %parallel_loop3A_194, %parallel_loop3A_189 : i32
        %parallel_loop3A_196 = arith.constant 1 : i32
        %parallel_loop3A_197 = arith.addi %parallel_loop3A_195, %parallel_loop3A_196 : i32
        %parallel_loop3A_198 = arith.index_cast %parallel_loop3A_197 : i32 to index
        %parallel_loop3A_199 = memref.load %arg19[%parallel_loop3A_198] : memref<64xf32, #tpu.memory_space<smem>>
        %parallel_loop3A_200 = arith.index_cast %parallel_loop3A_189 : i32 to index
        %parallel_loop3A_201 = arith.index_cast %parallel_loop3A_155 : i32 to index
        %parallel_loop3A_202 = tpu.vector_load %arg14[%parallel_loop3A_200, %parallel_loop3A_201] {strides = array<i32>} : memref<32x768xf32, #tpu.memory_space<vmem>>, vector<16xf32>,
        %parallel_loop3A_203 = vector.broadcast %parallel_loop3A_193 : f32 to vector<16xf32>
        %parallel_loop3A_204 = arith.subf %parallel_loop3A_202, %parallel_loop3A_203 : vector<16xf32>
        %parallel_loop3A_205 = vector.broadcast %parallel_loop3A_199 : f32 to vector<16xf32>
        %parallel_loop3A_206 = arith.mulf %parallel_loop3A_204, %parallel_loop3A_205 : vector<16xf32>
        %parallel_loop3A_207 = arith.mulf %parallel_loop3A_206, %parallel_loop3A_157 : vector<16xf32>
        %parallel_loop3A_208 = arith.addf %parallel_loop3A_207, %parallel_loop3A_159 : vector<16xf32>
        %parallel_loop3A_209 = arith.index_cast %parallel_loop3A_189 : i32 to index
        %parallel_loop3A_210 = arith.index_cast %parallel_loop3A_155 : i32 to index
        %parallel_loop3A_211 = tpu.vector_load %arg16[%parallel_loop3A_209, %parallel_loop3A_210] {strides = array<i32>} : memref<32x768xf32, #tpu.memory_space<vmem>>, vector<16xf32>,
        tpu.vector_store %arg16[%parallel_loop3A_209, %parallel_loop3A_210], %parallel_loop3A_208 {strides = array<i32>} : memref<32x768xf32, #tpu.memory_space<vmem>>, vector<16xf32>,
        %parallel_loop3A_212 = arith.constant 4 : i32
        %parallel_loop3A_213 = arith.muli %parallel_loop3A_212, %parallel_loop3A_153 : i32
        %parallel_loop3A_214 = arith.constant 2 : i32
        %parallel_loop3A_215 = arith.addi %parallel_loop3A_213, %parallel_loop3A_214 : i32
        %parallel_loop3A_216 = arith.constant 2 : i32
        %parallel_loop3A_217 = arith.muli %parallel_loop3A_216, %parallel_loop3A_215 : i32
        %parallel_loop3A_218 = arith.index_cast %parallel_loop3A_217 : i32 to index
        %parallel_loop3A_219 = memref.load %arg19[%parallel_loop3A_218] : memref<64xf32, #tpu.memory_space<smem>>
        %parallel_loop3A_220 = arith.constant 2 : i32
        %parallel_loop3A_221 = arith.muli %parallel_loop3A_220, %parallel_loop3A_215 : i32
        %parallel_loop3A_222 = arith.constant 1 : i32
        %parallel_loop3A_223 = arith.addi %parallel_loop3A_221, %parallel_loop3A_222 : i32
        %parallel_loop3A_224 = arith.index_cast %parallel_loop3A_223 : i32 to index
        %parallel_loop3A_225 = memref.load %arg19[%parallel_loop3A_224] : memref<64xf32, #tpu.memory_space<smem>>
        %parallel_loop3A_226 = arith.index_cast %parallel_loop3A_215 : i32 to index
        %parallel_loop3A_227 = arith.index_cast %parallel_loop3A_155 : i32 to index
        %parallel_loop3A_228 = tpu.vector_load %arg14[%parallel_loop3A_226, %parallel_loop3A_227] {strides = array<i32>} : memref<32x768xf32, #tpu.memory_space<vmem>>, vector<16xf32>,
        %parallel_loop3A_229 = vector.broadcast %parallel_loop3A_219 : f32 to vector<16xf32>
        %parallel_loop3A_230 = arith.subf %parallel_loop3A_228, %parallel_loop3A_229 : vector<16xf32>
        %parallel_loop3A_231 = vector.broadcast %parallel_loop3A_225 : f32 to vector<16xf32>
        %parallel_loop3A_232 = arith.mulf %parallel_loop3A_230, %parallel_loop3A_231 : vector<16xf32>
        %parallel_loop3A_233 = arith.mulf %parallel_loop3A_232, %parallel_loop3A_157 : vector<16xf32>
        %parallel_loop3A_234 = arith.addf %parallel_loop3A_233, %parallel_loop3A_159 : vector<16xf32>
        %parallel_loop3A_235 = arith.index_cast %parallel_loop3A_215 : i32 to index
        %parallel_loop3A_236 = arith.index_cast %parallel_loop3A_155 : i32 to index
        %parallel_loop3A_237 = tpu.vector_load %arg16[%parallel_loop3A_235, %parallel_loop3A_236] {strides = array<i32>} : memref<32x768xf32, #tpu.memory_space<vmem>>, vector<16xf32>,
        tpu.vector_store %arg16[%parallel_loop3A_235, %parallel_loop3A_236], %parallel_loop3A_234 {strides = array<i32>} : memref<32x768xf32, #tpu.memory_space<vmem>>, vector<16xf32>,
        %parallel_loop3A_238 = arith.constant 4 : i32
        %parallel_loop3A_239 = arith.muli %parallel_loop3A_238, %parallel_loop3A_153 : i32
        %parallel_loop3A_240 = arith.constant 3 : i32
        %parallel_loop3A_241 = arith.addi %parallel_loop3A_239, %parallel_loop3A_240 : i32
        %parallel_loop3A_242 = arith.constant 2 : i32
        %parallel_loop3A_243 = arith.muli %parallel_loop3A_242, %parallel_loop3A_241 : i32
        %parallel_loop3A_244 = arith.index_cast %parallel_loop3A_243 : i32 to index
        %parallel_loop3A_245 = memref.load %arg19[%parallel_loop3A_244] : memref<64xf32, #tpu.memory_space<smem>>
        %parallel_loop3A_246 = arith.constant 2 : i32
        %parallel_loop3A_247 = arith.muli %parallel_loop3A_246, %parallel_loop3A_241 : i32
        %parallel_loop3A_248 = arith.constant 1 : i32
        %parallel_loop3A_249 = arith.addi %parallel_loop3A_247, %parallel_loop3A_248 : i32
        %parallel_loop3A_250 = arith.index_cast %parallel_loop3A_249 : i32 to index
        %parallel_loop3A_251 = memref.load %arg19[%parallel_loop3A_250] : memref<64xf32, #tpu.memory_space<smem>>
        %parallel_loop3A_252 = arith.index_cast %parallel_loop3A_241 : i32 to index
        %parallel_loop3A_253 = arith.index_cast %parallel_loop3A_155 : i32 to index
        %parallel_loop3A_254 = tpu.vector_load %arg14[%parallel_loop3A_252, %parallel_loop3A_253] {strides = array<i32>} : memref<32x768xf32, #tpu.memory_space<vmem>>, vector<16xf32>,
        %parallel_loop3A_255 = vector.broadcast %parallel_loop3A_245 : f32 to vector<16xf32>
        %parallel_loop3A_256 = arith.subf %parallel_loop3A_254, %parallel_loop3A_255 : vector<16xf32>
        %parallel_loop3A_257 = vector.broadcast %parallel_loop3A_251 : f32 to vector<16xf32>
        %parallel_loop3A_258 = arith.mulf %parallel_loop3A_256, %parallel_loop3A_257 : vector<16xf32>
        %parallel_loop3A_259 = arith.mulf %parallel_loop3A_258, %parallel_loop3A_157 : vector<16xf32>
        %parallel_loop3A_260 = arith.addf %parallel_loop3A_259, %parallel_loop3A_159 : vector<16xf32>
        %parallel_loop3A_261 = arith.index_cast %parallel_loop3A_241 : i32 to index
        %parallel_loop3A_262 = arith.index_cast %parallel_loop3A_155 : i32 to index
        %parallel_loop3A_263 = tpu.vector_load %arg16[%parallel_loop3A_261, %parallel_loop3A_262] {strides = array<i32>} : memref<32x768xf32, #tpu.memory_space<vmem>>, vector<16xf32>,
        tpu.vector_store %arg16[%parallel_loop3A_261, %parallel_loop3A_262], %parallel_loop3A_260 {strides = array<i32>} : memref<32x768xf32, #tpu.memory_space<vmem>>, vector<16xf32>,
      } {sc.loop_unroll_factor = 2 : i64, sc.parallel_access}
      %mul3A_120 = arith.constant 32 : i32
      %mul3A_121 = arith.muli %add3A_90, %mul3A_120 : i32
      %add3A_122 = arith.addi %mul3A_2, %mul3A_121 : i32
      %dma_start3A_123 = arith.constant 0 : i32
      %dma_start3A_124 = tpu.memref_slice %arg8[%add3A_122, %dma_start3A_123] : memref<65536x768xf32, #tpu.memory_space<hbm>> -> memref<32x768xf32, #tpu.memory_space<hbm>>
      %dma_start3A_125 = arith.constant 0 : i32
      %dma_start3A_126 = tpu.memref_slice %arg8[%add3A_122, %dma_start3A_125] : memref<65536x768xf32, #tpu.memory_space<hbm>> -> memref<32x768xf32, #tpu.memory_space<hbm>>
      tpu.enqueue_dma source(%arg16 : memref<32x768xf32, #tpu.memory_space<vmem>>) target(%dma_start3A_126 : memref<32x768xf32, #tpu.memory_space<hbm>>) target_semaphore(%arg25 : memref<!tpu.dma_semaphore, #tpu.memory_space<semaphore_mem>>)
    }
    %scan3A_40 = arith.constant 32 : i32
    %add3A_41 = arith.constant 1984 : i32
    %add3A_42 = arith.addi %mul3A_2, %add3A_41 : i32
    %dma_wait3A = arith.constant 0 : i32
    %dma_wait3A_43 = tpu.memref_slice %arg8[%add3A_42, %dma_wait3A] : memref<65536x768xf32, #tpu.memory_space<hbm>> -> memref<32x768xf32, #tpu.memory_space<hbm>>
    %dma_wait3A_44 = arith.constant 0 : i32
    %dma_wait3A_45 = tpu.memref_slice %arg8[%add3A_42, %dma_wait3A_44] : memref<65536x768xf32, #tpu.memory_space<hbm>> -> memref<32x768xf32, #tpu.memory_space<hbm>>
    tpu.wait_dma2 semaphore(%arg24 : memref<!tpu.dma_semaphore, #tpu.memory_space<semaphore_mem>>) src(%arg15 : memref<32x768xf32, #tpu.memory_space<vmem>>) dst(%dma_wait3A_45 : memref<32x768xf32, #tpu.memory_space<hbm>>)
    %add3A_46 = arith.constant 2016 : i32
    %add3A_47 = arith.addi %mul3A_2, %add3A_46 : i32
    %dma_wait3A_48 = arith.constant 0 : i32
    %dma_wait3A_49 = tpu.memref_slice %arg8[%add3A_47, %dma_wait3A_48] : memref<65536x768xf32, #tpu.memory_space<hbm>> -> memref<32x768xf32, #tpu.memory_space<hbm>>
    %dma_wait3A_50 = arith.constant 0 : i32
    %dma_wait3A_51 = tpu.memref_slice %arg8[%add3A_47, %dma_wait3A_50] : memref<65536x768xf32, #tpu.memory_space<hbm>> -> memref<32x768xf32, #tpu.memory_space<hbm>>
    tpu.wait_dma2 semaphore(%arg25 : memref<!tpu.dma_semaphore, #tpu.memory_space<semaphore_mem>>) src(%arg16 : memref<32x768xf32, #tpu.memory_space<vmem>>) dst(%dma_wait3A_51 : memref<32x768xf32, #tpu.memory_space<hbm>>)
    return
  }
}

</mosaic_0001>

<sc_bundles>
// kernel: _run.3.cloned.1.call-start
scs
__scs_entry_jumppad:
0x0: {  	(pc) =	sbr.rel $0x88, $3  }
0x1: {  	(tag) =	ssettag $0x0;
	lr =	simm.s32 $0x1  }
0x2: {  	[smem:$0x3F9B] =	sst lr;
	_ =	strace $0xD0000000  }
0x3: {  	_ = 	snop  }
0x4: {  	_ = 	snop  }
0x5: {  	_ = 	snop  }
0x6: {  	_ = 	snop  }
0x7: {  	_ = 	snop  }
__scs_overlays_trampoline_lowered:
0x8: {  	[smem:$0x3FAA] =	sst s0  }
0x9: {  	[smem:$0x3FAB] =	sst s1  }
0xa: {  	[smem:$0x3FAC] =	sst s2  }
0xb: {  	[smem:$0x3FAD] =	sst s3  }
0xc: {  	[smem:$0x3FAE] =	sst s4  }
0xd: {  	[smem:$0x3FAF] =	sst s5  }
0xe: {  	[smem:$0x3FB0] =	sst s6  }
0xf: {  	[smem:$0x3FB1] =	sst s7  }
0x10: {  	[smem:$0x3FB2] =	sst s8  }
0x11: {  	[smem:$0x3FB3] =	sst s9;
	s0 =	simm.s32 @!p0 $0x0  }
0x12: {  	s1 =	sld [smem:$0x3F99];
	s0 =	simm.s32 @p0 $0x1  }
0x13: {  	[smem:$0x3FB4] =	sst s0;
	s0 =	simm.s32 @!p1 $0x0  }
0x14: {  	s2 =	sld [smem:$0x3F98];
	s0 =	simm.s32 @p1 $0x1  }
0x15: {  	[smem:$0x3FB5] =	sst s0;
	s0 =	simm.s32 @!p2 $0x0  }
0x16: {  	s3 =	sld [smem:$0x3FDB];
	s0 =	simm.s32 @p2 $0x1  }
0x17: {  	s4 =	simm.s32 $0x1BF5;
	[smem:$0x3FB7] =	sst s0  }
0x18: {  	s0 =	sld [smem:$0x3F9A];
	_ =	swait.ge [sflag:s4], $0x0  }
0x19: {  	s7 =	sld [smem:$0x3F9B]  }
0x1a: {  	s8 =	sadd.s32 $0xFFFFE003, lr  }
0x1b: {  	s9 =	sadd.s32 $0xFFFFFEF7, lr;
	s5 =	simm.s32 $0xFFFFFFFF;
	p2 =	slt.u32 s8, $0xFFFFF086  }
0x1c: {  	p1 =	slt.u32 s9, $0xF7A;
	s5 =	simm.s32 @!p2 $0x0  }
0x1d: {  	s5 =	simm.s32 @p1 $0x1;
	p0 =	seq.s32 s7, s2  }
0x1e: {  	s7 =	smul.u32 @!p0 $0xF7A, s2;
	p2 =	seq.s32 @!p0 s5, $0x0  }
0x1f: {  	s9 =	smul.u32 $0xF7A, s1;
	s8 =	simm.s32 @!p0 $0x1BF5;
	p2 =	por !p2, p0  }
0x20: {  	[sflag:s8] =	ssyncset.s32 @!p0 $0xFFFFF086;
	s6 =	sadd.s32 @!p0 s3, s7;
	s7 =	simm.s32 @!p0 $0x108  }
0x21: {  	s3 =	sadd.s32 s3, s9;
	s6 =	sadd.s32 @!p0 $0x88, s6;
	s7 =	simm.s32 @p2 $0x1082  }
0x22: {  	[simem:s7], [sflag:s8] =	dma.local @!p0 [hbm:s6], $0xF7A  }
0x23: {  	s9 =	sor.u32 $0xD0000000, s2;
	s6 =	simm.s32 $0x108;
	_ =	swait.ge @!p0 [sflag:s8], $0x0  }
0x24: {  	s3 =	sadd.s32 $0x88, s3;
	s6 =	simm.s32 @!p1 $0x1082;
	[sflag:s4] =	ssyncset.s32 $0xFFFFF086  }
0x25: {  	[simem:s6], [sflag:s4] =	dma.local [hbm:s3], $0xF7A  }
0x26: {  	[smem:$0x3F9B] =	sst s1;
	(tag) =	ssettag s2;
	_ =	strace s9  }
0x27: {  	s1 =	sld [smem:$0x3FAB]  }
0x28: {  	s2 =	sld [smem:$0x3FAC]  }
0x29: {  	s4 =	sld [smem:$0x3FAE]  }
0x2a: {  	p0 =	seq.s32 s5, $0x0;
	s5 =	sld [smem:$0x3FAF]  }
0x2b: {  	s6 =	sld [smem:$0x3FB0]  }
0x2c: {  	s7 =	sld [smem:$0x3FB1]  }
0x2d: {  	s3 =	simm.s32 $0x108;
	s8 =	sld [smem:$0x3FB2]  }
0x2e: {  	s3 =	simm.s32 @!p0 $0x1082;
	s9 =	sld [smem:$0x3FB3]  }
0x2f: {  	lr =	sadd.s32 s0, s3;
	s0 =	sld [smem:$0x3FAA]  }
0x30: {  	s3 =	sld [smem:$0x3FAD]  }
0x31: {  	[smem:$0x3FB6] =	sst s10  }
0x32: {  	s10 =	sld [smem:$0x3FB4];
	_ =	sdelay $0x3  }
0x33: {  	p0 =	seq.s32 s10, $0x1;
	s10 =	sld [smem:$0x3FB6];
	_ =	sdelay $0x3  }
0x34: {  	[smem:$0x3FB6] =	sst s10  }
0x35: {  	s10 =	sld [smem:$0x3FB5];
	_ =	sdelay $0x3  }
0x36: {  	p1 =	seq.s32 s10, $0x1;
	s10 =	sld [smem:$0x3FB6];
	_ =	sdelay $0x3  }
0x37: {  	[smem:$0x3FB6] =	sst s10  }
0x38: {  	s10 =	sld [smem:$0x3FB7]  }
0x39: {  	_ = 	snop;
	(pc) =	sbr.ind lr, $3  }
0x3a: {  	_ = 	snop  }
0x3b: {  	_ = 	snop  }
0x3c: {  	p2 =	seq.s32 s10, $0x1;
	s10 =	sld [smem:$0x3FB6]  }
0x3d: {  	_ =	shalt  }
0x3e: {  	_ =	shalt  }
0x3f: {  	_ =	shalt  }
0x40: {  	_ =	shalt  }
0x41: {  	_ =	shalt  }
0x42: {  	_ =	shalt  }
0x43: {  	_ =	shalt  }
0x44: {  	_ =	shalt  }
0x45: {  	_ =	shalt  }
0x46: {  	_ =	shalt  }
0x47: {  	_ =	shalt  }
0x48: {  	_ =	shalt  }
0x49: {  	_ =	shalt  }
0x4a: {  	_ =	shalt  }
0x4b: {  	_ =	shalt  }
0x4c: {  	_ =	shalt  }
0x4d: {  	_ =	shalt  }
0x4e: {  	_ =	shalt  }
0x4f: {  	_ =	shalt  }
0x50: {  	_ =	shalt  }
0x51: {  	_ =	shalt  }
0x52: {  	_ =	shalt  }
0x53: {  	_ =	shalt  }
0x54: {  	_ =	shalt  }
0x55: {  	_ =	shalt  }
0x56: {  	_ =	shalt  }
0x57: {  	_ =	shalt  }
0x58: {  	_ =	shalt  }
0x59: {  	_ =	shalt  }
0x5a: {  	_ =	shalt  }
0x5b: {  	_ =	shalt  }
0x5c: {  	_ =	shalt  }
0x5d: {  	_ =	shalt  }
0x5e: {  	_ =	shalt  }
0x5f: {  	_ =	shalt  }
0x60: {  	_ =	shalt  }
0x61: {  	_ =	shalt  }
0x62: {  	_ =	shalt  }
0x63: {  	_ =	shalt  }
0x64: {  	_ =	shalt  }
0x65: {  	_ =	shalt  }
0x66: {  	_ =	shalt  }
0x67: {  	_ =	shalt  }
0x68: {  	_ =	shalt  }
0x69: {  	_ =	shalt  }
0x6a: {  	_ =	shalt  }
0x6b: {  	_ =	shalt  }
0x6c: {  	_ =	shalt  }
0x6d: {  	_ =	shalt  }
0x6e: {  	_ =	shalt  }
0x6f: {  	_ =	shalt  }
0x70: {  	_ =	shalt  }
0x71: {  	_ =	shalt  }
0x72: {  	_ =	shalt  }
0x73: {  	_ =	shalt  }
0x74: {  	_ =	shalt  }
0x75: {  	_ =	shalt  }
0x76: {  	_ =	shalt  }
0x77: {  	_ =	shalt  }
0x78: {  	_ =	shalt  }
0x79: {  	_ =	shalt  }
0x7a: {  	_ =	shalt  }
0x7b: {  	_ =	shalt  }
0x7c: {  	_ =	shalt  }
0x7d: {  	_ =	shalt  }
0x7e: {  	_ =	shalt  }
0x7f: {  	_ =	shalt  }
0x80: {  	_ =	shalt  }
0x81: {  	_ =	shalt  }
0x82: {  	_ =	shalt  }
0x83: {  	_ =	shalt  }
0x84: {  	_ =	shalt  }
0x85: {  	_ =	shalt  }
0x86: {  	_ =	shalt  }
0x87: {  	_ =	shalt  }
.Lfunc_end0:
.L_simem_size_0:
called_computation_lowered:
.L_overlay_start_0:
0x88: {  	s2 =	sld [smem:$0x3FD9]  }
0x89: {  	s3 =	sld [smem:$0x3FFE];
	_ =	sdelay $0x1  }
0x8a: {  	s1 =	srdreg.scid  }
0x8b: {  	s0 =	sand.u32 $0x1, s1  }
0x8c: {  	s18 =	sshll.u32 s0, $0xA;
	s2 =	sadd.s32 s3, s2  }
0x8d: {  	s2 =	sadd.s32 s2, s18  }
0x8e: {  	[smem:$0x3FC2] =	sst s2  }
0x8f: {  	_ = 	snop  }
0x90: {  	s2 =	sld [smem:$0x3FC9]  }
0x91: {  	s19 =	sld [smem:$0x3FC8]  }
0x92: {  	s4 =	sld [smem:$0x3FC7]  }
0x93: {  	s5 =	sld [smem:$0x3FC6]  }
0x94: {  	s6 =	sld [smem:$0x3FC5]  }
0x95: {  	s7 =	sld [smem:$0x3FC4]  }
0x96: {  	s8 =	sld [smem:$0x3FD0];
	(tm) =	ssettm $0x1  }
0x97: {  	s9 =	sld [smem:$0x3FFB];
	_ =	sdelay $0x3  }
0x98: {  	_ =	strace s9  }
0x99: {  	s9 =	sld [smem:$0x3FFC];
	_ =	sdelay $0x3  }
0x9a: {  	_ =	strace s9  }
0x9b: {  	s9 =	sld [smem:$0x3FFD];
	_ =	sdelay $0x3  }
0x9c: {  	_ =	strace s9  }
0x9d: {  	_ =	strace $0x8FFFFFFF  }
0x9e: {  	s20 =	sld [smem:$0x3FDB];
	_ =	sdelay $0x1  }
0x9f: {  	s10 =	simm.s32 $_scs_section_size  }
0xa0: {  	s11 =	simm.s32 $_size__tile_overlayer_lowered;
	s12 =	simm.s32 $_tile_overlayer_lowered  }
0xa1: {  	s23 =	simm.s32 $0x1BFF;
	s22 =	sshll.u32 s12, $0x1;
	s9 =	sadd.s32 s10, s20  }
0xa2: {  	s13 =	simm.s32 $0x0;
	s21 =	sshll.u32 s11, $0x1;
	s11 =	sadd.s32 s22, s9  }
0xa3: {  	[timem:s13], [sflag:s23] =	dma.local [hbm:s11], s21  }
0xa4: {  	_ =	swait.ge [sflag:s23], s21  }
0xa5: {  	s10 =	ssub.s32 $0x0, s21;
	[sflag:s23] =	ssyncset.done $0x0  }
0xa6: {  	[sflag:s23] =	ssyncadd.s32 s10;
	_ =	sdelay $0x1  }
0xa7: {  	s24 =	simm.s32 $0x1B8B  }
0xa8: {  	_ =	swait.ge [sflag:s24], $0x1  }
0xa9: {  	[sflag:s24] =	ssyncset.done $0x0  }
0xaa: {  	s25 =	simm.s32 $0x1B8E;
	[sflag:s24] =	ssyncadd.s32 $0xFFFFFFFF  }
0xab: {  	s26 =	simm.s32 $execute0_lowered;
	[smem:$0x3FD2] =	sst s25  }
0xac: {  	s10 =	sshll.u32 s26, $0x1;
	_ =	strace $0x80000046;
	[dreg:$0x1] =	wrdreg $0xFFFFFFFF  }
0xad: {  	s28 =	simm.s32 $_size_execute0_lowered;
	s9 =	sadd.s32 s9, s10;
	[dreg:$0x0] =	wrdreg $0x0  }
0xae: {  	s10 =	sshll.u32 s28, $0x1;
	[dreg:$0x2] =	wrdreg s9  }
0xaf: {  	[dreg:$0x3] =	wrdreg s10  }
0xb0: {  	[dreg:$0x4] =	wrdreg $0xC0  }
0xb1: {  	_ =	task [dreg:s13], $0x5FFFF  }
0xb2: {  	[dreg:$0x1] =	wrdreg $0xFFFFFFFF  }
0xb3: {  	[dreg:$0x0] =	wrdreg $0x60  }
0xb4: {  	[dreg:$0x2] =	wrdreg s2  }
0xb5: {  	[dreg:$0x3] =	wrdreg s19  }
0xb6: {  	[dreg:$0x4] =	wrdreg s4  }
0xb7: {  	[dreg:$0x5] =	wrdreg s5  }
0xb8: {  	[dreg:$0x6] =	wrdreg s6  }
0xb9: {  	[dreg:$0x7] =	wrdreg s7  }
0xba: {  	[dreg:$0x8] =	wrdreg s8  }
0xbb: {  	[dreg:$0x9] =	wrdreg $0x9  }
0xbc: {  	_ =	task.clear_ibuf [dreg:s13], $0xAFFFF;
	_ =	strace $0x90000046  }
0xbd: {  	s29 =	simm.s32 $0x9;
	_ =	strace $0x80000048  }
0xbe: {  	_ =	swait.ge [sflag:s29], $0x1  }
0xbf: {  	[sflag:s29] =	ssyncadd.s32 $0xFFFFFFFF  }
0xc0: {  	_ =	strace $0x90000048  }
0xc1: {  	_ =	sfence  }
0xc2: {  	s30 =	sld [smem:$0x0];
	_ =	sdelay $0x2  }
0xc3: {  	s31 =	sshll.u32 s1, $0xD;
	s1 =	sshrl.u32 s1, $0x2  }
0xc4: {  	s3 =	sand.u32 $0x4000, s31;
	s1 =	sadd.s32 s1, s30  }
0xc5: {  	s0 =	sor.u32 s3, s0;
	s1 =	sshll.u32 s1, $0x11  }
0xc6: {  	s0 =	sor.u32 s1, s0  }
0xc7: {  	s0 =	sadd.s32 $0x8F2B, s0  }
0xc8: {  	[sflag:s0] =	ssyncadd.remote.s32 $0x1  }
0xc9: {  	_ =	sfence.sel $0xFFFF  }
0xca: {  	[dreg:$0x0] =	wrdreg $0xFFFFFFFF;
	(pc) =	sbr.abs _section_cstart, $3  }
0xcb: {  	[dreg:$0x1] =	wrdreg $0xFFFFFFFF  }
0xcc: {  	_ =	task.clear_ibuf [dreg:s13], $0x2FFFF;
	_ =	strace $0x9FFFFFFF  }
0xcd: {  	(tm) =	ssettm $0x7FFFFFFF  }
tec
execute0_lowered:
.L_overlay_start_1:
0x0: {  	(tag) =	ssettag $0x1  }
0x1: {  	s0 =	rddreg [dreg:$0x0]  }
0x2: {  	s3 =	rddreg [dreg:$0x1]  }
0x3: {  	s1 =	rddreg [dreg:$0x2]  }
0x4: {  	s2 =	rddreg [dreg:$0x3]  }
0x5: {  	s4 =	srdreg.scid;
	s7 =	simm.s32 $0x0;
	s6 =	stileid.u32  }
0x6: {  	s28 =	simm.s32 $0x3;
	s16 =	simm.s32 $0x4;
	s4 =	sand.u32 $0x1, s4  }
0x7: {  	s8 =	sshll.u32 s6, $0xC;
	s5 =	ssub.s32 $0x2, s4;
	s4 =	sshll.u32 s4, $0xB  }
0x8: {  	v1 =	vlaneseq.u32;
	[smem:$0x7FF] =	sst s7;
	s11 =	sadd.s32 $0x100, s1;
	s8 =	sor.u32 s4, s8  }
0x9: {  	s12 =	sadd.s32 $0x200, s1;
	s13 =	sadd.s32 $0x100, s2;
	v2 =	vand.u32 $0x7, v1;
	s29 =	sshrl.u32 s8, $0x3  }
0xa: {  	v0 =	vshrl.u32 v1, $0x3;
	v62 =	vor.u32 $0x8, v1;
	_ =	strace $0x80000047;
	[tilespmem:$0x1FFC0] =	vst v2;
	s9 =	sshrl.u32 s5, $0x1;
	s0 =	sadd.s32 s0, s29  }
0xb: {  	v63 =	vor.u32 $0x10, v1;
	v0 =	vmul.u32 $0x8, v0;
	[tilespmem:$0x1FFE0] =	vst v62;
	s26 =	ssub.s32 s5, s9;
	s30 =	sadd.s32 s3, s29;
	[dreg:$0x8] =	wrdreg s0  }
0xc: {  	s14 =	sadd.s32 $0x200, s2;
	[tilespmem:$0x1FFF0] =	vst v63;
	s31 =	smax.u32 s26, $0x1;
	[dreg:$0x9] =	wrdreg s30  }
0xd: {  	vm0 =	vmmov $0xffff;
	s4 =	simm.s32 $0x2;
	[tilespmem:$0x1FFD0] =	vst v0;
	s5 =	simm.s32 $0x0;
	[dreg:$0xa] =	wrdreg s31  }
.LBB2_1:
0xe: {  	[dreg:$0xb] =	wrdreg s5  }
0xf: {  	s0 =	rddreg [dreg:$0x4];
	s3 =	simm.s32 $0x19100;
	s19 =	simm.s32 $0x7  }
0x10: {  	[tilespmem:s3], [sflag:$0x7] =	stream.linear.gather [hbm4b:s0+s7], $0x300, $0x38;
	[tilespmem:$0x19700] =	vst v63  }
0x11: {  	_ =	swait.ge [sflag:s19], $0x300  }
0x12: {  	[sflag:s19] =	ssyncset.done $0x0  }
0x13: {  	[sflag:s19] =	ssyncadd.s32 $0xFFFFFD00  }
0x14: {  	s21 =	simm.s32 $0x19400;
	s20 =	rddreg [dreg:$0x5]  }
0x15: {  	[tilespmem:s21], [sflag:$0x7] =	stream.linear.gather [hbm4b:s20+s7], $0x300, $0x38;
	[tilespmem:$0x19700] =	vst v63  }
0x16: {  	_ =	swait.ge [sflag:s19], $0x300  }
0x17: {  	[sflag:s19] =	ssyncset.done $0x0  }
0x18: {  	s22 =	rddreg [dreg:$0x8];
	[sflag:s19] =	ssyncadd.s32 $0xFFFFFD00  }
0x19: {  	[tilespmem:s7], [sflag:$0x7] =	stream.linear.gather [hbm4b:s22+s7], $0x800, $0x38;
	[tilespmem:$0x19700] =	vst v63  }
0x1a: {  	_ =	swait.ge [sflag:s19], $0x800  }
0x1b: {  	[sflag:s19] =	ssyncset.done $0x0  }
0x1c: {  	s24 =	simm.s32 $0x800;
	s23 =	rddreg [dreg:$0x9];
	[sflag:s19] =	ssyncadd.s32 $0xFFFFF800  }
0x1d: {  	[tilespmem:s24], [sflag:$0x7] =	stream.linear.gather [hbm4b:s23+s7], $0x800, $0x38;
	[tilespmem:$0x19700] =	vst v63  }
0x1e: {  	_ =	swait.ge [sflag:s19], $0x800  }
0x1f: {  	[sflag:s19] =	ssyncset.done $0x0  }
0x20: {  	[sflag:s19] =	ssyncadd.s32 $0xFFFFF800  }
0x21: {  	v0 =	vld [tilespmem:$0x0];
	_ =	sdelay $0x3  }
0x22: {  	v4 =	vld [tilespmem:$0x1FFC0]  }
0x23: {  	v1 =	vshrl.u32 v0, $0x3  }
0x24: {  	v5 =	vld [tilespmem:$0x1FFD0];
	v1 =	vmul.u32 $0x30, v1  }
0x25: {  	v0 =	vand.u32 $0x7, v0  }
0x26: {  	v0 =	vor.u32 v0, v1  }
0x27: {  	v1 =	vperm.xlane v0, v4  }
0x28: {  	v6 =	vld [tilespmem:$0x1FFE0]  }
0x29: {  	v1 =	vadd.s32 v5, v1;
	_ =	sdelay $0x3  }
0x2a: {  	s25 =	simm.s32 $0x1100;
	v0 =	vperm.xlane v0, v6  }
0x2b: {  	[tilespmem:s25], [sflag:$0x1] =	stream.indirect_vreg.gather [hbm4b:s1+s7], $0x80, v1, vm0, $0xb8;
	[tilespmem:$0x19700] =	vst v63  }
0x2c: {  	s26 =	simm.s32 $0x1900;
	v0 =	vadd.s32 v5, v0  }
0x2d: {  	[tilespmem:s26], [sflag:$0x1] =	stream.indirect_vreg.gather [hbm4b:s11+s7], $0x80, v1, vm0, $0xb8;
	[tilespmem:$0x19700] =	vst v63  }
0x2e: {  	s29 =	simm.s32 $0x2100  }
0x2f: {  	[tilespmem:s29], [sflag:$0x1] =	stream.indirect_vreg.gather [hbm4b:s12+s7], $0x80, v1, vm0, $0xb8;
	[tilespmem:$0x19700] =	vst v63  }
0x30: {  	s30 =	simm.s32 $0x2900  }
0x31: {  	[tilespmem:s30], [sflag:$0x1] =	stream.indirect_vreg.gather [hbm4b:s1+s7], $0x80, v0, vm0, $0xb8;
	[tilespmem:$0x19700] =	vst v63  }
0x32: {  	s31 =	simm.s32 $0x3100  }
0x33: {  	[tilespmem:s31], [sflag:$0x1] =	stream.indirect_vreg.gather [hbm4b:s11+s7], $0x80, v0, vm0, $0xb8;
	[tilespmem:$0x19700] =	vst v63  }
0x34: {  	s3 =	simm.s32 $0x3900  }
0x35: {  	[tilespmem:s3], [sflag:$0x1] =	stream.indirect_vreg.gather [hbm4b:s12+s7], $0x80, v0, vm0, $0xb8;
	[tilespmem:$0x19700] =	vst v63  }
0x36: {  	v0 =	vld [tilespmem:$0x10];
	_ =	sdelay $0x4  }
0x37: {  	v59 =	vshrl.u32 v0, $0x3  }
0x38: {  	v1 =	vmul.u32 $0x30, v59  }
0x39: {  	v0 =	vand.u32 $0x7, v0  }
0x3a: {  	v0 =	vor.u32 v0, v1  }
0x3b: {  	v1 =	vperm.xlane v0, v4;
	_ =	sdelay $0x1  }
0x3c: {  	v1 =	vadd.s32 v5, v1;
	_ =	sdelay $0x3  }
0x3d: {  	s5 =	simm.s32 $0x4100;
	v0 =	vperm.xlane v0, v6  }
0x3e: {  	[tilespmem:s5], [sflag:$0x1] =	stream.indirect_vreg.gather [hbm4b:s1+s7], $0x80, v1, vm0, $0xb8;
	[tilespmem:$0x19700] =	vst v63  }
0x3f: {  	s6 =	simm.s32 $0x4900;
	v0 =	vadd.s32 v5, v0  }
0x40: {  	[tilespmem:s6], [sflag:$0x1] =	stream.indirect_vreg.gather [hbm4b:s11+s7], $0x80, v1, vm0, $0xb8;
	[tilespmem:$0x19700] =	vst v63  }
0x41: {  	s9 =	simm.s32 $0x5100  }
0x42: {  	[tilespmem:s9], [sflag:$0x1] =	stream.indirect_vreg.gather [hbm4b:s12+s7], $0x80, v1, vm0, $0xb8;
	[tilespmem:$0x19700] =	vst v63  }
0x43: {  	s10 =	simm.s32 $0x5900  }
0x44: {  	[tilespmem:s10], [sflag:$0x1] =	stream.indirect_vreg.gather [hbm4b:s1+s7], $0x80, v0, vm0, $0xb8;
	[tilespmem:$0x19700] =	vst v63  }
0x45: {  	s15 =	simm.s32 $0x6100  }
0x46: {  	[tilespmem:s15], [sflag:$0x1] =	stream.indirect_vreg.gather [hbm4b:s11+s7], $0x80, v0, vm0, $0xb8;
	[tilespmem:$0x19700] =	vst v63  }
0x47: {  	s17 =	simm.s32 $0x6900  }
0x48: {  	[tilespmem:s17], [sflag:$0x1] =	stream.indirect_vreg.gather [hbm4b:s12+s7], $0x80, v0, vm0, $0xb8;
	[tilespmem:$0x19700] =	vst v63  }
0x49: {  	v0 =	vld [tilespmem:$0x800];
	_ =	sdelay $0x4  }
0x4a: {  	v60 =	vlaneseq.u32;
	v0 =	vshll.u32 v0, $0x9  }
0x4b: {  	v0 =	vor.u32 v60, v0  }
0x4c: {  	v1 =	vshrl.u32 v0, $0x3  }
0x4d: {  	v1 =	vmul.u32 $0x30, v1;
	_ =	sdelay $0x1  }
0x4e: {  	v2 =	vld [tilespmem:$0x810];
	v1 =	vor.u32 v4, v1  }
0x4f: {  	v61 =	vld [tilespmem:$0x1FFF0];
	v3 =	vperm.xlane v1, v4;
	_ =	sdelay $0x1  }
0x50: {  	v3 =	vadd.s32 v5, v3;
	_ =	sdelay $0x1  }
0x51: {  	v2 =	vshll.u32 v2, $0x9  }
0x52: {  	[tilespmem:$0x1000] =	vst v0;
	v0 =	vor.u32 v61, v2  }
0x53: {  	s18 =	simm.s32 $0xD100;
	[tilespmem:$0x1010] =	vst v0;
	v62 =	vperm.xlane v1, v6  }
0x54: {  	[tilespmem:s18], [sflag:$0x3] =	stream.indirect_vreg.gather [hbm4b:s2+s7], $0x80, v3, vm0, $0xb8;
	[tilespmem:$0x19700] =	vst v63  }
0x55: {  	s19 =	simm.s32 $0xD900;
	v0 =	vadd.s32 v5, v62  }
0x56: {  	[tilespmem:s19], [sflag:$0x3] =	stream.indirect_vreg.gather [hbm4b:s13+s7], $0x80, v3, vm0, $0xb8;
	[tilespmem:$0x19700] =	vst v63  }
0x57: {  	s20 =	simm.s32 $0xE100  }
0x58: {  	[tilespmem:s20], [sflag:$0x3] =	stream.indirect_vreg.gather [hbm4b:s14+s7], $0x80, v3, vm0, $0xb8;
	[tilespmem:$0x19700] =	vst v63  }
0x59: {  	s21 =	simm.s32 $0xE900  }
0x5a: {  	[tilespmem:s21], [sflag:$0x3] =	stream.indirect_vreg.gather [hbm4b:s2+s7], $0x80, v0, vm0, $0xb8;
	[tilespmem:$0x19700] =	vst v63  }
0x5b: {  	s22 =	simm.s32 $0xF100  }
0x5c: {  	[tilespmem:s22], [sflag:$0x3] =	stream.indirect_vreg.gather [hbm4b:s13+s7], $0x80, v0, vm0, $0xb8;
	[tilespmem:$0x19700] =	vst v63  }
0x5d: {  	s23 =	simm.s32 $0xF900  }
0x5e: {  	[tilespmem:s23], [sflag:$0x3] =	stream.indirect_vreg.gather [hbm4b:s14+s7], $0x80, v0, vm0, $0xb8;
	[tilespmem:$0x19700] =	vst v63  }
0x5f: {  	v0 =	vld [tilespmem:$0x1010];
	_ =	sdelay $0x4  }
0x60: {  	v63 =	vshrl.u32 v0, $0x3  }
0x61: {  	v1 =	vmul.u32 $0x30, v63  }
0x62: {  	v0 =	vand.u32 $0x7, v0  }
0x63: {  	v0 =	vor.u32 v0, v1  }
0x64: {  	v1 =	vperm.xlane v0, v4;
	_ =	sdelay $0x1  }
0x65: {  	v1 =	vadd.s32 v5, v1;
	_ =	sdelay $0x3  }
0x66: {  	s24 =	simm.s32 $0x10100;
	v0 =	vperm.xlane v0, v6  }
0x67: {  	[tilespmem:s24], [sflag:$0x3] =	stream.indirect_vreg.gather [hbm4b:s2+s7], $0x80, v1, vm0, $0xb8;
	[tilespmem:$0x19700] =	vst v63  }
0x68: {  	s25 =	simm.s32 $0x10900;
	v0 =	vadd.s32 v5, v0  }
0x69: {  	[tilespmem:s25], [sflag:$0x3] =	stream.indirect_vreg.gather [hbm4b:s13+s7], $0x80, v1, vm0, $0xb8;
	[tilespmem:$0x19700] =	vst v63  }
0x6a: {  	s26 =	simm.s32 $0x11100  }
0x6b: {  	[tilespmem:s26], [sflag:$0x3] =	stream.indirect_vreg.gather [hbm4b:s14+s7], $0x80, v1, vm0, $0xb8;
	[tilespmem:$0x19700] =	vst v63  }
0x6c: {  	s29 =	simm.s32 $0x11900  }
0x6d: {  	[tilespmem:s29], [sflag:$0x3] =	stream.indirect_vreg.gather [hbm4b:s2+s7], $0x80, v0, vm0, $0xb8;
	[tilespmem:$0x19700] =	vst v63  }
0x6e: {  	s30 =	simm.s32 $0x12100  }
0x6f: {  	[tilespmem:s30], [sflag:$0x3] =	stream.indirect_vreg.gather [hbm4b:s13+s7], $0x80, v0, vm0, $0xb8;
	[tilespmem:$0x19700] =	vst v63  }
0x70: {  	s31 =	simm.s32 $0x12900;
	s18 =	simm.s32 $0x0  }
0x71: {  	[tilespmem:s31], [sflag:$0x3] =	stream.indirect_vreg.gather [hbm4b:s14+s7], $0x80, v0, vm0, $0xb8;
	[tilespmem:$0x19700] =	vst v63  }
.LBB2_2:
0x72: {  	s0 =	simm.s32 $0x1  }
0x73: {  	_ =	swait.ge [sflag:s0], $0x6000  }
0x74: {  	[sflag:s0] =	ssyncset.done $0x0  }
0x75: {  	[sflag:s0] =	ssyncadd.s32 $0xFFFFA000  }
0x76: {  	s26 =	sshllo.u32 s18, $0x1;
	_ =	swait.ge [sflag:s28], $0x6000  }
0x77: {  	s19 =	sshll.u32 s26, $0x5;
	[sflag:s28] =	ssyncset.done $0x0  }
0x78: {  	s0 =	sand.u32 $0x3FFFFFE0, s19;
	[sflag:s28] =	ssyncadd.s32 $0xFFFFA000  }
0x79: {  	v0 =	vld [tilespmem:s0+$0x0];
	_ =	sdelay $0x3  }
0x7a: {  	v2 =	vld [tilespmem:$0x1FFC0]  }
0x7b: {  	v1 =	vshrl.u32 v0, $0x3  }
0x7c: {  	v3 =	vld [tilespmem:$0x1FFD0];
	v1 =	vmul.u32 $0x30, v1  }
0x7d: {  	v0 =	vand.u32 $0x7, v0  }
0x7e: {  	v0 =	vor.u32 v0, v1  }
0x7f: {  	v1 =	vperm.xlane v0, v2  }
0x80: {  	v4 =	vld [tilespmem:$0x1FFE0]  }
0x81: {  	v1 =	vadd.s32 v3, v1;
	_ =	sdelay $0x3  }
0x82: {  	s3 =	simm.s32 $0x7100;
	v0 =	vperm.xlane v0, v4  }
0x83: {  	[tilespmem:s3], [sflag:$0x2] =	stream.indirect_vreg.gather [hbm4b:s1+s7], $0x80, v1, vm0, $0xb8;
	[tilespmem:$0x19700] =	vst v63  }
0x84: {  	s29 =	simm.s32 $0x7900;
	v0 =	vadd.s32 v3, v0  }
0x85: {  	[tilespmem:s29], [sflag:$0x2] =	stream.indirect_vreg.gather [hbm4b:s11+s7], $0x80, v1, vm0, $0xb8;
	[tilespmem:$0x19700] =	vst v63  }
0x86: {  	s30 =	simm.s32 $0x8100  }
0x87: {  	[tilespmem:s30], [sflag:$0x2] =	stream.indirect_vreg.gather [hbm4b:s12+s7], $0x80, v1, vm0, $0xb8;
	[tilespmem:$0x19700] =	vst v63  }
0x88: {  	s31 =	simm.s32 $0x8900  }
0x89: {  	[tilespmem:s31], [sflag:$0x2] =	stream.indirect_vreg.gather [hbm4b:s1+s7], $0x80, v0, vm0, $0xb8;
	[tilespmem:$0x19700] =	vst v63  }
0x8a: {  	s5 =	simm.s32 $0x9100  }
0x8b: {  	[tilespmem:s5], [sflag:$0x2] =	stream.indirect_vreg.gather [hbm4b:s11+s7], $0x80, v0, vm0, $0xb8;
	[tilespmem:$0x19700] =	vst v63  }
0x8c: {  	s6 =	simm.s32 $0x9900  }
0x8d: {  	[tilespmem:s6], [sflag:$0x2] =	stream.indirect_vreg.gather [hbm4b:s12+s7], $0x80, v0, vm0, $0xb8;
	[tilespmem:$0x19700] =	vst v63  }
0x8e: {  	v0 =	vld [tilespmem:s0+$0x10];
	_ =	sdelay $0x4  }
0x8f: {  	v1 =	vshrl.u32 v0, $0x3  }
0x90: {  	v1 =	vmul.u32 $0x30, v1  }
0x91: {  	v0 =	vand.u32 $0x7, v0  }
0x92: {  	v0 =	vor.u32 v0, v1  }
0x93: {  	v1 =	vperm.xlane v0, v2;
	_ =	sdelay $0x1  }
0x94: {  	v1 =	vadd.s32 v3, v1;
	_ =	sdelay $0x3  }
0x95: {  	s9 =	simm.s32 $0xA100;
	v0 =	vperm.xlane v0, v4  }
0x96: {  	[tilespmem:s9], [sflag:$0x2] =	stream.indirect_vreg.gather [hbm4b:s1+s7], $0x80, v1, vm0, $0xb8;
	[tilespmem:$0x19700] =	vst v63  }
0x97: {  	s10 =	simm.s32 $0xA900;
	v0 =	vadd.s32 v3, v0  }
0x98: {  	[tilespmem:s10], [sflag:$0x2] =	stream.indirect_vreg.gather [hbm4b:s11+s7], $0x80, v1, vm0, $0xb8;
	[tilespmem:$0x19700] =	vst v63  }
0x99: {  	s15 =	simm.s32 $0xB100  }
0x9a: {  	[tilespmem:s15], [sflag:$0x2] =	stream.indirect_vreg.gather [hbm4b:s12+s7], $0x80, v1, vm0, $0xb8;
	[tilespmem:$0x19700] =	vst v63  }
0x9b: {  	s17 =	simm.s32 $0xB900;
	s22 =	simm.s32 $0x0;
	s23 =	simm.s32 $0x0  }
0x9c: {  	[tilespmem:s17], [sflag:$0x2] =	stream.indirect_vreg.gather [hbm4b:s1+s7], $0x80, v0, vm0, $0xb8;
	[tilespmem:$0x19700] =	vst v63  }
0x9d: {  	s20 =	simm.s32 $0xC100;
	s9 =	sand.u32 $0x300, s23;
	s10 =	smul.u32 $0x1800, s22  }
0x9e: {  	[tilespmem:s20], [sflag:$0x2] =	stream.indirect_vreg.gather [hbm4b:s11+s7], $0x80, v0, vm0, $0xb8;
	[tilespmem:$0x19700] =	vst v63  }
0x9f: {  	s21 =	simm.s32 $0xC900;
	s0 =	sor.u32 s9, s10  }
0xa0: {  	[tilespmem:s21], [sflag:$0x2] =	stream.indirect_vreg.gather [hbm4b:s12+s7], $0x80, v0, vm0, $0xb8;
	[tilespmem:$0x19700] =	vst v63  }
0xa1: {  	v0 =	vld [tilespmem:s0+$0x1100]  }
0xa2: {  	v1 =	vld [tilespmem:s0+$0xD100]  }
0xa3: {  	v2 =	vld [tilespmem:s0+$0x1110]  }
0xa4: {  	v3 =	vld [tilespmem:s0+$0xD110]  }
0xa5: {  	v4 =	vld [tilespmem:s0+$0x1120]  }
0xa6: {  	v5 =	vld [tilespmem:s0+$0xD120]  }
0xa7: {  	v6 =	vld [tilespmem:s0+$0x1130]  }
0xa8: {  	v7 =	vld [tilespmem:s0+$0xD130]  }
0xa9: {  	v8 =	vld [tilespmem:s0+$0x1140]  }
0xaa: {  	v9 =	vld [tilespmem:s0+$0xD140]  }
0xab: {  	v10 =	vld [tilespmem:s0+$0x1150]  }
0xac: {  	v11 =	vld [tilespmem:s0+$0xD150]  }
0xad: {  	v12 =	vld [tilespmem:s0+$0x1160]  }
0xae: {  	v13 =	vld [tilespmem:s0+$0xD160]  }
0xaf: {  	v16 =	vld [tilespmem:s0+$0x1170]  }
0xb0: {  	v17 =	vld [tilespmem:s0+$0xD170]  }
0xb1: {  	v18 =	vld [tilespmem:s0+$0x1500]  }
0xb2: {  	v19 =	vld [tilespmem:s0+$0xD500]  }
0xb3: {  	v20 =	vld [tilespmem:s0+$0x1510]  }
0xb4: {  	v21 =	vld [tilespmem:s0+$0xD510]  }
0xb5: {  	v22 =	vld [tilespmem:s0+$0x1520]  }
0xb6: {  	v23 =	vld [tilespmem:s0+$0xD520]  }
0xb7: {  	v24 =	vld [tilespmem:s0+$0x1530]  }
0xb8: {  	v25 =	vld [tilespmem:s0+$0xD530]  }
0xb9: {  	v26 =	vld [tilespmem:s0+$0x1540]  }
0xba: {  	v27 =	vld [tilespmem:s0+$0xD540]  }
0xbb: {  	v28 =	vld [tilespmem:s0+$0x1550]  }
0xbc: {  	v29 =	vld [tilespmem:s0+$0xD550]  }
0xbd: {  	v30 =	vld [tilespmem:s0+$0x1560]  }
0xbe: {  	s15 =	simm.s32 $0x80;
	v33 =	vld [tilespmem:s0+$0xD560]  }
0xbf: {  	s15 =	sand.u32 $0x380, s15;
	v34 =	vld [tilespmem:s0+$0x1570]  }
0xc0: {  	s17 =	sor.u32 s10, s15;
	v36 =	vld [tilespmem:s0+$0xD570]  }
0xc1: {  	v37 =	vld [tilespmem:s17+$0x1100]  }
0xc2: {  	v38 =	vld [tilespmem:s17+$0xD100]  }
0xc3: {  	v40 =	vld [tilespmem:s17+$0x1110]  }
0xc4: {  	v45 =	vld [tilespmem:s17+$0xD110]  }
0xc5: {  	v46 =	vld [tilespmem:s17+$0x1120]  }
0xc6: {  	v50 =	vld [tilespmem:s17+$0xD120]  }
0xc7: {  	v51 =	vld [tilespmem:s17+$0x1130]  }
0xc8: {  	v52 =	vld [tilespmem:s17+$0xD130]  }
0xc9: {  	v54 =	vld [tilespmem:s17+$0x1140]  }
0xca: {  	v56 =	vld [tilespmem:s17+$0xD140]  }
0xcb: {  	v57 =	vld [tilespmem:s17+$0x1150]  }
0xcc: {  	v59 =	vld [tilespmem:s17+$0xD150]  }
0xcd: {  	v60 =	vld [tilespmem:s17+$0x1160]  }
0xce: {  	v61 =	vld [tilespmem:s17+$0xD160];
	v47 =	vadd.f32 v1, v0  }
0xcf: {  	v62 =	vld [tilespmem:s17+$0x1170];
	v43 =	vadd.f32 v3, v2  }
0xd0: {  	v0 =	vld [tilespmem:s17+$0xD170];
	v31 =	vadd.f32 v5, v4;
	[tilespmem:s0+$0x1100] =	vst v47  }
0xd1: {  	v1 =	vld [tilespmem:s17+$0x1500];
	v48 =	vadd.f32 v7, v6;
	[tilespmem:s0+$0x1110] =	vst v43  }
0xd2: {  	v2 =	vld [tilespmem:s17+$0xD500];
	v44 =	vadd.f32 v9, v8;
	[tilespmem:s0+$0x1120] =	vst v31  }
0xd3: {  	v3 =	vld [tilespmem:s17+$0x1510];
	v32 =	vadd.f32 v11, v10;
	[tilespmem:s0+$0x1130] =	vst v48  }
0xd4: {  	v4 =	vld [tilespmem:s17+$0xD510];
	v41 =	vadd.f32 v13, v12;
	[tilespmem:s0+$0x1140] =	vst v44  }
0xd5: {  	v6 =	vld [tilespmem:s17+$0x1520];
	v39 =	vadd.f32 v17, v16;
	[tilespmem:s0+$0x1150] =	vst v32  }
0xd6: {  	v7 =	vld [tilespmem:s17+$0xD520];
	v5 =	vadd.f32 v21, v20;
	[tilespmem:s0+$0x1160] =	vst v41  }
0xd7: {  	v10 =	vld [tilespmem:s17+$0x1530];
	v42 =	vadd.f32 v19, v18;
	[tilespmem:s0+$0x1170] =	vst v39  }
0xd8: {  	v11 =	vld [tilespmem:s17+$0xD530];
	[tilespmem:$0x1FB90] =	vst v5  }
0xd9: {  	v22 =	vadd.f32 v23, v22;
	[tilespmem:s0+$0x1500] =	vst v42  }
0xda: {  	v8 =	vadd.f32 v27, v26;
	v13 =	vld [tilespmem:s17+$0x1540];
	[tilespmem:s0+$0x1510] =	vst v5  }
0xdb: {  	v35 =	vadd.f32 v25, v24;
	v16 =	vld [tilespmem:s17+$0xD540];
	[tilespmem:s0+$0x1520] =	vst v22  }
0xdc: {  	v12 =	vld [tilespmem:s17+$0x1550];
	v5 =	vadd.f32 v29, v28;
	[tilespmem:$0x1FBB0] =	vst v8  }
0xdd: {  	[tilespmem:s0+$0x1530] =	vst v35  }
0xde: {  	v17 =	vld [tilespmem:s17+$0xD550];
	[tilespmem:$0x1FBC0] =	vst v5  }
0xdf: {  	[tilespmem:s0+$0x1540] =	vst v8;
	v8 =	vadd.f32 v33, v30;
	_ =	sdelay $0x1  }
0xe0: {  	v18 =	vld [tilespmem:s17+$0x1560];
	[tilespmem:$0x1FBA0] =	vst v8  }
0xe1: {  	[tilespmem:s0+$0x1550] =	vst v5;
	v5 =	vadd.f32 v36, v34;
	_ =	sdelay $0x1  }
0xe2: {  	v19 =	vld [tilespmem:s17+$0xD560];
	[tilespmem:$0x1FBD0] =	vst v5  }
0xe3: {  	v49 =	vadd.f32 v38, v37;
	[tilespmem:s0+$0x1560] =	vst v8  }
0xe4: {  	s21 =	sadd.s32 $0x800, s10;
	v53 =	vadd.f32 v45, v40;
	v20 =	vld [tilespmem:s17+$0x1570];
	[tilespmem:s0+$0x1570] =	vst v5  }
0xe5: {  	s20 =	sor.u32 s9, s21;
	v58 =	vadd.f32 v50, v46;
	v21 =	vld [tilespmem:s17+$0xD570];
	[tilespmem:s17+$0x1100] =	vst v49  }
0xe6: {  	v55 =	vadd.f32 v52, v51;
	[tilespmem:s17+$0x1110] =	vst v53;
	v23 =	vld [tilespmem:s20+$0x1100]  }
0xe7: {  	v56 =	vadd.f32 v56, v54;
	[tilespmem:s17+$0x1120] =	vst v58;
	v24 =	vld [tilespmem:s20+$0xD100]  }
0xe8: {  	v57 =	vadd.f32 v59, v57;
	[tilespmem:s17+$0x1130] =	vst v55;
	v25 =	vld [tilespmem:s20+$0x1110]  }
0xe9: {  	v52 =	vadd.f32 v61, v60;
	[tilespmem:s17+$0x1140] =	vst v56;
	v26 =	vld [tilespmem:s20+$0xD110]  }
0xea: {  	v51 =	vadd.f32 v0, v62;
	[tilespmem:s17+$0x1150] =	vst v57;
	v28 =	vld [tilespmem:s20+$0x1120]  }
0xeb: {  	v54 =	vadd.f32 v2, v1;
	[tilespmem:s17+$0x1160] =	vst v52;
	v29 =	vld [tilespmem:s20+$0xD120]  }
0xec: {  	v46 =	vadd.f32 v4, v3;
	[tilespmem:s17+$0x1170] =	vst v51;
	v0 =	vld [tilespmem:s20+$0x1130]  }
0xed: {  	v45 =	vadd.f32 v7, v6;
	[tilespmem:s17+$0x1500] =	vst v54;
	v1 =	vld [tilespmem:s20+$0xD130]  }
0xee: {  	v50 =	vadd.f32 v11, v10;
	[tilespmem:s17+$0x1510] =	vst v46;
	v2 =	vld [tilespmem:s20+$0x1140]  }
0xef: {  	v27 =	vadd.f32 v17, v12;
	[tilespmem:s17+$0x1520] =	vst v45;
	v3 =	vld [tilespmem:s20+$0xD140]  }
0xf0: {  	[tilespmem:s17+$0x1530] =	vst v50;
	v4 =	vld [tilespmem:s20+$0x1150];
	v5 =	vadd.f32 v21, v20  }
0xf1: {  	[tilespmem:s17+$0x1550] =	vst v27;
	v6 =	vld [tilespmem:s20+$0xD150];
	v38 =	vadd.f32 v19, v18  }
0xf2: {  	v7 =	vld [tilespmem:s20+$0x1160];
	[tilespmem:$0x1FBF0] =	vst v5  }
0xf3: {  	v34 =	vadd.f32 v16, v13;
	v10 =	vld [tilespmem:s20+$0xD160];
	[tilespmem:s17+$0x1560] =	vst v38  }
0xf4: {  	v16 =	vld [tilespmem:s20+$0x1170];
	[tilespmem:s17+$0x1570] =	vst v5  }
0xf5: {  	s21 =	sor.u32 s15, s21;
	v18 =	vld [tilespmem:s20+$0xD170];
	[tilespmem:s17+$0x1540] =	vst v34  }
0xf6: {  	v19 =	vld [tilespmem:s21+$0x1100]  }
0xf7: {  	v20 =	vld [tilespmem:s21+$0xD100]  }
0xf8: {  	v30 =	vld [tilespmem:s21+$0x1110]  }
0xf9: {  	v40 =	vld [tilespmem:s21+$0xD110]  }
0xfa: {  	v5 =	vadd.f32 v24, v23;
	v37 =	vld [tilespmem:s21+$0x1120]  }
0xfb: {  	v59 =	vld [tilespmem:s21+$0xD120]  }
0xfc: {  	v60 =	vld [tilespmem:s21+$0x1130];
	[tilespmem:$0x1FBE0] =	vst v5  }
0xfd: {  	[tilespmem:s20+$0x1100] =	vst v5;
	v5 =	vadd.f32 v29, v28  }
0xfe: {  	v25 =	vadd.f32 v26, v25;
	v23 =	vld [tilespmem:s21+$0xD130]  }
0xff: {  	v8 =	vadd.f32 v1, v0;
	v24 =	vld [tilespmem:s21+$0x1140];
	[tilespmem:$0x1FC10] =	vst v5  }
0x100: {  	[tilespmem:s20+$0x1110] =	vst v25  }
0x101: {  	v3 =	vadd.f32 v3, v2;
	v29 =	vld [tilespmem:s21+$0xD140];
	[tilespmem:$0x1FC20] =	vst v8  }
0x102: {  	[tilespmem:s20+$0x1120] =	vst v5  }
0x103: {  	v4 =	vadd.f32 v6, v4;
	v0 =	vld [tilespmem:s21+$0x1150];
	[tilespmem:$0x1FC00] =	vst v3  }
0x104: {  	[tilespmem:s20+$0x1130] =	vst v8  }
0x105: {  	v5 =	vadd.f32 v10, v7;
	v1 =	vld [tilespmem:s21+$0xD150];
	[tilespmem:$0x1FC50] =	vst v4  }
0x106: {  	[tilespmem:s20+$0x1140] =	vst v3  }
0x107: {  	v6 =	vadd.f32 v18, v16;
	v2 =	vld [tilespmem:s21+$0x1160];
	[tilespmem:$0x1FC60] =	vst v5  }
0x108: {  	[tilespmem:s20+$0x1150] =	vst v4  }
0x109: {  	v3 =	vld [tilespmem:s21+$0xD160];
	[tilespmem:$0x1FC30] =	vst v6  }
0x10a: {  	s24 =	sadd.s32 $0xC00, s10;
	v4 =	vld [tilespmem:s21+$0x1170];
	[tilespmem:s20+$0x1160] =	vst v5  }
0x10b: {  	s25 =	sor.u32 s9, s24;
	v16 =	vld [tilespmem:s21+$0xD170];
	[tilespmem:s20+$0x1170] =	vst v6  }
0x10c: {  	v61 =	vld [tilespmem:s25+$0x1100]  }
0x10d: {  	v62 =	vld [tilespmem:s25+$0xD100]  }
0x10e: {  	v63 =	vld [tilespmem:s25+$0x1110]  }
0x10f: {  	v5 =	vld [tilespmem:s25+$0xD110]  }
0x110: {  	v6 =	vld [tilespmem:s25+$0x1120]  }
0x111: {  	v36 =	vadd.f32 v20, v19;
	v18 =	vld [tilespmem:s25+$0xD120]  }
0x112: {  	v40 =	vadd.f32 v40, v30;
	v7 =	vld [tilespmem:s25+$0x1130]  }
0x113: {  	v28 =	vadd.f32 v59, v37;
	[tilespmem:s21+$0x1100] =	vst v36;
	v19 =	vld [tilespmem:s25+$0xD130]  }
0x114: {  	v0 =	vadd.f32 v1, v0;
	[tilespmem:s21+$0x1110] =	vst v40;
	v30 =	vld [tilespmem:s25+$0x1140]  }
0x115: {  	v26 =	vadd.f32 v23, v60;
	[tilespmem:s21+$0x1120] =	vst v28;
	v59 =	vld [tilespmem:s25+$0xD140]  }
0x116: {  	v60 =	vld [tilespmem:s25+$0x1150];
	[tilespmem:$0x1FC70] =	vst v0;
	v8 =	vadd.f32 v3, v2  }
0x117: {  	v1 =	vld [tilespmem:s25+$0xD150];
	[tilespmem:s21+$0x1130] =	vst v26  }
0x118: {  	[tilespmem:$0x1FC80] =	vst v8  }
0x119: {  	[tilespmem:s21+$0x1150] =	vst v0;
	v0 =	vadd.f32 v16, v4;
	_ =	sdelay $0x1  }
0x11a: {  	v2 =	vld [tilespmem:s25+$0x1160];
	[tilespmem:$0x1FC40] =	vst v0  }
0x11b: {  	v37 =	vadd.f32 v29, v24;
	v3 =	vld [tilespmem:s25+$0xD160];
	[tilespmem:s21+$0x1160] =	vst v8  }
0x11c: {  	v4 =	vld [tilespmem:s25+$0x1170];
	[tilespmem:s21+$0x1170] =	vst v0  }
0x11d: {  	s26 =	sor.u32 s15, s24;
	v16 =	vld [tilespmem:s25+$0xD170];
	[tilespmem:s21+$0x1140] =	vst v37  }
0x11e: {  	v14 =	vld [tilespmem:s26+$0x1100]  }
0x11f: {  	v33 =	vld [tilespmem:s26+$0xD100]  }
0x120: {  	v24 =	vmul.f32 v31, v31;
	v29 =	vmul.f32 v32, v32;
	v15 =	vld [tilespmem:s26+$0x1110]  }
0x121: {  	v12 =	vld [tilespmem:s26+$0xD110]  }
0x122: {  	v9 =	vadd.f32 v29, v24;
	v29 =	vmul.f32 v58, v58;
	v0 =	vmul.f32 v57, v57;
	v17 =	vld [tilespmem:s26+$0x1120]  }
0x123: {  	v24 =	vadd.f32 v62, v61;
	v10 =	vld [tilespmem:s26+$0xD120]  }
0x124: {  	v13 =	vld [tilespmem:s26+$0x1130];
	v8 =	vadd.f32 v0, v29;
	v0 =	vadd.f32 v19, v7  }
0x125: {  	[tilespmem:s25+$0x1100] =	vst v24;
	v11 =	vld [tilespmem:s26+$0xD130];
	v29 =	vadd.f32 v5, v63  }
0x126: {  	v20 =	vld [tilespmem:s26+$0x1140];
	v5 =	vadd.f32 v59, v30;
	[tilespmem:$0x1FC90] =	vst v0  }
0x127: {  	[tilespmem:s25+$0x1110] =	vst v29  }
0x128: {  	v21 =	vadd.f32 v18, v6;
	v18 =	vld [tilespmem:s26+$0xD140];
	[tilespmem:$0x1FCA0] =	vst v5  }
0x129: {  	[tilespmem:s25+$0x1130] =	vst v0;
	v0 =	vadd.f32 v3, v2  }
0x12a: {  	v31 =	vadd.f32 $0.0e+00, v31;
	[tilespmem:s25+$0x1120] =	vst v21;
	v59 =	vld [tilespmem:s26+$0x1150]  }
0x12b: {  	v30 =	vadd.f32 v1, v60;
	v1 =	vld [tilespmem:s26+$0xD150];
	v3 =	vadd.f32 v16, v4;
	[tilespmem:$0x1FCB0] =	vst v0  }
0x12c: {  	[tilespmem:s25+$0x1140] =	vst v5  }
0x12d: {  	v31 =	vadd.f32 v32, v31;
	v61 =	vmul.f32 v47, v47;
	v62 =	vmul.f32 v48, v48;
	v2 =	vld [tilespmem:s26+$0x1160];
	[tilespmem:$0x1FCC0] =	vst v3  }
0x12e: {  	v58 =	vadd.f32 $0.0e+00, v58;
	v4 =	vmul.f32 v49, v49;
	v16 =	vmul.f32 v55, v55;
	[tilespmem:s25+$0x1150] =	vst v30;
	v60 =	vld [tilespmem:s26+$0xD160]  }
0x12f: {  	s29 =	sadd.s32 $0x1000, s10;
	v31 =	vadd.f32 v42, v31;
	v61 =	vadd.f32 v62, v61;
	[tilespmem:s25+$0x1160] =	vst v0;
	v32 =	vld [tilespmem:s26+$0x1170]  }
0x130: {  	s30 =	sor.u32 s9, s29;
	v4 =	vadd.f32 v16, v4;
	v16 =	vadd.f32 $0.0e+00, v47;
	[tilespmem:s25+$0x1170] =	vst v3;
	v47 =	vld [tilespmem:s26+$0xD170]  }
0x131: {  	v62 =	vmul.f32 v43, v43;
	v57 =	vadd.f32 v57, v58;
	v63 =	vmul.f32 v44, v44;
	v58 =	vld [tilespmem:s30+$0x1100]  }
0x132: {  	v16 =	vadd.f32 v48, v16;
	v48 =	vadd.f32 $0.0e+00, v53;
	v7 =	vld [tilespmem:s30+$0xD100]  }
0x133: {  	v62 =	vadd.f32 v63, v62;
	v15 =	vadd.f32 v12, v15;
	v12 =	vmul.f32 v52, v52;
	v6 =	vld [tilespmem:s30+$0xD110]  }
0x134: {  	v63 =	vmul.f32 v53, v53;
	v0 =	vmul.f32 v56, v56;
	v56 =	vadd.f32 v56, v48;
	v48 =	vld [tilespmem:s30+$0x1120]  }
0x135: {  	v19 =	vadd.f32 v11, v13;
	v53 =	vmul.f32 v54, v54;
	v4 =	vadd.f32 v12, v4;
	v5 =	vld [tilespmem:s30+$0xD120]  }
0x136: {  	v12 =	vadd.f32 v54, v57;
	v13 =	vadd.f32 v1, v59;
	v3 =	vld [tilespmem:s30+$0x1140]  }
0x137: {  	v8 =	vadd.f32 v53, v8;
	v53 =	vmul.f32 v39, v39;
	v11 =	vld [tilespmem:s30+$0xD140];
	v16 =	vadd.f32 v41, v16  }
0x138: {  	v1 =	vld [tilespmem:s30+$0x1150];
	v63 =	vadd.f32 v0, v63;
	v0 =	vadd.f32 $0.0e+00, v43  }
0x139: {  	[tilespmem:s26+$0x1110] =	vst v15;
	v54 =	vld [tilespmem:s30+$0x1170];
	v43 =	vadd.f32 $0.0e+00, v49;
	v62 =	vadd.f32 v53, v62  }
0x13a: {  	[tilespmem:s26+$0x1130] =	vst v19;
	v49 =	vld [tilespmem:s30+$0x1110];
	v53 =	vadd.f32 v10, v17;
	v10 =	vmul.f32 v51, v51;
	v51 =	vadd.f32 v51, v56  }
0x13b: {  	[tilespmem:s26+$0x1150] =	vst v13;
	v17 =	vld [tilespmem:s30+$0x1160];
	v0 =	vadd.f32 v44, v0;
	v44 =	vmul.f32 v42, v42;
	v42 =	vadd.f32 v60, v2  }
0x13c: {  	v56 =	vld [tilespmem:s30+$0xD170];
	v55 =	vadd.f32 v55, v43;
	v43 =	vmul.f32 v41, v41;
	[tilespmem:s26+$0x1120] =	vst v53;
	v41 =	vadd.f32 v47, v32  }
0x13d: {  	v2 =	vld [tilespmem:s30+$0xD150];
	v9 =	vadd.f32 v44, v9;
	v44 =	vadd.f32 v33, v14;
	[tilespmem:s26+$0x1160] =	vst v42  }
0x13e: {  	v33 =	vld [tilespmem:s30+$0x1130];
	v14 =	vadd.f32 v18, v20;
	[tilespmem:s26+$0x1170] =	vst v41  }
0x13f: {  	v61 =	vadd.f32 v43, v61;
	v43 =	vld [tilespmem:s30+$0xD130];
	[tilespmem:s26+$0x1100] =	vst v44  }
0x140: {  	v60 =	vmul.f32 v50, v50;
	v18 =	vld [tilespmem:s30+$0xD160];
	[tilespmem:s26+$0x1140] =	vst v14  }
0x141: {  	s24 =	sor.u32 s15, s29;
	v32 =	vadd.f32 v39, v0;
	v0 =	vld [tilespmem:$0x1FB90]  }
0x142: {  	v8 =	vadd.f32 v60, v8;
	v60 =	vmul.f32 v46, v46;
	v47 =	vld [tilespmem:s24+$0x1100]  }
0x143: {  	v10 =	vadd.f32 v10, v63;
	v63 =	vmul.f32 v22, v22;
	v59 =	vld [tilespmem:s24+$0xD100]  }
0x144: {  	v31 =	vadd.f32 v35, v31;
	v4 =	vadd.f32 v60, v4;
	v60 =	vld [tilespmem:s24+$0x1110]  }
0x145: {  	v20 =	vadd.f32 v52, v55;
	v39 =	vmul.f32 v35, v35;
	v55 =	vadd.f32 v63, v62;
	v62 =	vld [tilespmem:s24+$0x1120]  }
0x146: {  	v12 =	vadd.f32 v50, v12;
	v50 =	vadd.f32 v7, v58;
	v23 =	vld [tilespmem:$0x1FBA0]  }
0x147: {  	v9 =	vadd.f32 v39, v9;
	v32 =	vadd.f32 v22, v32;
	v63 =	vld [tilespmem:s24+$0xD120]  }
0x148: {  	v22 =	vadd.f32 v45, v51;
	v51 =	vadd.f32 v6, v49;
	v49 =	vld [tilespmem:s24+$0x1130]  }
0x149: {  	v20 =	vadd.f32 v46, v20;
	v6 =	vmul.f32 v38, v38;
	v46 =	vadd.f32 v11, v3;
	[tilespmem:s30+$0x1100] =	vst v50;
	v3 =	vld [tilespmem:s24+$0x1150]  }
0x14a: {  	v35 =	vadd.f32 v56, v54;
	v58 =	vld [tilespmem:$0x1FBB0];
	[tilespmem:s30+$0x1110] =	vst v51;
	v39 =	vadd.f32 v2, v1;
	v1 =	vmul.f32 v34, v34  }
0x14b: {  	v6 =	vadd.f32 v6, v8;
	v52 =	vmul.f32 v0, v0;
	v16 =	vadd.f32 v0, v16;
	v0 =	vld [tilespmem:$0x1FBC0]  }
0x14c: {  	s31 =	simm.s32 $0x0;
	v8 =	vld [tilespmem:s24+$0xD140];
	v1 =	vadd.f32 v1, v4;
	[tilespmem:s30+$0x1140] =	vst v46;
	v59 =	vadd.f32 v59, v47  }
0x14d: {  	s3 =	simm.s32 $0x100;
	s21 =	smul.u32 $0x1800, s31;
	[tilespmem:s30+$0x1150] =	vst v39;
	v57 =	vadd.f32 v52, v61;
	v52 =	vmul.f32 v45, v45;
	v61 =	vld [tilespmem:s24+$0xD110];
	v45 =	vadd.f32 v43, v33  }
0x14e: {  	s20 =	sand.u32 $0x300, s3;
	v2 =	vld [tilespmem:s24+$0xD150];
	v7 =	vmul.f32 v23, v23;
	[tilespmem:s30+$0x1170] =	vst v35;
	v33 =	vadd.f32 v23, v31;
	v23 =	vadd.f32 v18, v17  }
0x14f: {  	s22 =	sor.u32 s20, s21;
	v4 =	vld [tilespmem:s24+$0xD160];
	[tilespmem:s24+$0x1100] =	vst v59;
	v10 =	vadd.f32 v52, v10;
	v52 =	vadd.f32 v5, v48;
	v5 =	vmul.f32 v58, v58  }
0x150: {  	v9 =	vadd.f32 v7, v9;
	[tilespmem:s30+$0x1130] =	vst v45;
	v7 =	vmul.f32 v0, v0;
	v47 =	vadd.f32 v0, v32;
	v0 =	vld [tilespmem:s22+$0x1100]  }
0x151: {  	v18 =	vld [tilespmem:s24+$0x1160];
	[tilespmem:s30+$0x1160] =	vst v23;
	v5 =	vadd.f32 v5, v57;
	v57 =	vadd.f32 v63, v62  }
0x152: {  	v17 =	vmul.f32 v27, v27;
	v31 =	vld [tilespmem:s24+$0xD170];
	[tilespmem:s30+$0x1120] =	vst v52;
	v56 =	vadd.f32 v61, v60  }
0x153: {  	v48 =	vld [tilespmem:s24+$0x1140];
	[tilespmem:s24+$0x1120] =	vst v57  }
0x154: {  	v10 =	vadd.f32 v17, v10;
	v17 =	vld [tilespmem:s24+$0x1170];
	[tilespmem:s24+$0x1110] =	vst v56  }
0x155: {  	v63 =	vld [tilespmem:s24+$0xD130];
	[tilespmem:$0x1FDA0] =	vst v0  }
0x156: {  	v0 =	vld [tilespmem:s22+$0xD100];
	_ =	sdelay $0x1  }
0x157: {  	v54 =	vadd.f32 v8, v48;
	_ =	sdelay $0x1  }
0x158: {  	[tilespmem:s24+$0x1140] =	vst v54  }
0x159: {  	[tilespmem:$0x1FDB0] =	vst v0  }
0x15a: {  	v0 =	vld [tilespmem:s22+$0x1110];
	_ =	sdelay $0x1  }
0x15b: {  	v11 =	vadd.f32 v7, v55;
	v55 =	vadd.f32 v2, v3  }
0x15c: {  	v16 =	vadd.f32 v58, v16  }
0x15d: {  	v58 =	vadd.f32 v34, v20;
	v34 =	vadd.f32 v4, v18;
	[tilespmem:s24+$0x1150] =	vst v55  }
0x15e: {  	[tilespmem:$0x1FDC0] =	vst v0  }
0x15f: {  	[tilespmem:s24+$0x1160] =	vst v34;
	v7 =	vld [tilespmem:s22+$0xD110]  }
0x160: {  	v0 =	vld [tilespmem:$0x1FBD0]  }
0x161: {  	v8 =	vld [tilespmem:$0x1FBE0];
	_ =	sdelay $0x2  }
0x162: {  	v12 =	vadd.f32 v38, v12;
	v38 =	vadd.f32 v31, v17  }
0x163: {  	v3 =	vmul.f32 v25, v25;
	[tilespmem:$0x1FDD0] =	vst v7  }
0x164: {  	s5 =	sadd.s32 $0x1400, s10;
	v17 =	vmul.f32 v0, v0;
	v18 =	vmul.f32 v8, v8;
	[tilespmem:s24+$0x1170] =	vst v38  }
0x165: {  	s10 =	sor.u32 s9, s5;
	v3 =	vadd.f32 v3, v9;
	v7 =	vld [tilespmem:$0x1FBF0]  }
0x166: {  	v9 =	vadd.f32 v17, v5;
	v17 =	vadd.f32 v18, v11;
	v11 =	vld [tilespmem:s10+$0xD170];
	_ =	sdelay $0x1  }
0x167: {  	v4 =	vmul.f32 v40, v40;
	v60 =	vadd.f32 v63, v49;
	_ =	sdelay $0x1  }
0x168: {  	v4 =	vadd.f32 v4, v6;
	[tilespmem:s24+$0x1130] =	vst v60;
	v6 =	vmul.f32 v7, v7  }
0x169: {  	s9 =	sor.u32 s15, s5;
	v32 =	vld [tilespmem:s10+$0x1170];
	[tilespmem:$0x1FCD0] =	vst v11  }
0x16a: {  	v1 =	vadd.f32 v6, v1;
	v6 =	vld [tilespmem:s9+$0x1170];
	_ =	sdelay $0x3  }
0x16b: {  	v5 =	vmul.f32 v36, v36  }
0x16c: {  	[tilespmem:$0x1FCE0] =	vst v6  }
0x16d: {  	v6 =	vadd.f32 v5, v10;
	v5 =	vld [tilespmem:s9+$0xD170];
	_ =	sdelay $0x4  }
0x16e: {  	[tilespmem:$0x1FCF0] =	vst v5  }
0x16f: {  	v10 =	vadd.f32 v40, v12;
	v12 =	vadd.f32 v0, v16;
	v0 =	vld [tilespmem:s10+$0x1140];
	_ =	sdelay $0x4  }
0x170: {  	[tilespmem:$0x1FD00] =	vst v0  }
0x171: {  	v0 =	vld [tilespmem:s10+$0xD140];
	_ =	sdelay $0x4  }
0x172: {  	[tilespmem:$0x1FD10] =	vst v0  }
0x173: {  	v16 =	vadd.f32 v8, v47;
	v8 =	vld [tilespmem:s10+$0x1150];
	_ =	sdelay $0x4  }
0x174: {  	[tilespmem:$0x1FD20] =	vst v8  }
0x175: {  	v8 =	vld [tilespmem:s10+$0xD150];
	_ =	sdelay $0x4  }
0x176: {  	[tilespmem:$0x1FD30] =	vst v8  }
0x177: {  	v8 =	vld [tilespmem:s10+$0x1160]  }
0x178: {  	v2 =	vadd.f32 v27, v22;
	v22 =	vadd.f32 v7, v58;
	v7 =	vld [tilespmem:$0x1FC00];
	_ =	sdelay $0x2  }
0x179: {  	v18 =	vadd.f32 v25, v33  }
0x17a: {  	[tilespmem:$0x1FD40] =	vst v8  }
0x17b: {  	v11 =	vmul.f32 v7, v7;
	v18 =	vadd.f32 v7, v18;
	v7 =	vld [tilespmem:s10+$0xD160];
	_ =	sdelay $0x4  }
0x17c: {  	[tilespmem:$0x1FD50] =	vst v7  }
0x17d: {  	v7 =	vld [tilespmem:s9+$0x1140]  }
0x17e: {  	v0 =	vld [tilespmem:$0x1FC10];
	_ =	sdelay $0x3  }
0x17f: {  	[tilespmem:$0x1FD60] =	vst v7  }
0x180: {  	v58 =	vmul.f32 v0, v0;
	v47 =	vadd.f32 v0, v12;
	v0 =	vld [tilespmem:s9+$0xD140];
	_ =	sdelay $0x4  }
0x181: {  	[tilespmem:$0x1FD70] =	vst v0  }
0x182: {  	v0 =	vld [tilespmem:s9+$0x1150]  }
0x183: {  	v5 =	vld [tilespmem:$0x1FC20];
	_ =	sdelay $0x2  }
0x184: {  	v7 =	vld [tilespmem:$0x1FC30]  }
0x185: {  	[tilespmem:$0x1FD80] =	vst v0;
	v0 =	vld [tilespmem:$0x1FC50]  }
0x186: {  	v61 =	vmul.f32 v5, v5;
	v16 =	vadd.f32 v5, v16;
	v5 =	vld [tilespmem:s9+$0xD150]  }
0x187: {  	v2 =	vadd.f32 v36, v2;
	_ =	sdelay $0x1  }
0x188: {  	v2 =	vadd.f32 v26, v2;
	v3 =	vadd.f32 v11, v3;
	v8 =	vld [tilespmem:$0x1FC60];
	v63 =	vmul.f32 v7, v7  }
0x189: {  	v33 =	vadd.f32 v37, v10;
	v10 =	vld [tilespmem:$0x1FC40];
	v43 =	vadd.f32 v61, v17;
	v17 =	vmul.f32 v26, v26  }
0x18a: {  	v9 =	vadd.f32 v58, v9;
	v26 =	vmul.f32 v0, v0;
	[tilespmem:$0x1FD90] =	vst v5;
	v5 =	vadd.f32 v63, v3;
	v3 =	vld [tilespmem:$0x1FC70]  }
0x18b: {  	v6 =	vadd.f32 v17, v6;
	v17 =	vld [tilespmem:s9+$0x1160]  }
0x18c: {  	v26 =	vadd.f32 v26, v9;
	v9 =	vld [tilespmem:$0x1FC80]  }
0x18d: {  	v40 =	vmul.f32 v8, v8;
	v63 =	vld [tilespmem:s9+$0xD160]  }
0x18e: {  	v12 =	vld [tilespmem:s10+$0x1110]  }
0x18f: {  	v43 =	vadd.f32 v40, v43;
	v40 =	vld [tilespmem:s10+$0xD110]  }
0x190: {  	v49 =	vmul.f32 v37, v37;
	v37 =	vld [tilespmem:s10+$0x1120]  }
0x191: {  	v62 =	vmul.f32 v28, v28;
	v22 =	vadd.f32 v28, v22;
	v28 =	vld [tilespmem:s10+$0xD120]  }
0x192: {  	v4 =	vadd.f32 v49, v4;
	v36 =	vmul.f32 v10, v10;
	v31 =	vld [tilespmem:s10+$0x1130]  }
0x193: {  	v1 =	vadd.f32 v62, v1;
	v33 =	vadd.f32 v10, v33;
	v25 =	vld [tilespmem:s9+$0xD110]  }
0x194: {  	v48 =	vadd.f32 v36, v4;
	v62 =	vadd.f32 v8, v16;
	v11 =	vld [tilespmem:s9+$0x1120];
	v4 =	vmul.f32 v3, v3  }
0x195: {  	v18 =	vadd.f32 v7, v18;
	v47 =	vadd.f32 v0, v47;
	v0 =	vmul.f32 v53, v53;
	v20 =	vld [tilespmem:s9+$0xD130]  }
0x196: {  	v10 =	vld [tilespmem:s10+$0x1100];
	v3 =	vadd.f32 v3, v22;
	v58 =	vmul.f32 v9, v9;
	v7 =	vadd.f32 v4, v1  }
0x197: {  	v8 =	vld [tilespmem:s9+$0x1100];
	v1 =	vadd.f32 v9, v2;
	v2 =	vadd.f32 v21, v18  }
0x198: {  	v22 =	vld [tilespmem:s9+$0xD120];
	v4 =	vadd.f32 v0, v48;
	v0 =	vmul.f32 v15, v15;
	v6 =	vadd.f32 v58, v6  }
0x199: {  	v47 =	vadd.f32 v24, v47;
	v18 =	vadd.f32 v53, v33;
	v21 =	vmul.f32 v21, v21;
	v33 =	vld [tilespmem:s10+$0xD130]  }
0x19a: {  	v48 =	vadd.f32 v30, v2;
	v2 =	vadd.f32 v0, v6;
	v0 =	vld [tilespmem:$0x1FC90]  }
0x19b: {  	v53 =	vld [tilespmem:s9+$0x1110];
	v3 =	vadd.f32 v44, v3;
	v44 =	vmul.f32 v44, v44;
	v5 =	vadd.f32 v21, v5  }
0x19c: {  	v30 =	vmul.f32 v30, v30;
	v18 =	vadd.f32 v13, v18;
	v13 =	vmul.f32 v13, v13;
	v6 =	vld [tilespmem:s22+$0x1120]  }
0x19d: {  	v9 =	vld [tilespmem:s9+$0xD100];
	v36 =	vadd.f32 v15, v1;
	v7 =	vadd.f32 v44, v7  }
0x19e: {  	v1 =	vld [tilespmem:$0x1FCA0];
	v5 =	vadd.f32 v30, v5;
	v4 =	vadd.f32 v13, v4  }
0x19f: {  	v21 =	vld [tilespmem:s9+$0x1130];
	v13 =	vadd.f32 v0, v47;
	v30 =	vmul.f32 v0, v0;
	v0 =	vmul.f32 v19, v19  }
0x1a0: {  	v49 =	vadd.f32 v29, v62;
	v29 =	vmul.f32 v29, v29;
	v44 =	vld [tilespmem:s10+$0xD100]  }
0x1a1: {  	[tilespmem:$0x1FDE0] =	vst v6;
	v7 =	vadd.f32 v0, v7;
	v0 =	vld [tilespmem:$0x1FCB0]  }
0x1a2: {  	v29 =	vadd.f32 v29, v43;
	v24 =	vmul.f32 v24, v24;
	v43 =	vadd.f32 v14, v36;
	v62 =	vld [tilespmem:s22+$0xD120]  }
0x1a3: {  	v14 =	vmul.f32 v14, v14;
	v49 =	vadd.f32 v1, v49;
	v1 =	vmul.f32 v1, v1;
	v36 =	vld [tilespmem:s22+$0x1130]  }
0x1a4: {  	v26 =	vadd.f32 v24, v26;
	v61 =	vld [tilespmem:s22+$0xD130]  }
0x1a5: {  	v58 =	vmul.f32 v41, v41;
	v2 =	vadd.f32 v14, v2;
	v1 =	vadd.f32 v1, v29;
	v27 =	vld [tilespmem:s22+$0x1140]  }
0x1a6: {  	v26 =	vadd.f32 v30, v26;
	v13 =	vadd.f32 v0, v13;
	v29 =	vmul.f32 v0, v0;
	v0 =	vld [tilespmem:$0x1FCC0]  }
0x1a7: {  	v3 =	vadd.f32 v19, v3;
	v2 =	vadd.f32 v58, v2;
	v14 =	vld [tilespmem:s22+$0x1510]  }
0x1a8: {  	v58 =	vmul.f32 v59, v59;
	v6 =	vld [tilespmem:s22+$0x1530];
	v26 =	vadd.f32 v29, v26;
	v29 =	vadd.f32 v41, v43  }
0x1a9: {  	v3 =	vadd.f32 v42, v3;
	v30 =	vld [tilespmem:s22+$0xD160]  }
0x1aa: {  	v4 =	vadd.f32 v58, v4;
	v58 =	vld [tilespmem:s22+$0xD500];
	v29 =	vadd.f32 v57, v29  }
0x1ab: {  	v41 =	vld [tilespmem:s22+$0xD140];
	v57 =	vmul.f32 v57, v57;
	v47 =	vadd.f32 v0, v49;
	v0 =	vmul.f32 v0, v0  }
0x1ac: {  	v42 =	vmul.f32 v42, v42;
	v3 =	vadd.f32 v56, v3;
	v43 =	vld [tilespmem:s22+$0xD150];
	v13 =	vadd.f32 v51, v13  }
0x1ad: {  	v2 =	vadd.f32 v57, v2;
	v57 =	vld [tilespmem:s22+$0xD520];
	v0 =	vadd.f32 v0, v1  }
0x1ae: {  	v1 =	vadd.f32 v42, v7;
	v42 =	vld [tilespmem:s22+$0x1150];
	v7 =	vadd.f32 v50, v48;
	v48 =	vmul.f32 v50, v50  }
0x1af: {  	v50 =	vmul.f32 v51, v51;
	v51 =	vadd.f32 v52, v47;
	v47 =	vld [tilespmem:s22+$0x1160];
	v52 =	vmul.f32 v52, v52  }
0x1b0: {  	v56 =	vmul.f32 v56, v56;
	v13 =	vadd.f32 v46, v13;
	v5 =	vadd.f32 v48, v5;
	v48 =	vld [tilespmem:s22+$0x1170]  }
0x1b1: {  	v46 =	vmul.f32 v46, v46;
	v26 =	vadd.f32 v50, v26;
	v0 =	vadd.f32 v52, v0;
	v50 =	vld [tilespmem:s22+$0xD170]  }
0x1b2: {  	v52 =	vld [tilespmem:s22+$0x1500];
	v7 =	vadd.f32 v45, v7;
	v45 =	vmul.f32 v45, v45;
	v1 =	vadd.f32 v56, v1  }
0x1b3: {  	v56 =	vld [tilespmem:s22+$0xD510];
	v26 =	vadd.f32 v46, v26;
	v46 =	vadd.f32 v39, v51;
	v39 =	vmul.f32 v39, v39  }
0x1b4: {  	v5 =	vadd.f32 v45, v5;
	v45 =	vld [tilespmem:s22+$0x1520];
	[tilespmem:$0x1FDF0] =	vst v6  }
0x1b5: {  	v6 =	vadd.f32 v39, v0;
	v0 =	vld [tilespmem:s22+$0x1540];
	_ =	sdelay $0x1  }
0x1b6: {  	v16 =	vld [tilespmem:$0x1FCF0]  }
0x1b7: {  	v15 =	vld [tilespmem:$0x1FCE0];
	v18 =	vadd.f32 v59, v18;
	_ =	sdelay $0x1  }
0x1b8: {  	v51 =	vadd.f32 v60, v18;
	v18 =	vmul.f32 v60, v60;
	v60 =	vld [tilespmem:s22+$0xD530];
	[tilespmem:$0x1FE00] =	vst v0  }
0x1b9: {  	v0 =	vadd.f32 v35, v13;
	v13 =	vld [tilespmem:s22+$0x1550];
	_ =	sdelay $0x1  }
0x1ba: {  	v15 =	vadd.f32 v16, v15;
	_ =	sdelay $0x1  }
0x1bb: {  	v4 =	vadd.f32 v18, v4;
	v18 =	vld [tilespmem:s22+$0xD540];
	[tilespmem:$0x1FE90] =	vst v15  }
0x1bc: {  	[tilespmem:$0x1FE10] =	vst v13  }
0x1bd: {  	v15 =	vld [tilespmem:s22+$0x1560];
	_ =	sdelay $0x2  }
0x1be: {  	v16 =	vld [tilespmem:$0x1FD10]  }
0x1bf: {  	v24 =	vld [tilespmem:s22+$0xD550]  }
0x1c0: {  	[tilespmem:$0x1FE20] =	vst v15;
	v15 =	vld [tilespmem:$0x1FD00];
	_ =	sdelay $0x4  }
0x1c1: {  	v59 =	vadd.f32 v16, v15;
	v15 =	vld [tilespmem:s22+$0xD560];
	_ =	sdelay $0x4  }
0x1c2: {  	[tilespmem:$0x1FE30] =	vst v15  }
0x1c3: {  	v15 =	vld [tilespmem:s22+$0x1570];
	_ =	sdelay $0x2  }
0x1c4: {  	v13 =	vld [tilespmem:$0x1FCD0]  }
0x1c5: {  	v16 =	vld [tilespmem:$0x1FD30]  }
0x1c6: {  	[tilespmem:$0x1FE40] =	vst v15;
	v15 =	vld [tilespmem:$0x1FD20];
	_ =	sdelay $0x4  }
0x1c7: {  	v13 =	vadd.f32 v13, v32;
	v32 =	vadd.f32 v16, v15;
	v15 =	vld [tilespmem:$0x1FD40]  }
0x1c8: {  	v16 =	vld [tilespmem:$0x1FD50];
	_ =	sdelay $0x4  }
0x1c9: {  	v19 =	vadd.f32 v16, v15;
	v15 =	vld [tilespmem:$0x1FD60]  }
0x1ca: {  	v39 =	vadd.f32 v55, v29;
	v29 =	vmul.f32 v55, v55;
	v16 =	vld [tilespmem:$0x1FD70]  }
0x1cb: {  	v7 =	vadd.f32 v23, v7  }
0x1cc: {  	v23 =	vmul.f32 v23, v23;
	v2 =	vadd.f32 v29, v2;
	v29 =	vmul.f32 v35, v35  }
0x1cd: {  	v3 =	vadd.f32 v54, v3  }
0x1ce: {  	v54 =	vmul.f32 v54, v54;
	v5 =	vadd.f32 v23, v5;
	v23 =	vadd.f32 v29, v26;
	v26 =	vld [tilespmem:$0x1FD90]  }
0x1cf: {  	v3 =	vadd.f32 v38, v3;
	v38 =	vmul.f32 v38, v38;
	v16 =	vadd.f32 v16, v15;
	v15 =	vld [tilespmem:$0x1FD80]  }
0x1d0: {  	s24 =	simm.s32 $0x180;
	v1 =	vadd.f32 v54, v1;
	v51 =	vadd.f32 v34, v51;
	v34 =	vmul.f32 v34, v34  }
0x1d1: {  	s25 =	sand.u32 $0x380, s24;
	v28 =	vadd.f32 v28, v37  }
0x1d2: {  	s6 =	sor.u32 s21, s25;
	v1 =	vadd.f32 v38, v1;
	v4 =	vadd.f32 v34, v4;
	v49 =	vld [tilespmem:s22+$0xD570]  }
0x1d3: {  	v35 =	vadd.f32 v40, v12;
	v12 =	vadd.f32 v25, v53;
	v38 =	vld [tilespmem:s6+$0x1100]  }
0x1d4: {  	v34 =	vld [tilespmem:s6+$0xD100];
	v26 =	vadd.f32 v26, v15;
	v15 =	vadd.f32 v33, v31  }
0x1d5: {  	v11 =	vadd.f32 v22, v11;
	v29 =	vadd.f32 v20, v21;
	v20 =	vmul.f32 v12, v12;
	v55 =	vld [tilespmem:s6+$0x1110];
	[tilespmem:$0x1FEF0] =	vst v28  }
0x1d6: {  	v63 =	vadd.f32 v63, v17;
	v17 =	vadd.f32 v44, v10;
	v10 =	vmul.f32 v35, v35;
	[tilespmem:$0x1FF00] =	vst v15  }
0x1d7: {  	v8 =	vadd.f32 v9, v8;
	v4 =	vadd.f32 v20, v4;
	v20 =	vmul.f32 v11, v11;
	v31 =	vld [tilespmem:s6+$0xD110]  }
0x1d8: {  	v5 =	vadd.f32 v10, v5;
	v10 =	vadd.f32 v17, v46;
	v22 =	vld [tilespmem:s6+$0x1120];
	[tilespmem:$0x1FF10] =	vst v17  }
0x1d9: {  	v9 =	vmul.f32 v28, v28;
	v54 =	vadd.f32 v20, v1;
	v1 =	vmul.f32 v17, v17;
	[tilespmem:$0x1FEE0] =	vst v35  }
0x1da: {  	v0 =	vadd.f32 v28, v0;
	v10 =	vadd.f32 v15, v10;
	v17 =	vmov v32;
	v25 =	vld [tilespmem:s6+$0xD120];
	[tilespmem:$0x1FF50] =	vst v12  }
0x1db: {  	v9 =	vadd.f32 v9, v23;
	v1 =	vadd.f32 v1, v6;
	v6 =	vmul.f32 v17, v17;
	v33 =	vld [tilespmem:s6+$0x1130]  }
0x1dc: {  	v0 =	vadd.f32 v32, v0;
	v10 =	vadd.f32 v19, v10;
	v37 =	vld [tilespmem:s6+$0xD130]  }
0x1dd: {  	v6 =	vadd.f32 v6, v9;
	v9 =	vld [tilespmem:$0x1FDA0]  }
0x1de: {  	[tilespmem:$0x1FF70] =	vst v11;
	v0 =	vadd.f32 v10, v0;
	v10 =	vmul.f32 v15, v15;
	v15 =	vld [tilespmem:$0x1FDB0]  }
0x1df: {  	v40 =	vld [tilespmem:s6+$0x1140]  }
0x1e0: {  	v23 =	vld [tilespmem:s6+$0xD140];
	[tilespmem:$0x1FF30] =	vst v8  }
0x1e1: {  	v53 =	vld [tilespmem:s6+$0x1150]  }
0x1e2: {  	v1 =	vadd.f32 v10, v1;
	v10 =	vld [tilespmem:$0x1FDD0]  }
0x1e3: {  	[tilespmem:$0x1FEC0] =	vst v32;
	v15 =	vadd.f32 v15, v9;
	v9 =	vld [tilespmem:$0x1FDC0]  }
0x1e4: {  	[tilespmem:$0x1FED0] =	vst v19  }
0x1e5: {  	[tilespmem:$0x1FEA0] =	vst v59  }
0x1e6: {  	v32 =	vld [tilespmem:s6+$0xD150]  }
0x1e7: {  	v20 =	vmul.f32 v8, v8;
	v46 =	vld [tilespmem:s6+$0x1160]  }
0x1e8: {  	v21 =	vmul.f32 v59, v59;
	v10 =	vadd.f32 v10, v9;
	v9 =	vld [tilespmem:$0x1FDE0]  }
0x1e9: {  	v2 =	vadd.f32 v20, v2;
	v20 =	vld [tilespmem:s6+$0xD160]  }
0x1ea: {  	v5 =	vadd.f32 v21, v5;
	v21 =	vadd.f32 v61, v36;
	v28 =	vld [tilespmem:s6+$0x1170]  }
0x1eb: {  	v41 =	vadd.f32 v41, v27;
	v17 =	vld [tilespmem:s6+$0xD170];
	[tilespmem:s22+$0x1100] =	vst v15  }
0x1ec: {  	v36 =	vld [tilespmem:s6+$0x1500];
	[tilespmem:s22+$0x1130] =	vst v21  }
0x1ed: {  	v43 =	vadd.f32 v43, v42;
	v42 =	vld [tilespmem:s6+$0xD500];
	[tilespmem:s22+$0x1140] =	vst v41;
	v44 =	vadd.f32 v62, v9  }
0x1ee: {  	v61 =	vadd.f32 v50, v48;
	v48 =	vld [tilespmem:s6+$0xD510];
	[tilespmem:s22+$0x1110] =	vst v10  }
0x1ef: {  	v50 =	vld [tilespmem:s6+$0x1520];
	[tilespmem:s22+$0x1120] =	vst v44  }
0x1f0: {  	v27 =	vadd.f32 v8, v39;
	v62 =	vadd.f32 v30, v47;
	v47 =	vld [tilespmem:s6+$0x1510];
	[tilespmem:$0x1FF80] =	vst v29  }
0x1f1: {  	v7 =	vadd.f32 v35, v7;
	[tilespmem:s22+$0x1150] =	vst v43  }
0x1f2: {  	v27 =	vadd.f32 v29, v27;
	v30 =	vadd.f32 v58, v52;
	v52 =	vld [tilespmem:s6+$0xD520];
	[tilespmem:s22+$0x1160] =	vst v62  }
0x1f3: {  	v7 =	vadd.f32 v59, v7;
	v8 =	vmov v29;
	v29 =	vadd.f32 v56, v14;
	v56 =	vld [tilespmem:s6+$0x1530];
	[tilespmem:$0x1FF90] =	vst v26  }
0x1f4: {  	[tilespmem:$0x1FFB0] =	vst v63  }
0x1f5: {  	v7 =	vadd.f32 v13, v7;
	[tilespmem:s22+$0x1170] =	vst v61  }
0x1f6: {  	[tilespmem:s22+$0x1500] =	vst v30  }
0x1f7: {  	v59 =	vadd.f32 v7, v0;
	v0 =	vld [tilespmem:$0x1FDF0];
	[tilespmem:s22+$0x1510] =	vst v29  }
0x1f8: {  	v7 =	vld [tilespmem:$0x1FE00];
	_ =	sdelay $0x2  }
0x1f9: {  	v35 =	vadd.f32 v11, v3  }
0x1fa: {  	v27 =	vadd.f32 v63, v27  }
0x1fb: {  	v14 =	vadd.f32 v26, v35;
	v58 =	vld [tilespmem:s6+$0xD530];
	v7 =	vadd.f32 v18, v7  }
0x1fc: {  	v3 =	vmov v26;
	v26 =	vadd.f32 v57, v45;
	v57 =	vld [tilespmem:s6+$0x1540]  }
0x1fd: {  	v45 =	vadd.f32 v27, v14;
	v14 =	vadd.f32 v60, v0;
	v0 =	vmul.f32 v19, v19;
	v60 =	vld [tilespmem:s6+$0xD540];
	[tilespmem:$0x1FE60] =	vst v7  }
0x1fe: {  	[tilespmem:s22+$0x1520] =	vst v26  }
0x1ff: {  	v18 =	vadd.f32 v12, v51;
	v51 =	vadd.f32 v0, v1;
	v0 =	vld [tilespmem:$0x1FE10];
	_ =	sdelay $0x4  }
0x200: {  	v9 =	vadd.f32 v24, v0;
	_ =	sdelay $0x1  }
0x201: {  	v39 =	vld [tilespmem:s6+$0x1550];
	[tilespmem:$0x1FE70] =	vst v9  }
0x202: {  	[tilespmem:s22+$0x1530] =	vst v14  }
0x203: {  	v1 =	vld [tilespmem:$0x1FE20]  }
0x204: {  	v11 =	vld [tilespmem:$0x1FE30];
	_ =	sdelay $0x4  }
0x205: {  	v11 =	vadd.f32 v11, v1  }
0x206: {  	[tilespmem:$0x1FF20] =	vst v16  }
0x207: {  	v0 =	vmul.f32 v16, v16;
	v24 =	vld [tilespmem:s6+$0xD550];
	[tilespmem:$0x1FE50] =	vst v11  }
0x208: {  	[tilespmem:s22+$0x1540] =	vst v7  }
0x209: {  	v4 =	vadd.f32 v0, v4;
	v0 =	vld [tilespmem:$0x1FE40];
	_ =	sdelay $0x4  }
0x20a: {  	v7 =	vadd.f32 v49, v0;
	_ =	sdelay $0x1  }
0x20b: {  	v1 =	vadd.f32 v16, v18;
	v16 =	vmul.f32 v8, v8;
	v18 =	vld [tilespmem:s6+$0x1560];
	[tilespmem:$0x1FEB0] =	vst v7  }
0x20c: {  	[tilespmem:s22+$0x1550] =	vst v9;
	v0 =	vld [tilespmem:s6+$0xD560]  }
0x20d: {  	v22 =	vadd.f32 v25, v22;
	v16 =	vadd.f32 v16, v2;
	v8 =	vld [tilespmem:$0x1FE90]  }
0x20e: {  	s17 =	sadd.s32 $0x800, s21;
	v2 =	vmul.f32 v13, v13;
	v49 =	vadd.f32 v31, v55;
	v9 =	vadd.f32 v34, v38;
	v34 =	vld [tilespmem:s6+$0x1570];
	[tilespmem:s22+$0x1560] =	vst v11  }
0x20f: {  	s23 =	sor.u32 s20, s17;
	v52 =	vadd.f32 v52, v50;
	v6 =	vadd.f32 v51, v6;
	v31 =	vld [tilespmem:s6+$0xD570];
	[tilespmem:s22+$0x1570] =	vst v7  }
0x210: {  	v35 =	vmov v13;
	v13 =	vadd.f32 v32, v53;
	v5 =	vadd.f32 v2, v5;
	[tilespmem:s6+$0x1110] =	vst v49;
	v25 =	vld [tilespmem:s23+$0x1100]  }
0x211: {  	v53 =	vadd.f32 v17, v28;
	v7 =	vadd.f32 v37, v33;
	[tilespmem:s6+$0x1120] =	vst v22;
	v37 =	vld [tilespmem:s23+$0xD100]  }
0x212: {  	v5 =	vadd.f32 v5, v6;
	[tilespmem:s6+$0x1150] =	vst v13;
	v6 =	vld [tilespmem:s23+$0xD130];
	v1 =	vadd.f32 v8, v1  }
0x213: {  	v55 =	vadd.f32 v58, v56;
	[tilespmem:s6+$0x1170] =	vst v53;
	v32 =	vld [tilespmem:s23+$0xD160];
	v51 =	vmul.f32 v8, v8  }
0x214: {  	[tilespmem:s6+$0x1520] =	vst v52;
	v8 =	vld [tilespmem:s23+$0xD120];
	v38 =	vadd.f32 v1, v45;
	v45 =	vmul.f32 v3, v3;
	v3 =	vadd.f32 v23, v40  }
0x215: {  	[tilespmem:s6+$0x1530] =	vst v55;
	v23 =	vmul.f32 v63, v63;
	v40 =	vld [tilespmem:s23+$0x1110];
	v11 =	vadd.f32 v51, v4;
	v4 =	vadd.f32 v42, v36  }
0x216: {  	[tilespmem:s6+$0x1100] =	vst v9;
	v51 =	vadd.f32 v48, v47;
	v48 =	vadd.f32 v0, v18;
	v18 =	vld [tilespmem:s23+$0x1160]  }
0x217: {  	[tilespmem:s6+$0x1130] =	vst v7;
	v63 =	vld [tilespmem:s23+$0x1170];
	v33 =	vadd.f32 v45, v54;
	v16 =	vadd.f32 v23, v16  }
0x218: {  	v45 =	vld [tilespmem:s23+$0xD110];
	[tilespmem:s6+$0x1140] =	vst v3  }
0x219: {  	v54 =	vadd.f32 v20, v46;
	v20 =	vld [tilespmem:s23+$0x1120];
	[tilespmem:s6+$0x1500] =	vst v4;
	v12 =	vadd.f32 v16, v33  }
0x21a: {  	(xrf2) =	vadd.scan.msk.f32 $0xffff, v59;
	v36 =	vadd.f32 v31, v34;
	[tilespmem:s6+$0x1510] =	vst v51;
	v23 =	vld [tilespmem:s23+$0x1150]  }
0x21b: {  	(xrf2) =	vadd.scan.msk.f32 $0xffff, v38;
	v46 =	vadd.f32 v60, v57;
	[tilespmem:s6+$0x1560] =	vst v48;
	v60 =	vld [tilespmem:s23+$0xD170];
	v11 =	vadd.f32 v11, v12  }
0x21c: {  	[tilespmem:s6+$0x1570] =	vst v36;
	(xrf2) =	vadd.scan.msk.f32 $0xffff, v5;
	v5 =	vld [tilespmem:s23+$0xD140]  }
0x21d: {  	[tilespmem:s6+$0x1160] =	vst v54;
	v16 =	vld [tilespmem:s23+$0x1130];
	(xrf2) =	vadd.scan.msk.f32 $0xffff, v11;
	v11 =	vadd.f32 v24, v39  }
0x21e: {  	[tilespmem:s6+$0x1540] =	vst v46;
	v12 =	vld [tilespmem:s23+$0x1140]  }
0x21f: {  	s26 =	sor.u32 s25, s17;
	v24 =	vld [tilespmem:s23+$0xD150];
	[tilespmem:s6+$0x1550] =	vst v11  }
0x220: {  	v39 =	vld [tilespmem:s26+$0x1100]  }
0x221: {  	v50 =	vld [tilespmem:s26+$0xD100]  }
0x222: {  	v56 =	vld [tilespmem:s26+$0x1110]  }
0x223: {  	v57 =	vld [tilespmem:s26+$0xD110]  }
0x224: {  	v42 =	vadd.f32 v37, v25;
	v58 =	vld [tilespmem:s26+$0x1120]  }
0x225: {  	v31, _, _ =	vpop (xrf2);
	v34 =	vadd.f32 $0.0e+00, v44;
	v59 =	vld [tilespmem:s26+$0xD120];
	v1 =	vadd.f32 v24, v23  }
0x226: {  	(v2sf) =	vpush v31, $0xF;
	v0 =	vadd.f32 v32, v18;
	v25 =	vld [tilespmem:s26+$0x1130];
	v31, _, _ =	vpop (xrf2)  }
0x227: {  	v37 =	vadd.f32 v6, v16;
	v6 =	vld [tilespmem:s26+$0xD130];
	(v2sf) =	vpush v31, $0xF;
	v31, _, _ =	vpop (xrf2);
	[tilespmem:$0x1FF40] =	vst v1  }
0x228: {  	v47 =	vadd.f32 v45, v40;
	(v2sf) =	vpush v31, $0xF;
	[tilespmem:s23+$0x1100] =	vst v42;
	v31, _, _ =	vpop (xrf2)  }
0x229: {  	(v2sf) =	vpush v31, $0xF;
	v31 =	vadd.f32 v8, v20;
	v8 =	vld [tilespmem:s26+$0x1140];
	[tilespmem:$0x1FF60] =	vst v0  }
0x22a: {  	v16 =	vmul.f32 v43, v43;
	v38 =	vadd.f32 v5, v12;
	v5 =	vmul.f32 v44, v44;
	[tilespmem:s23+$0x1110] =	vst v47;
	v12 =	vld [tilespmem:s26+$0xD140]  }
0x22b: {  	v33 =	vadd.f32 v60, v63;
	v23 =	vmul.f32 v22, v22;
	v24 =	vmul.f32 v13, v13;
	v20 =	vld [tilespmem:s26+$0x1150];
	[tilespmem:s23+$0x1130] =	vst v37  }
0x22c: {  	v63 =	vmul.f32 v15, v15;
	v60 =	vmul.f32 v21, v21;
	v5 =	vadd.f32 v16, v5;
	v16 =	vld [tilespmem:s26+$0xD150];
	[tilespmem:s23+$0x1140] =	vst v38  }
0x22d: {  	v40 =	vmul.f32 v10, v10;
	v45 =	vmul.f32 v41, v41;
	v23 =	vadd.f32 v24, v23;
	v24 =	vld [tilespmem:s26+$0x1160];
	[tilespmem:s23+$0x1150] =	vst v1  }
0x22e: {  	v10 =	vadd.f32 $0.0e+00, v10;
	v32 =	vadd.f32 v60, v63;
	v60 =	vld [tilespmem:s26+$0xD160];
	[tilespmem:s23+$0x1160] =	vst v0  }
0x22f: {  	s29 =	sadd.s32 $0xC00, s21;
	v2 =	vmul.f32 v7, v7;
	v34 =	vadd.f32 v43, v34;
	v40 =	vadd.f32 v45, v40;
	v45 =	vld [tilespmem:s26+$0x1170];
	[tilespmem:s23+$0x1170] =	vst v33  }
0x230: {  	s30 =	sor.u32 s20, s29;
	v10 =	vadd.f32 v41, v10;
	v43 =	vld [tilespmem:s26+$0xD170];
	v1 =	vmul.f32 v49, v49;
	v0 =	vmul.f32 v3, v3;
	[tilespmem:s23+$0x1120] =	vst v31  }
0x231: {  	v63 =	vmul.f32 v9, v9;
	v9 =	vadd.f32 $0.0e+00, v9;
	v22 =	vadd.f32 $0.0e+00, v22;
	v44 =	vld [tilespmem:s30+$0x1100]  }
0x232: {  	v0 =	vadd.f32 v0, v1;
	v1 =	vadd.f32 $0.0e+00, v15;
	v15 =	vld [tilespmem:s30+$0xD100]  }
0x233: {  	v2 =	vadd.f32 v2, v63;
	v22 =	vadd.f32 v13, v22;
	v13 =	vld [tilespmem:s30+$0x1110]  }
0x234: {  	v7 =	vadd.f32 v7, v9;
	v50 =	vadd.f32 v50, v39;
	v41 =	vld [tilespmem:s30+$0x1120]  }
0x235: {  	v56 =	vadd.f32 v57, v56;
	v49 =	vadd.f32 $0.0e+00, v49;
	v57 =	vld [tilespmem:s30+$0xD120]  }
0x236: {  	v39 =	vadd.f32 v59, v58;
	v17 =	vadd.f32 v6, v25;
	v9 =	vld [tilespmem:s30+$0x1130]  }
0x237: {  	v63 =	vmul.f32 v30, v30;
	v59 =	vadd.f32 v3, v49;
	v25 =	vld [tilespmem:s30+$0xD130];
	v3 =	vadd.f32 v60, v24  }
0x238: {  	[tilespmem:s26+$0x1100] =	vst v50;
	v49 =	vmul.f32 v4, v4;
	v1 =	vadd.f32 v21, v1;
	v21 =	vld [tilespmem:s30+$0xD110]  }
0x239: {  	v58 =	vadd.f32 v63, v5;
	v63 =	vadd.f32 v16, v20;
	v16 =	vld [tilespmem:s30+$0x1140];
	v20 =	vmul.f32 v62, v62;
	[tilespmem:$0x1FFA0] =	vst v3  }
0x23a: {  	v23 =	vadd.f32 v49, v23;
	v49 =	vmul.f32 v61, v61;
	[tilespmem:s26+$0x1110] =	vst v56;
	v24 =	vld [tilespmem:s30+$0xD140]  }
0x23b: {  	v20 =	vadd.f32 v20, v32;
	[tilespmem:s26+$0x1120] =	vst v39;
	v32 =	vld [tilespmem:s30+$0x1150]  }
0x23c: {  	v60 =	vadd.f32 v43, v45;
	v40 =	vadd.f32 v49, v40;
	[tilespmem:s26+$0x1130] =	vst v17;
	v45 =	vld [tilespmem:s30+$0xD150]  }
0x23d: {  	v49 =	vadd.f32 v12, v8;
	v8 =	vmul.f32 v53, v53;
	v12 =	vadd.f32 v30, v34;
	[tilespmem:s26+$0x1150] =	vst v63;
	v34 =	vld [tilespmem:s30+$0x1160]  }
0x23e: {  	v4 =	vadd.f32 v4, v22;
	[tilespmem:s26+$0x1160] =	vst v3;
	v22 =	vld [tilespmem:s30+$0xD160]  }
0x23f: {  	v43 =	vmul.f32 v54, v54;
	v0 =	vadd.f32 v8, v0;
	v8 =	vadd.f32 v61, v10;
	[tilespmem:s26+$0x1170] =	vst v60;
	v10 =	vld [tilespmem:s30+$0x1170]  }
0x240: {  	s17 =	sor.u32 s25, s29;
	v7 =	vadd.f32 v54, v7;
	v30 =	vmul.f32 v55, v55;
	[tilespmem:s26+$0x1140] =	vst v49;
	v28 =	vld [tilespmem:s30+$0xD170]  }
0x241: {  	v54 =	vmul.f32 v29, v29;
	v2 =	vadd.f32 v43, v2;
	v43 =	vadd.f32 v53, v59;
	v53 =	vld [tilespmem:s17+$0x1100]  }
0x242: {  	v19 =	vmul.f32 v14, v14;
	v23 =	vadd.f32 v30, v23;
	v30 =	vld [tilespmem:s17+$0xD100]  }
0x243: {  	v20 =	vadd.f32 v54, v20;
	v54 =	vld [tilespmem:s17+$0x1110]  }
0x244: {  	v19 =	vadd.f32 v19, v58;
	v58 =	vld [tilespmem:s17+$0xD110]  }
0x245: {  	v4 =	vadd.f32 v55, v4;
	v55 =	vld [tilespmem:s17+$0x1120]  }
0x246: {  	v1 =	vadd.f32 v62, v1;
	v62 =	vmul.f32 v26, v26;
	[tilespmem:s10+$0x1170] =	vst v35;
	v18 =	vld [tilespmem:s17+$0xD120]  }
0x247: {  	v3 =	vadd.f32 v14, v12;
	v12 =	vadd.f32 v21, v13;
	v13 =	vld [tilespmem:$0x1FE50]  }
0x248: {  	v40 =	vadd.f32 v62, v40;
	v27 =	vld [tilespmem:s17+$0x1130]  }
0x249: {  	v62 =	vmul.f32 v52, v52;
	v14 =	vadd.f32 v15, v44;
	v21 =	vadd.f32 v57, v41;
	v41 =	vld [tilespmem:s17+$0xD130]  }
0x24a: {  	v1 =	vadd.f32 v29, v1;
	v44 =	vld [tilespmem:s17+$0x1150]  }
0x24b: {  	v29 =	vadd.f32 v51, v7;
	v35 =	vld [tilespmem:s17+$0xD160];
	v0 =	vadd.f32 v62, v0;
	[tilespmem:s30+$0x1100] =	vst v14  }
0x24c: {  	v62 =	vadd.f32 v25, v9;
	v25 =	vadd.f32 v52, v43;
	v43 =	vld [tilespmem:s17+$0x1140];
	[tilespmem:s30+$0x1110] =	vst v12;
	v7 =	vmul.f32 v13, v13  }
0x24d: {  	v26 =	vadd.f32 v26, v8;
	v8 =	vld [tilespmem:$0x1FE60];
	[tilespmem:s30+$0x1120] =	vst v21;
	v9 =	vadd.f32 v24, v16  }
0x24e: {  	v61 =	vmul.f32 v51, v51;
	v5 =	vld [tilespmem:$0x1FE70];
	[tilespmem:s30+$0x1130] =	vst v62;
	v51 =	vadd.f32 v7, v19;
	v19 =	vadd.f32 v45, v32  }
0x24f: {  	v16 =	vld [tilespmem:s17+$0xD140];
	v6 =	vadd.f32 v22, v34;
	[tilespmem:s30+$0x1140] =	vst v9  }
0x250: {  	v22 =	vld [tilespmem:s17+$0xD150];
	[tilespmem:s30+$0x1150] =	vst v19  }
0x251: {  	v34 =	vld [tilespmem:s17+$0x1160];
	v10 =	vadd.f32 v28, v10;
	[tilespmem:$0x1FE80] =	vst v6  }
0x252: {  	[tilespmem:s30+$0x1160] =	vst v6  }
0x253: {  	[tilespmem:s30+$0x1170] =	vst v10  }
0x254: {  	v6 =	vld [tilespmem:$0x1FE90];
	_ =	sdelay $0x4  }
0x255: {  	[tilespmem:s9+$0x1170] =	vst v6  }
0x256: {  	v6 =	vld [tilespmem:$0x1FEA0];
	_ =	sdelay $0x4  }
0x257: {  	[tilespmem:s10+$0x1140] =	vst v6  }
0x258: {  	v6 =	vld [tilespmem:$0x1FEC0];
	_ =	sdelay $0x4  }
0x259: {  	v7 =	vmul.f32 v8, v8;
	v1 =	vadd.f32 v8, v1;
	v8 =	vld [tilespmem:$0x1FEB0];
	[tilespmem:s10+$0x1150] =	vst v6  }
0x25a: {  	v6 =	vld [tilespmem:$0x1FED0];
	_ =	sdelay $0x4  }
0x25b: {  	[tilespmem:s10+$0x1160] =	vst v6  }
0x25c: {  	v6 =	vld [tilespmem:$0x1FEE0];
	_ =	sdelay $0x4  }
0x25d: {  	[tilespmem:s10+$0x1110] =	vst v6  }
0x25e: {  	v6 =	vld [tilespmem:$0x1FEF0]  }
0x25f: {  	v59 =	vmul.f32 v48, v48  }
0x260: {  	v45 =	vmul.f32 v11, v11;
	v28 =	vadd.f32 v5, v26;
	v26 =	vmul.f32 v47, v47  }
0x261: {  	v2 =	vadd.f32 v61, v2;
	v61 =	vmul.f32 v46, v46;
	v29 =	vadd.f32 v46, v29  }
0x262: {  	v0 =	vadd.f32 v45, v0;
	v46 =	vadd.f32 v26, v51;
	v26 =	vmul.f32 v50, v50  }
0x263: {  	v4 =	vadd.f32 v48, v4;
	v23 =	vadd.f32 v59, v23;
	[tilespmem:s10+$0x1120] =	vst v6  }
0x264: {  	v48 =	vmul.f32 v56, v56;
	v3 =	vadd.f32 v13, v3;
	v13 =	vadd.f32 v26, v0;
	v0 =	vld [tilespmem:$0x1FF00]  }
0x265: {  	v11 =	vadd.f32 v11, v25;
	v20 =	vadd.f32 v7, v20;
	v25 =	vmul.f32 v8, v8  }
0x266: {  	v2 =	vadd.f32 v61, v2;
	v24 =	vmul.f32 v5, v5  }
0x267: {  	v48 =	vadd.f32 v48, v23;
	v20 =	vadd.f32 v25, v20;
	v25 =	vmul.f32 v36, v36  }
0x268: {  	v24 =	vadd.f32 v24, v40;
	v40 =	vld [tilespmem:s17+$0x1170];
	v26 =	vadd.f32 v30, v53  }
0x269: {  	v23 =	vmul.f32 v42, v42;
	v45 =	vld [tilespmem:s17+$0xD170];
	v2 =	vadd.f32 v25, v2;
	v25 =	vadd.f32 v58, v54;
	[tilespmem:s10+$0x1130] =	vst v0  }
0x26a: {  	v32 =	vadd.f32 v18, v55;
	v0 =	vld [tilespmem:$0x1FF10];
	[tilespmem:s17+$0x1100] =	vst v26  }
0x26b: {  	v61 =	vadd.f32 v23, v24;
	v24 =	vadd.f32 v41, v27;
	[tilespmem:s17+$0x1110] =	vst v25  }
0x26c: {  	v42 =	vadd.f32 v42, v28;
	v28 =	vadd.f32 v22, v44;
	[tilespmem:s17+$0x1120] =	vst v32  }
0x26d: {  	v22 =	vadd.f32 v35, v34;
	[tilespmem:s17+$0x1130] =	vst v24  }
0x26e: {  	v23 =	vadd.f32 v45, v40;
	[tilespmem:s17+$0x1150] =	vst v28  }
0x26f: {  	v27 =	vadd.f32 v16, v43;
	v53 =	vadd.f32 v8, v1;
	v1 =	vmul.f32 v49, v49;
	[tilespmem:s17+$0x1160] =	vst v22  }
0x270: {  	[tilespmem:s17+$0x1170] =	vst v23  }
0x271: {  	v35 =	vadd.f32 v1, v48;
	v1 =	vmul.f32 v39, v39;
	[tilespmem:s17+$0x1140] =	vst v27  }
0x272: {  	[tilespmem:s10+$0x1100] =	vst v0  }
0x273: {  	v5 =	vadd.f32 v1, v2;
	v1 =	vld [tilespmem:$0x1FF20];
	_ =	sdelay $0x3  }
0x274: {  	v3 =	vadd.f32 v47, v3  }
0x275: {  	[tilespmem:s9+$0x1140] =	vst v1  }
0x276: {  	v0 =	vmul.f32 v38, v38;
	v38 =	vadd.f32 v38, v3;
	v3 =	vld [tilespmem:$0x1FF30];
	_ =	sdelay $0x3  }
0x277: {  	s31 =	spop (v2sf)  }
0x278: {  	s29 =	smul.f32 $1.302083370e-03, s31;
	s31 =	sadd.s32 $0x1000, s21;
	[tilespmem:s9+$0x1100] =	vst v3  }
0x279: {  	s15 =	sor.u32 s20, s31;
	v3 =	vld [tilespmem:$0x1FF50]  }
0x27a: {  	v52 =	vld [tilespmem:s15+$0x1100]  }
0x27b: {  	v57 =	vld [tilespmem:s15+$0xD100]  }
0x27c: {  	v51 =	vld [tilespmem:s15+$0x1110]  }
0x27d: {  	v59 =	vld [tilespmem:s15+$0xD110]  }
0x27e: {  	s6 =	smul.f32 s29, s29;
	s3 =	spop (v2sf);
	v2 =	vld [tilespmem:$0x1FF40];
	[tilespmem:s9+$0x1110] =	vst v3  }
0x27f: {  	s22 =	smul.f32 $1.302083370e-03, s3;
	s5 =	spop (v2sf);
	v6 =	vld [tilespmem:$0x1FF70]  }
0x280: {  	s0 =	smul.f32 $1.302083370e-03, s5;
	v7 =	vld [tilespmem:s15+$0x1120]  }
0x281: {  	s23 =	smul.f32 s22, s22;
	v15 =	vld [tilespmem:s15+$0xD120]  }
0x282: {  	v4 =	vadd.f32 v56, v4;
	s0 =	ssub.f32 s0, s6;
	s5 =	spop (v2sf);
	v56 =	vld [tilespmem:s15+$0x1140]  }
0x283: {  	s5 =	smul.f32 $1.302083370e-03, s5;
	v18 =	vld [tilespmem:s15+$0xD140]  }
0x284: {  	s0 =	sadd.f32 $9.999999740e-06, s0;
	v8 =	vld [tilespmem:$0x1FF60];
	[tilespmem:s9+$0x1120] =	vst v6  }
0x285: {  	s26 =	ssub.f32 s5, s23;
	v6 =	vld [tilespmem:$0x1FF80]  }
0x286: {  	s30 =	sshrl.u32 s0, $0x1;
	s0 =	smul.f32 $5.000000000e-01, s0;
	v55 =	vld [tilespmem:s15+$0x1150]  }
0x287: {  	s3 =	sadd.f32 $9.999999740e-06, s26;
	s5 =	ssub.s32 $0x5F375A86, s30;
	v47 =	vld [tilespmem:s15+$0x1170]  }
0x288: {  	v30 =	vld [tilespmem:s15+$0x1130];
	s23 =	smul.f32 s5, s0  }
0x289: {  	s6 =	sshrl.u32 s3, $0x1;
	s3 =	smul.f32 $5.000000000e-01, s3;
	v45 =	vld [tilespmem:s15+$0x1160]  }
0x28a: {  	s30 =	smul.f32 s5, s23;
	v54 =	vld [tilespmem:s15+$0xD130];
	s10 =	ssub.s32 $0x5F375A86, s6;
	[tilespmem:s9+$0x1130] =	vst v6  }
0x28b: {  	s6 =	smul.f32 s10, s3;
	v6 =	vld [tilespmem:$0x1FF90]  }
0x28c: {  	v11 =	vadd.f32 v50, v11;
	s30 =	ssub.f32 $1.500000000e+00, s30;
	v58 =	vld [tilespmem:s15+$0xD150];
	s17 =	sor.u32 s25, s31  }
0x28d: {  	v50 =	vmul.f32 v31, v31;
	v31 =	vadd.f32 v31, v53;
	v43 =	vld [tilespmem:s17+$0xD110];
	s6 =	smul.f32 s10, s6  }
0x28e: {  	s5 =	smul.f32 s5, s30;
	v53 =	vadd.f32 v37, v42;
	v48 =	vadd.f32 v17, v11;
	v11 =	vmul.f32 v63, v63;
	v42 =	vld [tilespmem:s17+$0x1130]  }
0x28f: {  	v16 =	vadd.f32 v50, v20;
	v34 =	vadd.f32 v0, v46;
	v0 =	vmul.f32 v37, v37;
	v46 =	vld [tilespmem:s15+$0xD160];
	s6 =	ssub.f32 $1.500000000e+00, s6  }
0x290: {  	v44 =	vmul.f32 v33, v33;
	s0 =	smul.f32 s5, s0;
	v50 =	vadd.f32 v33, v38;
	v38 =	vadd.f32 v11, v5;
	v11 =	vld [tilespmem:s17+$0x1140];
	[tilespmem:s9+$0x1150] =	vst v6  }
0x291: {  	v20 =	vadd.f32 v0, v61;
	v61 =	vmul.f32 v17, v17;
	s6 =	smul.f32 s10, s6;
	v17 =	vld [tilespmem:$0x1FFA0]  }
0x292: {  	v29 =	vadd.f32 v36, v29;
	s0 =	smul.f32 s0, s5;
	v40 =	vadd.f32 v44, v34;
	v6 =	vld [tilespmem:$0x1FFB0]  }
0x293: {  	v0 =	vld [tilespmem:s15+$0xD170];
	v41 =	vadd.f32 v61, v13;
	v13 =	vmul.f32 v60, v60;
	s3 =	smul.f32 s6, s3;
	v36 =	vmul.f32 v2, v2  }
0x294: {  	v44 =	vld [tilespmem:s17+$0x1120];
	v61 =	vadd.f32 v49, v4;
	v49 =	vadd.f32 v39, v29;
	v29 =	vmul.f32 v8, v8  }
0x295: {  	s0 =	ssub.f32 $1.500000000e+00, s0;
	v34 =	vld [tilespmem:s17+$0xD140];
	v37 =	vadd.f32 v13, v35;
	s3 =	smul.f32 s3, s6;
	v35 =	vadd.f32 v36, v16  }
0x296: {  	v1 =	vld [tilespmem:s17+$0x1100];
	v36 =	vadd.f32 v29, v20;
	v20 =	vadd.f32 v57, v52  }
0x297: {  	s26 =	simm.s32 $0x0;
	s0 =	smul.f32 s0, s5;
	v4 =	vld [tilespmem:s17+$0xD100];
	s3 =	ssub.f32 $1.500000000e+00, s3;
	v29 =	vadd.f32 v59, v51;
	v16 =	vmul.f32 v17, v17;
	[tilespmem:s9+$0x1160] =	vst v6  }
0x298: {  	v33 =	vadd.f32 v15, v7;
	v15 =	vadd.f32 v18, v56;
	v13 =	vld [tilespmem:s17+$0xD120];
	[tilespmem:s15+$0x1100] =	vst v20;
	[smem:s26] =	sst s29;
	s29 =	simm.s32 $0x1  }
0x299: {  	s30 =	smul.f32 s3, s6;
	v3 =	vld [tilespmem:s17+$0x1110];
	[tilespmem:s15+$0x1110] =	vst v29;
	s9 =	simm.s32 $0x2;
	v39 =	vadd.f32 v16, v41;
	[smem:s29] =	sst s0;
	v16 =	vadd.f32 v54, v30  }
0x29a: {  	s31 =	simm.s32 $0x3;
	v53 =	vadd.f32 v8, v53;
	v52 =	vadd.f32 v2, v31;
	v51 =	vld [tilespmem:s17+$0xD150];
	[tilespmem:s15+$0x1120] =	vst v33;
	[smem:s9] =	sst s22  }
0x29b: {  	s10 =	simm.s32 $0x2;
	v31 =	vmov v17;
	v17 =	vadd.f32 v58, v55;
	v54 =	vadd.f32 v60, v61;
	v41 =	vld [tilespmem:s17+$0x1150];
	s22 =	sshll.u32 s18, $0x1;
	[smem:s31] =	sst s30;
	[tilespmem:s15+$0x1130] =	vst v16  }
.LBB2_3:
0x29c: {  	v2 =	vadd.f32 v63, v49;
	v49 =	vld [tilespmem:s17+$0x1170]  }
0x29d: {  	v60 =	vld [tilespmem:s17+$0xD130];
	s5 =	sadd.s32 $0x1400, s21;
	[tilespmem:s15+$0x1140] =	vst v15  }
0x29e: {  	s10 =	sadd.s32 $0x2, s10;
	v63 =	vadd.f32 v31, v48;
	v7 =	vld [tilespmem:$0x1FE80];
	[tilespmem:s15+$0x1150] =	vst v17;
	v48 =	vadd.f32 v21, v50;
	s29 =	sor.u32 s20, s5  }
0x29f: {  	s24 =	sadd.s32 $0x100, s24;
	s0 =	sshrl.u32 s10, $0x3;
	v50 =	vadd.f32 v32, v54;
	v54 =	vld [tilespmem:s29+$0x1120];
	v18 =	vadd.f32 v46, v45  }
0x2a0: {  	s3 =	sadd.s32 $0xFFFFFF80, s24;
	s0 =	smul.u32 $0x1800, s0;
	v45 =	vld [tilespmem:s17+$0x1160];
	v30 =	vadd.f32 v0, v47  }
0x2a1: {  	s3 =	sand.u32 $0x300, s3;
	v47 =	vld [tilespmem:s17+$0xD160];
	[tilespmem:s15+$0x1160] =	vst v18  }
0x2a2: {  	v57 =	vmul.f32 v14, v14;
	v53 =	vadd.f32 v12, v53;
	v31 =	vadd.f32 v43, v3;
	v3 =	vld [tilespmem:s17+$0xD170];
	[tilespmem:s15+$0x1170] =	vst v30;
	s15 =	sor.u32 s3, s0  }
0x2a3: {  	v12 =	vmul.f32 v12, v12;
	v56 =	vadd.f32 v26, v2;
	v63 =	vadd.f32 v25, v63;
	v5 =	vld [tilespmem:s15+$0x1100]  }
0x2a4: {  	v35 =	vadd.f32 v57, v35;
	v58 =	vadd.f32 v28, v50;
	v6 =	vld [tilespmem:s15+$0xD100]  }
0x2a5: {  	v61 =	vmul.f32 v21, v21;
	v12 =	vadd.f32 v12, v36;
	v0 =	vadd.f32 v34, v11;
	v11 =	vld [tilespmem:s15+$0x1110]  }
0x2a6: {  	v8 =	vmul.f32 v62, v62;
	v4 =	vadd.f32 v4, v1;
	v44 =	vadd.f32 v13, v44;
	v13 =	vld [tilespmem:s15+$0xD110]  }
0x2a7: {  	v26 =	vmul.f32 v26, v26;
	v43 =	vadd.f32 v14, v52;
	v34 =	vadd.f32 v61, v40;
	v2 =	vld [tilespmem:s29+$0x1170]  }
0x2a8: {  	v40 =	vadd.f32 v60, v42;
	v60 =	vadd.f32 v9, v53;
	v9 =	vmul.f32 v9, v9;
	v46 =	vld [tilespmem:s29+$0x1140]  }
0x2a9: {  	v25 =	vmul.f32 v25, v25;
	v1 =	vadd.f32 v51, v41;
	v26 =	vadd.f32 v26, v38;
	v38 =	vld [tilespmem:s29+$0xD140]  }
0x2aa: {  	v52 =	vmul.f32 v19, v19;
	v19 =	vadd.f32 v19, v48;
	v9 =	vadd.f32 v9, v12;
	v12 =	vld [tilespmem:s29+$0xD150]  }
0x2ab: {  	v51 =	vmul.f32 v32, v32;
	v25 =	vadd.f32 v25, v39;
	v8 =	vadd.f32 v8, v35;
	v35 =	vld [tilespmem:s29+$0x1160]  }
0x2ac: {  	v61 =	vadd.f32 v24, v56;
	v41 =	vadd.f32 v27, v63;
	v42 =	vld [tilespmem:s29+$0xD160]  }
0x2ad: {  	v28 =	vmul.f32 v28, v28;
	[tilespmem:s17+$0x1100] =	vst v4;
	v32 =	vadd.f32 v51, v37;
	v19 =	vadd.f32 v20, v19;
	v56 =	vld [tilespmem:s29+$0xD120]  }
0x2ae: {  	v24 =	vmul.f32 v24, v24;
	[tilespmem:s17+$0x1110] =	vst v31;
	v59 =	vadd.f32 v62, v43;
	v34 =	vadd.f32 v52, v34;
	v57 =	vld [tilespmem:s29+$0xD130]  }
0x2af: {  	v63 =	vmul.f32 v16, v16;
	[tilespmem:s17+$0x1120] =	vst v44;
	v62 =	vadd.f32 v10, v60;
	v16 =	vadd.f32 v16, v19;
	v19 =	vld [tilespmem:s29+$0xD110]  }
0x2b0: {  	v27 =	vmul.f32 v27, v27;
	[tilespmem:s17+$0x1140] =	vst v0;
	v21 =	vadd.f32 v47, v45;
	v14 =	vadd.f32 v3, v49;
	v3 =	vld [tilespmem:s29+$0xD170]  }
0x2b1: {  	[tilespmem:s17+$0x1150] =	vst v1;
	v37 =	vadd.f32 v4, v58;
	v4 =	vmul.f32 v4, v4;
	v28 =	vadd.f32 v28, v32;
	v47 =	vld [tilespmem:s29+$0x1150]  }
0x2b2: {  	v55 =	vmul.f32 v7, v7;
	v24 =	vadd.f32 v24, v26;
	v32 =	vadd.f32 v33, v62;
	v62 =	vld [tilespmem:s29+$0x1100];
	[tilespmem:s17+$0x1160] =	vst v21  }
0x2b3: {  	s25 =	sor.u32 s25, s5;
	v25 =	vadd.f32 v27, v25;
	v26 =	vmul.f32 v22, v22;
	v4 =	vadd.f32 v4, v28;
	v28 =	vld [tilespmem:s29+$0x1130];
	[tilespmem:s17+$0x1170] =	vst v14  }
0x2b4: {  	v22 =	vadd.f32 v22, v61;
	v27 =	vadd.f32 v23, v41;
	v23 =	vmul.f32 v23, v23;
	[tilespmem:s17+$0x1130] =	vst v40;
	v36 =	vld [tilespmem:s25+$0x1170]  }
0x2b5: {  	v10 =	vmul.f32 v10, v10;
	v8 =	vadd.f32 v55, v8;
	v7 =	vadd.f32 v7, v59;
	v45 =	vld [tilespmem:s25+$0xD170]  }
0x2b6: {  	v20 =	vmul.f32 v20, v20;
	v24 =	vadd.f32 v26, v24;
	v23 =	vadd.f32 v23, v25;
	v39 =	vld [tilespmem:s25+$0x1140]  }
0x2b7: {  	v22 =	vadd.f32 v31, v22;
	v31 =	vmul.f32 v31, v31;
	v9 =	vadd.f32 v10, v9;
	v10 =	vld [tilespmem:s25+$0xD140]  }
0x2b8: {  	v55 =	vmul.f32 v44, v44;
	v27 =	vadd.f32 v44, v27;
	v20 =	vadd.f32 v20, v34;
	v25 =	vld [tilespmem:s25+$0x1150]  }
0x2b9: {  	v52 =	vmul.f32 v33, v33;
	v7 =	vadd.f32 v29, v7;
	v24 =	vadd.f32 v31, v24;
	v26 =	vld [tilespmem:s25+$0xD150]  }
0x2ba: {  	v29 =	vmul.f32 v29, v29;
	v23 =	vadd.f32 v55, v23;
	v31 =	vadd.f32 v40, v37;
	v43 =	vld [tilespmem:s25+$0x1160]  }
0x2bb: {  	v58 =	vmul.f32 v40, v40;
	v22 =	vadd.f32 v0, v22;
	v27 =	vadd.f32 v1, v27;
	v53 =	vld [tilespmem:s25+$0xD160]  }
0x2bc: {  	v20 =	vadd.f32 v63, v20;
	v0 =	vmul.f32 v0, v0;
	v8 =	vadd.f32 v29, v8;
	v29 =	vld [tilespmem:s29+$0x1110]  }
0x2bd: {  	v9 =	vadd.f32 v52, v9;
	v32 =	vadd.f32 v17, v32;
	v17 =	vmul.f32 v17, v17;
	v61 =	vld [tilespmem:s25+$0x1120]  }
0x2be: {  	v7 =	vadd.f32 v15, v7;
	v15 =	vmul.f32 v15, v15;
	v0 =	vadd.f32 v0, v24;
	v24 =	vld [tilespmem:s25+$0x1130]  }
0x2bf: {  	v16 =	vadd.f32 v18, v16;
	v1 =	vmul.f32 v1, v1;
	v59 =	vadd.f32 v17, v9;
	v17 =	vld [tilespmem:s25+$0xD110]  }
0x2c0: {  	v4 =	vadd.f32 v58, v4;
	v8 =	vadd.f32 v15, v8;
	v15 =	vld [tilespmem:s25+$0x1110]  }
0x2c1: {  	v1 =	vadd.f32 v1, v23;
	v60 =	vadd.f32 v30, v7;
	v7 =	vmul.f32 v18, v18;
	v18 =	vld [tilespmem:s25+$0xD120]  }
0x2c2: {  	v23 =	vadd.f32 v21, v31;
	v38 =	vadd.f32 v38, v46;
	v9 =	vmul.f32 v30, v30;
	v30 =	vld [tilespmem:s25+$0xD130]  }
0x2c3: {  	v2 =	vadd.f32 v3, v2;
	v63 =	vadd.f32 v12, v47;
	v47 =	vld [tilespmem:s25+$0xD100]  }
0x2c4: {  	v22 =	vadd.f32 v14, v22;
	[tilespmem:s29+$0x1140] =	vst v38;
	v20 =	vadd.f32 v7, v20;
	v7 =	vmul.f32 v21, v21;
	v21 =	vld [tilespmem:s29+$0xD100]  }
0x2c5: {  	v35 =	vadd.f32 v42, v35;
	v31 =	vadd.f32 v9, v8;
	[tilespmem:s29+$0x1170] =	vst v2;
	v8 =	vmul.f32 v14, v14;
	v14 =	vld [tilespmem:s25+$0x1100]  }
0x2c6: {  	v4 =	vadd.f32 v7, v4;
	v7 =	vld [tilespmem:s15+$0x1120];
	[tilespmem:s29+$0x1150] =	vst v63  }
0x2c7: {  	v19 =	vadd.f32 v19, v29;
	v0 =	vadd.f32 v8, v0;
	v8 =	vld [tilespmem:s15+$0xD120];
	[tilespmem:s29+$0x1160] =	vst v35  }
0x2c8: {  	v39 =	vadd.f32 v10, v39;
	v26 =	vadd.f32 v26, v25;
	v9 =	vld [tilespmem:s15+$0x1130]  }
0x2c9: {  	v25 =	vadd.f32 v56, v54;
	v49 =	vadd.f32 v18, v61;
	v18 =	vmul.f32 v19, v19;
	v10 =	vld [tilespmem:s15+$0xD130];
	[tilespmem:s29+$0x1110] =	vst v19  }
0x2ca: {  	v28 =	vadd.f32 v57, v28;
	v12 =	vld [tilespmem:s15+$0x1140]  }
0x2cb: {  	[tilespmem:s29+$0x1120] =	vst v25;
	v52 =	vadd.f32 v18, v20;
	v20 =	vld [tilespmem:s15+$0x1170]  }
0x2cc: {  	v30 =	vadd.f32 v30, v24;
	v24 =	vadd.f32 v47, v14;
	v14 =	vld [tilespmem:s15+$0xD140];
	[tilespmem:s29+$0x1130] =	vst v28  }
0x2cd: {  	v29 =	vadd.f32 v17, v15;
	v21 =	vadd.f32 v21, v62;
	v15 =	vld [tilespmem:s15+$0x1150]  }
0x2ce: {  	v3 =	vadd.f32 v45, v36;
	v17 =	vld [tilespmem:s15+$0x1160]  }
0x2cf: {  	v50 =	vadd.f32 v19, v16;
	v19 =	vadd.f32 v25, v60;
	[tilespmem:s29+$0x1100] =	vst v21;
	v33 =	vld [tilespmem:s15+$0x1540]  }
0x2d0: {  	v23 =	vadd.f32 v29, v23;
	v51 =	vmul.f32 v29, v29;
	[tilespmem:s25+$0x1110] =	vst v29;
	v29 =	vmul.f32 v49, v49;
	v16 =	vld [tilespmem:s15+$0xD150]  }
0x2d1: {  	v43 =	vadd.f32 v53, v43;
	v22 =	vadd.f32 v49, v22;
	v18 =	vld [tilespmem:s15+$0xD160]  }
0x2d2: {  	v56 =	vmul.f32 v2, v2;
	[tilespmem:s25+$0x1170] =	vst v3;
	v19 =	vadd.f32 v63, v19;
	v29 =	vadd.f32 v29, v0;
	v0 =	vld [tilespmem:s15+$0xD170]  }
0x2d3: {  	[tilespmem:s25+$0x1140] =	vst v39;
	v25 =	vmul.f32 v25, v25;
	v32 =	vadd.f32 v21, v32;
	v53 =	vadd.f32 v51, v4;
	v4 =	vld [tilespmem:s15+$0x1500]  }
0x2d4: {  	[tilespmem:s25+$0x1100] =	vst v24;
	v27 =	vadd.f32 v24, v27;
	v24 =	vmul.f32 v24, v24;
	v55 =	vadd.f32 v26, v22;
	v22 =	vld [tilespmem:s15+$0xD500]  }
0x2d5: {  	[tilespmem:s25+$0x1150] =	vst v26;
	v25 =	vadd.f32 v25, v31;
	v54 =	vadd.f32 v39, v23;
	v23 =	vmul.f32 v38, v38;
	v36 =	vld [tilespmem:s15+$0xD530]  }
0x2d6: {  	[tilespmem:s25+$0x1160] =	vst v43;
	v31 =	vadd.f32 v38, v50;
	v21 =	vmul.f32 v21, v21;
	v57 =	vadd.f32 v24, v1;
	v1 =	vld [tilespmem:s15+$0x1510]  }
0x2d7: {  	[tilespmem:s25+$0x1120] =	vst v49;
	v26 =	vmul.f32 v26, v26;
	v32 =	vadd.f32 v28, v32;
	v37 =	vadd.f32 v23, v52;
	v23 =	vld [tilespmem:s15+$0xD510]  }
0x2d8: {  	s21 =	smov.u32 s0;
	[tilespmem:s25+$0x1130] =	vst v30;
	s25 =	sand.u32 $0x380, s24;
	v21 =	vadd.f32 v21, v59;
	v24 =	vmul.f32 v63, v63;
	v31 =	vadd.f32 v2, v31;
	v2 =	vld [tilespmem:s15+$0x1520]  }
0x2d9: {  	s17 =	sor.u32 s21, s25;
	v28 =	vmul.f32 v28, v28;
	v26 =	vadd.f32 v26, v29;
	v29 =	vld [tilespmem:s15+$0x1560];
	v32 =	vadd.f32 v35, v32  }
0x2da: {  	v27 =	vadd.f32 v30, v27;
	v38 =	vld [tilespmem:s17+$0x1110];
	v58 =	vadd.f32 v24, v25  }
0x2db: {  	v40 =	vld [tilespmem:s17+$0x1120];
	v35 =	vmul.f32 v35, v35;
	v21 =	vadd.f32 v28, v21;
	v19 =	vadd.f32 v32, v19  }
0x2dc: {  	v44 =	vld [tilespmem:s17+$0x1130];
	v27 =	vadd.f32 v43, v27;
	v59 =	vadd.f32 v56, v37  }
0x2dd: {  	v30 =	vmul.f32 v30, v30;
	v45 =	vld [tilespmem:s17+$0xD130];
	v21 =	vadd.f32 v35, v21;
	v19 =	vadd.f32 v31, v19  }
0x2de: {  	v46 =	vld [tilespmem:s17+$0x1140];
	v28 =	vmul.f32 v39, v39;
	v27 =	vadd.f32 v27, v55;
	v31 =	vadd.f32 v3, v54  }
0x2df: {  	v47 =	vld [tilespmem:s17+$0xD140];
	v21 =	vadd.f32 v21, v58;
	(xrf2) =	vadd.scan.msk.f32 $0xffff, v19;
	v19 =	vadd.f32 v30, v57;
	v30 =	vmul.f32 v43, v43  }
0x2e0: {  	v48 =	vld [tilespmem:s17+$0x1150];
	v28 =	vadd.f32 v28, v53;
	v27 =	vadd.f32 v31, v27  }
0x2e1: {  	v49 =	vld [tilespmem:s17+$0xD150];
	v3 =	vmul.f32 v3, v3;
	v21 =	vadd.f32 v59, v21;
	v19 =	vadd.f32 v30, v19  }
0x2e2: {  	v50 =	vld [tilespmem:s17+$0x1160];
	(xrf2) =	vadd.scan.msk.f32 $0xffff, v27  }
0x2e3: {  	v51 =	vld [tilespmem:s17+$0xD160];
	v3 =	vadd.f32 v3, v28;
	(xrf2) =	vadd.scan.msk.f32 $0xffff, v21;
	v19 =	vadd.f32 v19, v26  }
0x2e4: {  	v52 =	vld [tilespmem:s17+$0x1170]  }
0x2e5: {  	v60 =	vld [tilespmem:s17+$0xD170];
	v3 =	vadd.f32 v3, v19  }
0x2e6: {  	v61 =	vld [tilespmem:s17+$0x1500]  }
0x2e7: {  	v62 =	vld [tilespmem:s17+$0xD500];
	(xrf2) =	vadd.scan.msk.f32 $0xffff, v3  }
0x2e8: {  	v63 =	vld [tilespmem:s17+$0x1510]  }
0x2e9: {  	v24 =	vld [tilespmem:s15+$0xD520]  }
0x2ea: {  	v25 =	vld [tilespmem:s15+$0x1530];
	v19, _, _ =	vpop (xrf2)  }
0x2eb: {  	v39 =	vld [tilespmem:s17+$0xD110];
	(v2sf) =	vpush v19, $0xF  }
0x2ec: {  	v37 =	vld [tilespmem:s17+$0x1100];
	v21, _, _ =	vpop (xrf2)  }
0x2ed: {  	v32 =	vld [tilespmem:s15+$0x1550];
	v19, _, _ =	vpop (xrf2);
	(v2sf) =	vpush v21, $0xF  }
0x2ee: {  	v34 =	vadd.f32 v8, v7;
	v35 =	vld [tilespmem:s15+$0xD570];
	(v2sf) =	vpush v19, $0xF  }
0x2ef: {  	v8 =	vadd.f32 v23, v1;
	v1 =	vld [tilespmem:s17+$0x1540]  }
0x2f0: {  	[tilespmem:s15+$0x1120] =	vst v34;
	v58 =	vld [tilespmem:s17+$0x1520];
	v42 =	vadd.f32 v39, v38  }
0x2f1: {  	[tilespmem:s15+$0x1510] =	vst v8;
	v31 =	vld [tilespmem:s15+$0xD540];
	v26 =	vadd.f32 v13, v11;
	v19, _, _ =	vpop (xrf2)  }
0x2f2: {  	v28 =	vld [tilespmem:s15+$0xD560];
	[tilespmem:s17+$0x1110] =	vst v42;
	v11 =	vadd.f32 v10, v9;
	(v2sf) =	vpush v19, $0xF  }
0x2f3: {  	v43 =	vld [tilespmem:s17+$0xD120];
	v10 =	vadd.f32 v14, v12;
	[tilespmem:s15+$0x1110] =	vst v26  }
0x2f4: {  	v57 =	vld [tilespmem:s17+$0xD510];
	v14 =	vadd.f32 v22, v4;
	[tilespmem:s15+$0x1130] =	vst v11  }
0x2f5: {  	v27 =	vld [tilespmem:s15+$0xD550];
	v13 =	vadd.f32 v36, v25;
	[tilespmem:s15+$0x1140] =	vst v10  }
0x2f6: {  	v30 =	vld [tilespmem:s15+$0x1570];
	[tilespmem:s15+$0x1500] =	vst v14;
	v21 =	vadd.f32 v6, v5  }
0x2f7: {  	[tilespmem:s15+$0x1530] =	vst v13;
	v3 =	vld [tilespmem:s17+$0xD100];
	v5 =	vadd.f32 v24, v2  }
0x2f8: {  	v4 =	vld [tilespmem:s17+$0xD530];
	[tilespmem:s15+$0x1100] =	vst v21  }
0x2f9: {  	v22 =	vld [tilespmem:s17+$0xD550];
	v6 =	vadd.f32 v28, v29;
	[tilespmem:$0x1FB00] =	vst v5  }
0x2fa: {  	v25 =	vld [tilespmem:s17+$0xD560];
	[tilespmem:s15+$0x1520] =	vst v5;
	v5 =	vadd.f32 v27, v32;
	s6 =	spop (v2sf)  }
0x2fb: {  	v2 =	vld [tilespmem:s17+$0xD540];
	[tilespmem:s15+$0x1560] =	vst v6;
	v19 =	vadd.f32 v16, v15;
	s31 =	smul.f32 $1.302083370e-03, s6  }
0x2fc: {  	v24 =	vld [tilespmem:s17+$0x1560];
	v41 =	vadd.f32 v3, v37;
	[tilespmem:s15+$0x1550] =	vst v5;
	v16 =	vadd.f32 v18, v17;
	s23 =	spop (v2sf)  }
0x2fd: {  	v3 =	vld [tilespmem:s17+$0xD570];
	v15 =	vadd.f32 v0, v20;
	v0 =	vadd.f32 v31, v33;
	[tilespmem:s15+$0x1150] =	vst v19;
	s26 =	spop (v2sf);
	s29 =	smul.f32 s31, s31  }
0x2fe: {  	v27 =	vld [tilespmem:s17+$0x1570];
	[tilespmem:s15+$0x1160] =	vst v16;
	s0 =	smul.f32 $1.302083370e-03, s26  }
0x2ff: {  	v17 =	vld [tilespmem:s17+$0xD520];
	[tilespmem:$0x1FB20] =	vst v0  }
0x300: {  	s20 =	smov.u32 s3;
	v18 =	vld [tilespmem:s17+$0x1530];
	[tilespmem:s15+$0x1540] =	vst v0;
	v0 =	vadd.f32 v35, v30;
	s3 =	ssub.f32 s0, s29;
	s0 =	sadd.s32 $0x800, s21  }
0x301: {  	v38 =	vadd.f32 v60, v52;
	v20 =	vld [tilespmem:s17+$0x1550];
	[tilespmem:s15+$0x1170] =	vst v15;
	s30 =	smul.f32 $1.302083370e-03, s23;
	s29 =	sor.u32 s20, s0;
	s6 =	spop (v2sf)  }
0x302: {  	v36 =	vadd.f32 v51, v50;
	[tilespmem:s15+$0x1570] =	vst v0;
	v28 =	vld [tilespmem:s29+$0x1100];
	s5 =	smul.f32 $1.302083370e-03, s6  }
0x303: {  	[tilespmem:s17+$0x1170] =	vst v38;
	v29 =	vld [tilespmem:s29+$0xD100];
	s6 =	smul.f32 s30, s30  }
0x304: {  	[tilespmem:s17+$0x1160] =	vst v36;
	v37 =	vadd.f32 v47, v46;
	v30 =	vld [tilespmem:s29+$0x1110]  }
0x305: {  	[tilespmem:s17+$0x1100] =	vst v41;
	v32 =	vadd.f32 v57, v63;
	v31 =	vld [tilespmem:s29+$0xD110];
	s5 =	ssub.f32 s5, s6  }
0x306: {  	[tilespmem:s17+$0x1140] =	vst v37;
	v25 =	vadd.f32 v25, v24;
	v35 =	vadd.f32 v45, v44;
	s3 =	sadd.f32 $9.999999740e-06, s3;
	v44 =	vld [tilespmem:s29+$0x1120]  }
0x307: {  	[tilespmem:s17+$0x1510] =	vst v32;
	v45 =	vld [tilespmem:s29+$0xD120];
	s5 =	sadd.f32 $9.999999740e-06, s5  }
0x308: {  	[tilespmem:s17+$0x1560] =	vst v25;
	v46 =	vld [tilespmem:s29+$0x1130];
	s23 =	sshrl.u32 s3, $0x1;
	s3 =	smul.f32 $5.000000000e-01, s3  }
0x309: {  	[tilespmem:$0x1FB40] =	vst v0;
	v0 =	vadd.f32 v43, v40;
	v60 =	vld [tilespmem:s29+$0xD130];
	s6 =	ssub.s32 $0x5F375A86, s23;
	s26 =	sshrl.u32 s5, $0x1;
	s5 =	smul.f32 $5.000000000e-01, s5  }
0x30a: {  	[tilespmem:s17+$0x1130] =	vst v35;
	v43 =	vadd.f32 v49, v48;
	v40 =	vadd.f32 v62, v61;
	v61 =	vld [tilespmem:s29+$0x1140];
	s23 =	smul.f32 s6, s3;
	s15 =	ssub.s32 $0x5F375A86, s26  }
0x30b: {  	[tilespmem:s17+$0x1120] =	vst v0;
	v62 =	vld [tilespmem:s29+$0xD140];
	s26 =	smul.f32 s15, s5  }
0x30c: {  	v33 =	vadd.f32 v17, v58;
	[tilespmem:s17+$0x1150] =	vst v43;
	v17 =	vld [tilespmem:s29+$0x1150];
	s23 =	smul.f32 s6, s23  }
0x30d: {  	v39 =	vadd.f32 v4, v18;
	[tilespmem:s17+$0x1500] =	vst v40;
	v4 =	vld [tilespmem:s29+$0xD150];
	s26 =	smul.f32 s15, s26  }
0x30e: {  	v23 =	vadd.f32 v22, v20;
	[tilespmem:s17+$0x1520] =	vst v33;
	v18 =	vld [tilespmem:s29+$0x1160];
	s23 =	ssub.f32 $1.500000000e+00, s23  }
0x30f: {  	v22 =	vadd.f32 v3, v27;
	[tilespmem:s17+$0x1530] =	vst v39;
	v63 =	vld [tilespmem:s29+$0xD160];
	s26 =	ssub.f32 $1.500000000e+00, s26  }
0x310: {  	v24 =	vadd.f32 v2, v1;
	[tilespmem:s17+$0x1550] =	vst v23;
	v3 =	vld [tilespmem:s29+$0x1170];
	s6 =	smul.f32 s6, s23  }
0x311: {  	[tilespmem:s17+$0x1570] =	vst v22;
	v1 =	vld [tilespmem:s29+$0xD170];
	s23 =	smul.f32 s15, s26;
	s15 =	sor.u32 s25, s0  }
0x312: {  	[tilespmem:s17+$0x1540] =	vst v24;
	v7 =	vld [tilespmem:s15+$0x1100]  }
0x313: {  	v51 =	vld [tilespmem:s15+$0xD100]  }
0x314: {  	v2 =	vadd.f32 v45, v44;
	v52 =	vld [tilespmem:s15+$0x1110]  }
0x315: {  	[tilespmem:$0x1FB10] =	vst v6;
	v53 =	vld [tilespmem:s15+$0xD110]  }
0x316: {  	v1 =	vadd.f32 v1, v3;
	[tilespmem:$0x1FB50] =	vst v2;
	v54 =	vld [tilespmem:s15+$0x1120]  }
0x317: {  	[tilespmem:s29+$0x1120] =	vst v2;
	v55 =	vld [tilespmem:s15+$0xD120]  }
0x318: {  	v2 =	vadd.f32 v4, v17;
	[tilespmem:$0x1FB60] =	vst v1;
	v56 =	vld [tilespmem:s15+$0x1130]  }
0x319: {  	v4 =	vadd.f32 v63, v18;
	[tilespmem:s29+$0x1170] =	vst v1;
	s3 =	smul.f32 s6, s3;
	v57 =	vld [tilespmem:s15+$0xD130]  }
0x31a: {  	v59 =	vmul.f32 v21, v21;
	v27 =	vadd.f32 v29, v28;
	[tilespmem:$0x1FB70] =	vst v2;
	v58 =	vld [tilespmem:s15+$0x1140]  }
0x31b: {  	v28 =	vadd.f32 v31, v30;
	v31 =	vadd.f32 v62, v61;
	v3 =	vmul.f32 v43, v43;
	[tilespmem:$0x1FB80] =	vst v4;
	s3 =	smul.f32 s3, s6;
	v44 =	vld [tilespmem:s15+$0xD140]  }
0x31c: {  	v62 =	vmul.f32 v11, v11;
	v1 =	vadd.f32 $0.0e+00, v0;
	[tilespmem:s29+$0x1150] =	vst v2;
	v2 =	vmul.f32 v0, v0;
	v45 =	vld [tilespmem:s15+$0x1150];
	s5 =	smul.f32 s23, s5  }
0x31d: {  	[tilespmem:s29+$0x1160] =	vst v4;
	v0 =	vmul.f32 v41, v41;
	v4 =	vadd.f32 $0.0e+00, v41;
	v41 =	vmul.f32 v42, v42;
	v6 =	vld [tilespmem:s15+$0x1160]  }
0x31e: {  	v2 =	vadd.f32 v3, v2;
	v3 =	vadd.f32 v62, v59;
	v62 =	vmul.f32 v37, v37;
	s3 =	ssub.f32 $1.500000000e+00, s3;
	v49 =	vld [tilespmem:s15+$0xD160];
	s5 =	smul.f32 s5, s23  }
0x31f: {  	v29 =	vadd.f32 v60, v46;
	v60 =	vmul.f32 v26, v26;
	v26 =	vadd.f32 $0.0e+00, v26;
	v46 =	vld [tilespmem:s15+$0xD150]  }
0x320: {  	[tilespmem:$0x1FB30] =	vst v5;
	v5 =	vadd.f32 $0.0e+00, v42;
	v62 =	vadd.f32 v62, v41;
	v50 =	vld [tilespmem:s15+$0x1170];
	s0 =	smul.f32 s3, s6;
	s3 =	ssub.f32 $1.500000000e+00, s5  }
0x321: {  	s9 =	sadd.s32 $0x4, s9;
	[tilespmem:s29+$0x1100] =	vst v27;
	v61 =	vld [tilespmem:s15+$0xD170];
	v41 =	vadd.f32 v51, v7;
	v7 =	vadd.f32 v10, v26  }
0x322: {  	[tilespmem:s29+$0x1110] =	vst v28;
	s26 =	sadd.s32 $0xFFFFFFFE, s9;
	v26 =	vadd.f32 v53, v52;
	v53 =	vadd.f32 v37, v5;
	v5 =	vld [tilespmem:$0x1FB00];
	s6 =	smul.f32 s3, s23;
	s23 =	sadd.s32 $0xC00, s21  }
0x323: {  	[tilespmem:s29+$0x1130] =	vst v29;
	[smem:s26] =	sst s31;
	v20 =	vadd.f32 v49, v6;
	v6 =	vld [tilespmem:$0x1FB10];
	s26 =	sor.u32 s20, s23  }
0x324: {  	[tilespmem:s29+$0x1140] =	vst v31;
	v17 =	vld [tilespmem:s26+$0x1100]  }
0x325: {  	v47 =	vmul.f32 v34, v34;
	v48 =	vmul.f32 v19, v19;
	v9 =	vld [tilespmem:s26+$0xD100]  }
0x326: {  	v63 =	vmul.f32 v10, v10;
	v12 =	vld [tilespmem:s26+$0x1110]  }
0x327: {  	v42 =	vadd.f32 v48, v47;
	v47 =	vld [tilespmem:s26+$0xD110]  }
0x328: {  	v48 =	vmul.f32 v35, v35;
	v59 =	vadd.f32 v63, v60;
	v60 =	vld [tilespmem:s26+$0x1120]  }
0x329: {  	v63 =	vld [tilespmem:s26+$0xD120]  }
0x32a: {  	v0 =	vadd.f32 v48, v0;
	v48 =	vld [tilespmem:s26+$0x1130]  }
0x32b: {  	v1 =	vadd.f32 v43, v1;
	v43 =	vld [tilespmem:s26+$0xD130]  }
0x32c: {  	v34 =	vadd.f32 $0.0e+00, v34;
	v21 =	vadd.f32 $0.0e+00, v21;
	v10 =	vld [tilespmem:s26+$0x1140]  }
0x32d: {  	v4 =	vadd.f32 v35, v4;
	v35 =	vadd.f32 v55, v54;
	[tilespmem:s15+$0x1100] =	vst v41;
	v51 =	vld [tilespmem:s26+$0xD140]  }
0x32e: {  	v11 =	vadd.f32 v11, v21;
	v21 =	vmul.f32 v14, v14;
	v37 =	vadd.f32 v57, v56;
	[tilespmem:s15+$0x1110] =	vst v26;
	v52 =	vld [tilespmem:s26+$0x1150]  }
0x32f: {  	v19 =	vadd.f32 v19, v34;
	v34 =	vmul.f32 v40, v40;
	v18 =	vadd.f32 v46, v45;
	[tilespmem:s15+$0x1120] =	vst v35;
	v55 =	vld [tilespmem:s26+$0xD150]  }
0x330: {  	v21 =	vadd.f32 v21, v42;
	v54 =	vmul.f32 v16, v16;
	[tilespmem:s15+$0x1130] =	vst v37;
	v45 =	vld [tilespmem:s26+$0x1160]  }
0x331: {  	v2 =	vadd.f32 v34, v2;
	s31 =	sadd.s32 $0xFFFFFFFF, s9;
	v34 =	vadd.f32 v61, v50;
	[tilespmem:s15+$0x1150] =	vst v18;
	v46 =	vld [tilespmem:s26+$0xD160]  }
0x332: {  	[smem:s31] =	sst s0;
	v42 =	vadd.f32 v44, v58;
	v3 =	vadd.f32 v54, v3;
	[tilespmem:s15+$0x1160] =	vst v20;
	v54 =	vld [tilespmem:s26+$0x1170]  }
0x333: {  	[smem:s9] =	sst s30;
	[tilespmem:s15+$0x1170] =	vst v34;
	s30 =	sor.u32 s25, s23;
	v44 =	vld [tilespmem:s26+$0xD170]  }
0x334: {  	v14 =	vadd.f32 v14, v19;
	v19 =	vmul.f32 v13, v13;
	v11 =	vadd.f32 v16, v11;
	[tilespmem:s15+$0x1140] =	vst v42;
	v56 =	vld [tilespmem:s30+$0x1100]  }
0x335: {  	v1 =	vadd.f32 v40, v1;
	v4 =	vadd.f32 v36, v4;
	v57 =	vmul.f32 v15, v15;
	v16 =	vld [tilespmem:s30+$0xD100]  }
0x336: {  	v49 =	vmul.f32 v36, v36;
	v61 =	vmul.f32 v38, v38;
	v36 =	vadd.f32 v38, v53;
	v38 =	vld [tilespmem:s30+$0x1110]  }
0x337: {  	v13 =	vadd.f32 v13, v14;
	v19 =	vadd.f32 v19, v21;
	v40 =	vld [tilespmem:s30+$0xD110]  }
0x338: {  	v1 =	vadd.f32 v39, v1;
	v50 =	vadd.f32 v57, v59;
	v53 =	vld [tilespmem:s30+$0x1120]  }
0x339: {  	v0 =	vadd.f32 v49, v0;
	v49 =	vadd.f32 v61, v62;
	v62 =	vmul.f32 v39, v39;
	v57 =	vld [tilespmem:s30+$0xD120]  }
0x33a: {  	v21 =	vmul.f32 v32, v32;
	v4 =	vadd.f32 v32, v4;
	v7 =	vadd.f32 v15, v7;
	v39 =	vld [tilespmem:s30+$0x1130]  }
0x33b: {  	v15 =	vmul.f32 v8, v8;
	v2 =	vadd.f32 v62, v2;
	v62 =	vmul.f32 v33, v33;
	v59 =	vld [tilespmem:s30+$0x1140]  }
0x33c: {  	v32 =	vadd.f32 v33, v36;
	v33 =	vmul.f32 v25, v25;
	v36 =	vld [tilespmem:s30+$0x1150];
	v61 =	vmul.f32 v5, v5  }
0x33d: {  	v58 =	vadd.f32 v5, v7;
	v7 =	vmul.f32 v6, v6;
	v13 =	vadd.f32 v6, v13;
	v6 =	vld [tilespmem:$0x1FB40]  }
0x33e: {  	v3 =	vadd.f32 v15, v3;
	v2 =	vadd.f32 v33, v2;
	v33 =	vld [tilespmem:s30+$0x1160]  }
0x33f: {  	v15 =	vadd.f32 v61, v50;
	v50 =	vld [tilespmem:s30+$0xD130];
	v30 =	vadd.f32 v9, v17  }
0x340: {  	v61 =	vld [tilespmem:$0x1FB20];
	v14 =	vadd.f32 v47, v12  }
0x341: {  	v0 =	vadd.f32 v21, v0;
	v21 =	vadd.f32 v63, v60;
	v60 =	vld [tilespmem:s30+$0xD140];
	[tilespmem:s26+$0x1100] =	vst v30  }
0x342: {  	v11 =	vadd.f32 v8, v11;
	v17 =	vadd.f32 v43, v48;
	v48 =	vld [tilespmem:s30+$0xD150];
	[tilespmem:s26+$0x1110] =	vst v14  }
0x343: {  	v47 =	vadd.f32 v7, v19;
	v12 =	vadd.f32 v51, v10;
	v7 =	vld [tilespmem:$0x1FB30];
	[tilespmem:s26+$0x1120] =	vst v21  }
0x344: {  	v8 =	vadd.f32 v55, v52;
	v5 =	vadd.f32 v46, v45;
	v46 =	vld [tilespmem:s30+$0xD160];
	[tilespmem:s26+$0x1130] =	vst v17  }
0x345: {  	v51 =	vld [tilespmem:s30+$0x1170];
	[tilespmem:s26+$0x1140] =	vst v12  }
0x346: {  	v1 =	vadd.f32 v25, v1;
	s31 =	sadd.s32 $0x1000, s21;
	v19 =	vadd.f32 v44, v54;
	v43 =	vld [tilespmem:s30+$0xD170];
	[tilespmem:s26+$0x1150] =	vst v8  }
0x347: {  	s15 =	sor.u32 s20, s31;
	v9 =	vld [tilespmem:$0x1FB50];
	[tilespmem:s26+$0x1160] =	vst v5  }
0x348: {  	v4 =	vadd.f32 v24, v4;
	v1 =	vadd.f32 v26, v1;
	[tilespmem:s26+$0x1170] =	vst v19;
	v54 =	vld [tilespmem:s15+$0x1100]  }
0x349: {  	v49 =	vadd.f32 v62, v49;
	v62 =	vmul.f32 v24, v24;
	v52 =	vmul.f32 v28, v28;
	v55 =	vld [tilespmem:s15+$0xD100]  }
0x34a: {  	v13 =	vadd.f32 v28, v13;
	v63 =	vmul.f32 v61, v61;
	v11 =	vadd.f32 v61, v11;
	v61 =	vld [tilespmem:s15+$0x1110]  }
0x34b: {  	v0 =	vadd.f32 v62, v0;
	v47 =	vadd.f32 v52, v47;
	v52 =	vld [tilespmem:s15+$0xD110]  }
0x34c: {  	v62 =	vld [tilespmem:s15+$0xD120];
	v10 =	vmul.f32 v7, v7;
	v3 =	vadd.f32 v63, v3;
	v25 =	vadd.f32 v7, v58  }
0x34d: {  	[tilespmem:$0x1FE80] =	vst v5;
	v5 =	vld [tilespmem:s15+$0xD140];
	v63 =	vmul.f32 v23, v23;
	v23 =	vadd.f32 v23, v32;
	v11 =	vadd.f32 v6, v11  }
0x34e: {  	v45 =	vmul.f32 v6, v6;
	v6 =	vld [tilespmem:s15+$0xD130];
	v32 =	vadd.f32 v57, v53;
	v28 =	vadd.f32 v48, v36  }
0x34f: {  	v57 =	vld [tilespmem:s15+$0x1150];
	v15 =	vadd.f32 v10, v15;
	v44 =	vadd.f32 v63, v49  }
0x350: {  	v7 =	vld [tilespmem:s15+$0xD150];
	v49 =	vmul.f32 v26, v26;
	v3 =	vadd.f32 v45, v3;
	v26 =	vadd.f32 v16, v56  }
0x351: {  	v24 =	vmul.f32 v22, v22;
	v63 =	vld [tilespmem:s15+$0x1130];
	v16 =	vadd.f32 v27, v25;
	v25 =	vadd.f32 v40, v38  }
0x352: {  	v58 =	vmul.f32 v27, v27;
	v56 =	vld [tilespmem:s15+$0x1140];
	v38 =	vadd.f32 v22, v4;
	v40 =	vadd.f32 v41, v23  }
0x353: {  	v45 =	vmul.f32 v41, v41;
	[tilespmem:s30+$0x1120] =	vst v32;
	v22 =	vadd.f32 v46, v33;
	v46 =	vld [tilespmem:s15+$0xD160];
	v27 =	vadd.f32 v60, v59  }
0x354: {  	v23 =	vmul.f32 v9, v9;
	[tilespmem:s30+$0x1150] =	vst v28;
	v59 =	vadd.f32 v9, v11;
	v9 =	vld [tilespmem:$0x1FB70];
	v2 =	vadd.f32 v49, v2  }
0x355: {  	v10 =	vld [tilespmem:$0x1FB80];
	v15 =	vadd.f32 v58, v15;
	v49 =	vadd.f32 v24, v0;
	[tilespmem:s30+$0x1100] =	vst v26  }
0x356: {  	v58 =	vld [tilespmem:s15+$0x1120];
	v44 =	vadd.f32 v45, v44;
	[tilespmem:s30+$0x1110] =	vst v25;
	v24 =	vadd.f32 v50, v39  }
0x357: {  	v0 =	vmul.f32 v31, v31;
	v45 =	vld [tilespmem:s15+$0x1160];
	v33 =	vadd.f32 v23, v3;
	v23 =	vadd.f32 v43, v51;
	[tilespmem:s30+$0x1160] =	vst v22  }
0x358: {  	s17 =	sadd.s32 $0x1, s9;
	v13 =	vadd.f32 v31, v13;
	v53 =	vadd.f32 v42, v1;
	v50 =	vld [tilespmem:$0x1FB60];
	[tilespmem:s30+$0x1130] =	vst v24  }
0x359: {  	[smem:s17] =	sst s6;
	s17 =	sor.u32 s25, s31;
	v4 =	vmul.f32 v42, v42;
	v3 =	vmul.f32 v35, v35;
	v39 =	vadd.f32 v0, v47;
	v47 =	vld [tilespmem:s15+$0x1170];
	[tilespmem:s30+$0x1170] =	vst v23  }
0x35a: {  	[tilespmem:s30+$0x1140] =	vst v27;
	v60 =	vadd.f32 v29, v16;
	v48 =	vadd.f32 v37, v40;
	v1 =	vld [tilespmem:s17+$0x1100]  }
0x35b: {  	v0 =	vmul.f32 v29, v29;
	v2 =	vadd.f32 v4, v2;
	v41 =	vadd.f32 v3, v49;
	v3 =	vld [tilespmem:s17+$0x1110]  }
0x35c: {  	v4 =	vmul.f32 v37, v37;
	v49 =	vadd.f32 v35, v38;
	v29 =	vadd.f32 v52, v61;
	v43 =	vld [tilespmem:s17+$0xD110]  }
0x35d: {  	v11 =	vmul.f32 v9, v9;
	v42 =	vld [tilespmem:s17+$0x1130];
	v52 =	vadd.f32 v9, v59;
	v31 =	vmul.f32 v50, v50  }
0x35e: {  	v15 =	vadd.f32 v0, v15;
	v0 =	vld [tilespmem:s15+$0xD170];
	v51 =	vadd.f32 v4, v44;
	v44 =	vmul.f32 v34, v34  }
0x35f: {  	v16 =	vmul.f32 v10, v10;
	v4 =	vld [tilespmem:s17+$0xD100];
	v35 =	vadd.f32 v11, v33;
	v50 =	vadd.f32 v50, v13  }
0x360: {  	p0 =	slt.u32 s10, $0x1E;
	v13 =	vld [tilespmem:s17+$0xD120];
	v33 =	vadd.f32 v62, v58;
	v37 =	vadd.f32 v44, v2;
	v2 =	vmul.f32 v18, v18  }
.Ltmp0:
0x361: {  	v9 =	vmovc v12;
	v36 =	vadd.f32 v16, v15;
	v44 =	vld [tilespmem:s17+$0x1120];
	v40 =	vadd.f32 v31, v39;
	v31 =	vmov v20;
	(pc) =	sbr.rel @p0 .LBB2_3-.Ltmp0, $4  }
0x362: {  	[tilespmem:s15+$0x1110] =	vst v29;
	v16 =	vadd.f32 v6, v63;
	v38 =	vadd.f32 v2, v41;
	v41 =	vld [tilespmem:s17+$0x1150];
	v11 =	vmul.f32 v31, v31  }
0x363: {  	v12 =	vmovc v14;
	v14 =	vmov v30;
	[tilespmem:s15+$0x1120] =	vst v33;
	v20 =	vadd.f32 v55, v54;
	v54 =	vadd.f32 v34, v53;
	v34 =	vld [tilespmem:s17+$0xD140]  }
0x364: {  	v62 =	vmovc v17;
	v17 =	vadd.f32 v7, v57;
	v63 =	vmov v18;
	[tilespmem:s15+$0x1130] =	vst v16;
	v39 =	vadd.f32 v11, v51;
	v11 =	vld [tilespmem:s17+$0x1140]  }
0x365: {  	v15 =	vadd.f32 v5, v56;
	v53 =	vadd.f32 v10, v60;
	v10 =	vmovc v19;
	v19 =	vmov v8;
	[tilespmem:s15+$0x1100] =	vst v20;
	v51 =	vld [tilespmem:s17+$0xD150]  }
0x366: {  	v2 =	vadd.f32 v46, v45  }
0x367: {  	v7 =	vadd.f32 v63, v49;
	v1 =	vadd.f32 v4, v1  }
0x368: {  	v0 =	vadd.f32 v0, v47;
	v18 =	vadd.f32 v31, v48  }
0x369: {  	v61 =	vadd.f32 v21, v50;
	v3 =	vadd.f32 v43, v3  }
0x36a: {  	v43 =	vadd.f32 v32, v54;
	v13 =	vadd.f32 v13, v44  }
0x36b: {  	v5 =	vld [tilespmem:s17+$0x1160];
	[tilespmem:s15+$0x1150] =	vst v17;
	v52 =	vadd.f32 v14, v52;
	v58 =	vmul.f32 v14, v14;
	v55 =	vadd.f32 v12, v53  }
0x36c: {  	v6 =	vld [tilespmem:s17+$0xD160];
	v59 =	vmul.f32 v12, v12;
	[tilespmem:s15+$0x1140] =	vst v15;
	v7 =	vadd.f32 v26, v7;
	v18 =	vadd.f32 v25, v18  }
0x36d: {  	v4 =	vld [tilespmem:s17+$0x1170];
	v49 =	vmul.f32 v25, v25;
	[tilespmem:s15+$0x1160] =	vst v2;
	v60 =	vadd.f32 v19, v61;
	v14 =	vadd.f32 v58, v35  }
0x36e: {  	v30 =	vld [tilespmem:s17+$0xD170];
	[tilespmem:s17+$0x1100] =	vst v1;
	v12 =	vadd.f32 v59, v36;
	v50 =	vadd.f32 v62, v52  }
0x36f: {  	v63 =	vld [tilespmem:s17+$0xD130];
	[tilespmem:s15+$0x1170] =	vst v0;
	v61 =	vmul.f32 v26, v26;
	v25 =	vadd.f32 v49, v39;
	v11 =	vadd.f32 v34, v11  }
0x370: {  	v8 =	vmul.f32 v62, v62;
	[tilespmem:s17+$0x1110] =	vst v3;
	v41 =	vadd.f32 v51, v41;
	v51 =	vadd.f32 v9, v55  }
0x371: {  	v54 =	vmul.f32 v19, v19;
	s0 =	sadd.s32 $0x1400, s21;
	[tilespmem:s17+$0x1120] =	vst v13;
	v26 =	vadd.f32 v61, v38;
	v7 =	vadd.f32 v24, v7  }
0x372: {  	v57 =	vmul.f32 v32, v32;
	s10 =	sor.u32 s20, s0;
	v56 =	vld [tilespmem:$0x1FE80];
	v18 =	vadd.f32 v27, v18;
	v8 =	vadd.f32 v8, v14  }
0x373: {  	v53 =	vmul.f32 v24, v24;
	v31 =	vld [tilespmem:s10+$0x1170];
	v19 =	vadd.f32 v20, v60;
	v5 =	vadd.f32 v6, v5  }
0x374: {  	v32 =	vld [tilespmem:s10+$0xD170];
	v9 =	vmul.f32 v9, v9;
	v4 =	vadd.f32 v30, v4;
	v30 =	vadd.f32 v63, v42  }
0x375: {  	v34 =	vld [tilespmem:s10+$0x1150];
	v6 =	vmul.f32 v21, v21;
	v21 =	vadd.f32 v57, v37;
	v63 =	vadd.f32 v28, v43  }
0x376: {  	v36 =	vld [tilespmem:s10+$0x1160];
	v9 =	vadd.f32 v9, v12;
	v24 =	vadd.f32 v53, v26  }
0x377: {  	v52 =	vmul.f32 v28, v28;
	v39 =	vld [tilespmem:s10+$0xD160];
	v7 =	vadd.f32 v22, v7;
	v18 =	vadd.f32 v23, v18  }
0x378: {  	v58 =	vmul.f32 v23, v23;
	v48 =	vld [tilespmem:s10+$0x1110];
	[tilespmem:s17+$0x1140] =	vst v11;
	v49 =	vadd.f32 v16, v19;
	v6 =	vadd.f32 v6, v40  }
0x379: {  	v38 =	vld [tilespmem:s10+$0xD140];
	v57 =	vmul.f32 v22, v22;
	[tilespmem:s17+$0x1150] =	vst v41;
	v21 =	vadd.f32 v52, v21;
	v37 =	vadd.f32 v1, v63  }
0x37a: {  	v43 =	vld [tilespmem:s10+$0x1140];
	[tilespmem:s17+$0x1160] =	vst v5;
	v47 =	vmul.f32 v56, v56;
	v55 =	vadd.f32 v56, v50;
	v56 =	vadd.f32 v10, v51  }
0x37b: {  	v59 =	vmul.f32 v16, v16;
	v12 =	vld [tilespmem:s10+$0xD150];
	[tilespmem:s17+$0x1170] =	vst v4;
	v24 =	vadd.f32 v57, v24;
	v7 =	vadd.f32 v3, v7  }
0x37c: {  	s31 =	sor.u32 s25, s0;
	v53 =	vld [tilespmem:s10+$0xD120];
	[tilespmem:s17+$0x1130] =	vst v30;
	v1 =	vmul.f32 v1, v1;
	v18 =	vadd.f32 v13, v18;
	v16 =	vadd.f32 v2, v49  }
0x37d: {  	v35 =	vld [tilespmem:s31+$0x1170];
	v10 =	vmul.f32 v10, v10;
	v31 =	vadd.f32 v32, v31;
	v6 =	vadd.f32 v54, v6  }
0x37e: {  	v42 =	vld [tilespmem:s31+$0xD170];
	v3 =	vmul.f32 v3, v3;
	v1 =	vadd.f32 v1, v21;
	v8 =	vadd.f32 v47, v8  }
0x37f: {  	v62 =	vmul.f32 v29, v29;
	v23 =	vld [tilespmem:s31+$0x1140];
	v9 =	vadd.f32 v10, v9;
	v61 =	vadd.f32 v29, v55  }
0x380: {  	v22 =	vld [tilespmem:s31+$0x1150];
	v54 =	vmul.f32 v27, v27;
	v28 =	vadd.f32 v33, v56;
	v3 =	vadd.f32 v3, v24  }
0x381: {  	v60 =	vmul.f32 v20, v20;
	v40 =	vld [tilespmem:s31+$0x1160];
	v56 =	vadd.f32 v30, v37;
	v7 =	vadd.f32 v11, v7  }
0x382: {  	v63 =	vmul.f32 v33, v33;
	v44 =	vld [tilespmem:s31+$0xD160];
	v18 =	vadd.f32 v41, v18;
	v14 =	vadd.f32 v54, v25  }
0x383: {  	v50 =	vld [tilespmem:s10+$0xD110];
	v30 =	vmul.f32 v30, v30;
	v6 =	vadd.f32 v60, v6;
	v12 =	vadd.f32 v12, v34  }
0x384: {  	v51 =	vld [tilespmem:s10+$0x1120];
	v11 =	vmul.f32 v11, v11;
	v8 =	vadd.f32 v62, v8;
	v9 =	vadd.f32 v63, v9  }
0x385: {  	v57 =	vld [tilespmem:s10+$0xD130];
	v25 =	vadd.f32 v15, v61;
	v28 =	vadd.f32 v17, v28  }
0x386: {  	v27 =	vld [tilespmem:s31+$0xD150];
	v1 =	vadd.f32 v30, v1;
	v3 =	vadd.f32 v11, v3  }
0x387: {  	v10 =	vld [tilespmem:s31+$0xD140];
	v7 =	vadd.f32 v4, v7;
	v14 =	vadd.f32 v58, v14  }
0x388: {  	v52 =	vmul.f32 v15, v15;
	v55 =	vld [tilespmem:s10+$0x1130];
	v6 =	vadd.f32 v59, v6;
	v35 =	vadd.f32 v42, v35  }
0x389: {  	v13 =	vmul.f32 v13, v13;
	v60 =	vld [tilespmem:s31+$0xD110];
	v42 =	vadd.f32 v38, v43;
	v43 =	vadd.f32 v39, v36  }
0x38a: {  	v54 =	vmul.f32 v17, v17;
	v61 =	vld [tilespmem:s31+$0x1120];
	v45 =	vadd.f32 v44, v40;
	v19 =	vadd.f32 v50, v48  }
0x38b: {  	v62 =	vld [tilespmem:s31+$0xD120];
	v4 =	vmul.f32 v4, v4;
	v46 =	vadd.f32 v53, v51;
	v8 =	vadd.f32 v52, v8  }
0x38c: {  	v2 =	vmul.f32 v2, v2;
	v63 =	vld [tilespmem:s31+$0x1130];
	v9 =	vadd.f32 v54, v9;
	v25 =	vadd.f32 v0, v25  }
0x38d: {  	v58 =	vld [tilespmem:s31+$0x1110];
	v59 =	vmul.f32 v41, v41;
	v3 =	vadd.f32 v4, v3;
	v22 =	vadd.f32 v27, v22  }
0x38e: {  	v41 =	vld [tilespmem:s31+$0xD130];
	v0 =	vmul.f32 v0, v0;
	v13 =	vadd.f32 v13, v14;
	v14 =	vadd.f32 v5, v56  }
0x38f: {  	v4 =	vld [tilespmem:s31+$0xD100];
	v2 =	vadd.f32 v2, v6;
	v10 =	vadd.f32 v10, v23  }
0x390: {  	v6 =	vld [tilespmem:s10+$0x1100];
	v5 =	vmul.f32 v5, v5;
	v21 =	vadd.f32 v57, v55;
	v0 =	vadd.f32 v0, v8  }
0x391: {  	v48 =	vmul.f32 v46, v46;
	v8 =	vld [tilespmem:s10+$0xD100];
	v47 =	vadd.f32 v46, v25;
	v11 =	vadd.f32 v59, v13  }
0x392: {  	v1 =	vadd.f32 v5, v1;
	v5 =	vld [tilespmem:s31+$0x1100];
	v13 =	vadd.f32 v62, v61  }
0x393: {  	v53 =	vmul.f32 v12, v12;
	v15 =	vadd.f32 v60, v58;
	v0 =	vadd.f32 v48, v0  }
0x394: {  	v17 =	vadd.f32 v41, v63;
	v7 =	vadd.f32 v13, v7  }
0x395: {  	v14 =	vadd.f32 v15, v14;
	v0 =	vadd.f32 v53, v0  }
0x396: {  	v26 =	vmul.f32 v15, v15;
	v6 =	vadd.f32 v8, v6;
	v7 =	vadd.f32 v22, v7  }
0x397: {  	v4 =	vadd.f32 v4, v5;
	v5 =	vadd.f32 v19, v16  }
0x398: {  	v8 =	vmul.f32 v19, v19;
	v16 =	vadd.f32 v12, v47;
	v1 =	vadd.f32 v26, v1  }
0x399: {  	v52 =	vmul.f32 v42, v42;
	v14 =	vadd.f32 v10, v14;
	v49 =	vadd.f32 v6, v28  }
0x39a: {  	v2 =	vadd.f32 v8, v2;
	v8 =	vmul.f32 v13, v13;
	v18 =	vadd.f32 v4, v18  }
0x39b: {  	v50 =	vmul.f32 v6, v6;
	v5 =	vadd.f32 v42, v5;
	v14 =	vadd.f32 v35, v14  }
0x39c: {  	v51 =	vmul.f32 v4, v4;
	v3 =	vadd.f32 v8, v3;
	v8 =	vadd.f32 v21, v49  }
0x39d: {  	v54 =	vmul.f32 v21, v21;
	v9 =	vadd.f32 v50, v9;
	v2 =	vadd.f32 v52, v2  }
0x39e: {  	v11 =	vadd.f32 v51, v11;
	v8 =	vadd.f32 v43, v8  }
0x39f: {  	v55 =	vmul.f32 v43, v43;
	v18 =	vadd.f32 v17, v18;
	v9 =	vadd.f32 v54, v9  }
0x3a0: {  	v57 =	vmul.f32 v31, v31;
	v5 =	vadd.f32 v31, v5;
	v8 =	vadd.f32 v8, v16  }
0x3a1: {  	v56 =	vmul.f32 v17, v17;
	v18 =	vadd.f32 v45, v18;
	v9 =	vadd.f32 v55, v9  }
0x3a2: {  	v2 =	vadd.f32 v57, v2;
	v5 =	vadd.f32 v5, v8;
	v8 =	vmul.f32 v10, v10  }
0x3a3: {  	v58 =	vmul.f32 v45, v45;
	v7 =	vadd.f32 v18, v7;
	v0 =	vadd.f32 v9, v0  }
0x3a4: {  	v11 =	vadd.f32 v56, v11;
	v1 =	vadd.f32 v8, v1;
	v8 =	vmul.f32 v22, v22  }
0x3a5: {  	v7 =	vadd.f32 v14, v7;
	v0 =	vadd.f32 v2, v0  }
0x3a6: {  	v9 =	vmul.f32 v35, v35;
	(xrf2) =	vadd.scan.msk.f32 $0xffff, v5;
	v3 =	vadd.f32 v8, v3;
	v8 =	vadd.f32 v58, v11  }
0x3a7: {  	(xrf2) =	vadd.scan.msk.f32 $0xffff, v7  }
0x3a8: {  	v1 =	vadd.f32 v9, v1;
	(xrf2) =	vadd.scan.msk.f32 $0xffff, v0;
	v2 =	vadd.f32 v8, v3;
	_ =	sdelay $0x1  }
0x3a9: {  	v0 =	vadd.f32 v1, v2;
	_ =	sdelay $0x1  }
0x3aa: {  	(xrf2) =	vadd.scan.msk.f32 $0xffff, v0;
	_ =	sdelay $0x3  }
0x3ab: {  	v0, _, _ =	vpop (xrf2)  }
0x3ac: {  	v1, _, _ =	vpop (xrf2);
	(v2sf) =	vpush v0, $0xF  }
0x3ad: {  	v0, _, _ =	vpop (xrf2);
	(v2sf) =	vpush v1, $0xF  }
0x3ae: {  	(v2sf) =	vpush v0, $0xF;
	_ =	sdelay $0x2  }
0x3af: {  	v0, _, _ =	vpop (xrf2)  }
0x3b0: {  	(v2sf) =	vpush v0, $0xF;
	_ =	sdelay $0x8  }
0x3b1: {  	s17 =	spop (v2sf)  }
0x3b2: {  	s0 =	smul.f32 $1.302083370e-03, s17;
	s3 =	spop (v2sf)  }
0x3b3: {  	s3 =	smul.f32 $1.302083370e-03, s3;
	s5 =	spop (v2sf)  }
0x3b4: {  	s5 =	smul.f32 $1.302083370e-03, s5  }
0x3b5: {  	s6 =	smul.f32 s0, s0  }
0x3b6: {  	s21 =	smul.f32 s3, s3  }
0x3b7: {  	s5 =	ssub.f32 s5, s6;
	s20 =	spop (v2sf)  }
0x3b8: {  	s17 =	smul.f32 $1.302083370e-03, s20  }
0x3b9: {  	s5 =	sadd.f32 $9.999999740e-06, s5  }
0x3ba: {  	s23 =	ssub.f32 s17, s21  }
0x3bb: {  	s24 =	sshrl.u32 s5, $0x1;
	s5 =	smul.f32 $5.000000000e-01, s5  }
0x3bc: {  	s17 =	ssub.s32 $0x5F375A86, s24;
	s6 =	sadd.f32 $9.999999740e-06, s23  }
0x3bd: {  	[tilespmem:s10+$0x1170] =	vst v31;
	s26 =	smul.f32 s17, s5  }
0x3be: {  	[tilespmem:s10+$0x1150] =	vst v12;
	s25 =	sshrl.u32 s6, $0x1;
	s6 =	smul.f32 $5.000000000e-01, s6  }
0x3bf: {  	[tilespmem:s31+$0x1170] =	vst v35;
	s21 =	smul.f32 s17, s26;
	s20 =	ssub.s32 $0x5F375A86, s25  }
0x3c0: {  	[tilespmem:s10+$0x1140] =	vst v42;
	s23 =	smul.f32 s20, s6  }
0x3c1: {  	[tilespmem:s10+$0x1160] =	vst v43;
	s21 =	ssub.f32 $1.500000000e+00, s21  }
0x3c2: {  	[tilespmem:s10+$0x1110] =	vst v19;
	s23 =	smul.f32 s20, s23  }
0x3c3: {  	[tilespmem:s10+$0x1120] =	vst v46;
	s17 =	smul.f32 s17, s21  }
0x3c4: {  	[tilespmem:s31+$0x1160] =	vst v45;
	s23 =	ssub.f32 $1.500000000e+00, s23  }
0x3c5: {  	[tilespmem:s31+$0x1150] =	vst v22;
	s5 =	smul.f32 s17, s5  }
0x3c6: {  	[tilespmem:s31+$0x1140] =	vst v10;
	s20 =	smul.f32 s20, s23  }
0x3c7: {  	[tilespmem:s10+$0x1130] =	vst v21;
	s5 =	smul.f32 s5, s17  }
0x3c8: {  	[tilespmem:s31+$0x1120] =	vst v13;
	s6 =	smul.f32 s20, s6  }
0x3c9: {  	[tilespmem:s31+$0x1110] =	vst v15  }
0x3ca: {  	[tilespmem:s31+$0x1130] =	vst v17;
	s5 =	ssub.f32 $1.500000000e+00, s5;
	s6 =	smul.f32 s6, s20  }
0x3cb: {  	s9 =	sadd.s32 $0x4, s9;
	[tilespmem:s10+$0x1100] =	vst v6  }
0x3cc: {  	s30 =	sadd.s32 $0xFFFFFFFE, s9;
	[tilespmem:s31+$0x1100] =	vst v4;
	s5 =	smul.f32 s5, s17;
	s6 =	ssub.f32 $1.500000000e+00, s6  }
0x3cd: {  	s31 =	sadd.s32 $0xFFFFFFFF, s9;
	[smem:s30] =	sst s0  }
0x3ce: {  	[smem:s31] =	sst s5;
	s5 =	smul.f32 s6, s20  }
0x3cf: {  	p0 =	seq.s32 s18, $0x0;
	[smem:s9] =	sst s3;
	s6 =	sadd.s32 $0x1, s9  }
0x3d0: {  	s0 =	simm.s32 @!p0 $0x6;
	[smem:s6] =	sst s5  }
0x3d1: {  	_ =	swait.ge @!p0 [sflag:s0], $0x6000  }
0x3d2: {  	[sflag:s0] =	ssyncset.done @!p0 $0x0  }
0x3d3: {  	[sflag:s0] =	ssyncadd.s32 @!p0 $0xFFFFA000  }
0x3d4: {  	v0 =	vld [tilespmem:s19+$0x800];
	_ =	sdelay $0x4  }
0x3d5: {  	s9 =	sand.u32 $0x1E0, s19;
	v0 =	vshll.u32 v0, $0x9  }
0x3d6: {  	v3 =	vlaneseq.u32;
	v0 =	vor.u32 s9, v0  }
0x3d7: {  	v0 =	vor.u32 v3, v0  }
0x3d8: {  	v4 =	vld [tilespmem:$0x1FFC0];
	v1 =	vshrl.u32 v0, $0x3;
	[tilespmem:$0x1080] =	vst v0  }
0x3d9: {  	v0 =	vmul.u32 $0x30, v1;
	v1 =	vld [tilespmem:s19+$0x810];
	_ =	sdelay $0x2  }
0x3da: {  	v5 =	vld [tilespmem:$0x1FFD0];
	_ =	sdelay $0x1  }
0x3db: {  	s0 =	sor.u32 $0x10, s9;
	v0 =	vor.u32 v4, v0;
	v1 =	vshll.u32 v1, $0x9  }
0x3dc: {  	v2 =	vperm.xlane v0, v4;
	v1 =	vor.u32 s0, v1  }
0x3dd: {  	v1 =	vor.u32 v3, v1;
	v3 =	vld [tilespmem:$0x1FFE0]  }
0x3de: {  	v2 =	vadd.s32 v5, v2;
	_ =	sdelay $0x3  }
0x3df: {  	s10 =	simm.s32 $0x13100;
	[tilespmem:$0x1090] =	vst v1;
	v0 =	vperm.xlane v0, v3  }
0x3e0: {  	[tilespmem:s10], [sflag:$0x4] =	stream.indirect_vreg.gather [hbm4b:s2+s7], $0x80, v2, vm0, $0xb8;
	[tilespmem:$0x19700] =	vst v63  }
0x3e1: {  	s15 =	simm.s32 $0x13900;
	v0 =	vadd.s32 v5, v0  }
0x3e2: {  	[tilespmem:s15], [sflag:$0x4] =	stream.indirect_vreg.gather [hbm4b:s13+s7], $0x80, v2, vm0, $0xb8;
	[tilespmem:$0x19700] =	vst v63  }
0x3e3: {  	s17 =	simm.s32 $0x14100  }
0x3e4: {  	[tilespmem:s17], [sflag:$0x4] =	stream.indirect_vreg.gather [hbm4b:s14+s7], $0x80, v2, vm0, $0xb8;
	[tilespmem:$0x19700] =	vst v63  }
0x3e5: {  	s20 =	simm.s32 $0x14900  }
0x3e6: {  	[tilespmem:s20], [sflag:$0x4] =	stream.indirect_vreg.gather [hbm4b:s2+s7], $0x80, v0, vm0, $0xb8;
	[tilespmem:$0x19700] =	vst v63  }
0x3e7: {  	s21 =	simm.s32 $0x15100  }
0x3e8: {  	[tilespmem:s21], [sflag:$0x4] =	stream.indirect_vreg.gather [hbm4b:s13+s7], $0x80, v0, vm0, $0xb8;
	[tilespmem:$0x19700] =	vst v63  }
0x3e9: {  	s23 =	simm.s32 $0x15900  }
0x3ea: {  	[tilespmem:s23], [sflag:$0x4] =	stream.indirect_vreg.gather [hbm4b:s14+s7], $0x80, v0, vm0, $0xb8;
	[tilespmem:$0x19700] =	vst v63  }
0x3eb: {  	v0 =	vld [tilespmem:$0x1090];
	_ =	sdelay $0x4  }
0x3ec: {  	v1 =	vshrl.u32 v0, $0x3  }
0x3ed: {  	v1 =	vmul.u32 $0x30, v1  }
0x3ee: {  	v0 =	vand.u32 $0x7, v0  }
0x3ef: {  	v0 =	vor.u32 v0, v1  }
0x3f0: {  	v1 =	vperm.xlane v0, v4;
	_ =	sdelay $0x1  }
0x3f1: {  	v1 =	vadd.s32 v5, v1;
	_ =	sdelay $0x3  }
0x3f2: {  	s24 =	simm.s32 $0x16100;
	v0 =	vperm.xlane v0, v3  }
0x3f3: {  	[tilespmem:s24], [sflag:$0x4] =	stream.indirect_vreg.gather [hbm4b:s2+s7], $0x80, v1, vm0, $0xb8;
	[tilespmem:$0x19700] =	vst v63  }
0x3f4: {  	s25 =	simm.s32 $0x16900;
	v0 =	vadd.s32 v5, v0  }
0x3f5: {  	[tilespmem:s25], [sflag:$0x4] =	stream.indirect_vreg.gather [hbm4b:s13+s7], $0x80, v1, vm0, $0xb8;
	[tilespmem:$0x19700] =	vst v63  }
0x3f6: {  	s26 =	simm.s32 $0x17100  }
0x3f7: {  	[tilespmem:s26], [sflag:$0x4] =	stream.indirect_vreg.gather [hbm4b:s14+s7], $0x80, v1, vm0, $0xb8;
	[tilespmem:$0x19700] =	vst v63  }
0x3f8: {  	s30 =	simm.s32 $0x17900;
	s5 =	simm.s32 $0x0  }
0x3f9: {  	[tilespmem:s30], [sflag:$0x4] =	stream.indirect_vreg.gather [hbm4b:s2+s7], $0x80, v0, vm0, $0xb8;
	[tilespmem:$0x19700] =	vst v63  }
0x3fa: {  	s31 =	simm.s32 $0x18100;
	s0 =	sand.u32 $0x6, s5  }
0x3fb: {  	[tilespmem:s31], [sflag:$0x4] =	stream.indirect_vreg.gather [hbm4b:s13+s7], $0x80, v0, vm0, $0xb8;
	[tilespmem:$0x19700] =	vst v63  }
0x3fc: {  	s3 =	simm.s32 $0x18900;
	s6 =	sshrl.u32 s0, $0x1  }
0x3fd: {  	[tilespmem:s3], [sflag:$0x4] =	stream.indirect_vreg.gather [hbm4b:s14+s7], $0x80, v0, vm0, $0xb8;
	[tilespmem:$0x19700] =	vst v63  }
0x3fe: {  	s9 =	simm.s32 $0x0;
	s3 =	smul.u32 $0x1800, s6  }
0x3ff: {  	s5 =	sand.u32 $0x1C00, s9;
	s10 =	simm.s32 $0x0  }
0x400: {  	s15 =	sand.u32 $0x70, s10;
	s3 =	sadd.s32 s5, s3  }
0x401: {  	s24 =	sor.u32 s15, s3  }
0x402: {  	s0 =	sshll.u32 s0, $0x3;
	v0 =	vld [tilespmem:s24+$0x1300]  }
0x403: {  	s17 =	sld [smem:s0+$0x8]  }
0x404: {  	s20 =	sld [smem:s0+$0x9];
	v1 =	vld [tilespmem:s24+$0x1380]  }
0x405: {  	s21 =	sld [smem:s0+$0xA];
	s6 =	sand.u32 $0xFFFFFFF0, s10;
	v2 =	vld [tilespmem:s24+$0x1400]  }
0x406: {  	s23 =	sld [smem:s0+$0xC];
	v3 =	vmov s17;
	v5 =	vld [tilespmem:s6+$0x19100]  }
0x407: {  	v0 =	vsub.f32 v0, v3  }
0x408: {  	s25 =	sld [smem:s0+$0xB];
	v6 =	vld [tilespmem:s6+$0x19400];
	v3 =	vmov s21  }
0x409: {  	s26 =	sld [smem:s0+$0xD];
	v1 =	vsub.f32 v1, v3;
	v3 =	vmov s23;
	v0 =	vmul.f32 s20, v0  }
0x40a: {  	s17 =	sld [smem:s0+$0x1];
	v4 =	vld [tilespmem:s24+$0x1100];
	v2 =	vsub.f32 v2, v3  }
0x40b: {  	s30 =	sld [smem:s0+$0x0];
	v7 =	vld [tilespmem:s24+$0x1200];
	v1 =	vmul.f32 s25, v1;
	v0 =	vmul.f32 v0, v5  }
0x40c: {  	s31 =	sld [smem:s0+$0x2];
	s15 =	simm.s32 $0x2;
	v3 =	vld [tilespmem:s24+$0x1180];
	v2 =	vmul.f32 s26, v2  }
0x40d: {  	s10 =	sld [smem:s0+$0x4];
	v8 =	vld [tilespmem:s24+$0x1280];
	s23 =	sand.u32 $0x6, s15;
	v1 =	vmul.f32 v1, v5;
	v0 =	vadd.f32 v0, v6  }
0x40e: {  	v9 =	vmov s30;
	s21 =	sld [smem:s0+$0x6];
	s26 =	sshrl.u32 s23, $0x1;
	v2 =	vmul.f32 v2, v5  }
0x40f: {  	s30 =	simm.s32 $0x20;
	s25 =	sld [smem:s0+$0x3];
	s9 =	smul.u32 $0x1800, s26;
	v1 =	vadd.f32 v1, v6;
	[tilespmem:s24+$0xD300] =	vst v0;
	v0 =	vsub.f32 v4, v9  }
0x410: {  	s20 =	sand.u32 $0x1C00, s30;
	v4 =	vmov s31;
	s31 =	simm.s32 $0x4;
	v2 =	vadd.f32 v2, v6;
	v9 =	vmov s10;
	s26 =	sld [smem:s0+$0x5]  }
0x411: {  	s20 =	sadd.s32 s20, s9;
	s29 =	sld [smem:s0+$0x7];
	v3 =	vsub.f32 v3, v4;
	[tilespmem:s24+$0xD380] =	vst v1;
	v1 =	vmov s21;
	v0 =	vmul.f32 s17, v0;
	s17 =	sand.u32 $0x70, s31  }
0x412: {  	s3 =	sor.u32 s3, s6;
	s10 =	sshll.u32 s23, $0x3;
	v4 =	vsub.f32 v7, v9;
	v1 =	vsub.f32 v8, v1;
	s9 =	sor.u32 s17, s20  }
0x413: {  	s23 =	sld [smem:s10+$0x9];
	[tilespmem:s24+$0xD400] =	vst v2;
	v2 =	vmul.f32 s25, v3;
	s17 =	sor.u32 $0x380, s3;
	v7 =	vld [tilespmem:s9+$0x1300];
	v0 =	vmul.f32 v0, v5  }
0x414: {  	s25 =	sld [smem:s10+$0x8];
	v3 =	vmul.f32 s26, v4;
	v4 =	vld [tilespmem:s17+$0x1100];
	v1 =	vmul.f32 s29, v1  }
0x415: {  	s6 =	sld [smem:s0+$0xE];
	v9 =	vld [tilespmem:s9+$0x1380];
	v2 =	vmul.f32 v2, v5;
	v8 =	vadd.f32 v0, v6  }
0x416: {  	s21 =	sand.u32 $0xFFFFFFF0, s31;
	s30 =	sld [smem:s10+$0xA];
	v10 =	vld [tilespmem:s9+$0x1400];
	v60 =	vmul.f32 v1, v5  }
0x417: {  	s31 =	sld [smem:s10+$0xC];
	v3 =	vmul.f32 v3, v5;
	v0 =	vld [tilespmem:s21+$0x19100];
	v11 =	vmov s25;
	v59 =	vadd.f32 v2, v6;
	[tilespmem:s24+$0xD100] =	vst v8  }
0x418: {  	v1 =	vld [tilespmem:s21+$0x19400];
	v8 =	vmov s6;
	v62 =	vadd.f32 v60, v6;
	v7 =	vsub.f32 v7, v11;
	s0 =	sld [smem:s0+$0xF]  }
0x419: {  	v61 =	vmov s30;
	s25 =	sld [smem:s10+$0xB];
	v2 =	vld [tilespmem:s9+$0x1100];
	v11 =	vadd.f32 v3, v6;
	[tilespmem:s24+$0xD180] =	vst v59;
	v4 =	vsub.f32 v4, v8  }
0x41a: {  	s29 =	sld [smem:s10+$0xD];
	v63 =	vmov s31;
	v3 =	vld [tilespmem:s9+$0x1180];
	v9 =	vsub.f32 v9, v61;
	[tilespmem:s24+$0xD280] =	vst v62;
	v8 =	vmul.f32 s23, v7  }
0x41b: {  	v10 =	vsub.f32 v10, v63;
	[tilespmem:s24+$0xD200] =	vst v11;
	s24 =	sld [smem:s10+$0x0];
	v7 =	vmul.f32 s0, v4;
	v4 =	vld [tilespmem:s9+$0x1200]  }
.LBB2_5:
0x41c: {  	s15 =	sadd.s32 $0x2, s15;
	s0 =	sld [smem:s10+$0x2];
	v11 =	vld [tilespmem:s9+$0x1280];
	v8 =	vmul.f32 v8, v0;
	v9 =	vmul.f32 s25, v9  }
0x41d: {  	s3 =	sand.u32 $0x6, s15;
	s5 =	sld [smem:s10+$0x4];
	v10 =	vmul.f32 s29, v10;
	v7 =	vmul.f32 v7, v5;
	v5 =	vmov v0  }
0x41e: {  	s6 =	sshrl.u32 s3, $0x1;
	v0 =	vmov s24;
	s23 =	sld [smem:s10+$0x6];
	v8 =	vadd.f32 v8, v1;
	v9 =	vmul.f32 v9, v5  }
0x41f: {  	s24 =	sshll.u32 s15, $0x4;
	s6 =	smul.u32 $0x1800, s6;
	s25 =	sld [smem:s10+$0x1];
	v12 =	vmov s0;
	v10 =	vmul.f32 v10, v5;
	v7 =	vadd.f32 v7, v6;
	v6 =	vmovc v1  }
0x420: {  	s26 =	sshll.u32 s15, $0x1;
	s0 =	sand.u32 $0x1C00, s24;
	v0 =	vsub.f32 v2, v0;
	s24 =	sld [smem:s10+$0x3];
	v1 =	vmov s5;
	[tilespmem:s9+$0xD300] =	vst v8;
	v2 =	vadd.f32 v9, v6  }
0x421: {  	s5 =	sand.u32 $0x70, s26;
	v3 =	vsub.f32 v3, v12;
	s6 =	sadd.s32 s0, s6;
	s29 =	sld [smem:s10+$0x5];
	v8 =	vmov s23;
	v9 =	vadd.f32 v10, v6;
	[tilespmem:s17+$0xD100] =	vst v7  }
0x422: {  	v1 =	vsub.f32 v4, v1;
	s17 =	sor.u32 s20, s21;
	s0 =	sor.u32 s5, s6;
	v0 =	vmul.f32 s25, v0;
	s5 =	sld [smem:s10+$0x7];
	v4 =	vsub.f32 v11, v8;
	[tilespmem:s9+$0xD380] =	vst v2  }
0x423: {  	s3 =	sshll.u32 s3, $0x3;
	s17 =	sor.u32 $0x380, s17;
	v7 =	vld [tilespmem:s0+$0x1300];
	v2 =	vmul.f32 s24, v3;
	[tilespmem:s9+$0xD400] =	vst v9;
	s23 =	sld [smem:s10+$0xE]  }
0x424: {  	p0 =	slt.u32 s15, $0x17E;
	s20 =	smov.u32 s6;
	s24 =	sld [smem:s3+$0x8];
	v0 =	vmul.f32 v0, v5;
	v1 =	vmul.f32 s29, v1;
	v3 =	vld [tilespmem:s17+$0x1100]  }
0x425: {  	s6 =	sld [smem:s3+$0x9];
	v9 =	vld [tilespmem:s0+$0x1380];
	v2 =	vmul.f32 v2, v5;
	v4 =	vmul.f32 s5, v4  }
0x426: {  	s21 =	sand.u32 $0xFFFFFFF0, s26;
	s5 =	sld [smem:s3+$0xA];
	v10 =	vld [tilespmem:s0+$0x1400];
	v8 =	vadd.f32 v0, v6;
	v1 =	vmul.f32 v1, v5  }
.Ltmp1:
0x427: {  	v0 =	vld [tilespmem:s21+$0x19100];
	v11 =	vmov s24;
	s24 =	sld [smem:s3+$0xC];
	v12 =	vadd.f32 v2, v6;
	v4 =	vmul.f32 v4, v5;
	(pc) =	sbr.rel @p0 .LBB2_5-.Ltmp1, $4  }
0x428: {  	v2 =	vld [tilespmem:s0+$0x1100];
	v7 =	vsub.f32 v7, v11;
	[tilespmem:s9+$0xD100] =	vst v8;
	v11 =	vadd.f32 v1, v6;
	s26 =	sld [smem:s10+$0xF];
	v8 =	vmov s23;
	s10 =	smov.u32 s3  }
0x429: {  	v1 =	vld [tilespmem:s21+$0x19400];
	s25 =	sld [smem:s10+$0xB];
	v13 =	vmov s5;
	[tilespmem:s9+$0xD180] =	vst v12;
	v12 =	vadd.f32 v4, v6;
	v14 =	vsub.f32 v3, v8  }
0x42a: {  	v3 =	vld [tilespmem:s0+$0x1180];
	v8 =	vmul.f32 s6, v7;
	v9 =	vsub.f32 v9, v13;
	s29 =	sld [smem:s10+$0xD];
	v7 =	vmov s24;
	[tilespmem:s9+$0xD200] =	vst v11  }
0x42b: {  	s24 =	sld [smem:s10+$0x0];
	v4 =	vld [tilespmem:s0+$0x1200];
	v10 =	vsub.f32 v10, v7;
	[tilespmem:s9+$0xD280] =	vst v12;
	v7 =	vmul.f32 s26, v14;
	s9 =	smov.u32 s0  }
0x42c: {  	s0 =	sld [smem:s10+$0x2];
	v8 =	vmul.f32 v8, v0;
	v9 =	vmul.f32 s25, v9  }
0x42d: {  	s3 =	sld [smem:s10+$0x4];
	v10 =	vmul.f32 s29, v10  }
0x42e: {  	s6 =	sld [smem:s10+$0x1];
	v8 =	vadd.f32 v8, v1;
	v11 =	vmov s24;
	v9 =	vmul.f32 v9, v0  }
0x42f: {  	s5 =	sld [smem:s10+$0x6];
	v10 =	vmul.f32 v10, v0;
	v2 =	vsub.f32 v2, v11  }
0x430: {  	s15 =	sld [smem:s10+$0x3];
	[tilespmem:s9+$0xD300] =	vst v8;
	v8 =	vadd.f32 v9, v1  }
0x431: {  	s23 =	sld [smem:s10+$0x5];
	v9 =	vadd.f32 v10, v1;
	v2 =	vmul.f32 s6, v2  }
0x432: {  	s20 =	sor.u32 s20, s21;
	s30 =	sld [smem:s10+$0x7];
	[tilespmem:s9+$0xD380] =	vst v8  }
0x433: {  	s20 =	sor.u32 $0x380, s20;
	v8 =	vld [tilespmem:s9+$0x1280];
	[tilespmem:s9+$0xD400] =	vst v9;
	v2 =	vmul.f32 v2, v0  }
0x434: {  	v9 =	vld [tilespmem:s20+$0x1100]  }
0x435: {  	v10 =	vmov s0;
	s31 =	sld [smem:s10+$0xE];
	v2 =	vadd.f32 v2, v1  }
0x436: {  	v11 =	vmov s3;
	v3 =	vsub.f32 v3, v10  }
0x437: {  	v4 =	vsub.f32 v4, v11;
	v10 =	vmov s5;
	[tilespmem:s9+$0xD100] =	vst v2  }
0x438: {  	v3 =	vmul.f32 s15, v3;
	v2 =	vsub.f32 v8, v10;
	v8 =	vmov s31;
	s10 =	sld [smem:s10+$0xF]  }
0x439: {  	v5 =	vmul.f32 v7, v5;
	v4 =	vmul.f32 s23, v4;
	v7 =	vsub.f32 v9, v8  }
0x43a: {  	v3 =	vmul.f32 v3, v0;
	v2 =	vmul.f32 s30, v2  }
0x43b: {  	v5 =	vadd.f32 v5, v6;
	v4 =	vmul.f32 v4, v0;
	v6 =	vmul.f32 s10, v7  }
0x43c: {  	s15 =	sshll.u32 s18, $0x6;
	v3 =	vadd.f32 v3, v1;
	v2 =	vmul.f32 v2, v0  }
0x43d: {  	[tilespmem:s17+$0xD100] =	vst v5;
	s0 =	sadd.s32 s8, s15;
	v4 =	vadd.f32 v4, v1;
	v0 =	vmul.f32 v6, v0  }
0x43e: {  	s0 =	sshrl.u32 s0, $0x3;
	[tilespmem:s9+$0xD180] =	vst v3;
	v2 =	vadd.f32 v2, v1  }
0x43f: {  	s0 =	smul.u32 $0x300, s0;
	[tilespmem:s9+$0xD200] =	vst v4;
	v0 =	vadd.f32 v0, v1  }
0x440: {  	s21 =	rddreg [dreg:$0x6];
	[tilespmem:s9+$0xD280] =	vst v2  }
0x441: {  	s23 =	simm.s32 $0xD100;
	s0 =	sadd.s32 s21, s0;
	[tilespmem:s20+$0xD100] =	vst v0  }
0x442: {  	[hbm4b:s0+s7] =	stream.linear.scatter [tilespmem:s23], [sflag:$0x5], $0x6000, $0x38;
	[tilespmem:$0x19700] =	vst v63  }
0x443: {  	_ =	swait.ge [sflag:s4], $0x6000  }
0x444: {  	[sflag:s4] =	ssyncset.done $0x0  }
0x445: {  	[sflag:s4] =	ssyncadd.s32 $0xFFFFA000  }
0x446: {  	p0 =	seq.s32 s18, $0x1F;
	s0 =	sadd.s32 $0x2, s22;
	_ =	swait.ge [sflag:s16], $0x6000  }
0x447: {  	s20 =	sshll.u32 @!p0 s0, $0x5;
	[sflag:s16] =	ssyncset.done $0x0  }
0x448: {  	s0 =	sand.u32 @!p0 $0x3FFFFFE0, s20;
	[sflag:s16] =	ssyncadd.s32 $0xFFFFA000  }
0x449: {  	v0 =	vld @!p0 [tilespmem:s0+$0x0];
	_ =	sdelay $0x4  }
0x44a: {  	v1 =	vshrl.u32 @!p0 v0, $0x3  }
0x44b: {  	v1 =	vmul.u32 @!p0 $0x30, v1  }
0x44c: {  	v2 =	vlaneseq.u32 @!p0;
	v0 =	vand.u32 @!p0 $0x7, v0  }
0x44d: {  	v3 =	vshrl.u32 @!p0 v2, $0x3;
	v0 =	vor.u32 @!p0 v0, v1;
	v1 =	vand.u32 @!p0 $0x7, v2  }
0x44e: {  	v3 =	vmul.u32 @!p0 $0x8, v3;
	v4 =	vperm.xlane @!p0 v0, v1;
	_ =	sdelay $0x1  }
0x44f: {  	v4 =	vadd.s32 @!p0 v3, v4;
	_ =	sdelay $0x2  }
0x450: {  	v2 =	vor.u32 @!p0 $0x8, v2  }
0x451: {  	vm1 =	vmmov @!p0 $0xffff;
	s3 =	simm.s32 @!p0 $0x0;
	s5 =	simm.s32 @!p0 $0x1100;
	v0 =	vperm.xlane @!p0 v0, v2  }
0x452: {  	[tilespmem:s5], [sflag:$0x1] =	stream.indirect_vreg.gather @!p0 [hbm4b:s1+s3], $0x80, v4, vm1, $0xb8;
	[tilespmem:$0x19700] =	vst v63  }
0x453: {  	v0 =	vadd.s32 @!p0 v3, v0;
	s5 =	simm.s32 @!p0 $0x1900  }
0x454: {  	[tilespmem:s5], [sflag:$0x1] =	stream.indirect_vreg.gather @!p0 [hbm4b:s11+s3], $0x80, v4, vm1, $0xb8;
	[tilespmem:$0x19700] =	vst v63  }
0x455: {  	s5 =	simm.s32 @!p0 $0x2100  }
0x456: {  	[tilespmem:s5], [sflag:$0x1] =	stream.indirect_vreg.gather @!p0 [hbm4b:s12+s3], $0x80, v4, vm1, $0xb8;
	[tilespmem:$0x19700] =	vst v63  }
0x457: {  	s5 =	simm.s32 @!p0 $0x2900  }
0x458: {  	[tilespmem:s5], [sflag:$0x1] =	stream.indirect_vreg.gather @!p0 [hbm4b:s1+s3], $0x80, v0, vm1, $0xb8;
	[tilespmem:$0x19700] =	vst v63  }
0x459: {  	s5 =	simm.s32 @!p0 $0x3100  }
0x45a: {  	[tilespmem:s5], [sflag:$0x1] =	stream.indirect_vreg.gather @!p0 [hbm4b:s11+s3], $0x80, v0, vm1, $0xb8;
	[tilespmem:$0x19700] =	vst v63  }
0x45b: {  	s5 =	simm.s32 @!p0 $0x3900  }
0x45c: {  	[tilespmem:s5], [sflag:$0x1] =	stream.indirect_vreg.gather @!p0 [hbm4b:s12+s3], $0x80, v0, vm1, $0xb8;
	[tilespmem:$0x19700] =	vst v63  }
0x45d: {  	v0 =	vld @!p0 [tilespmem:s0+$0x10];
	_ =	sdelay $0x4  }
0x45e: {  	v4 =	vshrl.u32 @!p0 v0, $0x3  }
0x45f: {  	v4 =	vmul.u32 @!p0 $0x30, v4  }
0x460: {  	v0 =	vand.u32 @!p0 $0x7, v0  }
0x461: {  	v0 =	vor.u32 @!p0 v0, v4  }
0x462: {  	v1 =	vperm.xlane @!p0 v0, v1;
	_ =	sdelay $0x1  }
0x463: {  	v1 =	vadd.s32 @!p0 v3, v1;
	_ =	sdelay $0x3  }
0x464: {  	s0 =	simm.s32 @!p0 $0x4100;
	v0 =	vperm.xlane @!p0 v0, v2  }
0x465: {  	[tilespmem:s0], [sflag:$0x1] =	stream.indirect_vreg.gather @!p0 [hbm4b:s1+s3], $0x80, v1, vm1, $0xb8;
	[tilespmem:$0x19700] =	vst v63  }
0x466: {  	v0 =	vadd.s32 @!p0 v3, v0;
	s0 =	simm.s32 @!p0 $0x4900  }
0x467: {  	[tilespmem:s0], [sflag:$0x1] =	stream.indirect_vreg.gather @!p0 [hbm4b:s11+s3], $0x80, v1, vm1, $0xb8;
	[tilespmem:$0x19700] =	vst v63  }
0x468: {  	s0 =	simm.s32 @!p0 $0x5100  }
0x469: {  	[tilespmem:s0], [sflag:$0x1] =	stream.indirect_vreg.gather @!p0 [hbm4b:s12+s3], $0x80, v1, vm1, $0xb8;
	[tilespmem:$0x19700] =	vst v63  }
0x46a: {  	s0 =	simm.s32 @!p0 $0x5900  }
0x46b: {  	[tilespmem:s0], [sflag:$0x1] =	stream.indirect_vreg.gather @!p0 [hbm4b:s1+s3], $0x80, v0, vm1, $0xb8;
	[tilespmem:$0x19700] =	vst v63  }
0x46c: {  	s25 =	simm.s32 $0x0;
	s24 =	simm.s32 $0x0;
	s0 =	simm.s32 @!p0 $0x6100  }
0x46d: {  	[tilespmem:s0], [sflag:$0x1] =	stream.indirect_vreg.gather @!p0 [hbm4b:s11+s3], $0x80, v0, vm1, $0xb8;
	[tilespmem:$0x19700] =	vst v63  }
0x46e: {  	s10 =	smul.u32 $0x1800, s24;
	s9 =	sand.u32 $0x300, s25;
	s0 =	simm.s32 @!p0 $0x6900  }
0x46f: {  	[tilespmem:s0], [sflag:$0x1] =	stream.indirect_vreg.gather @!p0 [hbm4b:s12+s3], $0x80, v0, vm1, $0xb8;
	[tilespmem:$0x19700] =	vst v63  }
0x470: {  	s0 =	sor.u32 s9, s10  }
0x471: {  	v0 =	vld [tilespmem:s0+$0x7100]  }
0x472: {  	v1 =	vld [tilespmem:s0+$0x13100]  }
0x473: {  	v2 =	vld [tilespmem:s0+$0x7110]  }
0x474: {  	v3 =	vld [tilespmem:s0+$0x13110]  }
0x475: {  	v4 =	vld [tilespmem:s0+$0x7120]  }
0x476: {  	v5 =	vld [tilespmem:s0+$0x13120]  }
0x477: {  	v6 =	vld [tilespmem:s0+$0x7130]  }
0x478: {  	v7 =	vld [tilespmem:s0+$0x13130]  }
0x479: {  	v8 =	vld [tilespmem:s0+$0x7140]  }
0x47a: {  	v9 =	vld [tilespmem:s0+$0x13140]  }
0x47b: {  	v10 =	vld [tilespmem:s0+$0x7150]  }
0x47c: {  	v11 =	vld [tilespmem:s0+$0x13150]  }
0x47d: {  	v12 =	vld [tilespmem:s0+$0x7160]  }
0x47e: {  	v13 =	vld [tilespmem:s0+$0x13160]  }
0x47f: {  	v16 =	vld [tilespmem:s0+$0x7170]  }
0x480: {  	v17 =	vld [tilespmem:s0+$0x13170]  }
0x481: {  	v18 =	vld [tilespmem:s0+$0x7500]  }
0x482: {  	v19 =	vld [tilespmem:s0+$0x13500]  }
0x483: {  	v20 =	vld [tilespmem:s0+$0x7510]  }
0x484: {  	v21 =	vld [tilespmem:s0+$0x13510]  }
0x485: {  	v22 =	vld [tilespmem:s0+$0x7520]  }
0x486: {  	v23 =	vld [tilespmem:s0+$0x13520]  }
0x487: {  	v24 =	vld [tilespmem:s0+$0x7530]  }
0x488: {  	v25 =	vld [tilespmem:s0+$0x13530]  }
0x489: {  	v26 =	vld [tilespmem:s0+$0x7540]  }
0x48a: {  	v27 =	vld [tilespmem:s0+$0x13540]  }
0x48b: {  	v28 =	vld [tilespmem:s0+$0x7550]  }
0x48c: {  	v29 =	vld [tilespmem:s0+$0x13550]  }
0x48d: {  	v30 =	vld [tilespmem:s0+$0x7560]  }
0x48e: {  	s26 =	simm.s32 $0x80;
	v33 =	vld [tilespmem:s0+$0x13560]  }
0x48f: {  	s15 =	sand.u32 $0x380, s26;
	v34 =	vld [tilespmem:s0+$0x7570]  }
0x490: {  	s29 =	sor.u32 s10, s15;
	v36 =	vld [tilespmem:s0+$0x13570]  }
0x491: {  	v37 =	vld [tilespmem:s29+$0x7100]  }
0x492: {  	v38 =	vld [tilespmem:s29+$0x13100]  }
0x493: {  	v40 =	vld [tilespmem:s29+$0x7110]  }
0x494: {  	v45 =	vld [tilespmem:s29+$0x13110]  }
0x495: {  	v46 =	vld [tilespmem:s29+$0x7120]  }
0x496: {  	v50 =	vld [tilespmem:s29+$0x13120]  }
0x497: {  	v51 =	vld [tilespmem:s29+$0x7130]  }
0x498: {  	v52 =	vld [tilespmem:s29+$0x13130]  }
0x499: {  	v54 =	vld [tilespmem:s29+$0x7140]  }
0x49a: {  	v56 =	vld [tilespmem:s29+$0x13140]  }
0x49b: {  	v57 =	vld [tilespmem:s29+$0x7150]  }
0x49c: {  	v59 =	vld [tilespmem:s29+$0x13150]  }
0x49d: {  	v60 =	vld [tilespmem:s29+$0x7160]  }
0x49e: {  	v61 =	vld [tilespmem:s29+$0x13160];
	v47 =	vadd.f32 v1, v0  }
0x49f: {  	v62 =	vld [tilespmem:s29+$0x7170];
	v43 =	vadd.f32 v3, v2  }
0x4a0: {  	v0 =	vld [tilespmem:s29+$0x13170];
	v31 =	vadd.f32 v5, v4;
	[tilespmem:s0+$0x7100] =	vst v47  }
0x4a1: {  	v1 =	vld [tilespmem:s29+$0x7500];
	v48 =	vadd.f32 v7, v6;
	[tilespmem:s0+$0x7110] =	vst v43  }
0x4a2: {  	v2 =	vld [tilespmem:s29+$0x13500];
	v44 =	vadd.f32 v9, v8;
	[tilespmem:s0+$0x7120] =	vst v31  }
0x4a3: {  	v3 =	vld [tilespmem:s29+$0x7510];
	v32 =	vadd.f32 v11, v10;
	[tilespmem:s0+$0x7130] =	vst v48  }
0x4a4: {  	v4 =	vld [tilespmem:s29+$0x13510];
	v41 =	vadd.f32 v13, v12;
	[tilespmem:s0+$0x7140] =	vst v44  }
0x4a5: {  	v6 =	vld [tilespmem:s29+$0x7520];
	v39 =	vadd.f32 v17, v16;
	[tilespmem:s0+$0x7150] =	vst v32  }
0x4a6: {  	v7 =	vld [tilespmem:s29+$0x13520];
	v5 =	vadd.f32 v21, v20;
	[tilespmem:s0+$0x7160] =	vst v41  }
0x4a7: {  	v10 =	vld [tilespmem:s29+$0x7530];
	v42 =	vadd.f32 v19, v18;
	[tilespmem:s0+$0x7170] =	vst v39  }
0x4a8: {  	v11 =	vld [tilespmem:s29+$0x13530];
	[tilespmem:$0x1F650] =	vst v5  }
0x4a9: {  	v22 =	vadd.f32 v23, v22;
	[tilespmem:s0+$0x7500] =	vst v42  }
0x4aa: {  	v8 =	vadd.f32 v27, v26;
	v13 =	vld [tilespmem:s29+$0x7540];
	[tilespmem:s0+$0x7510] =	vst v5  }
0x4ab: {  	v35 =	vadd.f32 v25, v24;
	v16 =	vld [tilespmem:s29+$0x13540];
	[tilespmem:s0+$0x7520] =	vst v22  }
0x4ac: {  	v12 =	vld [tilespmem:s29+$0x7550];
	v5 =	vadd.f32 v29, v28;
	[tilespmem:$0x1F670] =	vst v8  }
0x4ad: {  	[tilespmem:s0+$0x7530] =	vst v35  }
0x4ae: {  	v17 =	vld [tilespmem:s29+$0x13550];
	[tilespmem:$0x1F680] =	vst v5  }
0x4af: {  	[tilespmem:s0+$0x7540] =	vst v8;
	v8 =	vadd.f32 v33, v30;
	_ =	sdelay $0x1  }
0x4b0: {  	v18 =	vld [tilespmem:s29+$0x7560];
	[tilespmem:$0x1F660] =	vst v8  }
0x4b1: {  	[tilespmem:s0+$0x7550] =	vst v5;
	v5 =	vadd.f32 v36, v34;
	_ =	sdelay $0x1  }
0x4b2: {  	v19 =	vld [tilespmem:s29+$0x13560];
	[tilespmem:$0x1F690] =	vst v5  }
0x4b3: {  	v49 =	vadd.f32 v38, v37;
	[tilespmem:s0+$0x7560] =	vst v8  }
0x4b4: {  	s30 =	sadd.s32 $0x800, s10;
	v53 =	vadd.f32 v45, v40;
	v20 =	vld [tilespmem:s29+$0x7570];
	[tilespmem:s0+$0x7570] =	vst v5  }
0x4b5: {  	s31 =	sor.u32 s9, s30;
	v58 =	vadd.f32 v50, v46;
	v21 =	vld [tilespmem:s29+$0x13570];
	[tilespmem:s29+$0x7100] =	vst v49  }
0x4b6: {  	v55 =	vadd.f32 v52, v51;
	[tilespmem:s29+$0x7110] =	vst v53;
	v23 =	vld [tilespmem:s31+$0x7100]  }
0x4b7: {  	v56 =	vadd.f32 v56, v54;
	[tilespmem:s29+$0x7120] =	vst v58;
	v24 =	vld [tilespmem:s31+$0x13100]  }
0x4b8: {  	v57 =	vadd.f32 v59, v57;
	[tilespmem:s29+$0x7130] =	vst v55;
	v25 =	vld [tilespmem:s31+$0x7110]  }
0x4b9: {  	v52 =	vadd.f32 v61, v60;
	[tilespmem:s29+$0x7140] =	vst v56;
	v26 =	vld [tilespmem:s31+$0x13110]  }
0x4ba: {  	v51 =	vadd.f32 v0, v62;
	[tilespmem:s29+$0x7150] =	vst v57;
	v28 =	vld [tilespmem:s31+$0x7120]  }
0x4bb: {  	v54 =	vadd.f32 v2, v1;
	[tilespmem:s29+$0x7160] =	vst v52;
	v29 =	vld [tilespmem:s31+$0x13120]  }
0x4bc: {  	v46 =	vadd.f32 v4, v3;
	[tilespmem:s29+$0x7170] =	vst v51;
	v0 =	vld [tilespmem:s31+$0x7130]  }
0x4bd: {  	v45 =	vadd.f32 v7, v6;
	[tilespmem:s29+$0x7500] =	vst v54;
	v1 =	vld [tilespmem:s31+$0x13130]  }
0x4be: {  	v50 =	vadd.f32 v11, v10;
	[tilespmem:s29+$0x7510] =	vst v46;
	v2 =	vld [tilespmem:s31+$0x7140]  }
0x4bf: {  	v27 =	vadd.f32 v17, v12;
	[tilespmem:s29+$0x7520] =	vst v45;
	v3 =	vld [tilespmem:s31+$0x13140]  }
0x4c0: {  	[tilespmem:s29+$0x7530] =	vst v50;
	v4 =	vld [tilespmem:s31+$0x7150];
	v5 =	vadd.f32 v21, v20  }
0x4c1: {  	[tilespmem:s29+$0x7550] =	vst v27;
	v6 =	vld [tilespmem:s31+$0x13150];
	v38 =	vadd.f32 v19, v18  }
0x4c2: {  	v7 =	vld [tilespmem:s31+$0x7160];
	[tilespmem:$0x1F6B0] =	vst v5  }
0x4c3: {  	v34 =	vadd.f32 v16, v13;
	v10 =	vld [tilespmem:s31+$0x13160];
	[tilespmem:s29+$0x7560] =	vst v38  }
0x4c4: {  	v16 =	vld [tilespmem:s31+$0x7170];
	[tilespmem:s29+$0x7570] =	vst v5  }
0x4c5: {  	s0 =	sor.u32 s15, s30;
	v18 =	vld [tilespmem:s31+$0x13170];
	[tilespmem:s29+$0x7540] =	vst v34  }
0x4c6: {  	v19 =	vld [tilespmem:s0+$0x7100]  }
0x4c7: {  	v20 =	vld [tilespmem:s0+$0x13100]  }
0x4c8: {  	v30 =	vld [tilespmem:s0+$0x7110]  }
0x4c9: {  	v40 =	vld [tilespmem:s0+$0x13110]  }
0x4ca: {  	v5 =	vadd.f32 v24, v23;
	v37 =	vld [tilespmem:s0+$0x7120]  }
0x4cb: {  	v59 =	vld [tilespmem:s0+$0x13120]  }
0x4cc: {  	v60 =	vld [tilespmem:s0+$0x7130];
	[tilespmem:$0x1F6A0] =	vst v5  }
0x4cd: {  	[tilespmem:s31+$0x7100] =	vst v5;
	v5 =	vadd.f32 v29, v28  }
0x4ce: {  	v25 =	vadd.f32 v26, v25;
	v23 =	vld [tilespmem:s0+$0x13130]  }
0x4cf: {  	v8 =	vadd.f32 v1, v0;
	v24 =	vld [tilespmem:s0+$0x7140];
	[tilespmem:$0x1F6D0] =	vst v5  }
0x4d0: {  	[tilespmem:s31+$0x7110] =	vst v25  }
0x4d1: {  	v3 =	vadd.f32 v3, v2;
	v29 =	vld [tilespmem:s0+$0x13140];
	[tilespmem:$0x1F6E0] =	vst v8  }
0x4d2: {  	[tilespmem:s31+$0x7120] =	vst v5  }
0x4d3: {  	v4 =	vadd.f32 v6, v4;
	v0 =	vld [tilespmem:s0+$0x7150];
	[tilespmem:$0x1F6C0] =	vst v3  }
0x4d4: {  	[tilespmem:s31+$0x7130] =	vst v8  }
0x4d5: {  	v5 =	vadd.f32 v10, v7;
	v1 =	vld [tilespmem:s0+$0x13150];
	[tilespmem:$0x1F710] =	vst v4  }
0x4d6: {  	[tilespmem:s31+$0x7140] =	vst v3  }
0x4d7: {  	v6 =	vadd.f32 v18, v16;
	v2 =	vld [tilespmem:s0+$0x7160];
	[tilespmem:$0x1F720] =	vst v5  }
0x4d8: {  	[tilespmem:s31+$0x7150] =	vst v4  }
0x4d9: {  	v3 =	vld [tilespmem:s0+$0x13160];
	[tilespmem:$0x1F6F0] =	vst v6  }
0x4da: {  	s5 =	sadd.s32 $0xC00, s10;
	v4 =	vld [tilespmem:s0+$0x7170];
	[tilespmem:s31+$0x7160] =	vst v5  }
0x4db: {  	s6 =	sor.u32 s9, s5;
	v16 =	vld [tilespmem:s0+$0x13170];
	[tilespmem:s31+$0x7170] =	vst v6  }
0x4dc: {  	v61 =	vld [tilespmem:s6+$0x7100]  }
0x4dd: {  	v62 =	vld [tilespmem:s6+$0x13100]  }
0x4de: {  	v63 =	vld [tilespmem:s6+$0x7110]  }
0x4df: {  	v5 =	vld [tilespmem:s6+$0x13110]  }
0x4e0: {  	v6 =	vld [tilespmem:s6+$0x7120]  }
0x4e1: {  	v36 =	vadd.f32 v20, v19;
	v18 =	vld [tilespmem:s6+$0x13120]  }
0x4e2: {  	v40 =	vadd.f32 v40, v30;
	v7 =	vld [tilespmem:s6+$0x7130]  }
0x4e3: {  	v28 =	vadd.f32 v59, v37;
	[tilespmem:s0+$0x7100] =	vst v36;
	v19 =	vld [tilespmem:s6+$0x13130]  }
0x4e4: {  	v0 =	vadd.f32 v1, v0;
	[tilespmem:s0+$0x7110] =	vst v40;
	v30 =	vld [tilespmem:s6+$0x7140]  }
0x4e5: {  	v26 =	vadd.f32 v23, v60;
	[tilespmem:s0+$0x7120] =	vst v28;
	v59 =	vld [tilespmem:s6+$0x13140]  }
0x4e6: {  	v60 =	vld [tilespmem:s6+$0x7150];
	[tilespmem:$0x1F730] =	vst v0;
	v8 =	vadd.f32 v3, v2  }
0x4e7: {  	[tilespmem:s0+$0x7130] =	vst v26  }
0x4e8: {  	v1 =	vld [tilespmem:s6+$0x13150];
	[tilespmem:$0x1F740] =	vst v8  }
0x4e9: {  	[tilespmem:s0+$0x7150] =	vst v0;
	v0 =	vadd.f32 v16, v4;
	_ =	sdelay $0x1  }
0x4ea: {  	v2 =	vld [tilespmem:s6+$0x7160];
	[tilespmem:$0x1F700] =	vst v0  }
0x4eb: {  	v37 =	vadd.f32 v29, v24;
	v3 =	vld [tilespmem:s6+$0x13160];
	[tilespmem:s0+$0x7160] =	vst v8  }
0x4ec: {  	v4 =	vld [tilespmem:s6+$0x7170];
	[tilespmem:s0+$0x7170] =	vst v0  }
0x4ed: {  	s17 =	sor.u32 s15, s5;
	v16 =	vld [tilespmem:s6+$0x13170];
	[tilespmem:s0+$0x7140] =	vst v37  }
0x4ee: {  	v15 =	vld [tilespmem:s17+$0x7100]  }
0x4ef: {  	v33 =	vld [tilespmem:s17+$0x13100]  }
0x4f0: {  	v24 =	vmul.f32 v31, v31;
	v29 =	vmul.f32 v32, v32;
	v20 =	vld [tilespmem:s17+$0x7110]  }
0x4f1: {  	v14 =	vld [tilespmem:s17+$0x13110]  }
0x4f2: {  	v9 =	vadd.f32 v29, v24;
	v29 =	vmul.f32 v58, v58;
	v0 =	vmul.f32 v57, v57;
	v17 =	vld [tilespmem:s17+$0x7120]  }
0x4f3: {  	v24 =	vadd.f32 v62, v61;
	v11 =	vld [tilespmem:s17+$0x13120]  }
0x4f4: {  	v13 =	vld [tilespmem:s17+$0x7130];
	v8 =	vadd.f32 v0, v29;
	v0 =	vadd.f32 v19, v7  }
0x4f5: {  	v10 =	vld [tilespmem:s17+$0x13130];
	[tilespmem:s6+$0x7100] =	vst v24;
	v29 =	vadd.f32 v5, v63  }
0x4f6: {  	v23 =	vadd.f32 v18, v6;
	v21 =	vld [tilespmem:s17+$0x7140];
	[tilespmem:$0x1F750] =	vst v0  }
0x4f7: {  	v31 =	vadd.f32 $0.0e+00, v31;
	[tilespmem:s6+$0x7110] =	vst v29  }
0x4f8: {  	v61 =	vmul.f32 v47, v47;
	v62 =	vmul.f32 v48, v48;
	v19 =	vadd.f32 v59, v30;
	v18 =	vld [tilespmem:s17+$0x13140];
	[tilespmem:s6+$0x7120] =	vst v23  }
0x4f9: {  	v31 =	vadd.f32 v32, v31;
	v6 =	vld [tilespmem:s17+$0x7150];
	[tilespmem:s6+$0x7130] =	vst v0;
	v0 =	vadd.f32 v16, v4  }
0x4fa: {  	v61 =	vadd.f32 v62, v61;
	v30 =	vadd.f32 v1, v60;
	v5 =	vld [tilespmem:s17+$0x13150];
	[tilespmem:s6+$0x7140] =	vst v19  }
0x4fb: {  	v62 =	vmul.f32 v43, v43;
	v63 =	vmul.f32 v44, v44;
	v59 =	vadd.f32 v3, v2;
	v2 =	vld [tilespmem:s17+$0x7160];
	[tilespmem:$0x1F760] =	vst v0  }
0x4fc: {  	v58 =	vadd.f32 $0.0e+00, v58;
	v3 =	vmul.f32 v49, v49;
	v4 =	vmul.f32 v55, v55;
	[tilespmem:s6+$0x7150] =	vst v30;
	v32 =	vld [tilespmem:s17+$0x13160]  }
0x4fd: {  	s23 =	sadd.s32 $0x1000, s10;
	v43 =	vadd.f32 $0.0e+00, v43;
	v60 =	vmul.f32 v53, v53;
	v62 =	vadd.f32 v63, v62;
	[tilespmem:s6+$0x7160] =	vst v59;
	v1 =	vld [tilespmem:s17+$0x7170]  }
0x4fe: {  	s24 =	sor.u32 s9, s23;
	v63 =	vmul.f32 v56, v56;
	v3 =	vadd.f32 v4, v3;
	v4 =	vadd.f32 $0.0e+00, v47;
	[tilespmem:s6+$0x7170] =	vst v0;
	v47 =	vld [tilespmem:s17+$0x13170]  }
0x4ff: {  	v57 =	vadd.f32 v57, v58;
	v43 =	vadd.f32 v44, v43;
	v58 =	vld [tilespmem:s24+$0x7100]  }
0x500: {  	v60 =	vadd.f32 v63, v60;
	v4 =	vadd.f32 v48, v4;
	v63 =	vld [tilespmem:s24+$0x13100]  }
0x501: {  	v44 =	vmul.f32 v42, v42;
	v48 =	vadd.f32 $0.0e+00, v49;
	v49 =	vadd.f32 $0.0e+00, v53;
	v53 =	vld [tilespmem:s24+$0x7110]  }
0x502: {  	v7 =	vld [tilespmem:s24+$0x13110]  }
0x503: {  	v9 =	vadd.f32 v44, v9;
	v44 =	vadd.f32 v33, v15;
	v12 =	vld [tilespmem:s24+$0x7120]  }
0x504: {  	v16 =	vadd.f32 v14, v20;
	v20 =	vmul.f32 v52, v52;
	v15 =	vadd.f32 v11, v17;
	v17 =	vld [tilespmem:s24+$0x7140]  }
0x505: {  	v33 =	vadd.f32 v10, v13;
	v13 =	vadd.f32 v39, v43;
	v0 =	vmul.f32 v54, v54;
	v10 =	vld [tilespmem:s24+$0x13140]  }
0x506: {  	v3 =	vadd.f32 v20, v3;
	v20 =	vadd.f32 v5, v6;
	v5 =	vld [tilespmem:s24+$0x7150]  }
0x507: {  	[tilespmem:s17+$0x7100] =	vst v44;
	v0 =	vadd.f32 v0, v8;
	v8 =	vmul.f32 v39, v39;
	v43 =	vadd.f32 v18, v21;
	v18 =	vld [tilespmem:s24+$0x13160]  }
0x508: {  	[tilespmem:s17+$0x7110] =	vst v16;
	v55 =	vadd.f32 v55, v48;
	v56 =	vadd.f32 v56, v49;
	v48 =	vmul.f32 v41, v41;
	v49 =	vld [tilespmem:s24+$0x13120]  }
0x509: {  	[tilespmem:s17+$0x7120] =	vst v15;
	v8 =	vadd.f32 v8, v62;
	v62 =	vld [tilespmem:s24+$0x13130]  }
0x50a: {  	[tilespmem:s17+$0x7130] =	vst v33;
	v61 =	vadd.f32 v48, v61;
	v48 =	vld [tilespmem:s24+$0x7130]  }
0x50b: {  	v31 =	vadd.f32 v42, v31;
	[tilespmem:s17+$0x7150] =	vst v20;
	v42 =	vadd.f32 v32, v2;
	v2 =	vld [tilespmem:s24+$0x13150]  }
0x50c: {  	v4 =	vadd.f32 v41, v4;
	[tilespmem:s17+$0x7140] =	vst v43;
	v41 =	vadd.f32 v47, v1;
	v1 =	vld [tilespmem:s24+$0x7160]  }
0x50d: {  	v47 =	vld [tilespmem:s24+$0x7170];
	[tilespmem:s17+$0x7160] =	vst v42  }
0x50e: {  	v11 =	vmul.f32 v51, v51;
	v21 =	vadd.f32 v52, v55;
	v55 =	vld [tilespmem:s24+$0x13170];
	[tilespmem:s17+$0x7170] =	vst v41  }
0x50f: {  	s25 =	sor.u32 s15, s23;
	v6 =	vadd.f32 v54, v57;
	v57 =	vmul.f32 v50, v50;
	v54 =	vmul.f32 v22, v22;
	v14 =	vld [tilespmem:$0x1F650]  }
0x510: {  	v11 =	vadd.f32 v11, v60;
	v51 =	vadd.f32 v51, v56;
	v56 =	vld [tilespmem:s25+$0x7100]  }
0x511: {  	v60 =	vmul.f32 v35, v35;
	v0 =	vadd.f32 v57, v0;
	v8 =	vadd.f32 v54, v8;
	v54 =	vld [tilespmem:s25+$0x13100]  }
0x512: {  	v57 =	vmul.f32 v45, v45;
	v6 =	vadd.f32 v50, v6;
	v50 =	vadd.f32 v63, v58;
	v58 =	vld [tilespmem:$0x1F660]  }
0x513: {  	v35 =	vadd.f32 v35, v31;
	v9 =	vadd.f32 v60, v9;
	v60 =	vmul.f32 v46, v46;
	v32 =	vld [tilespmem:s25+$0x7110]  }
0x514: {  	v13 =	vadd.f32 v22, v13;
	v11 =	vadd.f32 v57, v11;
	v57 =	vld [tilespmem:s25+$0x13110]  }
0x515: {  	v3 =	vadd.f32 v60, v3;
	v21 =	vadd.f32 v46, v21;
	v60 =	vld [tilespmem:s25+$0x7120]  }
0x516: {  	v63 =	vadd.f32 v45, v51;
	v51 =	vadd.f32 v7, v53;
	v53 =	vld [tilespmem:s25+$0x7130]  }
0x517: {  	v7 =	vmul.f32 v38, v38;
	v46 =	vadd.f32 v10, v17;
	[tilespmem:s24+$0x7100] =	vst v50;
	v10 =	vld [tilespmem:s25+$0x7150];
	v22 =	vmul.f32 v58, v58  }
0x518: {  	v31 =	vld [tilespmem:$0x1F670];
	[tilespmem:s24+$0x7110] =	vst v51;
	v45 =	vadd.f32 v62, v48;
	v4 =	vadd.f32 v14, v4  }
0x519: {  	v52 =	vmul.f32 v14, v14;
	v14 =	vadd.f32 v22, v9;
	v9 =	vadd.f32 v7, v0;
	v0 =	vld [tilespmem:$0x1F680]  }
0x51a: {  	s26 =	simm.s32 $0x0;
	v48 =	vld [tilespmem:s25+$0x13140];
	v62 =	vadd.f32 v58, v35;
	v35 =	vadd.f32 v55, v47;
	[tilespmem:s24+$0x7130] =	vst v45  }
0x51b: {  	s22 =	smul.u32 $0x1800, s26;
	s29 =	simm.s32 $0x100;
	v58 =	vadd.f32 v54, v56;
	v39 =	vadd.f32 v52, v61;
	v61 =	vld [tilespmem:s25+$0x13120];
	[tilespmem:s24+$0x7140] =	vst v46  }
0x51c: {  	s21 =	sand.u32 $0x300, s29;
	v56 =	vadd.f32 v57, v32;
	v52 =	vadd.f32 v49, v12;
	v49 =	vld [tilespmem:s25+$0x7140];
	[tilespmem:s24+$0x7170] =	vst v35  }
0x51d: {  	s30 =	sor.u32 s21, s22;
	v12 =	vmul.f32 v31, v31;
	v22 =	vadd.f32 v18, v1;
	v18 =	vld [tilespmem:s25+$0x13170];
	[tilespmem:s25+$0x7100] =	vst v58  }
0x51e: {  	v1 =	vmul.f32 v27, v27;
	[tilespmem:s25+$0x7110] =	vst v56;
	v7 =	vmul.f32 v0, v0;
	v47 =	vadd.f32 v0, v13;
	v0 =	vld [tilespmem:s30+$0x7100]  }
0x51f: {  	v12 =	vadd.f32 v12, v39;
	[tilespmem:s24+$0x7120] =	vst v52;
	v39 =	vadd.f32 v2, v5;
	v2 =	vmul.f32 v34, v34;
	v5 =	vld [tilespmem:s25+$0x13150]  }
0x520: {  	v1 =	vadd.f32 v1, v11;
	[tilespmem:s24+$0x7160] =	vst v22;
	v11 =	vld [tilespmem:s25+$0x7170];
	v57 =	vadd.f32 v61, v60  }
0x521: {  	v2 =	vadd.f32 v2, v3;
	[tilespmem:s24+$0x7150] =	vst v39;
	v3 =	vld [tilespmem:s25+$0x13160]  }
0x522: {  	v60 =	vld [tilespmem:s25+$0x13130];
	[tilespmem:s25+$0x7120] =	vst v57  }
0x523: {  	v17 =	vadd.f32 v7, v8;
	v7 =	vld [tilespmem:s25+$0x7160];
	[tilespmem:$0x1F890] =	vst v0  }
0x524: {  	v0 =	vld [tilespmem:s30+$0x7110]  }
0x525: {  	v54 =	vadd.f32 v48, v49  }
0x526: {  	v55 =	vadd.f32 v5, v10  }
0x527: {  	[tilespmem:s25+$0x7140] =	vst v54  }
0x528: {  	[tilespmem:s25+$0x7150] =	vst v55  }
0x529: {  	v5 =	vadd.f32 v27, v63;
	v27 =	vld [tilespmem:s30+$0x13100];
	[tilespmem:$0x1F8A0] =	vst v0  }
0x52a: {  	v0 =	vld [tilespmem:s30+$0x13110];
	_ =	sdelay $0x1  }
0x52b: {  	v21 =	vadd.f32 v34, v21;
	v34 =	vadd.f32 v3, v7;
	_ =	sdelay $0x1  }
0x52c: {  	s31 =	sadd.s32 $0x1400, s10;
	v3 =	vmul.f32 v25, v25;
	[tilespmem:s25+$0x7160] =	vst v34  }
0x52d: {  	s10 =	sor.u32 s9, s31;
	[tilespmem:$0x1F8B0] =	vst v0  }
0x52e: {  	v3 =	vadd.f32 v3, v14;
	v14 =	vld [tilespmem:s10+$0x7170];
	_ =	sdelay $0x1  }
0x52f: {  	v6 =	vadd.f32 v38, v6;
	v38 =	vadd.f32 v18, v11  }
0x530: {  	v7 =	vmul.f32 v40, v40;
	v8 =	vld [tilespmem:$0x1F690]  }
0x531: {  	v13 =	vld [tilespmem:$0x1F6A0];
	[tilespmem:s25+$0x7170] =	vst v38  }
0x532: {  	v0 =	vadd.f32 v7, v9;
	v7 =	vld [tilespmem:$0x1F6B0];
	[tilespmem:$0x1F770] =	vst v14  }
0x533: {  	v14 =	vld [tilespmem:s10+$0x13170];
	_ =	sdelay $0x1  }
0x534: {  	v60 =	vadd.f32 v60, v53;
	_ =	sdelay $0x1  }
0x535: {  	v9 =	vmul.f32 v7, v7;
	[tilespmem:s25+$0x7130] =	vst v60  }
0x536: {  	s9 =	sor.u32 s15, s31;
	[tilespmem:$0x1F780] =	vst v14  }
0x537: {  	v2 =	vadd.f32 v9, v2;
	v9 =	vld [tilespmem:s9+$0x13170];
	_ =	sdelay $0x1  }
0x538: {  	v10 =	vmul.f32 v8, v8  }
0x539: {  	v11 =	vmul.f32 v13, v13  }
0x53a: {  	v4 =	vadd.f32 v31, v4;
	v10 =	vadd.f32 v10, v12  }
0x53b: {  	v12 =	vadd.f32 v11, v17;
	v17 =	vadd.f32 v25, v62;
	v25 =	vld [tilespmem:s9+$0x7170];
	[tilespmem:$0x1F790] =	vst v9  }
0x53c: {  	v4 =	vadd.f32 v8, v4;
	v8 =	vld [tilespmem:s10+$0x7140];
	_ =	sdelay $0x4  }
0x53d: {  	[tilespmem:$0x1F7A0] =	vst v8  }
0x53e: {  	v18 =	vadd.f32 v7, v21;
	v7 =	vld [tilespmem:s10+$0x13140];
	_ =	sdelay $0x4  }
0x53f: {  	v8 =	vld [tilespmem:$0x1F6C0];
	[tilespmem:$0x1F7B0] =	vst v7  }
0x540: {  	v9 =	vadd.f32 v13, v47;
	v13 =	vld [tilespmem:s10+$0x7150];
	_ =	sdelay $0x1  }
0x541: {  	v11 =	vmul.f32 v36, v36;
	_ =	sdelay $0x1  }
0x542: {  	v1 =	vadd.f32 v11, v1;
	v11 =	vmul.f32 v8, v8  }
0x543: {  	[tilespmem:$0x1F7C0] =	vst v13  }
0x544: {  	v3 =	vadd.f32 v11, v3;
	v11 =	vld [tilespmem:s10+$0x13150];
	_ =	sdelay $0x4  }
0x545: {  	[tilespmem:$0x1F7D0] =	vst v11  }
0x546: {  	v11 =	vld [tilespmem:s10+$0x7160];
	_ =	sdelay $0x4  }
0x547: {  	[tilespmem:$0x1F7E0] =	vst v11  }
0x548: {  	v61 =	vadd.f32 v36, v5;
	v36 =	vadd.f32 v8, v17;
	v8 =	vld [tilespmem:s10+$0x13160];
	_ =	sdelay $0x4  }
0x549: {  	v5 =	vld [tilespmem:$0x1F6D0];
	[tilespmem:$0x1F7F0] =	vst v8  }
0x54a: {  	v8 =	vld [tilespmem:s9+$0x7140]  }
0x54b: {  	v7 =	vld [tilespmem:$0x1F6E0];
	_ =	sdelay $0x3  }
0x54c: {  	v62 =	vmul.f32 v5, v5;
	[tilespmem:$0x1F800] =	vst v8  }
0x54d: {  	v4 =	vadd.f32 v5, v4;
	v63 =	vmul.f32 v7, v7;
	v5 =	vadd.f32 v7, v9;
	v7 =	vld [tilespmem:s9+$0x13140];
	_ =	sdelay $0x4  }
0x54e: {  	[tilespmem:$0x1F810] =	vst v7  }
0x54f: {  	v7 =	vld [tilespmem:s9+$0x7150];
	_ =	sdelay $0x4  }
0x550: {  	v14 =	vld [tilespmem:$0x1F700];
	[tilespmem:$0x1F820] =	vst v7  }
0x551: {  	v21 =	vmul.f32 v37, v37;
	v7 =	vld [tilespmem:s9+$0x13150];
	_ =	sdelay $0x1  }
0x552: {  	v0 =	vadd.f32 v21, v0;
	v21 =	vmul.f32 v28, v28;
	_ =	sdelay $0x1  }
0x553: {  	v2 =	vadd.f32 v21, v2;
	v21 =	vmul.f32 v14, v14  }
0x554: {  	[tilespmem:$0x1F830] =	vst v7  }
0x555: {  	v7 =	vadd.f32 v21, v0;
	v0 =	vld [tilespmem:s9+$0x7160];
	_ =	sdelay $0x4  }
0x556: {  	[tilespmem:$0x1F840] =	vst v0  }
0x557: {  	v0 =	vld [tilespmem:s9+$0x13160];
	_ =	sdelay $0x3  }
0x558: {  	v48 =	vadd.f32 v63, v12;
	v12 =	vld [tilespmem:$0x1F6F0]  }
0x559: {  	[tilespmem:$0x1F850] =	vst v0  }
0x55a: {  	v0 =	vld [tilespmem:s10+$0x7110];
	_ =	sdelay $0x2  }
0x55b: {  	v9 =	vmul.f32 v12, v12  }
0x55c: {  	v13 =	vld [tilespmem:$0x1F740]  }
0x55d: {  	v8 =	vadd.f32 v9, v3;
	v3 =	vld [tilespmem:$0x1F730];
	[tilespmem:$0x1F860] =	vst v0  }
0x55e: {  	v0 =	vld [tilespmem:s10+$0x13110];
	_ =	sdelay $0x1  }
0x55f: {  	v32 =	vadd.f32 v62, v10;
	v10 =	vmul.f32 v26, v26;
	_ =	sdelay $0x1  }
0x560: {  	v1 =	vadd.f32 v10, v1;
	v9 =	vmul.f32 v3, v3;
	v21 =	vmul.f32 v13, v13  }
0x561: {  	v11 =	vld [tilespmem:$0x1F720];
	[tilespmem:$0x1F870] =	vst v0  }
0x562: {  	v62 =	vadd.f32 v9, v2;
	v9 =	vadd.f32 v21, v1;
	v1 =	vld [tilespmem:s10+$0x7120]  }
0x563: {  	v10 =	vld [tilespmem:$0x1F710];
	_ =	sdelay $0x1  }
0x564: {  	v6 =	vadd.f32 v40, v6;
	_ =	sdelay $0x1  }
0x565: {  	v6 =	vadd.f32 v37, v6;
	v40 =	vmul.f32 v11, v11;
	[tilespmem:$0x1F880] =	vst v1  }
0x566: {  	v26 =	vadd.f32 v26, v61;
	v37 =	vmul.f32 v10, v10;
	v0 =	vadd.f32 v10, v4;
	v10 =	vld [tilespmem:s10+$0x13120]  }
0x567: {  	v61 =	vadd.f32 v12, v36;
	v48 =	vadd.f32 v40, v48;
	v40 =	vld [tilespmem:s10+$0x7130]  }
0x568: {  	v18 =	vadd.f32 v28, v18;
	v5 =	vadd.f32 v11, v5;
	v36 =	vld [tilespmem:s10+$0x13130]  }
0x569: {  	v47 =	vadd.f32 v37, v32;
	v49 =	vadd.f32 v23, v61;
	v32 =	vld [tilespmem:s9+$0x7110]  }
0x56a: {  	v18 =	vadd.f32 v3, v18;
	v3 =	vadd.f32 v29, v5;
	v31 =	vld [tilespmem:s9+$0x13110]  }
0x56b: {  	v2 =	vadd.f32 v14, v6;
	v4 =	vadd.f32 v24, v0;
	v0 =	vmul.f32 v15, v15;
	v21 =	vld [tilespmem:s9+$0x7120]  }
0x56c: {  	v29 =	vmul.f32 v29, v29;
	v63 =	vadd.f32 v44, v18;
	v1 =	vadd.f32 v13, v26;
	v13 =	vld [tilespmem:s9+$0x13120]  }
0x56d: {  	v2 =	vadd.f32 v15, v2;
	v7 =	vadd.f32 v0, v7;
	v0 =	vmul.f32 v44, v44;
	v44 =	vld [tilespmem:s9+$0x7130]  }
0x56e: {  	v29 =	vadd.f32 v29, v48;
	v11 =	vld [tilespmem:s30+$0x7120]  }
0x56f: {  	v48 =	vadd.f32 v30, v49;
	v2 =	vadd.f32 v20, v2;
	v20 =	vmul.f32 v20, v20;
	v49 =	vld [tilespmem:s9+$0x13130]  }
0x570: {  	v53 =	vld [tilespmem:s10+$0x7100]  }
0x571: {  	v7 =	vadd.f32 v20, v7;
	v20 =	vld [tilespmem:s10+$0x13100]  }
0x572: {  	v6 =	vld [tilespmem:s9+$0x7100]  }
0x573: {  	v5 =	vld [tilespmem:s9+$0x13100];
	[tilespmem:$0x1F8C0] =	vst v11  }
0x574: {  	v11 =	vld [tilespmem:s30+$0x13120];
	_ =	sdelay $0x4  }
0x575: {  	[tilespmem:$0x1F8D0] =	vst v11  }
0x576: {  	v11 =	vld [tilespmem:s30+$0x7130];
	_ =	sdelay $0x2  }
0x577: {  	v12 =	vadd.f32 v16, v1;
	v1 =	vadd.f32 v0, v62;
	v0 =	vld [tilespmem:$0x1F750];
	_ =	sdelay $0x1  }
0x578: {  	[tilespmem:$0x1F8E0] =	vst v11;
	v11 =	vld [tilespmem:$0x1F760]  }
0x579: {  	v23 =	vmul.f32 v23, v23  }
0x57a: {  	v3 =	vadd.f32 v19, v3;
	v19 =	vmul.f32 v19, v19  }
0x57b: {  	v8 =	vadd.f32 v23, v8;
	v4 =	vadd.f32 v0, v4  }
0x57c: {  	v30 =	vmul.f32 v30, v30;
	v19 =	vadd.f32 v19, v29;
	v24 =	vmul.f32 v24, v24  }
0x57d: {  	v29 =	vmul.f32 v59, v59;
	v4 =	vadd.f32 v59, v4;
	v59 =	vadd.f32 v11, v3;
	v3 =	vld [tilespmem:s30+$0x7140]  }
0x57e: {  	v8 =	vadd.f32 v30, v8;
	v24 =	vadd.f32 v24, v47;
	v30 =	vmul.f32 v0, v0  }
0x57f: {  	v14 =	vmul.f32 v16, v16  }
0x580: {  	v47 =	vadd.f32 v33, v63;
	v33 =	vmul.f32 v33, v33;
	v24 =	vadd.f32 v30, v24  }
0x581: {  	v37 =	vmul.f32 v42, v42;
	v9 =	vadd.f32 v14, v9;
	v0 =	vadd.f32 v43, v12  }
0x582: {  	v1 =	vadd.f32 v33, v1;
	v43 =	vmul.f32 v43, v43;
	v24 =	vadd.f32 v29, v24;
	v62 =	vld [tilespmem:s30+$0x13130];
	[tilespmem:$0x1F8F0] =	vst v3  }
0x583: {  	v29 =	vadd.f32 v41, v0;
	v0 =	vmul.f32 v41, v41;
	v16 =	vmul.f32 v11, v11;
	v41 =	vld [tilespmem:s30+$0x13140]  }
0x584: {  	v33 =	vadd.f32 v42, v47;
	v9 =	vadd.f32 v43, v9;
	v61 =	vld [tilespmem:s30+$0x7150]  }
0x585: {  	v16 =	vadd.f32 v16, v19;
	v19 =	vadd.f32 v37, v1;
	v37 =	vld [tilespmem:s30+$0x13150]  }
0x586: {  	v0 =	vadd.f32 v0, v9;
	v9 =	vadd.f32 v50, v48;
	v50 =	vmul.f32 v50, v50;
	v47 =	vld [tilespmem:s30+$0x7160]  }
0x587: {  	v42 =	vld [tilespmem:s30+$0x13160]  }
0x588: {  	v4 =	vadd.f32 v51, v4;
	v51 =	vmul.f32 v51, v51;
	v8 =	vadd.f32 v50, v8;
	v50 =	vld [tilespmem:s30+$0x7170]  }
0x589: {  	v1 =	vld [tilespmem:s30+$0x7520]  }
0x58a: {  	v24 =	vadd.f32 v51, v24;
	v51 =	vld [tilespmem:s30+$0x13170]  }
0x58b: {  	v48 =	vld [tilespmem:s30+$0x7500]  }
0x58c: {  	v43 =	vadd.f32 v56, v33;
	v56 =	vmul.f32 v56, v56;
	v14 =	vld [tilespmem:s30+$0x13500]  }
0x58d: {  	v63 =	vld [tilespmem:s30+$0x7510]  }
0x58e: {  	v19 =	vadd.f32 v56, v19;
	v56 =	vld [tilespmem:s30+$0x13510];
	[tilespmem:$0x1F900] =	vst v1  }
0x58f: {  	v1 =	vld [tilespmem:s30+$0x7530];
	_ =	sdelay $0x2  }
0x590: {  	v29 =	vadd.f32 v57, v29;
	v57 =	vmul.f32 v57, v57;
	_ =	sdelay $0x1  }
0x591: {  	v0 =	vadd.f32 v57, v0;
	v57 =	vld [tilespmem:s30+$0x13520];
	[tilespmem:$0x1F910] =	vst v1  }
0x592: {  	v1 =	vld [tilespmem:s30+$0x7540];
	_ =	sdelay $0x4  }
0x593: {  	v33 =	vld [tilespmem:s30+$0x13530];
	[tilespmem:$0x1F920] =	vst v1  }
0x594: {  	v1 =	vld [tilespmem:s30+$0x7550];
	_ =	sdelay $0x2  }
0x595: {  	v3 =	vld [tilespmem:$0x1F780]  }
0x596: {  	v30 =	vld [tilespmem:s30+$0x13540]  }
0x597: {  	[tilespmem:$0x1F930] =	vst v1;
	v1 =	vld [tilespmem:$0x1F770];
	_ =	sdelay $0x4  }
0x598: {  	v2 =	vadd.f32 v58, v2;
	v58 =	vmul.f32 v58, v58;
	v3 =	vadd.f32 v3, v1;
	v1 =	vld [tilespmem:$0x1F790]  }
0x599: {  	v4 =	vadd.f32 v46, v4;
	v46 =	vmul.f32 v46, v46;
	v9 =	vadd.f32 v45, v9  }
0x59a: {  	v45 =	vmul.f32 v45, v45;
	v59 =	vadd.f32 v52, v59;
	v52 =	vmul.f32 v52, v52  }
0x59b: {  	v7 =	vadd.f32 v58, v7;
	v24 =	vadd.f32 v46, v24  }
0x59c: {  	v8 =	vadd.f32 v45, v8;
	v45 =	vmul.f32 v60, v60;
	v16 =	vadd.f32 v52, v16  }
0x59d: {  	v46 =	vadd.f32 v39, v59;
	v39 =	vmul.f32 v39, v39;
	v1 =	vadd.f32 v1, v25  }
0x59e: {  	v2 =	vadd.f32 v60, v2;
	v60 =	vadd.f32 v45, v7;
	v7 =	vld [tilespmem:$0x1F7B0]  }
0x59f: {  	v39 =	vadd.f32 v39, v16;
	v16 =	vadd.f32 v55, v29;
	v29 =	vmul.f32 v55, v55;
	[tilespmem:$0x1F9D0] =	vst v1;
	v1 =	vld [tilespmem:$0x1F7A0]  }
0x5a0: {  	v17 =	vadd.f32 v34, v2;
	v2 =	vld [tilespmem:s30+$0x7570]  }
0x5a1: {  	v4 =	vadd.f32 v35, v4;
	v0 =	vadd.f32 v29, v0;
	v29 =	vmul.f32 v35, v35;
	v35 =	vld [tilespmem:s30+$0x13550]  }
0x5a2: {  	v45 =	vld [tilespmem:s30+$0x7560]  }
0x5a3: {  	v26 =	vld [tilespmem:s30+$0x13560]  }
0x5a4: {  	v28 =	vadd.f32 v7, v1;
	v7 =	vld [tilespmem:$0x1F7D0]  }
0x5a5: {  	[tilespmem:$0x1F940] =	vst v2;
	v2 =	vld [tilespmem:$0x1F7C0];
	_ =	sdelay $0x4  }
0x5a6: {  	v58 =	vadd.f32 v7, v2;
	v2 =	vld [tilespmem:$0x1F7E0]  }
0x5a7: {  	v7 =	vld [tilespmem:$0x1F7F0];
	_ =	sdelay $0x4  }
0x5a8: {  	v23 =	vadd.f32 v7, v2;
	v2 =	vld [tilespmem:$0x1F800]  }
0x5a9: {  	v7 =	vld [tilespmem:$0x1F810];
	_ =	sdelay $0x4  }
0x5aa: {  	v15 =	vadd.f32 v7, v2;
	v2 =	vld [tilespmem:$0x1F820]  }
0x5ab: {  	v7 =	vld [tilespmem:$0x1F830];
	_ =	sdelay $0x2  }
0x5ac: {  	v34 =	vmul.f32 v34, v34;
	_ =	sdelay $0x1  }
0x5ad: {  	v34 =	vadd.f32 v34, v60;
	v60 =	vadd.f32 v7, v2;
	v2 =	vld [tilespmem:$0x1F840]  }
0x5ae: {  	v7 =	vld [tilespmem:$0x1F850];
	_ =	sdelay $0x4  }
0x5af: {  	v59 =	vadd.f32 v7, v2;
	v2 =	vld [tilespmem:$0x1F860]  }
0x5b0: {  	v7 =	vld [tilespmem:$0x1F870];
	_ =	sdelay $0x2  }
0x5b1: {  	v43 =	vadd.f32 v54, v43  }
0x5b2: {  	v9 =	vadd.f32 v22, v9  }
0x5b3: {  	v22 =	vmul.f32 v22, v22;
	v1 =	vadd.f32 v38, v43;
	v43 =	vadd.f32 v7, v2;
	v2 =	vld [tilespmem:$0x1F880]  }
0x5b4: {  	v54 =	vmul.f32 v54, v54  }
0x5b5: {  	v12 =	vadd.f32 v20, v53;
	v8 =	vadd.f32 v22, v8  }
0x5b6: {  	v11 =	vadd.f32 v36, v40;
	v19 =	vadd.f32 v54, v19  }
0x5b7: {  	v22 =	vadd.f32 v29, v24;
	v29 =	vadd.f32 v49, v44;
	v38 =	vmul.f32 v38, v38  }
0x5b8: {  	v7 =	vadd.f32 v31, v32;
	v25 =	vadd.f32 v10, v2  }
0x5b9: {  	v38 =	vadd.f32 v38, v19;
	v2 =	vadd.f32 v13, v21;
	v13 =	vmul.f32 v43, v43  }
0x5ba: {  	v10 =	vadd.f32 v5, v6;
	v6 =	vmul.f32 v7, v7;
	v5 =	vmul.f32 v25, v25  }
0x5bb: {  	v8 =	vadd.f32 v13, v8;
	v13 =	vadd.f32 v12, v46  }
0x5bc: {  	s24 =	simm.s32 $0x180;
	v44 =	vadd.f32 v5, v22;
	v22 =	vadd.f32 v6, v34;
	v6 =	vmul.f32 v2, v2  }
0x5bd: {  	s25 =	sand.u32 $0x380, s24;
	v4 =	vadd.f32 v25, v4;
	v13 =	vadd.f32 v11, v13  }
0x5be: {  	s3 =	sor.u32 s22, s25;
	v24 =	vld [tilespmem:s30+$0x13570];
	v20 =	vmul.f32 v10, v10;
	v52 =	vadd.f32 v6, v38;
	v6 =	vmul.f32 v12, v12  }
0x5bf: {  	v19 =	vld [tilespmem:s3+$0x7100];
	v4 =	vadd.f32 v58, v4;
	v13 =	vadd.f32 v23, v13  }
0x5c0: {  	v18 =	vld [tilespmem:s3+$0x13100];
	v6 =	vadd.f32 v6, v39;
	v39 =	vadd.f32 v20, v0;
	v0 =	vmul.f32 v58, v58  }
0x5c1: {  	v54 =	vld [tilespmem:s3+$0x7110]  }
0x5c2: {  	[tilespmem:$0x1FA30] =	vst v11;
	v4 =	vadd.f32 v13, v4;
	v13 =	vmul.f32 v11, v11;
	v11 =	vadd.f32 v0, v44;
	v0 =	vld [tilespmem:$0x1F890];
	_ =	sdelay $0x2  }
0x5c3: {  	[tilespmem:$0x1FA20] =	vst v25  }
0x5c4: {  	v36 =	vld [tilespmem:s3+$0x13110]  }
0x5c5: {  	v25 =	vadd.f32 v27, v0;
	v0 =	vadd.f32 v13, v6;
	v6 =	vld [tilespmem:$0x1F8A0]  }
0x5c6: {  	v13 =	vld [tilespmem:$0x1F8B0]  }
0x5c7: {  	v55 =	vld [tilespmem:s3+$0x7120];
	[tilespmem:$0x1FA40] =	vst v12  }
0x5c8: {  	[tilespmem:$0x1FA10] =	vst v43  }
0x5c9: {  	v31 =	vld [tilespmem:s3+$0x13120]  }
0x5ca: {  	v20 =	vld [tilespmem:$0x1F8D0]  }
0x5cb: {  	[tilespmem:$0x1FA90] =	vst v7;
	v27 =	vadd.f32 v13, v6;
	v6 =	vld [tilespmem:$0x1F8C0]  }
0x5cc: {  	v49 =	vld [tilespmem:s3+$0x7130]  }
0x5cd: {  	v40 =	vld [tilespmem:s3+$0x13130];
	[tilespmem:$0x1FAB0] =	vst v2  }
0x5ce: {  	v53 =	vld [tilespmem:s3+$0x7140]  }
0x5cf: {  	v32 =	vld [tilespmem:s3+$0x13140]  }
0x5d0: {  	[tilespmem:$0x1FA70] =	vst v10;
	v44 =	vadd.f32 v20, v6;
	v6 =	vld [tilespmem:$0x1F8E0]  }
0x5d1: {  	v38 =	vld [tilespmem:s3+$0x7150];
	[tilespmem:$0x1F9F0] =	vst v58  }
0x5d2: {  	[tilespmem:$0x1FA00] =	vst v23  }
0x5d3: {  	v21 =	vmul.f32 v28, v28;
	[tilespmem:$0x1F9E0] =	vst v28  }
0x5d4: {  	[tilespmem:s30+$0x7100] =	vst v25  }
0x5d5: {  	v8 =	vadd.f32 v21, v8;
	v21 =	vadd.f32 v62, v6;
	v6 =	vld [tilespmem:$0x1F8F0]  }
0x5d6: {  	v34 =	vld [tilespmem:s3+$0x13150]  }
0x5d7: {  	v46 =	vld [tilespmem:s3+$0x7160]  }
0x5d8: {  	v12 =	vld [tilespmem:s3+$0x13160]  }
0x5d9: {  	v5 =	vmov v28;
	v28 =	vld [tilespmem:s3+$0x7170]  }
0x5da: {  	v13 =	vld [tilespmem:s3+$0x13170];
	v41 =	vadd.f32 v41, v6;
	v6 =	vadd.f32 v42, v47  }
0x5db: {  	v20 =	vadd.f32 v37, v61;
	v37 =	vld [tilespmem:s3+$0x13500];
	[tilespmem:s30+$0x7110] =	vst v27  }
0x5dc: {  	v62 =	vld [tilespmem:s3+$0x7500];
	[tilespmem:$0x1F950] =	vst v6  }
0x5dd: {  	[tilespmem:s30+$0x7120] =	vst v44  }
0x5de: {  	v42 =	vld [tilespmem:s3+$0x7510];
	[tilespmem:s30+$0x7130] =	vst v21  }
0x5df: {  	v47 =	vld [tilespmem:s3+$0x13510];
	[tilespmem:s30+$0x7140] =	vst v41  }
0x5e0: {  	v58 =	vadd.f32 v14, v48;
	v48 =	vld [tilespmem:s3+$0x7520];
	[tilespmem:$0x1FAC0] =	vst v29  }
0x5e1: {  	[tilespmem:s30+$0x7150] =	vst v20  }
0x5e2: {  	v16 =	vadd.f32 v10, v16;
	v61 =	vadd.f32 v51, v50;
	v50 =	vld [tilespmem:s3+$0x13520];
	[tilespmem:$0x1F970] =	vst v3  }
0x5e3: {  	v9 =	vadd.f32 v43, v9;
	v1 =	vadd.f32 v2, v1;
	[tilespmem:s30+$0x7160] =	vst v6  }
0x5e4: {  	v2 =	vmov v29;
	v14 =	vadd.f32 v29, v16;
	v29 =	vadd.f32 v56, v63;
	v56 =	vld [tilespmem:s3+$0x7530];
	[tilespmem:$0x1FAD0] =	vst v60  }
0x5e5: {  	v9 =	vadd.f32 v5, v9;
	[tilespmem:$0x1FAF0] =	vst v59  }
0x5e6: {  	[tilespmem:s30+$0x7170] =	vst v61  }
0x5e7: {  	v5 =	vmov v3;
	v9 =	vadd.f32 v3, v9;
	v3 =	vld [tilespmem:$0x1F900];
	_ =	sdelay $0x4  }
0x5e8: {  	v6 =	vadd.f32 v57, v3;
	_ =	sdelay $0x1  }
0x5e9: {  	v63 =	vld [tilespmem:s3+$0x13530];
	[tilespmem:$0x1F960] =	vst v6  }
0x5ea: {  	[tilespmem:s30+$0x7500] =	vst v58  }
0x5eb: {  	v3 =	vld [tilespmem:$0x1F910];
	_ =	sdelay $0x3  }
0x5ec: {  	[tilespmem:s30+$0x7510] =	vst v29  }
0x5ed: {  	v16 =	vadd.f32 v33, v3;
	v3 =	vld [tilespmem:$0x1F920];
	_ =	sdelay $0x4  }
0x5ee: {  	v51 =	vadd.f32 v9, v4;
	v9 =	vadd.f32 v30, v3  }
0x5ef: {  	v57 =	vld [tilespmem:s3+$0x7540]  }
0x5f0: {  	v4 =	vmul.f32 v23, v23;
	v33 =	vld [tilespmem:s3+$0x13540];
	[tilespmem:$0x1F990] =	vst v9  }
0x5f1: {  	[tilespmem:s30+$0x7520] =	vst v6  }
0x5f2: {  	v4 =	vadd.f32 v4, v0;
	v0 =	vld [tilespmem:$0x1F930];
	_ =	sdelay $0x4  }
0x5f3: {  	v6 =	vadd.f32 v35, v0;
	_ =	sdelay $0x1  }
0x5f4: {  	v30 =	vld [tilespmem:s3+$0x7550];
	[tilespmem:$0x1F9A0] =	vst v6  }
0x5f5: {  	v3 =	vadd.f32 v7, v17;
	v7 =	vadd.f32 v26, v45;
	[tilespmem:s30+$0x7530] =	vst v16  }
0x5f6: {  	[tilespmem:$0x1FA60] =	vst v15  }
0x5f7: {  	v0 =	vmul.f32 v15, v15;
	v35 =	vld [tilespmem:s3+$0x13550];
	[tilespmem:$0x1F980] =	vst v7  }
0x5f8: {  	[tilespmem:s30+$0x7540] =	vst v9  }
0x5f9: {  	v45 =	vadd.f32 v0, v22;
	v0 =	vld [tilespmem:$0x1F940];
	_ =	sdelay $0x2  }
0x5fa: {  	v26 =	vld [tilespmem:s3+$0x7560]  }
0x5fb: {  	v9 =	vadd.f32 v18, v19;
	v19 =	vld [tilespmem:s3+$0x7570];
	[tilespmem:s30+$0x7550] =	vst v6  }
0x5fc: {  	v17 =	vmul.f32 v2, v2;
	v22 =	vadd.f32 v24, v0;
	v0 =	vld [tilespmem:$0x1F9D0];
	[tilespmem:s30+$0x7560] =	vst v7  }
0x5fd: {  	s5 =	sadd.s32 $0x800, s22;
	v1 =	vadd.f32 v60, v1;
	v18 =	vmul.f32 v5, v5;
	v6 =	vadd.f32 v36, v54;
	v36 =	vld [tilespmem:s3+$0x13570];
	[tilespmem:s3+$0x7100] =	vst v9  }
0x5fe: {  	s6 =	sor.u32 s21, s5;
	v17 =	vadd.f32 v17, v39;
	v39 =	vadd.f32 v31, v55;
	v24 =	vld [tilespmem:s3+$0x13560];
	[tilespmem:s30+$0x7570] =	vst v22  }
0x5ff: {  	v5 =	vadd.f32 v40, v49;
	v8 =	vadd.f32 v18, v8;
	[tilespmem:s3+$0x7110] =	vst v6;
	v31 =	vld [tilespmem:s6+$0x7100]  }
0x600: {  	v18 =	vmul.f32 v60, v60;
	v60 =	vadd.f32 v4, v11;
	v11 =	vadd.f32 v34, v38;
	[tilespmem:s3+$0x7120] =	vst v39;
	v49 =	vld [tilespmem:s6+$0x13100]  }
0x601: {  	v14 =	vadd.f32 v59, v14;
	(xrf2) =	vadd.scan.msk.f32 $0xffff, v51;
	v54 =	vadd.f32 v12, v46;
	[tilespmem:s3+$0x7130] =	vst v5;
	v38 =	vld [tilespmem:s6+$0x13110]  }
0x602: {  	v51 =	vadd.f32 v47, v42;
	v3 =	vadd.f32 v15, v3;
	v4 =	vmul.f32 v59, v59;
	[tilespmem:s3+$0x7150] =	vst v11;
	v7 =	vld [tilespmem:s6+$0x7120]  }
0x603: {  	v18 =	vadd.f32 v18, v52;
	v52 =	vadd.f32 v50, v48;
	[tilespmem:s3+$0x7160] =	vst v54;
	v10 =	vld [tilespmem:s6+$0x13120]  }
0x604: {  	v55 =	vadd.f32 v63, v56;
	v4 =	vadd.f32 v4, v17;
	[tilespmem:s3+$0x7510] =	vst v51;
	v17 =	vld [tilespmem:s6+$0x7130]  }
0x605: {  	v46 =	vadd.f32 v33, v57;
	[tilespmem:s3+$0x7520] =	vst v52;
	v40 =	vadd.f32 v36, v19;
	v19 =	vld [tilespmem:s6+$0x13160]  }
0x606: {  	v1 =	vadd.f32 v14, v1;
	[tilespmem:s3+$0x7530] =	vst v55;
	v50 =	vld [tilespmem:s6+$0x13170];
	v15 =	vadd.f32 v0, v3  }
0x607: {  	[tilespmem:s3+$0x7540] =	vst v46;
	v3 =	vadd.f32 v32, v53;
	v32 =	vld [tilespmem:s6+$0x7110];
	v43 =	vmul.f32 v0, v0;
	v53 =	vadd.f32 v13, v28  }
0x608: {  	[tilespmem:s3+$0x7570] =	vst v40;
	v13 =	vadd.f32 v4, v18;
	v4 =	vadd.f32 v37, v62;
	v18 =	vld [tilespmem:s6+$0x13130]  }
0x609: {  	v48 =	vadd.f32 v24, v26;
	v24 =	vld [tilespmem:s6+$0x7160];
	[tilespmem:s3+$0x7140] =	vst v3;
	v12 =	vadd.f32 v43, v45  }
0x60a: {  	v8 =	vadd.f32 v8, v60;
	v26 =	vld [tilespmem:s6+$0x7170];
	v15 =	vadd.f32 v15, v1;
	[tilespmem:s3+$0x7170] =	vst v53  }
0x60b: {  	[tilespmem:s3+$0x7500] =	vst v4;
	v45 =	vadd.f32 v35, v30;
	v12 =	vadd.f32 v12, v13;
	v13 =	vld [tilespmem:s6+$0x7140]  }
0x60c: {  	[tilespmem:s3+$0x7560] =	vst v48;
	(xrf2) =	vadd.scan.msk.f32 $0xffff, v15;
	v15 =	vld [tilespmem:s6+$0x13150]  }
0x60d: {  	s30 =	sor.u32 s25, s5;
	[tilespmem:s3+$0x7550] =	vst v45;
	(xrf2) =	vadd.scan.msk.f32 $0xffff, v8;
	v8 =	vld [tilespmem:s6+$0x13140]  }
0x60e: {  	v34 =	vld [tilespmem:s30+$0x7100]  }
0x60f: {  	(xrf2) =	vadd.scan.msk.f32 $0xffff, v12;
	v12 =	vld [tilespmem:s6+$0x7150]  }
0x610: {  	v35 =	vld [tilespmem:s30+$0x13100]  }
0x611: {  	v56 =	vld [tilespmem:s30+$0x7110]  }
0x612: {  	v57 =	vld [tilespmem:s30+$0x13110]  }
0x613: {  	v62 =	vld [tilespmem:s30+$0x7120]  }
0x614: {  	v63 =	vld [tilespmem:s30+$0x13120];
	v1 =	vadd.f32 v15, v12  }
0x615: {  	v42 =	vadd.f32 v49, v31;
	v47 =	vadd.f32 v38, v32;
	v32 =	vld [tilespmem:s30+$0x7130]  }
0x616: {  	v36 =	vadd.f32 v10, v7;
	v7 =	vld [tilespmem:s30+$0x13130];
	v0 =	vadd.f32 v19, v24;
	[tilespmem:$0x1FA80] =	vst v1  }
0x617: {  	[tilespmem:s6+$0x7100] =	vst v42  }
0x618: {  	v14 =	vadd.f32 v50, v26;
	v38 =	vadd.f32 v8, v13;
	v8 =	vld [tilespmem:s30+$0x7140];
	[tilespmem:$0x1FAA0] =	vst v0  }
0x619: {  	[tilespmem:s6+$0x7110] =	vst v47  }
0x61a: {  	v37 =	vadd.f32 v18, v17;
	v13 =	vmul.f32 v20, v20;
	v12 =	vmul.f32 v44, v44;
	v10 =	vld [tilespmem:s30+$0x13140];
	[tilespmem:$0x1FA50] =	vst v14  }
0x61b: {  	v17 =	vmul.f32 v39, v39;
	v18 =	vmul.f32 v11, v11;
	[tilespmem:s6+$0x7120] =	vst v36;
	v15 =	vld [tilespmem:s30+$0x7150]  }
0x61c: {  	v19 =	vmul.f32 v25, v25;
	v24 =	vmul.f32 v21, v21;
	v12 =	vadd.f32 v13, v12;
	[tilespmem:s6+$0x7130] =	vst v37;
	v13 =	vld [tilespmem:s30+$0x13150]  }
0x61d: {  	v39 =	vadd.f32 $0.0e+00, v39;
	v17 =	vadd.f32 v18, v17;
	[tilespmem:s6+$0x7140] =	vst v38;
	v18 =	vld [tilespmem:s30+$0x7160]  }
0x61e: {  	v30, _, _ =	vpop (xrf2);
	v19 =	vadd.f32 v24, v19;
	v24 =	vadd.f32 $0.0e+00, v44;
	[tilespmem:s6+$0x7150] =	vst v1;
	v44 =	vld [tilespmem:s30+$0x13160]  }
0x61f: {  	s23 =	sadd.s32 $0xC00, s22;
	(v2sf) =	vpush v30, $0xF;
	[tilespmem:s6+$0x7160] =	vst v0;
	v49 =	vld [tilespmem:s30+$0x7170]  }
0x620: {  	s31 =	sor.u32 s21, s23;
	v39 =	vadd.f32 v11, v39;
	v11 =	vadd.f32 $0.0e+00, v27;
	[tilespmem:s6+$0x7170] =	vst v14;
	v43 =	vld [tilespmem:s30+$0x13170]  }
0x621: {  	v24 =	vadd.f32 v20, v24;
	v50 =	vadd.f32 v35, v34;
	v14 =	vld [tilespmem:s31+$0x7100]  }
0x622: {  	v35 =	vadd.f32 v41, v11;
	v56 =	vadd.f32 v57, v56;
	v30, _, _ =	vpop (xrf2);
	v20 =	vld [tilespmem:s31+$0x13100]  }
0x623: {  	(v2sf) =	vpush v30, $0xF;
	v30, _, _ =	vpop (xrf2);
	v1 =	vmul.f32 v6, v6;
	v0 =	vmul.f32 v3, v3;
	v23 =	vld [tilespmem:s31+$0x7110]  }
0x624: {  	v11 =	vadd.f32 v7, v32;
	(v2sf) =	vpush v30, $0xF;
	v34 =	vld [tilespmem:s31+$0x13110]  }
0x625: {  	v60 =	vmul.f32 v41, v41;
	v30, _, _ =	vpop (xrf2);
	v57 =	vld [tilespmem:s31+$0x13120];
	v0 =	vadd.f32 v0, v1;
	v1 =	vadd.f32 $0.0e+00, v25  }
0x626: {  	v26 =	vmul.f32 v27, v27;
	(v2sf) =	vpush v30, $0xF;
	v30 =	vadd.f32 v63, v62;
	v62 =	vld [tilespmem:s31+$0x7130]  }
0x627: {  	v7 =	vld [tilespmem:s31+$0x13130];
	v21 =	vadd.f32 v21, v1;
	v1 =	vadd.f32 $0.0e+00, v9  }
0x628: {  	v26 =	vadd.f32 v60, v26;
	v32 =	vmul.f32 v61, v61;
	[tilespmem:s30+$0x7100] =	vst v50;
	v63 =	vld [tilespmem:s31+$0x7140]  }
0x629: {  	v59 =	vmul.f32 v4, v4;
	v41 =	vadd.f32 v5, v1;
	v1 =	vld [tilespmem:$0x1F950];
	[tilespmem:s30+$0x7110] =	vst v56  }
0x62a: {  	v2 =	vmul.f32 v5, v5;
	v26 =	vadd.f32 v32, v26;
	v32 =	vld [tilespmem:s31+$0x13160];
	v60 =	vadd.f32 v13, v15;
	[tilespmem:s30+$0x7120] =	vst v30  }
0x62b: {  	v17 =	vadd.f32 v59, v17;
	v28 =	vld [tilespmem:s31+$0x7170];
	v59 =	vadd.f32 v43, v49;
	v5 =	vmul.f32 v58, v58;
	[tilespmem:s30+$0x7130] =	vst v11  }
0x62c: {  	v25 =	vld [tilespmem:s31+$0x7160];
	v49 =	vadd.f32 v10, v8;
	[tilespmem:s30+$0x7150] =	vst v60  }
0x62d: {  	v33 =	vmul.f32 v9, v9;
	v9 =	vld [tilespmem:s31+$0x7120];
	[tilespmem:s30+$0x7170] =	vst v59;
	v12 =	vadd.f32 v5, v12;
	v5 =	vadd.f32 v44, v18  }
0x62e: {  	v10 =	vld [tilespmem:s31+$0x13150];
	v8 =	vmul.f32 v53, v53;
	[tilespmem:s30+$0x7140] =	vst v49  }
0x62f: {  	v4 =	vadd.f32 v4, v39;
	v18 =	vld [tilespmem:s31+$0x13140];
	[tilespmem:s30+$0x7160] =	vst v5  }
0x630: {  	v0 =	vadd.f32 v8, v0;
	v13 =	vmul.f32 v1, v1;
	v8 =	vadd.f32 v1, v21;
	v1 =	vld [tilespmem:$0x1F960]  }
0x631: {  	s17 =	sor.u32 s25, s23;
	v39 =	vmul.f32 v16, v16;
	v21 =	vadd.f32 v61, v35;
	v35 =	vadd.f32 v54, v41;
	v41 =	vld [tilespmem:s31+$0x13170]  }
0x632: {  	v2 =	vadd.f32 v2, v33;
	v33 =	vmul.f32 v54, v54;
	v44 =	vld [tilespmem:s17+$0x7100]  }
0x633: {  	v6 =	vadd.f32 $0.0e+00, v6;
	v12 =	vadd.f32 v39, v12;
	v39 =	vld [tilespmem:s17+$0x13100]  }
0x634: {  	v2 =	vadd.f32 v33, v2;
	v24 =	vadd.f32 v58, v24;
	v54 =	vld [tilespmem:s17+$0x7110]  }
0x635: {  	v3 =	vadd.f32 v3, v6;
	v33 =	vmul.f32 v1, v1;
	v27 =	vadd.f32 v1, v21;
	v1 =	vld [tilespmem:$0x1F970]  }
0x636: {  	v16 =	vadd.f32 v16, v24;
	v61 =	vmul.f32 v29, v29;
	v24 =	vld [tilespmem:s17+$0x13110];
	v13 =	vadd.f32 v13, v19  }
0x637: {  	v4 =	vadd.f32 v55, v4;
	v3 =	vadd.f32 v53, v3;
	v43 =	vld [tilespmem:s17+$0x7120]  }
0x638: {  	v58 =	vmul.f32 v55, v55;
	v55 =	vld [tilespmem:s17+$0x13120];
	v53 =	vadd.f32 v61, v13;
	v13 =	vmul.f32 v52, v52  }
0x639: {  	v14 =	vadd.f32 v20, v14;
	v19 =	vld [tilespmem:s31+$0x7150]  }
0x63a: {  	v0 =	vadd.f32 v13, v0;
	v13 =	vadd.f32 v34, v23;
	v23 =	vld [tilespmem:s17+$0x7130];
	[tilespmem:s10+$0x7170] =	vst v1  }
0x63b: {  	v21 =	vadd.f32 v57, v9;
	v31 =	vld [tilespmem:$0x1F980];
	[tilespmem:s31+$0x7100] =	vst v14  }
0x63c: {  	v34 =	vadd.f32 v51, v35;
	v35 =	vld [tilespmem:s17+$0x13130];
	[tilespmem:s31+$0x7110] =	vst v13  }
0x63d: {  	v15 =	vld [tilespmem:$0x1F990];
	[tilespmem:s31+$0x7120] =	vst v21  }
0x63e: {  	v17 =	vadd.f32 v58, v17;
	v6 =	vld [tilespmem:$0x1F9A0]  }
0x63f: {  	v58 =	vmul.f32 v51, v51;
	v29 =	vadd.f32 v29, v8;
	v8 =	vadd.f32 v7, v62;
	v51 =	vld [tilespmem:s17+$0x7140]  }
0x640: {  	v26 =	vadd.f32 v33, v26;
	v33 =	vld [tilespmem:s17+$0x13140];
	v9 =	vmul.f32 v31, v31  }
0x641: {  	v20 =	vadd.f32 v10, v19;
	v19 =	vld [tilespmem:s17+$0x7150];
	[tilespmem:$0x1F9B0] =	vst v8  }
0x642: {  	[tilespmem:s31+$0x7130] =	vst v8;
	v61 =	vmul.f32 v15, v15;
	v12 =	vadd.f32 v9, v12;
	v9 =	vadd.f32 v18, v63  }
0x643: {  	v1 =	vadd.f32 v32, v25;
	v57 =	vld [tilespmem:s17+$0x7160];
	[tilespmem:s31+$0x7150] =	vst v20;
	v10 =	vmul.f32 v6, v6  }
0x644: {  	v3 =	vadd.f32 v52, v3;
	v52 =	vadd.f32 v61, v53;
	v53 =	vld [tilespmem:s17+$0x13150];
	[tilespmem:s31+$0x7140] =	vst v9  }
0x645: {  	v25 =	vadd.f32 v10, v26;
	v10 =	vadd.f32 v41, v28;
	v41 =	vld [tilespmem:s17+$0x13160];
	[tilespmem:$0x1F9C0] =	vst v1  }
0x646: {  	[tilespmem:s31+$0x7160] =	vst v1  }
0x647: {  	[tilespmem:s31+$0x7170] =	vst v10  }
0x648: {  	v1 =	vld [tilespmem:$0x1F9D0];
	_ =	sdelay $0x2  }
0x649: {  	s0 =	sadd.s32 $0x1000, s22  }
0x64a: {  	s15 =	sor.u32 s21, s0  }
0x64b: {  	[tilespmem:s9+$0x7170] =	vst v1;
	v1 =	vld [tilespmem:s15+$0x7100];
	_ =	sdelay $0x2  }
0x64c: {  	v2 =	vadd.f32 v58, v2;
	v58 =	vld [tilespmem:s17+$0x7170]  }
0x64d: {  	v28 =	vadd.f32 v15, v29;
	v29 =	vld [tilespmem:s17+$0x13170]  }
0x64e: {  	[tilespmem:$0x1FAE0] =	vst v1;
	v1 =	vld [tilespmem:$0x1F9E0];
	_ =	sdelay $0x4  }
0x64f: {  	[tilespmem:s10+$0x7140] =	vst v1  }
0x650: {  	v1 =	vld [tilespmem:$0x1F9F0];
	_ =	sdelay $0x4  }
0x651: {  	[tilespmem:s10+$0x7150] =	vst v1  }
0x652: {  	v1 =	vld [tilespmem:$0x1FA00];
	_ =	sdelay $0x4  }
0x653: {  	[tilespmem:s10+$0x7160] =	vst v1  }
0x654: {  	v1 =	vld [tilespmem:$0x1FA10];
	_ =	sdelay $0x4  }
0x655: {  	[tilespmem:s10+$0x7110] =	vst v1  }
0x656: {  	v1 =	vld [tilespmem:$0x1FA20];
	_ =	sdelay $0x1  }
0x657: {  	v62 =	vmul.f32 v45, v45  }
0x658: {  	v3 =	vadd.f32 v45, v3  }
0x659: {  	v45 =	vmul.f32 v50, v50;
	v0 =	vadd.f32 v62, v0;
	v26 =	vmul.f32 v46, v46  }
0x65a: {  	[tilespmem:s10+$0x7120] =	vst v1  }
0x65b: {  	v2 =	vadd.f32 v26, v2;
	v26 =	vmul.f32 v47, v47;
	v1 =	vadd.f32 v45, v0;
	v0 =	vld [tilespmem:$0x1FA30];
	_ =	sdelay $0x1  }
0x65c: {  	v12 =	vadd.f32 v26, v12;
	v26 =	vmul.f32 v42, v42;
	_ =	sdelay $0x1  }
0x65d: {  	v32 =	vmul.f32 v40, v40;
	v62 =	vadd.f32 v26, v25;
	v26 =	vadd.f32 v39, v44  }
0x65e: {  	v4 =	vadd.f32 v48, v4;
	v7 =	vmul.f32 v48, v48;
	v25 =	vadd.f32 v24, v54;
	[tilespmem:s10+$0x7130] =	vst v0  }
0x65f: {  	v2 =	vadd.f32 v32, v2;
	v32 =	vadd.f32 v55, v43;
	v0 =	vld [tilespmem:$0x1FA40];
	[tilespmem:s17+$0x7100] =	vst v26  }
0x660: {  	v17 =	vadd.f32 v7, v17;
	v24 =	vadd.f32 v35, v23;
	[tilespmem:s17+$0x7110] =	vst v25  }
0x661: {  	v63 =	vmul.f32 v56, v56;
	v39 =	vadd.f32 v22, v28;
	v28 =	vadd.f32 v53, v19;
	[tilespmem:s17+$0x7120] =	vst v32  }
0x662: {  	v48 =	vmul.f32 v22, v22;
	v27 =	vadd.f32 v6, v27;
	v22 =	vadd.f32 v41, v57;
	[tilespmem:s17+$0x7130] =	vst v24  }
0x663: {  	v17 =	vadd.f32 v63, v17;
	v23 =	vadd.f32 v29, v58;
	[tilespmem:s17+$0x7150] =	vst v28  }
0x664: {  	v42 =	vadd.f32 v42, v27;
	v27 =	vadd.f32 v33, v51;
	v19 =	vmul.f32 v49, v49;
	[tilespmem:s17+$0x7160] =	vst v22  }
0x665: {  	[tilespmem:s17+$0x7170] =	vst v23  }
0x666: {  	v17 =	vadd.f32 v19, v17;
	v19 =	vmul.f32 v30, v30;
	[tilespmem:s17+$0x7140] =	vst v27  }
0x667: {  	[tilespmem:s10+$0x7100] =	vst v0  }
0x668: {  	v41 =	vadd.f32 v19, v2;
	v2 =	vld [tilespmem:$0x1FA60];
	_ =	sdelay $0x3  }
0x669: {  	v4 =	vadd.f32 v56, v4  }
0x66a: {  	v3 =	vadd.f32 v50, v3;
	v50 =	vld [tilespmem:$0x1FA50];
	[tilespmem:s9+$0x7140] =	vst v2  }
0x66b: {  	v51 =	vadd.f32 v49, v4;
	v4 =	vld [tilespmem:$0x1FA70];
	_ =	sdelay $0x4  }
0x66c: {  	v0 =	vmul.f32 v38, v38;
	[tilespmem:s9+$0x7100] =	vst v4  }
0x66d: {  	v7 =	vld [tilespmem:$0x1FA90]  }
0x66e: {  	v12 =	vadd.f32 v0, v12;
	v0 =	vmul.f32 v37, v37;
	_ =	sdelay $0x1  }
0x66f: {  	v33 =	vadd.f32 v0, v62;
	v62 =	vmul.f32 v11, v11;
	_ =	sdelay $0x1  }
0x670: {  	v6 =	vadd.f32 v62, v1;
	v1 =	vld [tilespmem:$0x1FA80];
	[tilespmem:s9+$0x7110] =	vst v7  }
0x671: {  	v7 =	vld [tilespmem:$0x1FAB0]  }
0x672: {  	s26 =	spop (v2sf)  }
0x673: {  	s30 =	smul.f32 $1.302083370e-03, s26;
	v8 =	vld [tilespmem:s15+$0x13100]  }
0x674: {  	s29 =	spop (v2sf);
	v61 =	vld [tilespmem:s15+$0x7110]  }
0x675: {  	s23 =	smul.f32 s30, s30;
	s3 =	spop (v2sf);
	v48 =	vadd.f32 v48, v52;
	v52 =	vld [tilespmem:s15+$0x13110]  }
0x676: {  	s5 =	smul.f32 $1.302083370e-03, s3;
	v62 =	vld [tilespmem:$0x1FAA0];
	[tilespmem:s9+$0x7120] =	vst v7  }
0x677: {  	s29 =	smul.f32 $1.302083370e-03, s29;
	s26 =	spop (v2sf);
	v7 =	vld [tilespmem:$0x1FAC0]  }
0x678: {  	s6 =	smul.f32 $1.302083370e-03, s26;
	s3 =	ssub.f32 s5, s23;
	v63 =	vld [tilespmem:s15+$0x7120]  }
0x679: {  	v16 =	vadd.f32 v31, v16;
	s31 =	smul.f32 s29, s29;
	v31 =	vld [tilespmem:s15+$0x13120]  }
0x67a: {  	s3 =	sadd.f32 $9.999999740e-06, s3;
	v56 =	vld [tilespmem:s15+$0x7130]  }
0x67b: {  	s6 =	ssub.f32 s6, s31;
	v54 =	vld [tilespmem:s15+$0x13130]  }
0x67c: {  	s23 =	sshrl.u32 s3, $0x1;
	s3 =	smul.f32 $5.000000000e-01, s3;
	v15 =	vld [tilespmem:s15+$0x7140];
	[tilespmem:s9+$0x7130] =	vst v7  }
0x67d: {  	s5 =	sadd.f32 $9.999999740e-06, s6;
	s6 =	ssub.s32 $0x5F375A86, s23;
	v7 =	vld [tilespmem:$0x1FAD0]  }
0x67e: {  	s31 =	smul.f32 s6, s3;
	v55 =	vld [tilespmem:s15+$0x13140]  }
0x67f: {  	s26 =	sshrl.u32 s5, $0x1;
	s5 =	smul.f32 $5.000000000e-01, s5;
	v18 =	vld [tilespmem:s15+$0x7150]  }
0x680: {  	s23 =	smul.f32 s6, s31;
	v57 =	vld [tilespmem:s15+$0x13150];
	s10 =	ssub.s32 $0x5F375A86, s26  }
0x681: {  	v34 =	vadd.f32 v46, v34;
	v46 =	vld [tilespmem:s15+$0x13160];
	s26 =	smul.f32 s10, s5  }
0x682: {  	v16 =	vadd.f32 v47, v16;
	s23 =	ssub.f32 $1.500000000e+00, s23;
	v47 =	vld [tilespmem:s15+$0x7170];
	[tilespmem:s9+$0x7150] =	vst v7  }
0x683: {  	v53 =	vmul.f32 v36, v36;
	s26 =	smul.f32 s10, s26;
	v7 =	vld [tilespmem:$0x1FAE0]  }
0x684: {  	s6 =	smul.f32 s6, s23;
	v45 =	vld [tilespmem:s15+$0x7160];
	s17 =	sor.u32 s25, s0  }
0x685: {  	v29 =	vadd.f32 v53, v48;
	v48 =	vadd.f32 v11, v3;
	v19 =	vmul.f32 v59, v59;
	v3 =	vld [tilespmem:s17+$0x7110];
	s26 =	ssub.f32 $1.500000000e+00, s26  }
0x686: {  	v34 =	vadd.f32 v40, v34;
	v16 =	vadd.f32 v38, v16;
	s3 =	smul.f32 s6, s3;
	v43 =	vld [tilespmem:s17+$0x13110]  }
0x687: {  	v58 =	vadd.f32 v37, v42;
	v42 =	vld [tilespmem:s17+$0x7130];
	v37 =	vadd.f32 v19, v17;
	v44 =	vmul.f32 v50, v50;
	s10 =	smul.f32 s10, s26  }
0x688: {  	s0 =	smul.f32 s3, s6;
	v50 =	vadd.f32 v50, v16;
	v16 =	vmul.f32 v5, v5;
	v19 =	vadd.f32 v8, v7;
	v8 =	vmovc v5;
	v5 =	vld [tilespmem:$0x1FAF0]  }
0x689: {  	v49 =	vadd.f32 v30, v34;
	v34 =	vld [tilespmem:s17+$0x13140];
	v11 =	vmul.f32 v60, v60;
	s5 =	smul.f32 s10, s5  }
0x68a: {  	v53 =	vadd.f32 v36, v39;
	v0 =	vld [tilespmem:s15+$0x13170];
	v35 =	vmul.f32 v1, v1  }
0x68b: {  	s0 =	ssub.f32 $1.500000000e+00, s0;
	v2 =	vld [tilespmem:s17+$0x7100];
	v38 =	vadd.f32 v11, v41;
	v40 =	vadd.f32 v44, v12;
	s3 =	smul.f32 s5, s10;
	v30 =	vmul.f32 v62, v62  }
0x68c: {  	v11 =	vld [tilespmem:s17+$0x7140];
	v35 =	vadd.f32 v35, v29;
	v29 =	vadd.f32 v52, v61  }
0x68d: {  	s23 =	simm.s32 $0x0;
	s0 =	smul.f32 s0, s6;
	v41 =	vld [tilespmem:s17+$0x7150];
	s3 =	ssub.f32 $1.500000000e+00, s3;
	v36 =	vadd.f32 v30, v33;
	v33 =	vadd.f32 v31, v63;
	[tilespmem:s9+$0x7160] =	vst v5  }
0x68e: {  	s26 =	simm.s32 $0x1;
	v44 =	vld [tilespmem:s17+$0x7120];
	v39 =	vadd.f32 v16, v6;
	v16 =	vadd.f32 v54, v56;
	[tilespmem:s15+$0x7110] =	vst v29;
	[smem:s23] =	sst s30  }
0x68f: {  	v15 =	vadd.f32 v55, v15;
	v12 =	vld [tilespmem:s17+$0x13120];
	[tilespmem:s15+$0x7120] =	vst v33;
	s9 =	simm.s32 $0x2;
	s30 =	smul.f32 s3, s10;
	[smem:s26] =	sst s0  }
0x690: {  	s31 =	simm.s32 $0x3;
	v17 =	vadd.f32 v57, v18;
	v54 =	vadd.f32 v59, v51;
	v51 =	vld [tilespmem:s17+$0x13150];
	[tilespmem:s15+$0x7130] =	vst v16;
	[smem:s9] =	sst s29  }
0x691: {  	v4 =	vld [tilespmem:s17+$0x13100];
	v52 =	vadd.f32 v1, v53;
	v53 =	vadd.f32 v62, v58;
	[tilespmem:s15+$0x7100] =	vst v19;
	s10 =	simm.s32 $0x2;
	[smem:s31] =	sst s30  }
.LBB2_7:
0x692: {  	v58 =	vld [tilespmem:s17+$0x13160]  }
0x693: {  	v62 =	vld [tilespmem:s17+$0x13130]  }
0x694: {  	s10 =	sadd.s32 $0x2, s10;
	v7 =	vld [tilespmem:$0x1F9C0]  }
0x695: {  	v57 =	vadd.f32 v8, v48;
	s24 =	sadd.s32 $0x100, s24;
	v8 =	vld [tilespmem:$0x1F9B0];
	[tilespmem:s15+$0x7140] =	vst v15;
	s0 =	sshrl.u32 s10, $0x3;
	v18 =	vadd.f32 v46, v45  }
0x696: {  	[tilespmem:s15+$0x7150] =	vst v17;
	s3 =	sadd.s32 $0xFFFFFF80, s24;
	s0 =	smul.u32 $0x1800, s0;
	v45 =	vld [tilespmem:s17+$0x7160];
	v30 =	vadd.f32 v0, v47  }
0x697: {  	v1 =	vadd.f32 v60, v49;
	s3 =	sand.u32 $0x300, s3;
	v4 =	vadd.f32 v4, v2;
	v2 =	vld [tilespmem:s17+$0x7170];
	[tilespmem:s15+$0x7160] =	vst v18  }
0x698: {  	v59 =	vadd.f32 v21, v50;
	v31 =	vadd.f32 v43, v3;
	v3 =	vld [tilespmem:s17+$0x13170];
	[tilespmem:s15+$0x7170] =	vst v30;
	s15 =	sor.u32 s3, s0  }
0x699: {  	v56 =	vmul.f32 v32, v32;
	v60 =	vadd.f32 v32, v54;
	v61 =	vadd.f32 v14, v52;
	v5 =	vld [tilespmem:s15+$0x7100]  }
0x69a: {  	v50 =	vmul.f32 v20, v20;
	v53 =	vadd.f32 v13, v53;
	v55 =	vadd.f32 v26, v1;
	v6 =	vld [tilespmem:s15+$0x13100]  }
0x69b: {  	s5 =	sadd.s32 $0x1400, s22;
	v13 =	vmul.f32 v13, v13;
	v32 =	vadd.f32 v56, v37;
	v0 =	vadd.f32 v34, v11;
	v11 =	vld [tilespmem:s15+$0x7110]  }
0x69c: {  	s29 =	sor.u32 s21, s5;
	v26 =	vmul.f32 v26, v26;
	v20 =	vadd.f32 v20, v59;
	v44 =	vadd.f32 v12, v44;
	v12 =	vld [tilespmem:s15+$0x13110]  }
0x69d: {  	v63 =	vmul.f32 v21, v21;
	v13 =	vadd.f32 v13, v36;
	v1 =	vadd.f32 v51, v41;
	v46 =	vld [tilespmem:s29+$0x7140]  }
0x69e: {  	v51 =	vadd.f32 v25, v57;
	v26 =	vadd.f32 v26, v38;
	v38 =	vld [tilespmem:s29+$0x13140]  }
0x69f: {  	v57 =	vmul.f32 v14, v14;
	v34 =	vadd.f32 v63, v40;
	v20 =	vadd.f32 v19, v20;
	v47 =	vld [tilespmem:s29+$0x7150]  }
0x6a0: {  	v25 =	vmul.f32 v25, v25;
	v40 =	vadd.f32 v62, v42;
	v59 =	vadd.f32 v8, v61;
	v42 =	vld [tilespmem:s29+$0x13160]  }
0x6a1: {  	v63 =	vmul.f32 v16, v16;
	v61 =	vadd.f32 v24, v55;
	v16 =	vadd.f32 v16, v20;
	v20 =	vld [tilespmem:s29+$0x13110]  }
0x6a2: {  	v8 =	vmul.f32 v8, v8;
	[tilespmem:s17+$0x7100] =	vst v4;
	v35 =	vadd.f32 v57, v35;
	v25 =	vadd.f32 v25, v39;
	v56 =	vld [tilespmem:s29+$0x13120]  }
0x6a3: {  	v54 =	vmul.f32 v7, v7;
	[tilespmem:s17+$0x7110] =	vst v31;
	v41 =	vadd.f32 v27, v51;
	v34 =	vadd.f32 v50, v34;
	v57 =	vld [tilespmem:s29+$0x13130]  }
0x6a4: {  	v24 =	vmul.f32 v24, v24;
	[tilespmem:s17+$0x7120] =	vst v44;
	v7 =	vadd.f32 v7, v59;
	v8 =	vadd.f32 v8, v35;
	v35 =	vld [tilespmem:s29+$0x7160]  }
0x6a5: {  	v19 =	vmul.f32 v19, v19;
	[tilespmem:s17+$0x7140] =	vst v0;
	v21 =	vadd.f32 v58, v45;
	v14 =	vadd.f32 v3, v2;
	v2 =	vld [tilespmem:s29+$0x7170]  }
0x6a6: {  	[tilespmem:s17+$0x7150] =	vst v1;
	v3 =	vld [tilespmem:s29+$0x13170];
	v58 =	vadd.f32 v28, v60;
	v60 =	vadd.f32 v9, v53;
	v9 =	vmul.f32 v9, v9  }
0x6a7: {  	v27 =	vmul.f32 v27, v27;
	v24 =	vadd.f32 v24, v26;
	v8 =	vadd.f32 v54, v8;
	v54 =	vld [tilespmem:s29+$0x7120];
	[tilespmem:s17+$0x7160] =	vst v21  }
0x6a8: {  	s25 =	sor.u32 s25, s5;
	v26 =	vmul.f32 v22, v22;
	v22 =	vadd.f32 v22, v61;
	[tilespmem:s17+$0x7170] =	vst v14;
	v9 =	vadd.f32 v9, v13;
	v13 =	vld [tilespmem:s29+$0x13150]  }
0x6a9: {  	[tilespmem:s17+$0x7130] =	vst v40;
	v25 =	vadd.f32 v27, v25;
	v27 =	vadd.f32 v23, v41;
	v36 =	vld [tilespmem:s25+$0x7170]  }
0x6aa: {  	v23 =	vmul.f32 v23, v23;
	v19 =	vadd.f32 v19, v34;
	v24 =	vadd.f32 v26, v24;
	v45 =	vld [tilespmem:s25+$0x13170]  }
0x6ab: {  	v55 =	vmul.f32 v44, v44;
	v7 =	vadd.f32 v29, v7;
	v22 =	vadd.f32 v31, v22;
	v39 =	vld [tilespmem:s25+$0x7140]  }
0x6ac: {  	v28 =	vmul.f32 v28, v28;
	v16 =	vadd.f32 v18, v16;
	v23 =	vadd.f32 v23, v25;
	v25 =	vld [tilespmem:s25+$0x7150]  }
0x6ad: {  	v29 =	vmul.f32 v29, v29;
	v27 =	vadd.f32 v44, v27;
	v19 =	vadd.f32 v63, v19;
	v26 =	vld [tilespmem:s25+$0x13150]  }
0x6ae: {  	v31 =	vmul.f32 v31, v31;
	v28 =	vadd.f32 v28, v32;
	v62 =	vadd.f32 v10, v60;
	v43 =	vld [tilespmem:s25+$0x7160]  }
0x6af: {  	v10 =	vmul.f32 v10, v10;
	v37 =	vadd.f32 v4, v58;
	v7 =	vadd.f32 v15, v7;
	v53 =	vld [tilespmem:s25+$0x13160]  }
0x6b0: {  	v4 =	vmul.f32 v4, v4;
	v24 =	vadd.f32 v31, v24;
	v8 =	vadd.f32 v29, v8;
	v29 =	vld [tilespmem:s29+$0x7110]  }
0x6b1: {  	v15 =	vmul.f32 v15, v15;
	v22 =	vadd.f32 v0, v22;
	v23 =	vadd.f32 v55, v23;
	v61 =	vld [tilespmem:s25+$0x7120]  }
0x6b2: {  	v0 =	vmul.f32 v0, v0;
	v27 =	vadd.f32 v1, v27;
	v9 =	vadd.f32 v10, v9;
	v10 =	vld [tilespmem:s25+$0x13140]  }
0x6b3: {  	v1 =	vmul.f32 v1, v1;
	v38 =	vadd.f32 v38, v46;
	v4 =	vadd.f32 v4, v28;
	v28 =	vld [tilespmem:s29+$0x7130]  }
0x6b4: {  	v32 =	vadd.f32 v33, v62;
	v60 =	vadd.f32 v30, v7;
	v7 =	vmul.f32 v18, v18;
	v18 =	vld [tilespmem:s25+$0x13120]  }
0x6b5: {  	v52 =	vmul.f32 v33, v33;
	v31 =	vadd.f32 v40, v37;
	v0 =	vadd.f32 v0, v24;
	v24 =	vld [tilespmem:s25+$0x7130]  }
0x6b6: {  	v58 =	vmul.f32 v40, v40;
	v62 =	vld [tilespmem:s29+$0x7100];
	v8 =	vadd.f32 v15, v8;
	v1 =	vadd.f32 v1, v23  }
0x6b7: {  	v15 =	vld [tilespmem:s25+$0x7110];
	v9 =	vadd.f32 v52, v9;
	v32 =	vadd.f32 v17, v32;
	v17 =	vmul.f32 v17, v17  }
0x6b8: {  	v23 =	vadd.f32 v21, v31;
	v19 =	vadd.f32 v7, v19;
	v7 =	vmul.f32 v21, v21;
	v21 =	vld [tilespmem:s29+$0x13100]  }
0x6b9: {  	v2 =	vadd.f32 v3, v2;
	v63 =	vadd.f32 v13, v47;
	v47 =	vld [tilespmem:s25+$0x13100]  }
0x6ba: {  	v4 =	vadd.f32 v58, v4;
	v59 =	vadd.f32 v17, v9;
	v17 =	vld [tilespmem:s25+$0x13110];
	v9 =	vmul.f32 v30, v30  }
0x6bb: {  	v35 =	vadd.f32 v42, v35;
	[tilespmem:s29+$0x7140] =	vst v38;
	v30 =	vld [tilespmem:s25+$0x13130]  }
0x6bc: {  	[tilespmem:s29+$0x7170] =	vst v2;
	v4 =	vadd.f32 v7, v4;
	v7 =	vld [tilespmem:s15+$0x7120];
	v31 =	vadd.f32 v9, v8;
	v8 =	vmul.f32 v14, v14  }
0x6bd: {  	v22 =	vadd.f32 v14, v22;
	v20 =	vadd.f32 v20, v29;
	[tilespmem:s29+$0x7150] =	vst v63;
	v14 =	vld [tilespmem:s25+$0x7100]  }
0x6be: {  	v0 =	vadd.f32 v8, v0;
	v8 =	vld [tilespmem:s15+$0x13120];
	[tilespmem:s29+$0x7160] =	vst v35  }
0x6bf: {  	v26 =	vadd.f32 v26, v25;
	v49 =	vadd.f32 v18, v61;
	v18 =	vmul.f32 v20, v20;
	v9 =	vld [tilespmem:s15+$0x7130]  }
0x6c0: {  	v25 =	vadd.f32 v56, v54;
	v39 =	vadd.f32 v10, v39;
	v10 =	vld [tilespmem:s15+$0x13130]  }
0x6c1: {  	v28 =	vadd.f32 v57, v28;
	v52 =	vadd.f32 v18, v19;
	[tilespmem:s29+$0x7110] =	vst v20;
	v19 =	vld [tilespmem:s15+$0x7170]  }
0x6c2: {  	v21 =	vadd.f32 v21, v62;
	v13 =	vld [tilespmem:s15+$0x7140];
	[tilespmem:s29+$0x7120] =	vst v25  }
0x6c3: {  	v30 =	vadd.f32 v30, v24;
	v24 =	vadd.f32 v47, v14;
	v14 =	vld [tilespmem:s15+$0x13140];
	[tilespmem:s29+$0x7130] =	vst v28  }
0x6c4: {  	v29 =	vadd.f32 v17, v15;
	[tilespmem:s29+$0x7100] =	vst v21;
	v15 =	vld [tilespmem:s15+$0x7150]  }
0x6c5: {  	v3 =	vadd.f32 v45, v36;
	v50 =	vadd.f32 v20, v16;
	v16 =	vld [tilespmem:s15+$0x13150]  }
0x6c6: {  	v43 =	vadd.f32 v53, v43;
	v22 =	vadd.f32 v49, v22;
	v17 =	vld [tilespmem:s15+$0x7160]  }
0x6c7: {  	v20 =	vadd.f32 v25, v60;
	v32 =	vadd.f32 v21, v32;
	v18 =	vld [tilespmem:s15+$0x13160]  }
0x6c8: {  	v55 =	vadd.f32 v26, v22;
	v25 =	vmul.f32 v25, v25;
	v23 =	vadd.f32 v29, v23;
	v22 =	vld [tilespmem:s15+$0x13500]  }
0x6c9: {  	v51 =	vmul.f32 v29, v29;
	[tilespmem:s25+$0x7110] =	vst v29;
	v29 =	vmul.f32 v49, v49;
	v20 =	vadd.f32 v63, v20;
	v36 =	vld [tilespmem:s15+$0x13530]  }
0x6ca: {  	[tilespmem:s25+$0x7170] =	vst v3;
	v32 =	vadd.f32 v28, v32;
	v25 =	vadd.f32 v25, v31;
	v33 =	vld [tilespmem:s15+$0x7540]  }
0x6cb: {  	v56 =	vmul.f32 v2, v2;
	[tilespmem:s25+$0x7150] =	vst v26;
	v31 =	vadd.f32 v38, v50;
	v29 =	vadd.f32 v29, v0;
	v0 =	vld [tilespmem:s15+$0x13170]  }
0x6cc: {  	[tilespmem:s25+$0x7100] =	vst v24;
	v27 =	vadd.f32 v24, v27;
	v53 =	vadd.f32 v51, v4;
	v24 =	vmul.f32 v24, v24;
	v4 =	vld [tilespmem:s15+$0x7500]  }
0x6cd: {  	[tilespmem:s25+$0x7160] =	vst v43;
	v54 =	vadd.f32 v39, v23;
	v23 =	vmul.f32 v38, v38;
	v31 =	vadd.f32 v2, v31;
	v2 =	vld [tilespmem:s15+$0x7520]  }
0x6ce: {  	[tilespmem:s25+$0x7140] =	vst v39;
	v21 =	vmul.f32 v21, v21;
	v32 =	vadd.f32 v35, v32;
	v57 =	vadd.f32 v24, v1;
	v1 =	vld [tilespmem:s15+$0x7510]  }
0x6cf: {  	[tilespmem:s25+$0x7120] =	vst v49;
	v26 =	vmul.f32 v26, v26;
	v28 =	vmul.f32 v28, v28;
	v37 =	vadd.f32 v23, v52;
	v23 =	vld [tilespmem:s15+$0x13510]  }
0x6d0: {  	s22 =	smov.u32 s0;
	[tilespmem:s25+$0x7130] =	vst v30;
	v21 =	vadd.f32 v21, v59;
	s25 =	sand.u32 $0x380, s24;
	v24 =	vmul.f32 v63, v63;
	v20 =	vadd.f32 v32, v20;
	v32 =	vld [tilespmem:s15+$0x7550]  }
0x6d1: {  	s17 =	sor.u32 s22, s25;
	v27 =	vadd.f32 v30, v27;
	v26 =	vadd.f32 v26, v29;
	v29 =	vld [tilespmem:s15+$0x7560]  }
0x6d2: {  	v35 =	vmul.f32 v35, v35;
	v21 =	vadd.f32 v28, v21;
	v38 =	vld [tilespmem:s17+$0x7110];
	v58 =	vadd.f32 v24, v25  }
0x6d3: {  	v28 =	vmul.f32 v39, v39;
	v39 =	vld [tilespmem:s17+$0x13110];
	v27 =	vadd.f32 v43, v27;
	v20 =	vadd.f32 v31, v20  }
0x6d4: {  	v30 =	vmul.f32 v30, v30;
	v40 =	vld [tilespmem:s17+$0x7120];
	v31 =	vadd.f32 v3, v54;
	v21 =	vadd.f32 v35, v21  }
0x6d5: {  	v44 =	vld [tilespmem:s17+$0x7130];
	v59 =	vadd.f32 v56, v37;
	v27 =	vadd.f32 v27, v55  }
0x6d6: {  	v45 =	vld [tilespmem:s17+$0x13130];
	(xrf2) =	vadd.scan.msk.f32 $0xffff, v20;
	v20 =	vadd.f32 v30, v57;
	v30 =	vmul.f32 v43, v43;
	v21 =	vadd.f32 v21, v58  }
0x6d7: {  	v46 =	vld [tilespmem:s17+$0x7140];
	v28 =	vadd.f32 v28, v53;
	v27 =	vadd.f32 v31, v27  }
0x6d8: {  	v47 =	vld [tilespmem:s17+$0x13140];
	v3 =	vmul.f32 v3, v3;
	v20 =	vadd.f32 v30, v20;
	v21 =	vadd.f32 v59, v21  }
0x6d9: {  	v48 =	vld [tilespmem:s17+$0x7150];
	(xrf2) =	vadd.scan.msk.f32 $0xffff, v27  }
0x6da: {  	v49 =	vld [tilespmem:s17+$0x13150];
	v3 =	vadd.f32 v3, v28;
	v20 =	vadd.f32 v20, v26;
	(xrf2) =	vadd.scan.msk.f32 $0xffff, v21  }
0x6db: {  	v50 =	vld [tilespmem:s17+$0x7160]  }
0x6dc: {  	v51 =	vld [tilespmem:s17+$0x13160];
	v3 =	vadd.f32 v3, v20  }
0x6dd: {  	v60 =	vld [tilespmem:s17+$0x7170]  }
0x6de: {  	v61 =	vld [tilespmem:s17+$0x13170];
	(xrf2) =	vadd.scan.msk.f32 $0xffff, v3  }
0x6df: {  	v62 =	vld [tilespmem:s17+$0x7500]  }
0x6e0: {  	v63 =	vld [tilespmem:s17+$0x13500]  }
0x6e1: {  	v24 =	vld [tilespmem:s15+$0x13520];
	v20, _, _ =	vpop (xrf2)  }
0x6e2: {  	v25 =	vld [tilespmem:s15+$0x7530];
	(v2sf) =	vpush v20, $0xF  }
0x6e3: {  	v34 =	vadd.f32 v8, v7;
	v35 =	vld [tilespmem:s15+$0x13570];
	v21, _, _ =	vpop (xrf2)  }
0x6e4: {  	v37 =	vld [tilespmem:s17+$0x7100];
	v42 =	vadd.f32 v39, v38;
	v20, _, _ =	vpop (xrf2);
	(v2sf) =	vpush v21, $0xF  }
0x6e5: {  	[tilespmem:s15+$0x7120] =	vst v34;
	v56 =	vld [tilespmem:s17+$0x7510];
	v26 =	vadd.f32 v12, v11;
	(v2sf) =	vpush v20, $0xF  }
0x6e6: {  	v28 =	vld [tilespmem:s15+$0x13560];
	[tilespmem:s17+$0x7110] =	vst v42;
	v11 =	vadd.f32 v10, v9  }
0x6e7: {  	v43 =	vld [tilespmem:s17+$0x13120];
	v10 =	vadd.f32 v14, v13;
	[tilespmem:s15+$0x7110] =	vst v26  }
0x6e8: {  	v57 =	vld [tilespmem:s17+$0x13510];
	v14 =	vadd.f32 v22, v4;
	[tilespmem:s15+$0x7130] =	vst v11;
	v20, _, _ =	vpop (xrf2)  }
0x6e9: {  	v27 =	vld [tilespmem:s15+$0x13550];
	[tilespmem:s15+$0x7140] =	vst v10;
	v21 =	vadd.f32 v6, v5;
	(v2sf) =	vpush v20, $0xF  }
0x6ea: {  	v58 =	vld [tilespmem:s17+$0x7520];
	[tilespmem:s15+$0x7500] =	vst v14;
	v5 =	vadd.f32 v24, v2  }
0x6eb: {  	v3 =	vld [tilespmem:s17+$0x13100];
	v6 =	vadd.f32 v36, v25;
	[tilespmem:s15+$0x7100] =	vst v21  }
0x6ec: {  	v31 =	vld [tilespmem:s15+$0x13540];
	[tilespmem:$0x1F5F0] =	vst v5  }
0x6ed: {  	v30 =	vld [tilespmem:s15+$0x7570];
	[tilespmem:$0x1F5D0] =	vst v6  }
0x6ee: {  	v4 =	vld [tilespmem:s17+$0x13530];
	[tilespmem:s15+$0x7520] =	vst v5;
	v5 =	vadd.f32 v27, v32  }
0x6ef: {  	v22 =	vld [tilespmem:s17+$0x13550];
	[tilespmem:s15+$0x7530] =	vst v6;
	v6 =	vadd.f32 v28, v29  }
0x6f0: {  	v41 =	vadd.f32 v3, v37;
	v3 =	vld [tilespmem:s17+$0x13570];
	v20 =	vadd.f32 v16, v15;
	[tilespmem:s15+$0x7550] =	vst v5  }
0x6f1: {  	v2 =	vld [tilespmem:s17+$0x13540];
	v15 =	vadd.f32 v0, v19;
	v0 =	vadd.f32 v23, v1;
	[tilespmem:s15+$0x7560] =	vst v6;
	s6 =	spop (v2sf)  }
0x6f2: {  	v24 =	vld [tilespmem:s17+$0x7560];
	[tilespmem:s15+$0x7150] =	vst v20;
	s31 =	smul.f32 $1.302083370e-03, s6  }
0x6f3: {  	v25 =	vld [tilespmem:s17+$0x13560];
	v16 =	vadd.f32 v18, v17;
	[tilespmem:$0x1F5E0] =	vst v0;
	s23 =	spop (v2sf)  }
0x6f4: {  	v27 =	vld [tilespmem:s17+$0x7570];
	[tilespmem:s15+$0x7510] =	vst v0;
	v0 =	vadd.f32 v31, v33;
	s29 =	smul.f32 s31, s31;
	s26 =	spop (v2sf)  }
0x6f5: {  	v17 =	vld [tilespmem:s17+$0x13520];
	[tilespmem:s15+$0x7160] =	vst v16;
	s0 =	smul.f32 $1.302083370e-03, s26  }
0x6f6: {  	v18 =	vld [tilespmem:s17+$0x7530];
	[tilespmem:$0x1F610] =	vst v0  }
0x6f7: {  	s21 =	smov.u32 s3;
	v1 =	vld [tilespmem:s17+$0x7540];
	[tilespmem:s15+$0x7540] =	vst v0;
	v0 =	vadd.f32 v35, v30;
	s3 =	ssub.f32 s0, s29;
	s0 =	sadd.s32 $0x800, s22  }
0x6f8: {  	v38 =	vadd.f32 v61, v60;
	v19 =	vld [tilespmem:s17+$0x7550];
	[tilespmem:s15+$0x7170] =	vst v15;
	s30 =	smul.f32 $1.302083370e-03, s23;
	s6 =	spop (v2sf);
	s29 =	sor.u32 s21, s0  }
0x6f9: {  	[tilespmem:s15+$0x7570] =	vst v0;
	s5 =	smul.f32 $1.302083370e-03, s6;
	v28 =	vld [tilespmem:s29+$0x7100]  }
0x6fa: {  	[tilespmem:s17+$0x7170] =	vst v38;
	v37 =	vadd.f32 v47, v46;
	s6 =	smul.f32 s30, s30;
	v29 =	vld [tilespmem:s29+$0x13100]  }
0x6fb: {  	[tilespmem:s17+$0x7100] =	vst v41;
	v36 =	vadd.f32 v51, v50;
	v30 =	vld [tilespmem:s29+$0x7110]  }
0x6fc: {  	[tilespmem:s17+$0x7140] =	vst v37;
	v32 =	vadd.f32 v57, v56;
	v31 =	vld [tilespmem:s29+$0x13110];
	s5 =	ssub.f32 s5, s6  }
0x6fd: {  	[tilespmem:s17+$0x7160] =	vst v36;
	v25 =	vadd.f32 v25, v24;
	v35 =	vadd.f32 v45, v44;
	s3 =	sadd.f32 $9.999999740e-06, s3;
	v44 =	vld [tilespmem:s29+$0x7120]  }
0x6fe: {  	[tilespmem:s17+$0x7510] =	vst v32;
	v45 =	vld [tilespmem:s29+$0x13120];
	s5 =	sadd.f32 $9.999999740e-06, s5  }
0x6ff: {  	[tilespmem:s17+$0x7560] =	vst v25;
	v46 =	vld [tilespmem:s29+$0x7130];
	s23 =	sshrl.u32 s3, $0x1;
	s3 =	smul.f32 $5.000000000e-01, s3  }
0x700: {  	v33 =	vadd.f32 v17, v58;
	[tilespmem:$0x1F630] =	vst v0;
	v60 =	vld [tilespmem:s29+$0x13130];
	s6 =	ssub.s32 $0x5F375A86, s23;
	s26 =	sshrl.u32 s5, $0x1;
	s5 =	smul.f32 $5.000000000e-01, s5  }
0x701: {  	v39 =	vadd.f32 v4, v18;
	v23 =	vadd.f32 v22, v19;
	[tilespmem:s17+$0x7130] =	vst v35;
	v61 =	vld [tilespmem:s29+$0x7140];
	s23 =	smul.f32 s6, s3;
	s15 =	ssub.s32 $0x5F375A86, s26  }
0x702: {  	v0 =	vadd.f32 v43, v40;
	v40 =	vadd.f32 v63, v62;
	[tilespmem:s17+$0x7520] =	vst v33;
	v62 =	vld [tilespmem:s29+$0x13140];
	s26 =	smul.f32 s15, s5  }
0x703: {  	v22 =	vadd.f32 v3, v27;
	[tilespmem:s17+$0x7530] =	vst v39;
	v17 =	vld [tilespmem:s29+$0x7150];
	s23 =	smul.f32 s6, s23  }
0x704: {  	[tilespmem:s17+$0x7550] =	vst v23;
	v4 =	vld [tilespmem:s29+$0x13150];
	s26 =	smul.f32 s15, s26  }
0x705: {  	v43 =	vadd.f32 v49, v48;
	[tilespmem:s17+$0x7570] =	vst v22;
	v18 =	vld [tilespmem:s29+$0x7160];
	s23 =	ssub.f32 $1.500000000e+00, s23  }
0x706: {  	[tilespmem:s17+$0x7120] =	vst v0;
	v63 =	vld [tilespmem:s29+$0x13160];
	s26 =	ssub.f32 $1.500000000e+00, s26  }
0x707: {  	v24 =	vadd.f32 v2, v1;
	[tilespmem:s17+$0x7150] =	vst v43;
	v3 =	vld [tilespmem:s29+$0x7170];
	s6 =	smul.f32 s6, s23  }
0x708: {  	[tilespmem:s17+$0x7500] =	vst v40;
	v1 =	vld [tilespmem:s29+$0x13170];
	s23 =	smul.f32 s15, s26;
	s15 =	sor.u32 s25, s0  }
0x709: {  	[tilespmem:s17+$0x7540] =	vst v24;
	v7 =	vld [tilespmem:s15+$0x7100]  }
0x70a: {  	v51 =	vld [tilespmem:s15+$0x13100]  }
0x70b: {  	v52 =	vld [tilespmem:s15+$0x7110]  }
0x70c: {  	v53 =	vld [tilespmem:s15+$0x13110]  }
0x70d: {  	v54 =	vld [tilespmem:s15+$0x7120]  }
0x70e: {  	v59 =	vmul.f32 v21, v21;
	v21 =	vadd.f32 $0.0e+00, v21;
	[tilespmem:$0x1F620] =	vst v5;
	v5 =	vadd.f32 $0.0e+00, v42;
	v55 =	vld [tilespmem:s15+$0x13120]  }
0x70f: {  	v27 =	vadd.f32 v29, v28;
	v28 =	vadd.f32 v31, v30;
	v56 =	vld [tilespmem:s15+$0x7130]  }
0x710: {  	v47 =	vmul.f32 v34, v34;
	v19 =	vadd.f32 v45, v44;
	v29 =	vadd.f32 v60, v46;
	v57 =	vld [tilespmem:s15+$0x13130]  }
0x711: {  	v48 =	vmul.f32 v20, v20;
	v31 =	vadd.f32 v62, v61;
	v2 =	vadd.f32 v4, v17;
	s3 =	smul.f32 s6, s3;
	v58 =	vld [tilespmem:s15+$0x7140]  }
0x712: {  	v18 =	vadd.f32 v63, v18;
	v30 =	vadd.f32 v1, v3;
	v3 =	vmul.f32 v43, v43;
	v44 =	vld [tilespmem:s15+$0x13140]  }
0x713: {  	v62 =	vmul.f32 v11, v11;
	v1 =	vadd.f32 $0.0e+00, v0;
	v4 =	vadd.f32 $0.0e+00, v41;
	[tilespmem:$0x1F640] =	vst v2;
	s3 =	smul.f32 s3, s6;
	v45 =	vld [tilespmem:s15+$0x7150]  }
0x714: {  	v11 =	vadd.f32 v11, v21;
	v21 =	vmul.f32 v14, v14;
	[tilespmem:s29+$0x7150] =	vst v2;
	v2 =	vmul.f32 v0, v0;
	v46 =	vld [tilespmem:s15+$0x13150];
	s5 =	smul.f32 s23, s5  }
0x715: {  	[tilespmem:$0x1F600] =	vst v6;
	v0 =	vmul.f32 v41, v41;
	v41 =	vmul.f32 v42, v42;
	v42 =	vadd.f32 v48, v47;
	v6 =	vld [tilespmem:s15+$0x7160]  }
0x716: {  	[tilespmem:s29+$0x7100] =	vst v27;
	v2 =	vadd.f32 v3, v2;
	v3 =	vadd.f32 v62, v59;
	v59 =	vmul.f32 v37, v37;
	v49 =	vld [tilespmem:s15+$0x13160];
	s3 =	ssub.f32 $1.500000000e+00, s3;
	s5 =	smul.f32 s5, s23  }
0x717: {  	v60 =	vmul.f32 v26, v26;
	v26 =	vadd.f32 $0.0e+00, v26;
	[tilespmem:s29+$0x7110] =	vst v28;
	v21 =	vadd.f32 v21, v42;
	v50 =	vld [tilespmem:s15+$0x7170]  }
0x718: {  	[tilespmem:s29+$0x7120] =	vst v19;
	v59 =	vadd.f32 v59, v41;
	v61 =	vld [tilespmem:s15+$0x13170];
	s0 =	smul.f32 s3, s6;
	s3 =	ssub.f32 $1.500000000e+00, s5;
	v41 =	vadd.f32 v51, v7  }
0x719: {  	s9 =	sadd.s32 $0x4, s9;
	[tilespmem:s29+$0x7130] =	vst v29;
	v7 =	vadd.f32 v10, v26;
	v42 =	vadd.f32 v44, v58;
	v58 =	vld [tilespmem:$0x1F5D0]  }
0x71a: {  	[tilespmem:s29+$0x7140] =	vst v31;
	s26 =	sadd.s32 $0xFFFFFFFE, s9;
	v26 =	vadd.f32 v53, v52;
	v53 =	vadd.f32 v37, v5;
	v5 =	vld [tilespmem:$0x1F5E0];
	s6 =	smul.f32 s3, s23;
	s23 =	sadd.s32 $0xC00, s22  }
0x71b: {  	[tilespmem:s29+$0x7160] =	vst v18;
	[smem:s26] =	sst s31;
	v8 =	vadd.f32 v49, v6;
	v6 =	vld [tilespmem:$0x1F5F0];
	s26 =	sor.u32 s21, s23  }
0x71c: {  	[tilespmem:s29+$0x7170] =	vst v30;
	v12 =	vld [tilespmem:s26+$0x7100]  }
0x71d: {  	v9 =	vld [tilespmem:s26+$0x13100]  }
0x71e: {  	v63 =	vmul.f32 v10, v10;
	v13 =	vld [tilespmem:s26+$0x7110]  }
0x71f: {  	v47 =	vld [tilespmem:s26+$0x13110]  }
0x720: {  	v48 =	vmul.f32 v35, v35;
	v62 =	vadd.f32 v63, v60;
	v63 =	vld [tilespmem:s26+$0x7120]  }
0x721: {  	v60 =	vld [tilespmem:s26+$0x13120]  }
0x722: {  	v0 =	vadd.f32 v48, v0;
	v48 =	vld [tilespmem:s26+$0x7130]  }
0x723: {  	v1 =	vadd.f32 v43, v1;
	v43 =	vld [tilespmem:s26+$0x13130]  }
0x724: {  	v34 =	vadd.f32 $0.0e+00, v34;
	v10 =	vld [tilespmem:s26+$0x7140]  }
0x725: {  	v4 =	vadd.f32 v35, v4;
	v35 =	vadd.f32 v55, v54;
	[tilespmem:s15+$0x7100] =	vst v41;
	v51 =	vld [tilespmem:s26+$0x13140]  }
0x726: {  	v37 =	vadd.f32 v57, v56;
	[tilespmem:s15+$0x7110] =	vst v26;
	v52 =	vld [tilespmem:s26+$0x7150]  }
0x727: {  	v20 =	vadd.f32 v20, v34;
	v34 =	vmul.f32 v40, v40;
	v17 =	vadd.f32 v46, v45;
	[tilespmem:s15+$0x7120] =	vst v35;
	v55 =	vld [tilespmem:s26+$0x13150]  }
0x728: {  	v54 =	vmul.f32 v16, v16;
	[tilespmem:s15+$0x7130] =	vst v37;
	v45 =	vld [tilespmem:s26+$0x7160]  }
0x729: {  	v2 =	vadd.f32 v34, v2;
	s31 =	sadd.s32 $0xFFFFFFFF, s9;
	v34 =	vadd.f32 v61, v50;
	[tilespmem:s15+$0x7150] =	vst v17;
	v46 =	vld [tilespmem:s26+$0x13160]  }
0x72a: {  	[smem:s31] =	sst s0;
	v3 =	vadd.f32 v54, v3;
	[tilespmem:s15+$0x7160] =	vst v8;
	v54 =	vld [tilespmem:s26+$0x7170]  }
0x72b: {  	[smem:s9] =	sst s30;
	[tilespmem:s15+$0x7170] =	vst v34;
	s30 =	sor.u32 s25, s23;
	v44 =	vld [tilespmem:s26+$0x13170]  }
0x72c: {  	v11 =	vadd.f32 v16, v11;
	[tilespmem:s15+$0x7140] =	vst v42;
	v56 =	vld [tilespmem:s30+$0x7100]  }
0x72d: {  	v1 =	vadd.f32 v40, v1;
	v4 =	vadd.f32 v36, v4;
	v57 =	vmul.f32 v15, v15;
	v16 =	vld [tilespmem:s30+$0x13100]  }
0x72e: {  	v49 =	vmul.f32 v36, v36;
	v61 =	vmul.f32 v38, v38;
	v36 =	vadd.f32 v38, v53;
	v38 =	vld [tilespmem:s30+$0x7110]  }
0x72f: {  	v14 =	vadd.f32 v14, v20;
	v1 =	vadd.f32 v39, v1;
	v40 =	vld [tilespmem:s30+$0x13110]  }
0x730: {  	v4 =	vadd.f32 v32, v4;
	v50 =	vadd.f32 v57, v62;
	v53 =	vld [tilespmem:s30+$0x7120]  }
0x731: {  	v62 =	vmul.f32 v39, v39;
	v7 =	vadd.f32 v15, v7;
	v39 =	vld [tilespmem:s30+$0x7130];
	v15 =	vmul.f32 v5, v5  }
0x732: {  	v0 =	vadd.f32 v49, v0;
	v49 =	vadd.f32 v61, v59;
	v59 =	vld [tilespmem:s30+$0x7140];
	v61 =	vmul.f32 v6, v6  }
0x733: {  	v20 =	vmul.f32 v58, v58;
	v57 =	vadd.f32 v58, v14;
	v58 =	vld [tilespmem:s30+$0x13120];
	v3 =	vadd.f32 v15, v3  }
0x734: {  	v15 =	vadd.f32 v61, v50;
	v50 =	vadd.f32 v6, v7;
	v6 =	vld [tilespmem:$0x1F600]  }
0x735: {  	v20 =	vadd.f32 v20, v21;
	v21 =	vmul.f32 v32, v32;
	v32 =	vadd.f32 v33, v36;
	v36 =	vld [tilespmem:s30+$0x7150]  }
0x736: {  	v11 =	vadd.f32 v5, v11;
	v61 =	vld [tilespmem:$0x1F610]  }
0x737: {  	v14 =	vadd.f32 v9, v12;
	v12 =	vld [tilespmem:s30+$0x13130];
	v5 =	vadd.f32 v43, v48  }
0x738: {  	v0 =	vadd.f32 v21, v0;
	v21 =	vadd.f32 v60, v63;
	v60 =	vld [tilespmem:s30+$0x13140]  }
0x739: {  	v2 =	vadd.f32 v62, v2;
	v62 =	vmul.f32 v33, v33;
	v48 =	vld [tilespmem:s30+$0x13150];
	[tilespmem:$0x1F9B0] =	vst v5;
	v7 =	vmul.f32 v6, v6  }
0x73a: {  	v33 =	vmul.f32 v25, v25;
	[tilespmem:s26+$0x7130] =	vst v5;
	v5 =	vadd.f32 v46, v45;
	v45 =	vadd.f32 v6, v57;
	v6 =	vld [tilespmem:$0x1F630]  }
0x73b: {  	v13 =	vadd.f32 v47, v13;
	v47 =	vadd.f32 v7, v20;
	v7 =	vld [tilespmem:$0x1F620]  }
0x73c: {  	v1 =	vadd.f32 v25, v1;
	v2 =	vadd.f32 v33, v2;
	v33 =	vld [tilespmem:s30+$0x7160];
	[tilespmem:s26+$0x7100] =	vst v14  }
0x73d: {  	v4 =	vadd.f32 v24, v4;
	v9 =	vadd.f32 v51, v10;
	v51 =	vld [tilespmem:s30+$0x7170];
	[tilespmem:s26+$0x7110] =	vst v13;
	v63 =	vmul.f32 v61, v61  }
0x73e: {  	s31 =	sadd.s32 $0x1000, s22;
	v1 =	vadd.f32 v26, v1;
	v49 =	vadd.f32 v62, v49;
	v62 =	vmul.f32 v24, v24;
	v43 =	vld [tilespmem:s30+$0x13170];
	[tilespmem:s26+$0x7120] =	vst v21  }
0x73f: {  	s15 =	sor.u32 s21, s31;
	[tilespmem:s26+$0x7140] =	vst v9;
	v46 =	vld [tilespmem:s30+$0x13160];
	v20 =	vadd.f32 v55, v52;
	v3 =	vadd.f32 v63, v3;
	v52 =	vmul.f32 v6, v6  }
0x740: {  	v11 =	vadd.f32 v61, v11;
	v61 =	vld [tilespmem:s15+$0x7110];
	v63 =	vmul.f32 v23, v23;
	v10 =	vmul.f32 v7, v7  }
0x741: {  	v55 =	vld [tilespmem:s15+$0x7100];
	[tilespmem:s26+$0x7150] =	vst v20;
	v25 =	vadd.f32 v7, v50;
	v50 =	vmul.f32 v27, v27;
	v3 =	vadd.f32 v52, v3  }
0x742: {  	[tilespmem:s26+$0x7160] =	vst v5;
	v52 =	vld [tilespmem:s15+$0x7120];
	v15 =	vadd.f32 v10, v15;
	v10 =	vadd.f32 v44, v54;
	v54 =	vmul.f32 v28, v28  }
0x743: {  	v44 =	vadd.f32 v63, v49;
	v49 =	vmul.f32 v26, v26;
	v63 =	vld [tilespmem:s15+$0x7130];
	v26 =	vadd.f32 v16, v56  }
0x744: {  	v16 =	vadd.f32 v27, v25;
	v27 =	vadd.f32 v60, v59;
	v60 =	vmov v17;
	v17 =	vld [tilespmem:$0x1F640];
	[tilespmem:s26+$0x7170] =	vst v10  }
0x745: {  	v1 =	vadd.f32 v42, v1;
	v0 =	vadd.f32 v62, v0;
	v57 =	vld [tilespmem:s15+$0x13100]  }
0x746: {  	v23 =	vadd.f32 v23, v32;
	v47 =	vadd.f32 v54, v47;
	v54 =	vld [tilespmem:s15+$0x13110]  }
0x747: {  	[tilespmem:$0x1F9C0] =	vst v5;
	v11 =	vadd.f32 v6, v11;
	v25 =	vadd.f32 v40, v38;
	v62 =	vld [tilespmem:s15+$0x13120]  }
0x748: {  	v24 =	vmul.f32 v22, v22;
	v38 =	vadd.f32 v22, v4;
	v22 =	vadd.f32 v46, v33;
	[tilespmem:s30+$0x7100] =	vst v26;
	v6 =	vld [tilespmem:s15+$0x13130]  }
0x749: {  	v32 =	vmul.f32 v41, v41;
	v40 =	vadd.f32 v41, v23;
	v23 =	vadd.f32 v43, v51;
	[tilespmem:s30+$0x7110] =	vst v25;
	v56 =	vld [tilespmem:s15+$0x7140]  }
0x74a: {  	v2 =	vadd.f32 v49, v2;
	v15 =	vadd.f32 v50, v15;
	[tilespmem:s30+$0x7160] =	vst v22;
	v5 =	vld [tilespmem:s15+$0x13140]  }
0x74b: {  	v44 =	vadd.f32 v32, v44;
	v32 =	vadd.f32 v58, v53;
	[tilespmem:s30+$0x7170] =	vst v23;
	v58 =	vld [tilespmem:s15+$0x7150]  }
0x74c: {  	v4 =	vmul.f32 v42, v42;
	v50 =	vadd.f32 v24, v0;
	v24 =	vadd.f32 v12, v39;
	[tilespmem:s30+$0x7140] =	vst v27;
	v7 =	vld [tilespmem:s15+$0x13150]  }
0x74d: {  	v49 =	vadd.f32 v28, v45;
	v0 =	vmul.f32 v31, v31;
	v28 =	vadd.f32 v48, v36;
	v45 =	vld [tilespmem:s15+$0x7160];
	[tilespmem:s30+$0x7120] =	vst v32  }
0x74e: {  	s17 =	sadd.s32 $0x1, s9;
	v12 =	vmul.f32 v19, v19;
	v53 =	vadd.f32 v19, v11;
	v59 =	vadd.f32 v29, v16;
	v46 =	vld [tilespmem:s15+$0x13160];
	[tilespmem:s30+$0x7130] =	vst v24  }
0x74f: {  	[smem:s17] =	sst s6;
	s17 =	sor.u32 s25, s31;
	v33 =	vmul.f32 v30, v30;
	v48 =	vadd.f32 v37, v40;
	v39 =	vadd.f32 v0, v47;
	[tilespmem:s30+$0x7150] =	vst v28;
	v47 =	vld [tilespmem:s15+$0x7170]  }
0x750: {  	v0 =	vmul.f32 v29, v29;
	v36 =	vadd.f32 v4, v2;
	v12 =	vadd.f32 v12, v3;
	v4 =	vld [tilespmem:s17+$0x13100]  }
0x751: {  	v2 =	vmul.f32 v35, v35;
	v3 =	vmul.f32 v37, v37;
	v31 =	vadd.f32 v31, v49;
	v43 =	vld [tilespmem:s17+$0x13110]  }
0x752: {  	v42 =	vmul.f32 v34, v34;
	v49 =	vadd.f32 v35, v38;
	v15 =	vadd.f32 v0, v15;
	v0 =	vld [tilespmem:s15+$0x13170]  }
0x753: {  	v11 =	vmul.f32 v17, v17;
	v41 =	vadd.f32 v2, v50;
	v51 =	vadd.f32 v3, v44;
	v2 =	vld [tilespmem:s17+$0x7100]  }
0x754: {  	v16 =	vmul.f32 v18, v18;
	v3 =	vld [tilespmem:s17+$0x7110];
	v40 =	vadd.f32 v33, v39;
	v37 =	vadd.f32 v42, v36  }
0x755: {  	v44 =	vld [tilespmem:s17+$0x7120];
	v50 =	vadd.f32 v30, v31;
	v35 =	vadd.f32 v11, v12  }
0x756: {  	p1 =	slt.u32 s10, $0x1E;
	v42 =	vld [tilespmem:s17+$0x7130];
	v36 =	vadd.f32 v16, v15;
	v19 =	vadd.f32 v57, v55  }
.Ltmp2:
0x757: {  	v11 =	vmul.f32 v60, v60;
	v12 =	vld [tilespmem:s17+$0x13120];
	v29 =	vadd.f32 v54, v61;
	v33 =	vadd.f32 v62, v52;
	(pc) =	sbr.rel @p1 .LBB2_7-.Ltmp2, $4  }
0x758: {  	v16 =	vadd.f32 v6, v63;
	v54 =	vadd.f32 v34, v1;
	v34 =	vld [tilespmem:s17+$0x13140];
	[tilespmem:s15+$0x7100] =	vst v19  }
0x759: {  	v15 =	vmul.f32 v8, v8;
	v52 =	vadd.f32 v17, v53;
	v38 =	vadd.f32 v11, v41;
	v11 =	vld [tilespmem:s17+$0x7140];
	[tilespmem:s15+$0x7110] =	vst v29  }
0x75a: {  	v53 =	vadd.f32 v18, v59;
	v17 =	vadd.f32 v7, v58;
	v41 =	vld [tilespmem:s17+$0x7150];
	[tilespmem:s15+$0x7120] =	vst v33  }
0x75b: {  	v39 =	vadd.f32 v15, v51;
	v15 =	vadd.f32 v5, v56;
	[tilespmem:s15+$0x7130] =	vst v16;
	v51 =	vld [tilespmem:s17+$0x13150]  }
0x75c: {  	v1 =	vadd.f32 v46, v45  }
0x75d: {  	v7 =	vadd.f32 v60, v49;
	v2 =	vadd.f32 v4, v2  }
0x75e: {  	v0 =	vadd.f32 v0, v47;
	v18 =	vadd.f32 v8, v48  }
0x75f: {  	[tilespmem:s15+$0x7150] =	vst v17;
	v31 =	vadd.f32 v21, v50;
	v3 =	vadd.f32 v43, v3  }
0x760: {  	v43 =	vadd.f32 v32, v54;
	v12 =	vadd.f32 v12, v44;
	[tilespmem:s15+$0x7140] =	vst v15  }
0x761: {  	v5 =	vld [tilespmem:s17+$0x7160];
	v54 =	vadd.f32 v14, v52;
	v56 =	vadd.f32 v13, v53;
	[tilespmem:s15+$0x7160] =	vst v1  }
0x762: {  	v6 =	vld [tilespmem:s17+$0x13160];
	v59 =	vmul.f32 v14, v14;
	v60 =	vmul.f32 v13, v13;
	[tilespmem:s17+$0x7100] =	vst v2;
	v11 =	vadd.f32 v34, v11  }
0x763: {  	v4 =	vld [tilespmem:s17+$0x7170];
	v62 =	vmul.f32 v26, v26;
	[tilespmem:s15+$0x7170] =	vst v0;
	v7 =	vadd.f32 v26, v7;
	v18 =	vadd.f32 v25, v18  }
0x764: {  	v30 =	vld [tilespmem:s17+$0x13170];
	v49 =	vmul.f32 v25, v25;
	[tilespmem:s17+$0x7110] =	vst v3;
	v61 =	vadd.f32 v20, v31;
	v14 =	vadd.f32 v59, v35  }
0x765: {  	v63 =	vld [tilespmem:s17+$0x13130];
	s0 =	sadd.s32 $0x1400, s22;
	[tilespmem:s17+$0x7120] =	vst v12;
	v13 =	vadd.f32 v60, v36;
	v26 =	vadd.f32 v62, v38  }
0x766: {  	v53 =	vmul.f32 v24, v24;
	s10 =	sor.u32 s21, s0;
	v25 =	vadd.f32 v49, v39;
	v57 =	vld [tilespmem:$0x1F9C0];
	v41 =	vadd.f32 v51, v41  }
0x767: {  	v31 =	vld [tilespmem:s10+$0x7170];
	v51 =	vadd.f32 v9, v56;
	v7 =	vadd.f32 v24, v7  }
0x768: {  	v58 =	vmul.f32 v32, v32;
	v32 =	vld [tilespmem:s10+$0x13170];
	v18 =	vadd.f32 v27, v18;
	v24 =	vadd.f32 v53, v26  }
0x769: {  	v55 =	vmul.f32 v20, v20;
	v38 =	vld [tilespmem:s10+$0x13140];
	v20 =	vadd.f32 v19, v61;
	v5 =	vadd.f32 v6, v5  }
0x76a: {  	v34 =	vld [tilespmem:s10+$0x7150];
	v9 =	vmul.f32 v9, v9;
	v4 =	vadd.f32 v30, v4;
	v30 =	vadd.f32 v63, v42  }
0x76b: {  	v36 =	vld [tilespmem:s10+$0x7160];
	v6 =	vmul.f32 v21, v21;
	v21 =	vadd.f32 v58, v37;
	v63 =	vadd.f32 v28, v43  }
0x76c: {  	v39 =	vld [tilespmem:s10+$0x13160];
	[tilespmem:s17+$0x7140] =	vst v11;
	v9 =	vadd.f32 v9, v13;
	v56 =	vadd.f32 v10, v51  }
0x76d: {  	v52 =	vmul.f32 v28, v28;
	v53 =	vld [tilespmem:s10+$0x13120];
	[tilespmem:s17+$0x7150] =	vst v41;
	v7 =	vadd.f32 v22, v7;
	v18 =	vadd.f32 v23, v18  }
0x76e: {  	v43 =	vld [tilespmem:s10+$0x7140];
	v10 =	vmul.f32 v10, v10;
	v49 =	vadd.f32 v16, v20;
	[tilespmem:s17+$0x7160] =	vst v5;
	v6 =	vadd.f32 v6, v40  }
0x76f: {  	v13 =	vld [tilespmem:s10+$0x13150];
	[tilespmem:s17+$0x7170] =	vst v4;
	v21 =	vadd.f32 v52, v21;
	v37 =	vadd.f32 v2, v63  }
0x770: {  	s15 =	sor.u32 s25, s0;
	v59 =	vmul.f32 v16, v16;
	v51 =	vld [tilespmem:s10+$0x7120];
	[tilespmem:s17+$0x7130] =	vst v30;
	v9 =	vadd.f32 v10, v9;
	v28 =	vadd.f32 v33, v56  }
0x771: {  	v2 =	vmul.f32 v2, v2;
	v35 =	vld [tilespmem:s15+$0x7170];
	v7 =	vadd.f32 v3, v7;
	v18 =	vadd.f32 v12, v18  }
0x772: {  	v63 =	vmul.f32 v33, v33;
	v8 =	vld [tilespmem:$0x1F9B0];
	v16 =	vadd.f32 v1, v49;
	v31 =	vadd.f32 v32, v31  }
0x773: {  	v60 =	vmul.f32 v19, v19;
	v42 =	vld [tilespmem:s15+$0x13170];
	v6 =	vadd.f32 v55, v6;
	v2 =	vadd.f32 v2, v21  }
0x774: {  	v58 =	vmul.f32 v23, v23;
	v23 =	vld [tilespmem:s15+$0x7140];
	v56 =	vadd.f32 v30, v37;
	v9 =	vadd.f32 v63, v9  }
0x775: {  	v10 =	vld [tilespmem:s15+$0x13140];
	v30 =	vmul.f32 v30, v30;
	v28 =	vadd.f32 v17, v28;
	v7 =	vadd.f32 v11, v7  }
0x776: {  	v40 =	vld [tilespmem:s15+$0x7160];
	v18 =	vadd.f32 v41, v18;
	v6 =	vadd.f32 v60, v6  }
0x777: {  	v44 =	vld [tilespmem:s15+$0x13160];
	v2 =	vadd.f32 v30, v2;
	v13 =	vadd.f32 v13, v34  }
0x778: {  	v47 =	vmul.f32 v57, v57;
	v46 =	vadd.f32 v53, v51;
	v7 =	vadd.f32 v4, v7  }
0x779: {  	v48 =	vld [tilespmem:s10+$0x7110];
	v1 =	vmul.f32 v1, v1;
	v50 =	vadd.f32 v8, v54;
	v6 =	vadd.f32 v59, v6  }
0x77a: {  	v63 =	vld [tilespmem:s15+$0x7130];
	v8 =	vmul.f32 v8, v8;
	v35 =	vadd.f32 v42, v35;
	v42 =	vadd.f32 v38, v43  }
0x77b: {  	v60 =	vld [tilespmem:s15+$0x13110];
	v54 =	vmul.f32 v27, v27;
	v43 =	vadd.f32 v39, v36;
	v10 =	vadd.f32 v10, v23  }
0x77c: {  	v59 =	vmul.f32 v41, v41;
	v41 =	vld [tilespmem:s15+$0x13130];
	v45 =	vadd.f32 v44, v40;
	v8 =	vadd.f32 v8, v14  }
0x77d: {  	v27 =	vld [tilespmem:s15+$0x13150];
	v55 =	vadd.f32 v57, v50;
	v14 =	vadd.f32 v54, v25;
	v57 =	vmul.f32 v22, v22  }
0x77e: {  	v22 =	vld [tilespmem:s15+$0x7150];
	v54 =	vmul.f32 v17, v17;
	v1 =	vadd.f32 v1, v6;
	v8 =	vadd.f32 v47, v8  }
0x77f: {  	v62 =	vmul.f32 v29, v29;
	v50 =	vld [tilespmem:s10+$0x13110];
	v24 =	vadd.f32 v57, v24;
	v14 =	vadd.f32 v58, v14  }
0x780: {  	v3 =	vmul.f32 v3, v3;
	v61 =	vadd.f32 v29, v55;
	v55 =	vld [tilespmem:s10+$0x7130];
	v9 =	vadd.f32 v54, v9  }
0x781: {  	v12 =	vmul.f32 v12, v12;
	v57 =	vld [tilespmem:s10+$0x13130];
	v17 =	vadd.f32 v41, v63;
	v8 =	vadd.f32 v62, v8  }
0x782: {  	v58 =	vld [tilespmem:s15+$0x7110];
	v25 =	vadd.f32 v15, v61;
	v3 =	vadd.f32 v3, v24  }
0x783: {  	v52 =	vmul.f32 v15, v15;
	v12 =	vadd.f32 v12, v14;
	v61 =	vld [tilespmem:s15+$0x7120];
	v14 =	vadd.f32 v5, v56  }
0x784: {  	v11 =	vmul.f32 v11, v11;
	v62 =	vld [tilespmem:s15+$0x13120];
	v22 =	vadd.f32 v27, v22;
	v19 =	vadd.f32 v50, v48  }
0x785: {  	v5 =	vmul.f32 v5, v5;
	v8 =	vadd.f32 v52, v8;
	v25 =	vadd.f32 v0, v25  }
0x786: {  	v6 =	vld [tilespmem:s10+$0x7100];
	v3 =	vadd.f32 v11, v3;
	v11 =	vadd.f32 v59, v12;
	v0 =	vmul.f32 v0, v0  }
0x787: {  	v4 =	vmul.f32 v4, v4;
	v2 =	vadd.f32 v5, v2;
	v5 =	vld [tilespmem:s15+$0x7100];
	v21 =	vadd.f32 v57, v55  }
0x788: {  	v15 =	vadd.f32 v60, v58;
	v0 =	vadd.f32 v0, v8;
	v8 =	vld [tilespmem:s10+$0x13100]  }
0x789: {  	v48 =	vmul.f32 v46, v46;
	v3 =	vadd.f32 v4, v3;
	v4 =	vld [tilespmem:s15+$0x13100];
	v12 =	vadd.f32 v62, v61  }
0x78a: {  	v47 =	vadd.f32 v46, v25;
	v14 =	vadd.f32 v15, v14;
	v26 =	vmul.f32 v15, v15  }
0x78b: {  	v53 =	vmul.f32 v13, v13;
	v0 =	vadd.f32 v48, v0;
	v7 =	vadd.f32 v12, v7  }
0x78c: {  	v2 =	vadd.f32 v26, v2;
	v14 =	vadd.f32 v10, v14  }
0x78d: {  	v0 =	vadd.f32 v53, v0;
	v6 =	vadd.f32 v8, v6  }
0x78e: {  	v4 =	vadd.f32 v4, v5;
	v5 =	vadd.f32 v19, v16  }
0x78f: {  	v8 =	vmul.f32 v19, v19;
	v16 =	vadd.f32 v13, v47;
	v7 =	vadd.f32 v22, v7  }
0x790: {  	v14 =	vadd.f32 v35, v14;
	v49 =	vadd.f32 v6, v28  }
0x791: {  	v18 =	vadd.f32 v4, v18;
	v1 =	vadd.f32 v8, v1;
	v8 =	vmul.f32 v12, v12  }
0x792: {  	v5 =	vadd.f32 v42, v5;
	v50 =	vmul.f32 v6, v6;
	v51 =	vmul.f32 v4, v4  }
0x793: {  	v52 =	vmul.f32 v42, v42;
	v3 =	vadd.f32 v8, v3;
	v8 =	vadd.f32 v21, v49  }
0x794: {  	v54 =	vmul.f32 v21, v21;
	v9 =	vadd.f32 v50, v9;
	v11 =	vadd.f32 v51, v11  }
0x795: {  	v1 =	vadd.f32 v52, v1;
	v8 =	vadd.f32 v43, v8  }
0x796: {  	v55 =	vmul.f32 v43, v43;
	v18 =	vadd.f32 v17, v18;
	v9 =	vadd.f32 v54, v9  }
0x797: {  	v57 =	vmul.f32 v31, v31;
	v5 =	vadd.f32 v31, v5;
	v8 =	vadd.f32 v8, v16  }
0x798: {  	v56 =	vmul.f32 v17, v17;
	v18 =	vadd.f32 v45, v18;
	v9 =	vadd.f32 v55, v9  }
0x799: {  	v1 =	vadd.f32 v57, v1;
	v5 =	vadd.f32 v5, v8;
	v8 =	vmul.f32 v10, v10  }
0x79a: {  	v58 =	vmul.f32 v45, v45;
	v7 =	vadd.f32 v18, v7;
	v0 =	vadd.f32 v9, v0  }
0x79b: {  	v11 =	vadd.f32 v56, v11;
	v2 =	vadd.f32 v8, v2;
	v8 =	vmul.f32 v22, v22  }
0x79c: {  	v7 =	vadd.f32 v14, v7;
	v0 =	vadd.f32 v1, v0  }
0x79d: {  	v9 =	vmul.f32 v35, v35;
	(xrf2) =	vadd.scan.msk.f32 $0xffff, v5;
	v3 =	vadd.f32 v8, v3;
	v8 =	vadd.f32 v58, v11  }
0x79e: {  	(xrf2) =	vadd.scan.msk.f32 $0xffff, v7  }
0x79f: {  	v1 =	vadd.f32 v9, v2;
	(xrf2) =	vadd.scan.msk.f32 $0xffff, v0;
	v2 =	vadd.f32 v8, v3;
	_ =	sdelay $0x1  }
0x7a0: {  	v0 =	vadd.f32 v1, v2;
	_ =	sdelay $0x1  }
0x7a1: {  	(xrf2) =	vadd.scan.msk.f32 $0xffff, v0;
	_ =	sdelay $0x3  }
0x7a2: {  	v0, _, _ =	vpop (xrf2)  }
0x7a3: {  	v1, _, _ =	vpop (xrf2);
	(v2sf) =	vpush v0, $0xF  }
0x7a4: {  	v0, _, _ =	vpop (xrf2);
	(v2sf) =	vpush v1, $0xF  }
0x7a5: {  	(v2sf) =	vpush v0, $0xF;
	_ =	sdelay $0x2  }
0x7a6: {  	v0, _, _ =	vpop (xrf2)  }
0x7a7: {  	(v2sf) =	vpush v0, $0xF;
	_ =	sdelay $0x8  }
0x7a8: {  	s26 =	spop (v2sf)  }
0x7a9: {  	s0 =	smul.f32 $1.302083370e-03, s26;
	s3 =	spop (v2sf)  }
0x7aa: {  	s3 =	smul.f32 $1.302083370e-03, s3;
	s5 =	spop (v2sf)  }
0x7ab: {  	s5 =	smul.f32 $1.302083370e-03, s5  }
0x7ac: {  	s6 =	smul.f32 s0, s0  }
0x7ad: {  	s31 =	smul.f32 s3, s3  }
0x7ae: {  	s5 =	ssub.f32 s5, s6;
	s30 =	spop (v2sf)  }
0x7af: {  	s17 =	smul.f32 $1.302083370e-03, s30  }
0x7b0: {  	s5 =	sadd.f32 $9.999999740e-06, s5  }
0x7b1: {  	s22 =	ssub.f32 s17, s31  }
0x7b2: {  	s23 =	sshrl.u32 s5, $0x1;
	s5 =	smul.f32 $5.000000000e-01, s5  }
0x7b3: {  	s17 =	ssub.s32 $0x5F375A86, s23;
	s6 =	sadd.f32 $9.999999740e-06, s22  }
0x7b4: {  	[tilespmem:s10+$0x7170] =	vst v31;
	s25 =	smul.f32 s17, s5  }
0x7b5: {  	[tilespmem:s10+$0x7150] =	vst v13;
	s24 =	sshrl.u32 s6, $0x1;
	s6 =	smul.f32 $5.000000000e-01, s6  }
0x7b6: {  	[tilespmem:s10+$0x7120] =	vst v46;
	s22 =	smul.f32 s17, s25;
	s21 =	ssub.s32 $0x5F375A86, s24  }
0x7b7: {  	[tilespmem:s15+$0x7170] =	vst v35;
	s23 =	smul.f32 s21, s6  }
0x7b8: {  	[tilespmem:s10+$0x7140] =	vst v42;
	s22 =	ssub.f32 $1.500000000e+00, s22  }
0x7b9: {  	[tilespmem:s10+$0x7160] =	vst v43;
	s23 =	smul.f32 s21, s23  }
0x7ba: {  	[tilespmem:s15+$0x7140] =	vst v10;
	s17 =	smul.f32 s17, s22  }
0x7bb: {  	[tilespmem:s15+$0x7160] =	vst v45;
	s23 =	ssub.f32 $1.500000000e+00, s23  }
0x7bc: {  	[tilespmem:s15+$0x7130] =	vst v17;
	s5 =	smul.f32 s17, s5  }
0x7bd: {  	[tilespmem:s10+$0x7110] =	vst v19;
	s21 =	smul.f32 s21, s23  }
0x7be: {  	[tilespmem:s15+$0x7150] =	vst v22;
	s5 =	smul.f32 s5, s17  }
0x7bf: {  	[tilespmem:s10+$0x7130] =	vst v21;
	s6 =	smul.f32 s21, s6  }
0x7c0: {  	[tilespmem:s15+$0x7110] =	vst v15  }
0x7c1: {  	[tilespmem:s15+$0x7120] =	vst v12;
	s5 =	ssub.f32 $1.500000000e+00, s5;
	s6 =	smul.f32 s6, s21  }
0x7c2: {  	s9 =	sadd.s32 $0x4, s9;
	[tilespmem:s10+$0x7100] =	vst v6  }
0x7c3: {  	[tilespmem:s15+$0x7100] =	vst v4;
	s26 =	sadd.s32 $0xFFFFFFFE, s9;
	s5 =	smul.f32 s5, s17;
	s6 =	ssub.f32 $1.500000000e+00, s6  }
0x7c4: {  	[smem:s26] =	sst s0;
	s30 =	sadd.s32 $0xFFFFFFFF, s9  }
0x7c5: {  	[smem:s30] =	sst s5;
	s31 =	smul.f32 s6, s21  }
0x7c6: {  	s5 =	sadd.s32 $0x1, s9;
	[smem:s9] =	sst s3  }
0x7c7: {  	s0 =	simm.s32 @!p0 $0x5;
	[smem:s5] =	sst s31  }
0x7c8: {  	_ =	swait.ge @!p0 [sflag:s0], $0x6000  }
0x7c9: {  	[sflag:s0] =	ssyncset.done @!p0 $0x0  }
0x7ca: {  	[sflag:s0] =	ssyncadd.s32 @!p0 $0xFFFFA000  }
0x7cb: {  	v0 =	vld @!p0 [tilespmem:s20+$0x800];
	_ =	sdelay $0x4  }
0x7cc: {  	s0 =	sand.u32 @!p0 $0x1C0, s20;
	v0 =	vshll.u32 @!p0 v0, $0x9  }
0x7cd: {  	v1 =	vlaneseq.u32 @!p0;
	v0 =	vor.u32 @!p0 s0, v0  }
0x7ce: {  	v0 =	vor.u32 @!p0 v1, v0  }
0x7cf: {  	v2 =	vshrl.u32 @!p0 v0, $0x3  }
0x7d0: {  	[tilespmem:$0x1000] =	vst @!p0 v0;
	v0 =	vmul.u32 @!p0 $0x30, v2  }
0x7d1: {  	v3 =	vand.u32 @!p0 $0x7, v1;
	v2 =	vld @!p0 [tilespmem:s20+$0x810]  }
0x7d2: {  	v4 =	vshrl.u32 @!p0 v1, $0x3;
	v0 =	vor.u32 @!p0 v3, v0  }
0x7d3: {  	v4 =	vmul.u32 @!p0 $0x8, v4;
	v5 =	vperm.xlane @!p0 v0, v3;
	_ =	sdelay $0x1  }
0x7d4: {  	v5 =	vadd.s32 @!p0 v4, v5  }
0x7d5: {  	s0 =	sor.u32 @!p0 $0x10, s0;
	v2 =	vshll.u32 @!p0 v2, $0x9  }
0x7d6: {  	v2 =	vor.u32 @!p0 s0, v2  }
0x7d7: {  	v2 =	vor.u32 @!p0 v1, v2;
	v1 =	vor.u32 @!p0 $0x8, v1  }
0x7d8: {  	s3 =	simm.s32 @!p0 $0xD100;
	s0 =	simm.s32 @!p0 $0x0;
	[tilespmem:$0x1010] =	vst @!p0 v2;
	v0 =	vperm.xlane @!p0 v0, v1  }
0x7d9: {  	[tilespmem:s3], [sflag:$0x3] =	stream.indirect_vreg.gather @!p0 [hbm4b:s2+s0], $0x80, v5, vm1, $0xb8;
	[tilespmem:$0x19700] =	vst v63  }
0x7da: {  	s3 =	simm.s32 @!p0 $0xD900;
	v0 =	vadd.s32 @!p0 v4, v0  }
0x7db: {  	[tilespmem:s3], [sflag:$0x3] =	stream.indirect_vreg.gather @!p0 [hbm4b:s13+s0], $0x80, v5, vm1, $0xb8;
	[tilespmem:$0x19700] =	vst v63  }
0x7dc: {  	s3 =	simm.s32 @!p0 $0xE100  }
0x7dd: {  	[tilespmem:s3], [sflag:$0x3] =	stream.indirect_vreg.gather @!p0 [hbm4b:s14+s0], $0x80, v5, vm1, $0xb8;
	[tilespmem:$0x19700] =	vst v63  }
0x7de: {  	s3 =	simm.s32 @!p0 $0xE900  }
0x7df: {  	[tilespmem:s3], [sflag:$0x3] =	stream.indirect_vreg.gather @!p0 [hbm4b:s2+s0], $0x80, v0, vm1, $0xb8;
	[tilespmem:$0x19700] =	vst v63  }
0x7e0: {  	s3 =	simm.s32 @!p0 $0xF100  }
0x7e1: {  	[tilespmem:s3], [sflag:$0x3] =	stream.indirect_vreg.gather @!p0 [hbm4b:s13+s0], $0x80, v0, vm1, $0xb8;
	[tilespmem:$0x19700] =	vst v63  }
0x7e2: {  	s3 =	simm.s32 @!p0 $0xF900  }
0x7e3: {  	[tilespmem:s3], [sflag:$0x3] =	stream.indirect_vreg.gather @!p0 [hbm4b:s14+s0], $0x80, v0, vm1, $0xb8;
	[tilespmem:$0x19700] =	vst v63  }
0x7e4: {  	v0 =	vld @!p0 [tilespmem:$0x1010];
	_ =	sdelay $0x4  }
0x7e5: {  	v2 =	vshrl.u32 @!p0 v0, $0x3  }
0x7e6: {  	v2 =	vmul.u32 @!p0 $0x30, v2  }
0x7e7: {  	v0 =	vand.u32 @!p0 $0x7, v0  }
0x7e8: {  	v0 =	vor.u32 @!p0 v0, v2  }
0x7e9: {  	v2 =	vperm.xlane @!p0 v0, v3;
	_ =	sdelay $0x1  }
0x7ea: {  	v2 =	vadd.s32 @!p0 v4, v2;
	_ =	sdelay $0x3  }
0x7eb: {  	s3 =	simm.s32 @!p0 $0x10100;
	v0 =	vperm.xlane @!p0 v0, v1  }
0x7ec: {  	[tilespmem:s3], [sflag:$0x3] =	stream.indirect_vreg.gather @!p0 [hbm4b:s2+s0], $0x80, v2, vm1, $0xb8;
	[tilespmem:$0x19700] =	vst v63  }
0x7ed: {  	v0 =	vadd.s32 @!p0 v4, v0;
	s3 =	simm.s32 @!p0 $0x10900  }
0x7ee: {  	[tilespmem:s3], [sflag:$0x3] =	stream.indirect_vreg.gather @!p0 [hbm4b:s13+s0], $0x80, v2, vm1, $0xb8;
	[tilespmem:$0x19700] =	vst v63  }
0x7ef: {  	s3 =	simm.s32 @!p0 $0x11100  }
0x7f0: {  	[tilespmem:s3], [sflag:$0x3] =	stream.indirect_vreg.gather @!p0 [hbm4b:s14+s0], $0x80, v2, vm1, $0xb8;
	[tilespmem:$0x19700] =	vst v63  }
0x7f1: {  	s3 =	simm.s32 @!p0 $0x11900  }
0x7f2: {  	[tilespmem:s3], [sflag:$0x3] =	stream.indirect_vreg.gather @!p0 [hbm4b:s2+s0], $0x80, v0, vm1, $0xb8;
	[tilespmem:$0x19700] =	vst v63  }
0x7f3: {  	s3 =	simm.s32 @!p0 $0x12100  }
0x7f4: {  	[tilespmem:s3], [sflag:$0x3] =	stream.indirect_vreg.gather @!p0 [hbm4b:s13+s0], $0x80, v0, vm1, $0xb8;
	[tilespmem:$0x19700] =	vst v63  }
0x7f5: {  	s6 =	simm.s32 $0x0;
	s3 =	simm.s32 @!p0 $0x12900  }
0x7f6: {  	[tilespmem:s3], [sflag:$0x3] =	stream.indirect_vreg.gather @!p0 [hbm4b:s14+s0], $0x80, v0, vm1, $0xb8;
	[tilespmem:$0x19700] =	vst v63  }
0x7f7: {  	s0 =	sand.u32 $0x6, s6  }
0x7f8: {  	s9 =	sshrl.u32 s0, $0x1  }
0x7f9: {  	s10 =	simm.s32 $0x0;
	s3 =	smul.u32 $0x1800, s9  }
0x7fa: {  	s15 =	simm.s32 $0x0;
	s5 =	sand.u32 $0x1C00, s10  }
0x7fb: {  	s17 =	sand.u32 $0x70, s15;
	s3 =	sadd.s32 s5, s3  }
0x7fc: {  	s22 =	sor.u32 s17, s3  }
0x7fd: {  	s0 =	sshll.u32 s0, $0x3;
	v0 =	vld [tilespmem:s22+$0x7300]  }
0x7fe: {  	s20 =	sld [smem:s0+$0x8]  }
0x7ff: {  	s6 =	sand.u32 $0xFFFFFFF0, s15;
	v1 =	vld [tilespmem:s22+$0x7380]  }
0x800: {  	v5 =	vld [tilespmem:s6+$0x19100];
	s23 =	sld [smem:s0+$0xA]  }
0x801: {  	s21 =	sld [smem:s0+$0x9];
	v3 =	vmov s20;
	v2 =	vld [tilespmem:s22+$0x7400]  }
0x802: {  	s24 =	sld [smem:s0+$0xC];
	v0 =	vsub.f32 v0, v3  }
0x803: {  	v6 =	vld [tilespmem:s6+$0x19400];
	s25 =	sld [smem:s0+$0xB];
	v3 =	vmov s23  }
0x804: {  	s26 =	sld [smem:s0+$0xD];
	v1 =	vsub.f32 v1, v3;
	v0 =	vmul.f32 s21, v0  }
0x805: {  	s30 =	sld [smem:s0+$0x0];
	v3 =	vmov s24  }
0x806: {  	s10 =	sld [smem:s0+$0x4];
	v4 =	vld [tilespmem:s22+$0x7100];
	v2 =	vsub.f32 v2, v3;
	v1 =	vmul.f32 s25, v1;
	v0 =	vmul.f32 v0, v5  }
0x807: {  	s5 =	sld [smem:s0+$0x2];
	v3 =	vld [tilespmem:s22+$0x7180]  }
0x808: {  	s15 =	simm.s32 $0x2;
	s17 =	sld [smem:s0+$0x1];
	v8 =	vld [tilespmem:s22+$0x7280];
	v2 =	vmul.f32 s26, v2;
	v1 =	vmul.f32 v1, v5;
	v0 =	vadd.f32 v0, v6  }
0x809: {  	v7 =	vld [tilespmem:s22+$0x7200];
	s23 =	sand.u32 $0x6, s15;
	s21 =	sld [smem:s0+$0x6]  }
0x80a: {  	v9 =	vmov s30;
	s24 =	sld [smem:s0+$0x3];
	s31 =	sshrl.u32 s23, $0x1;
	v2 =	vmul.f32 v2, v5;
	v1 =	vadd.f32 v1, v6;
	[tilespmem:s22+$0x13300] =	vst v0  }
0x80b: {  	s25 =	smul.u32 $0x1800, s31;
	s26 =	simm.s32 $0x20;
	v0 =	vsub.f32 v4, v9;
	v4 =	vmov s5;
	s30 =	sld [smem:s0+$0x5]  }
0x80c: {  	s31 =	simm.s32 $0x4;
	s20 =	sand.u32 $0x1C00, s26;
	v2 =	vadd.f32 v2, v6;
	s26 =	sld [smem:s0+$0x7];
	v3 =	vsub.f32 v3, v4;
	[tilespmem:s22+$0x13380] =	vst v1;
	v1 =	vmov s21  }
0x80d: {  	s20 =	sadd.s32 s20, s25;
	v9 =	vmov s10;
	v0 =	vmul.f32 s17, v0;
	s17 =	sand.u32 $0x70, s31;
	v1 =	vsub.f32 v8, v1  }
0x80e: {  	s3 =	sor.u32 s3, s6;
	s10 =	sshll.u32 s23, $0x3;
	v4 =	vsub.f32 v7, v9;
	[tilespmem:s22+$0x13400] =	vst v2;
	s9 =	sor.u32 s17, s20;
	v2 =	vmul.f32 s24, v3  }
0x80f: {  	s23 =	sld [smem:s10+$0x9];
	s17 =	sor.u32 $0x380, s3;
	v7 =	vld [tilespmem:s9+$0x7300];
	v0 =	vmul.f32 v0, v5;
	v1 =	vmul.f32 s26, v1  }
0x810: {  	s24 =	sld [smem:s10+$0x8];
	v3 =	vmul.f32 s30, v4;
	v4 =	vld [tilespmem:s17+$0x7100]  }
0x811: {  	s6 =	sld [smem:s0+$0xE];
	v9 =	vld [tilespmem:s9+$0x7380];
	v2 =	vmul.f32 v2, v5;
	v8 =	vadd.f32 v0, v6;
	v60 =	vmul.f32 v1, v5  }
0x812: {  	s21 =	sand.u32 $0xFFFFFFF0, s31;
	s30 =	sld [smem:s10+$0xA];
	v10 =	vld [tilespmem:s9+$0x7400];
	v3 =	vmul.f32 v3, v5  }
0x813: {  	s31 =	sld [smem:s10+$0xC];
	v0 =	vld [tilespmem:s21+$0x19100];
	v11 =	vmov s24;
	v59 =	vadd.f32 v2, v6;
	[tilespmem:s22+$0x13100] =	vst v8;
	v62 =	vadd.f32 v60, v6  }
0x814: {  	v1 =	vld [tilespmem:s21+$0x19400];
	v7 =	vsub.f32 v7, v11;
	v11 =	vadd.f32 v3, v6;
	s0 =	sld [smem:s0+$0xF];
	v3 =	vmov s6  }
0x815: {  	s24 =	sld [smem:s10+$0xB];
	v2 =	vld [tilespmem:s9+$0x7100];
	v61 =	vmov s30;
	[tilespmem:s22+$0x13180] =	vst v59;
	v63 =	vsub.f32 v4, v3  }
0x816: {  	s25 =	sld [smem:s10+$0xD];
	v9 =	vsub.f32 v9, v61;
	v3 =	vld [tilespmem:s9+$0x7180];
	[tilespmem:s22+$0x13280] =	vst v62;
	v8 =	vmul.f32 s23, v7;
	v7 =	vmov s31  }
0x817: {  	s29 =	sld [smem:s10+$0x0];
	v4 =	vld [tilespmem:s9+$0x7200];
	[tilespmem:s22+$0x13200] =	vst v11;
	v10 =	vsub.f32 v10, v7;
	v7 =	vmul.f32 s0, v63  }
.LBB2_9:
0x818: {  	s15 =	sadd.s32 $0x2, s15;
	s0 =	sld [smem:s10+$0x2];
	v11 =	vld [tilespmem:s9+$0x7280];
	v8 =	vmul.f32 v8, v0;
	v9 =	vmul.f32 s24, v9  }
0x819: {  	s3 =	sand.u32 $0x6, s15;
	s5 =	sld [smem:s10+$0x4];
	v10 =	vmul.f32 s25, v10;
	v7 =	vmul.f32 v7, v5;
	v5 =	vmov v0  }
0x81a: {  	s6 =	sshrl.u32 s3, $0x1;
	v0 =	vmov s29;
	s22 =	sld [smem:s10+$0x6];
	v8 =	vadd.f32 v8, v1;
	v9 =	vmul.f32 v9, v5  }
0x81b: {  	s23 =	sshll.u32 s15, $0x4;
	s6 =	smul.u32 $0x1800, s6;
	s24 =	sld [smem:s10+$0x1];
	v12 =	vmov s0;
	v10 =	vmul.f32 v10, v5;
	v7 =	vadd.f32 v7, v6;
	v6 =	vmovc v1  }
0x81c: {  	s25 =	sshll.u32 s15, $0x1;
	s0 =	sand.u32 $0x1C00, s23;
	v0 =	vsub.f32 v2, v0;
	s23 =	sld [smem:s10+$0x3];
	v1 =	vmov s5;
	[tilespmem:s9+$0x13300] =	vst v8;
	v2 =	vadd.f32 v9, v6  }
0x81d: {  	s5 =	sand.u32 $0x70, s25;
	v3 =	vsub.f32 v3, v12;
	s6 =	sadd.s32 s0, s6;
	s26 =	sld [smem:s10+$0x5];
	v8 =	vmov s22;
	v9 =	vadd.f32 v10, v6;
	[tilespmem:s17+$0x13100] =	vst v7  }
0x81e: {  	v1 =	vsub.f32 v4, v1;
	s17 =	sor.u32 s20, s21;
	s0 =	sor.u32 s5, s6;
	v0 =	vmul.f32 s24, v0;
	s5 =	sld [smem:s10+$0x7];
	v4 =	vsub.f32 v11, v8;
	[tilespmem:s9+$0x13380] =	vst v2  }
0x81f: {  	s3 =	sshll.u32 s3, $0x3;
	s17 =	sor.u32 $0x380, s17;
	v7 =	vld [tilespmem:s0+$0x7300];
	v2 =	vmul.f32 s23, v3;
	[tilespmem:s9+$0x13400] =	vst v9;
	s22 =	sld [smem:s10+$0xE]  }
0x820: {  	p0 =	slt.u32 s15, $0x17E;
	s20 =	smov.u32 s6;
	s23 =	sld [smem:s3+$0x8];
	v0 =	vmul.f32 v0, v5;
	v1 =	vmul.f32 s26, v1;
	v3 =	vld [tilespmem:s17+$0x7100]  }
0x821: {  	s6 =	sld [smem:s3+$0x9];
	v9 =	vld [tilespmem:s0+$0x7380];
	v2 =	vmul.f32 v2, v5;
	v4 =	vmul.f32 s5, v4  }
0x822: {  	s21 =	sand.u32 $0xFFFFFFF0, s25;
	s5 =	sld [smem:s3+$0xA];
	v10 =	vld [tilespmem:s0+$0x7400];
	v8 =	vadd.f32 v0, v6;
	v1 =	vmul.f32 v1, v5  }
.Ltmp3:
0x823: {  	v0 =	vld [tilespmem:s21+$0x19100];
	v11 =	vmov s23;
	s23 =	sld [smem:s3+$0xC];
	v12 =	vadd.f32 v2, v6;
	v4 =	vmul.f32 v4, v5;
	(pc) =	sbr.rel @p0 .LBB2_9-.Ltmp3, $4  }
0x824: {  	v2 =	vld [tilespmem:s0+$0x7100];
	v7 =	vsub.f32 v7, v11;
	[tilespmem:s9+$0x13100] =	vst v8;
	v11 =	vadd.f32 v1, v6;
	s26 =	sld [smem:s10+$0xF];
	v8 =	vmov s22;
	s10 =	smov.u32 s3  }
0x825: {  	v1 =	vld [tilespmem:s21+$0x19400];
	s24 =	sld [smem:s10+$0xB];
	v13 =	vmov s5;
	[tilespmem:s9+$0x13180] =	vst v12;
	v12 =	vadd.f32 v4, v6;
	v14 =	vsub.f32 v3, v8  }
0x826: {  	v3 =	vld [tilespmem:s0+$0x7180];
	v8 =	vmul.f32 s6, v7;
	v9 =	vsub.f32 v9, v13;
	s25 =	sld [smem:s10+$0xD];
	v7 =	vmov s23;
	[tilespmem:s9+$0x13200] =	vst v11  }
0x827: {  	s29 =	sld [smem:s10+$0x0];
	v4 =	vld [tilespmem:s0+$0x7200];
	v10 =	vsub.f32 v10, v7;
	[tilespmem:s9+$0x13280] =	vst v12;
	v7 =	vmul.f32 s26, v14;
	s9 =	smov.u32 s0  }
0x828: {  	s0 =	sld [smem:s10+$0x2];
	v8 =	vmul.f32 v8, v0;
	v9 =	vmul.f32 s24, v9  }
0x829: {  	s3 =	sld [smem:s10+$0x4];
	v10 =	vmul.f32 s25, v10  }
0x82a: {  	s6 =	sld [smem:s10+$0x1];
	v8 =	vadd.f32 v8, v1;
	v11 =	vmov s29;
	v9 =	vmul.f32 v9, v0  }
0x82b: {  	s5 =	sld [smem:s10+$0x6];
	v10 =	vmul.f32 v10, v0;
	v2 =	vsub.f32 v2, v11  }
0x82c: {  	s15 =	sld [smem:s10+$0x3];
	[tilespmem:s9+$0x13300] =	vst v8;
	v53 =	vadd.f32 v9, v1  }
0x82d: {  	s22 =	sld [smem:s10+$0x5];
	v54 =	vadd.f32 v10, v1;
	v2 =	vmul.f32 s6, v2  }
0x82e: {  	s20 =	sor.u32 s20, s21;
	s24 =	sld [smem:s10+$0x7];
	[tilespmem:s9+$0x13380] =	vst v53  }
0x82f: {  	v55 =	vld [tilespmem:s9+$0x7280];
	s20 =	sor.u32 $0x380, s20;
	[tilespmem:s9+$0x13400] =	vst v54;
	v2 =	vmul.f32 v2, v0  }
0x830: {  	v9 =	vld [tilespmem:s20+$0x7100]  }
0x831: {  	v56 =	vmov s0;
	s25 =	sld [smem:s10+$0xE];
	v2 =	vadd.f32 v2, v1  }
0x832: {  	v57 =	vmov s3;
	v3 =	vsub.f32 v3, v56  }
0x833: {  	v58 =	vmov s5;
	v4 =	vsub.f32 v4, v57;
	[tilespmem:s9+$0x13100] =	vst v2  }
0x834: {  	v59 =	vsub.f32 v55, v58;
	v3 =	vmul.f32 s15, v3;
	v60 =	vmov s25;
	s26 =	sld [smem:s10+$0xF]  }
0x835: {  	v5 =	vmul.f32 v7, v5;
	v4 =	vmul.f32 s22, v4;
	v61 =	vsub.f32 v9, v60  }
0x836: {  	v3 =	vmul.f32 v3, v0;
	v2 =	vmul.f32 s24, v59  }
0x837: {  	v5 =	vadd.f32 v5, v6;
	v4 =	vmul.f32 v4, v0;
	v62 =	vmul.f32 s26, v61  }
0x838: {  	s18 =	sadd.s32 $0x1, s18;
	v3 =	vadd.f32 v3, v1;
	v2 =	vmul.f32 v2, v0  }
0x839: {  	p0 =	sne.s32 s18, $0x20;
	s29 =	sor.u32 s8, s19;
	[tilespmem:s17+$0x13100] =	vst v5;
	v4 =	vadd.f32 v4, v1;
	v63 =	vmul.f32 v62, v0  }
.Ltmp4:
0x83a: {  	s0 =	sshrl.u32 s29, $0x3;
	[tilespmem:s9+$0x13180] =	vst v3;
	v2 =	vadd.f32 v2, v1;
	(pc) =	sbr.rel @p0 .LBB2_2-.Ltmp4, $4  }
0x83b: {  	s0 =	smul.u32 $0x300, s0;
	[tilespmem:s9+$0x13200] =	vst v4;
	v0 =	vadd.f32 v63, v1  }
0x83c: {  	s30 =	rddreg [dreg:$0x6];
	[tilespmem:s9+$0x13280] =	vst v2  }
0x83d: {  	s31 =	simm.s32 $0x13100;
	s0 =	sadd.s32 s30, s0;
	[tilespmem:s20+$0x13100] =	vst v0  }
0x83e: {  	[hbm4b:s0+s7] =	stream.linear.scatter [tilespmem:s31], [sflag:$0x6], $0x6000, $0x38;
	[tilespmem:$0x19700] =	vst v63  }
0x83f: {  	s0 =	simm.s32 $0x5  }
0x840: {  	_ =	swait.ge [sflag:s0], $0x6000  }
0x841: {  	[sflag:s0] =	ssyncset.done $0x0  }
0x842: {  	s3 =	simm.s32 $0x6;
	[sflag:s0] =	ssyncadd.s32 $0xFFFFA000  }
0x843: {  	_ =	swait.ge [sflag:s3], $0x6000  }
0x844: {  	s5 =	rddreg [dreg:$0xb]  }
0x845: {  	s31 =	rddreg [dreg:$0xa];
	s5 =	sadd.s32 $0x1, s5  }
0x846: {  	p0 =	sne.s32 s5, s31  }
.Ltmp5:
0x847: {  	_ = 	snop;
	(pc) =	sbr.rel @p0 .LBB2_1-.Ltmp5, $3  }
0x848: {  	_ =	sdelay $0x1  }
0x849: {  	[sflag:s3] =	ssyncset.done $0x0  }
0x84a: {  	[sflag:s3] =	ssyncadd.s32 $0xFFFFA000  }
0x84b: {  	_ =	sfence.sel $0x180000  }
0x84c: {  	[bflag:$0x0] =	sbarrier.arrive $0xFFFF  }
0x84d: {  	_ =	strace $0x90000047  }
0x84e: {  	s0 =	stileid.u32;
	[bflag:$0x2] =	sbarrier.arrive $0xFFFF  }
0x84f: {  	p0 =	sne.s32 s0, $0x0;
	s0 =	rddreg [dreg:$0x7]  }
0x850: {  	s0 =	sadd.s32 @!p0 $0x100000, s0  }
0x851: {  	[sflag:s0] =	ssyncadd.tile.s32 @!p0 $0x1;
	_ =	shalt  }
.Lfunc_end2:
_tile_overlayer_lowered:
.L_overlay_start_2:
0x852: {  	(tag) =	ssettag $0x2  }
0x853: {  	s0 =	rddreg [dreg:$0x0];
	s2 =	stileid.u32  }
0x854: {  	s1 =	rddreg [dreg:$0x1];
	p0 =	sne.s32 s2, $0x0  }
0x855: {  	s3 =	rddreg [dreg:$0x2];
	[bflag:$0x3] =	sbarrier.arrive $0xFFFF;
	s2 =	simm.s32 @!p0 $0x1C07  }
0x856: {  	[timem:s3], [sflag:s2] =	dma.local @!p0 [hbm:s0], s1  }
0x857: {  	s0 =	simm.s32 @!p0 $0x7  }
0x858: {  	_ =	swait.ge @!p0 [sflag:s0], s1  }
0x859: {  	s1 =	ssub.s32 @!p0 $0x0, s1;
	[sflag:s0] =	ssyncset.done @!p0 $0x0  }
0x85a: {  	[sflag:s0] =	ssyncadd.s32 @!p0 s1  }
0x85b: {  	[bflag:$0x3] =	sbarrier.arrive $0xFFFF  }
0x85c: {  	_ =	shalt  }

</sc_bundles>
